<compile_context>
chip_gen: v7x
topology: tpu7x:2x2x1
jax: 0.10.2.dev20260603
libtpu: 0.0.44.dev20260713+nightly
codegen_flags: <defaults>
</compile_context>

<pallas_src>
import functools

import jax
import jax.numpy as jnp
from jax.experimental import pallas as pl
from jax.experimental.pallas import tpu as pltpu

NUM_BEAM = 32
NUM_BIN = 513
NUM_CHANNEL = 16
BATCH = 2048

G = 8
NG = (NUM_BIN + G - 1) // G
RT = 128
FC = NUM_BIN * NUM_CHANNEL
FN = NUM_BIN * NUM_BEAM


def _beam_kernel(x_ref, dwr_ref, dwi_ref, o_ref):
    for g in range(NG):
        lo = g * G * NUM_CHANNEL
        w = min(G * NUM_CHANNEL, FC - lo)
        xg = x_ref[:, lo:lo + w]
        up = jnp.roll(xg, -1, axis=0)
        dn = jnp.roll(xg, 1, axis=0)
        row = jax.lax.broadcasted_iota(jnp.int32, xg.shape, 0)
        xp = jnp.where(row % 2 == 0, -up, dn)
        acc = (
            jnp.dot(xg, dwr_ref[g, :w, :], preferred_element_type=jnp.float32)
            + jnp.dot(xp, dwi_ref[g, :w, :], preferred_element_type=jnp.float32)
        )
        olo = g * G * NUM_BEAM
        ow = min(G * NUM_BEAM, FN - olo)
        o_ref[:, olo:olo + ow] = acc[:, :ow]


@functools.partial(jax.jit, static_argnames=())
def kernel(input, W):
    B, _, F, C = input.shape
    N = W.shape[0]
    FP = NG * G
    wr = jnp.transpose(W[:, 0], (1, 2, 0))
    wi = jnp.transpose(W[:, 1], (1, 2, 0))
    pad = ((0, FP - F), (0, 0), (0, 0))
    wr = jnp.pad(wr, pad).reshape(NG, G, C, N)
    wi = jnp.pad(wi, pad).reshape(NG, G, C, N)
    eye = jnp.eye(G, dtype=jnp.float32)
    dwr = jnp.einsum('gfcn,fe->gfcen', wr, eye).reshape(NG, G * C, G * N)
    dwi = jnp.einsum('gfcn,fe->gfcen', wi, eye).reshape(NG, G * C, G * N)

    X = input.reshape(2 * B, FC)
    nr = (2 * B) // RT
    out2 = pl.pallas_call(
        _beam_kernel,
        grid=(nr,),
        in_specs=[
            pl.BlockSpec((RT, FC), lambda r: (r, 0)),
            pl.BlockSpec(memory_space=pltpu.VMEM),
            pl.BlockSpec(memory_space=pltpu.VMEM),
        ],
        out_specs=pl.BlockSpec((RT, FN), lambda r: (r, 0)),
        out_shape=jax.ShapeDtypeStruct((2 * B, FN), jnp.float32),
    )(X, dwr, dwi)
    return out2.reshape(B, 2, F, N)

# --- scband reference (transcript-rebuilt; emitter-appended) ---
"""Pipeline reference for scband-beamformor-89653147336805 (READ-ONLY COPY).

The authoritative reference and input builder live on the scoring server;
editing this copy changes nothing except your own understanding.
"""

import jax, jax.numpy as jnp
import numpy as np

NUM_BEAM = 32
NUM_BIN = 513
NUM_CHANNEL = 16
BATCH = 2048


def setup_inputs(seed: int = 0) -> dict:
    key = jax.random.key(seed)
    k1, k2 = jax.random.split(key)
    # input: complex multichannel FFT coefficients [frames, 2(re/im), num_bin, num_channel]
    inp = jax.random.normal(k1, (BATCH, 2, NUM_BIN, NUM_CHANNEL), dtype=jnp.float32)
    # learned (fixed) beamforming filter weights, one complex filter per beam:
    # [num_beam, 2(re/im), num_bin, num_channel]
    W = jax.random.normal(k2, (NUM_BEAM, 2, NUM_BIN, NUM_CHANNEL), dtype=jnp.float32) * (1.0 / NUM_CHANNEL)
    return {"input": inp, "W": W}


def reference(input, W):
    # Beamformor.forward with beam_id=None: apply every beam's complex
    # filter-and-sum over channels, then concatenate along a new beam axis.
    # Each Filter computes, per (frame, bin):
    #   out = sum_c  x_c * w_c   (complex multiply, sum over channels)
    xr = input[:, 0]  # [B, F, C]
    xi = input[:, 1]  # [B, F, C]
    wr = W[:, 0]      # [N, F, C]
    wi = W[:, 1]      # [N, F, C]
    real = jnp.einsum('bfc,nfc->bfn', xr, wr) - jnp.einsum('bfc,nfc->bfn', xi, wi)
    imag = jnp.einsum('bfc,nfc->bfn', xr, wi) + jnp.einsum('bfc,nfc->bfn', xi, wr)
    # torch: each filter output [B, 2, F] -> unsqueeze(3) -> cat along dim 3 => [B, 2, F, N]
    out = jnp.stack([real, imag], axis=1)  # [B, 2, F, N]
    return out

if __name__ == "__main__":
    import jax
    _d = setup_inputs()
    print(jax.jit(kernel)(*tuple(_d.values())))

</pallas_src>

<mosaic_0001>
module attributes {stable_mosaic.version = 14 : i64} {
  func.func @_beam_kernel(%arg0: i32, %arg1: memref<128x8208xf32, #tpu.memory_space<vmem>>, %arg2: memref<65x128x256xf32, #tpu.memory_space<vmem>>, %arg3: memref<65x128x256xf32, #tpu.memory_space<vmem>>, %arg4: memref<128x16416xf32, #tpu.memory_space<vmem>>) attributes {dimension_semantics = [#tpu.dimension_semantics<arbitrary>], iteration_bounds = array<i64: 32>, scalar_prefetch = 0 : i64, scratch_operands = 0 : i64, tpu.core_type = #tpu.core_type<tc>, window_params = [{transform_indices = @transform_0, window_bounds = array<i64: 128, 8208>}, {pipeline_mode = #tpu.pipeline_mode<synchronous>, transform_indices = @transform_1, window_bounds = array<i64: 65, 128, 256>}, {pipeline_mode = #tpu.pipeline_mode<synchronous>, transform_indices = @transform_2, window_bounds = array<i64: 65, 128, 256>}, {transform_indices = @transform_3, window_bounds = array<i64: 128, 16416>}]} {
    %get3A = arith.constant 0 : index
    %get3A_0 = arith.constant 0 : index
    %get3A_1 = vector.load %arg1[%get3A, %get3A_0] : memref<128x8208xf32, #tpu.memory_space<vmem>>, vector<128x128xf32>
    %slice3A = vector.extract_strided_slice %get3A_1 {offsets = [1, 0], sizes = [127, 128], strides = [1, 1]} : vector<128x128xf32> to vector<127x128xf32>
    %slice3A_2 = vector.extract_strided_slice %get3A_1 {offsets = [0, 0], sizes = [1, 128], strides = [1, 1]} : vector<128x128xf32> to vector<1x128xf32>
    %concatenate3A = tpu.concatenate %slice3A, %slice3A_2 in 0 : vector<127x128xf32>, vector<1x128xf32> -> vector<128x128xf32>
    %slice3A_3 = vector.extract_strided_slice %get3A_1 {offsets = [127, 0], sizes = [1, 128], strides = [1, 1]} : vector<128x128xf32> to vector<1x128xf32>
    %slice3A_4 = vector.extract_strided_slice %get3A_1 {offsets = [0, 0], sizes = [127, 128], strides = [1, 1]} : vector<128x128xf32> to vector<127x128xf32>
    %concatenate3A_5 = tpu.concatenate %slice3A_3, %slice3A_4 in 0 : vector<1x128xf32>, vector<127x128xf32> -> vector<128x128xf32>
    %iota3A = tpu.iota {dimensions = array<i32: 0>} : vector<128x128xi32>
    %jit3A = arith.constant 2 : i32
    %eq3A = arith.constant 0 : i32
    %eq3A_6 = arith.cmpi eq, %jit3A, %eq3A : i32
    %jit3A_7 = arith.constant 1 : i32
    %select_n3A = arith.select %eq3A_6, %jit3A_7, %jit3A : i32
    %rem3A = vector.broadcast %select_n3A : i32 to vector<128x128xi32>
    %rem3A_8 = arith.remsi %iota3A, %rem3A : vector<128x128xi32>
    %ne3A = arith.constant 0 : i32
    %ne3A_9 = vector.broadcast %ne3A : i32 to vector<128x128xi32>
    %ne3A_10 = arith.cmpi ne, %rem3A_8, %ne3A_9 : vector<128x128xi32>
    %lt3A = arith.constant 0 : i32
    %lt3A_11 = vector.broadcast %lt3A : i32 to vector<128x128xi32>
    %lt3A_12 = arith.cmpi slt, %rem3A_8, %lt3A_11 : vector<128x128xi32>
    %lt3A_13 = arith.constant 0 : i32
    %lt3A_14 = arith.cmpi slt, %select_n3A, %lt3A_13 : i32
    %ne3A_15 = vector.broadcast %lt3A_14 : i1 to vector<128x128xi1>
    %ne3A_16 = vector.broadcast %ne3A_15 : vector<128x128xi1> to vector<128x128xi1>
    %ne3A_17 = arith.xori %lt3A_12, %ne3A_16 : vector<128x128xi1>
    %and3A = arith.andi %ne3A_17, %ne3A_10 : vector<128x128xi1>
    %add3A = vector.broadcast %select_n3A : i32 to vector<128x128xi32>
    %add3A_18 = arith.addi %rem3A_8, %add3A : vector<128x128xi32>
    %select_n3A_19 = arith.select %and3A, %add3A_18, %rem3A_8 : vector<128x128xi1>, vector<128x128xi32>
    %eq3A_20 = arith.constant 0 : i32
    %eq3A_21 = vector.broadcast %eq3A_20 : i32 to vector<128x128xi32>
    %eq3A_22 = arith.cmpi eq, %select_n3A_19, %eq3A_21 : vector<128x128xi32>
    %neg3A = arith.constant 0.000000e+00 : f32
    %neg3A_23 = vector.broadcast %neg3A : f32 to vector<128x128xf32>
    %neg3A_24 = arith.subf %neg3A_23, %concatenate3A : vector<128x128xf32>
    %select_n3A_25 = arith.select %eq3A_22, %neg3A_24, %concatenate3A_5 : vector<128x128xi1>, vector<128x128xf32>
    %get3A_26 = arith.constant 0 : index
    %get3A_27 = arith.constant 0 : index
    %get3A_28 = arith.constant 0 : index
    %get3A_29 = vector.load %arg2[%get3A_26, %get3A_27, %get3A_28] : memref<65x128x256xf32, #tpu.memory_space<vmem>>, vector<1x128x256xf32>
    %get3A_30 = vector.shape_cast %get3A_29 : vector<1x128x256xf32> to vector<128x256xf32>
    %dot_general3A = arith.constant dense<0.000000e+00> : vector<128x256xf32>
    %dot_general3A_31 = tpu.matmul %get3A_1, %get3A_30, %dot_general3A {dimension_numbers = #tpu.dot_dimension_numbers<[1], [0], [0], [1], [0, 0, 1, 1], [], []>, transpose_lhs_hint = false} : vector<128x128xf32>, vector<128x256xf32>, vector<128x256xf32> -> vector<128x256xf32>
    %get3A_32 = arith.constant 0 : index
    %get3A_33 = arith.constant 0 : index
    %get3A_34 = arith.constant 0 : index
    %get3A_35 = vector.load %arg3[%get3A_32, %get3A_33, %get3A_34] : memref<65x128x256xf32, #tpu.memory_space<vmem>>, vector<1x128x256xf32>
    %get3A_36 = vector.shape_cast %get3A_35 : vector<1x128x256xf32> to vector<128x256xf32>
    %dot_general3A_37 = arith.constant dense<0.000000e+00> : vector<128x256xf32>
    %dot_general3A_38 = tpu.matmul %select_n3A_25, %get3A_36, %dot_general3A_37 {dimension_numbers = #tpu.dot_dimension_numbers<[1], [0], [0], [1], [0, 0, 1, 1], [], []>, transpose_lhs_hint = false} : vector<128x128xf32>, vector<128x256xf32>, vector<128x256xf32> -> vector<128x256xf32>
    %add3A_39 = arith.addf %dot_general3A_31, %dot_general3A_38 : vector<128x256xf32>
    %swap3A = arith.constant 0 : index
    %swap3A_40 = arith.constant 0 : index
    %swap3A_41 = vector.load %arg4[%swap3A, %swap3A_40] : memref<128x16416xf32, #tpu.memory_space<vmem>>, vector<128x256xf32>
    tpu.vector_store %arg4[%swap3A, %swap3A_40], %add3A_39 {strides = array<i32>} : memref<128x16416xf32, #tpu.memory_space<vmem>>, vector<128x256xf32>,
    %get3A_42 = arith.constant 0 : index
    %get3A_43 = arith.constant 128 : index
    %get3A_44 = vector.load %arg1[%get3A_42, %get3A_43] : memref<128x8208xf32, #tpu.memory_space<vmem>>, vector<128x128xf32>
    %slice3A_45 = vector.extract_strided_slice %get3A_44 {offsets = [1, 0], sizes = [127, 128], strides = [1, 1]} : vector<128x128xf32> to vector<127x128xf32>
    %slice3A_46 = vector.extract_strided_slice %get3A_44 {offsets = [0, 0], sizes = [1, 128], strides = [1, 1]} : vector<128x128xf32> to vector<1x128xf32>
    %concatenate3A_47 = tpu.concatenate %slice3A_45, %slice3A_46 in 0 : vector<127x128xf32>, vector<1x128xf32> -> vector<128x128xf32>
    %slice3A_48 = vector.extract_strided_slice %get3A_44 {offsets = [127, 0], sizes = [1, 128], strides = [1, 1]} : vector<128x128xf32> to vector<1x128xf32>
    %slice3A_49 = vector.extract_strided_slice %get3A_44 {offsets = [0, 0], sizes = [127, 128], strides = [1, 1]} : vector<128x128xf32> to vector<127x128xf32>
    %concatenate3A_50 = tpu.concatenate %slice3A_48, %slice3A_49 in 0 : vector<1x128xf32>, vector<127x128xf32> -> vector<128x128xf32>
    %iota3A_51 = tpu.iota {dimensions = array<i32: 0>} : vector<128x128xi32>
    %jit3A_52 = arith.constant 2 : i32
    %eq3A_53 = arith.constant 0 : i32
    %eq3A_54 = arith.cmpi eq, %jit3A_52, %eq3A_53 : i32
    %jit3A_55 = arith.constant 1 : i32
    %select_n3A_56 = arith.select %eq3A_54, %jit3A_55, %jit3A_52 : i32
    %rem3A_57 = vector.broadcast %select_n3A_56 : i32 to vector<128x128xi32>
    %rem3A_58 = arith.remsi %iota3A_51, %rem3A_57 : vector<128x128xi32>
    %ne3A_59 = arith.constant 0 : i32
    %ne3A_60 = vector.broadcast %ne3A_59 : i32 to vector<128x128xi32>
    %ne3A_61 = arith.cmpi ne, %rem3A_58, %ne3A_60 : vector<128x128xi32>
    %lt3A_62 = arith.constant 0 : i32
    %lt3A_63 = vector.broadcast %lt3A_62 : i32 to vector<128x128xi32>
    %lt3A_64 = arith.cmpi slt, %rem3A_58, %lt3A_63 : vector<128x128xi32>
    %lt3A_65 = arith.constant 0 : i32
    %lt3A_66 = arith.cmpi slt, %select_n3A_56, %lt3A_65 : i32
    %ne3A_67 = vector.broadcast %lt3A_66 : i1 to vector<128x128xi1>
    %ne3A_68 = vector.broadcast %ne3A_67 : vector<128x128xi1> to vector<128x128xi1>
    %ne3A_69 = arith.xori %lt3A_64, %ne3A_68 : vector<128x128xi1>
    %and3A_70 = arith.andi %ne3A_69, %ne3A_61 : vector<128x128xi1>
    %add3A_71 = vector.broadcast %select_n3A_56 : i32 to vector<128x128xi32>
    %add3A_72 = arith.addi %rem3A_58, %add3A_71 : vector<128x128xi32>
    %select_n3A_73 = arith.select %and3A_70, %add3A_72, %rem3A_58 : vector<128x128xi1>, vector<128x128xi32>
    %eq3A_74 = arith.constant 0 : i32
    %eq3A_75 = vector.broadcast %eq3A_74 : i32 to vector<128x128xi32>
    %eq3A_76 = arith.cmpi eq, %select_n3A_73, %eq3A_75 : vector<128x128xi32>
    %neg3A_77 = arith.constant 0.000000e+00 : f32
    %neg3A_78 = vector.broadcast %neg3A_77 : f32 to vector<128x128xf32>
    %neg3A_79 = arith.subf %neg3A_78, %concatenate3A_47 : vector<128x128xf32>
    %select_n3A_80 = arith.select %eq3A_76, %neg3A_79, %concatenate3A_50 : vector<128x128xi1>, vector<128x128xf32>
    %get3A_81 = arith.constant 1 : index
    %get3A_82 = arith.constant 0 : index
    %get3A_83 = arith.constant 0 : index
    %get3A_84 = vector.load %arg2[%get3A_81, %get3A_82, %get3A_83] : memref<65x128x256xf32, #tpu.memory_space<vmem>>, vector<1x128x256xf32>
    %get3A_85 = vector.shape_cast %get3A_84 : vector<1x128x256xf32> to vector<128x256xf32>
    %dot_general3A_86 = arith.constant dense<0.000000e+00> : vector<128x256xf32>
    %dot_general3A_87 = tpu.matmul %get3A_44, %get3A_85, %dot_general3A_86 {dimension_numbers = #tpu.dot_dimension_numbers<[1], [0], [0], [1], [0, 0, 1, 1], [], []>, transpose_lhs_hint = false} : vector<128x128xf32>, vector<128x256xf32>, vector<128x256xf32> -> vector<128x256xf32>
    %get3A_88 = arith.constant 1 : index
    %get3A_89 = arith.constant 0 : index
    %get3A_90 = arith.constant 0 : index
    %get3A_91 = vector.load %arg3[%get3A_88, %get3A_89, %get3A_90] : memref<65x128x256xf32, #tpu.memory_space<vmem>>, vector<1x128x256xf32>
    %get3A_92 = vector.shape_cast %get3A_91 : vector<1x128x256xf32> to vector<128x256xf32>
    %dot_general3A_93 = arith.constant dense<0.000000e+00> : vector<128x256xf32>
    %dot_general3A_94 = tpu.matmul %select_n3A_80, %get3A_92, %dot_general3A_93 {dimension_numbers = #tpu.dot_dimension_numbers<[1], [0], [0], [1], [0, 0, 1, 1], [], []>, transpose_lhs_hint = false} : vector<128x128xf32>, vector<128x256xf32>, vector<128x256xf32> -> vector<128x256xf32>
    %add3A_95 = arith.addf %dot_general3A_87, %dot_general3A_94 : vector<128x256xf32>
    %swap3A_96 = arith.constant 0 : index
    %swap3A_97 = arith.constant 256 : index
    %swap3A_98 = vector.load %arg4[%swap3A_96, %swap3A_97] : memref<128x16416xf32, #tpu.memory_space<vmem>>, vector<128x256xf32>
    tpu.vector_store %arg4[%swap3A_96, %swap3A_97], %add3A_95 {strides = array<i32>} : memref<128x16416xf32, #tpu.memory_space<vmem>>, vector<128x256xf32>,
    %get3A_99 = arith.constant 0 : index
    %get3A_100 = arith.constant 256 : index
    %get3A_101 = vector.load %arg1[%get3A_99, %get3A_100] : memref<128x8208xf32, #tpu.memory_space<vmem>>, vector<128x128xf32>
    %slice3A_102 = vector.extract_strided_slice %get3A_101 {offsets = [1, 0], sizes = [127, 128], strides = [1, 1]} : vector<128x128xf32> to vector<127x128xf32>
    %slice3A_103 = vector.extract_strided_slice %get3A_101 {offsets = [0, 0], sizes = [1, 128], strides = [1, 1]} : vector<128x128xf32> to vector<1x128xf32>
    %concatenate3A_104 = tpu.concatenate %slice3A_102, %slice3A_103 in 0 : vector<127x128xf32>, vector<1x128xf32> -> vector<128x128xf32>
    %slice3A_105 = vector.extract_strided_slice %get3A_101 {offsets = [127, 0], sizes = [1, 128], strides = [1, 1]} : vector<128x128xf32> to vector<1x128xf32>
    %slice3A_106 = vector.extract_strided_slice %get3A_101 {offsets = [0, 0], sizes = [127, 128], strides = [1, 1]} : vector<128x128xf32> to vector<127x128xf32>
    %concatenate3A_107 = tpu.concatenate %slice3A_105, %slice3A_106 in 0 : vector<1x128xf32>, vector<127x128xf32> -> vector<128x128xf32>
    %iota3A_108 = tpu.iota {dimensions = array<i32: 0>} : vector<128x128xi32>
    %jit3A_109 = arith.constant 2 : i32
    %eq3A_110 = arith.constant 0 : i32
    %eq3A_111 = arith.cmpi eq, %jit3A_109, %eq3A_110 : i32
    %jit3A_112 = arith.constant 1 : i32
    %select_n3A_113 = arith.select %eq3A_111, %jit3A_112, %jit3A_109 : i32
    %rem3A_114 = vector.broadcast %select_n3A_113 : i32 to vector<128x128xi32>
    %rem3A_115 = arith.remsi %iota3A_108, %rem3A_114 : vector<128x128xi32>
    %ne3A_116 = arith.constant 0 : i32
    %ne3A_117 = vector.broadcast %ne3A_116 : i32 to vector<128x128xi32>
    %ne3A_118 = arith.cmpi ne, %rem3A_115, %ne3A_117 : vector<128x128xi32>
    %lt3A_119 = arith.constant 0 : i32
    %lt3A_120 = vector.broadcast %lt3A_119 : i32 to vector<128x128xi32>
    %lt3A_121 = arith.cmpi slt, %rem3A_115, %lt3A_120 : vector<128x128xi32>
    %lt3A_122 = arith.constant 0 : i32
    %lt3A_123 = arith.cmpi slt, %select_n3A_113, %lt3A_122 : i32
    %ne3A_124 = vector.broadcast %lt3A_123 : i1 to vector<128x128xi1>
    %ne3A_125 = vector.broadcast %ne3A_124 : vector<128x128xi1> to vector<128x128xi1>
    %ne3A_126 = arith.xori %lt3A_121, %ne3A_125 : vector<128x128xi1>
    %and3A_127 = arith.andi %ne3A_126, %ne3A_118 : vector<128x128xi1>
    %add3A_128 = vector.broadcast %select_n3A_113 : i32 to vector<128x128xi32>
    %add3A_129 = arith.addi %rem3A_115, %add3A_128 : vector<128x128xi32>
    %select_n3A_130 = arith.select %and3A_127, %add3A_129, %rem3A_115 : vector<128x128xi1>, vector<128x128xi32>
    %eq3A_131 = arith.constant 0 : i32
    %eq3A_132 = vector.broadcast %eq3A_131 : i32 to vector<128x128xi32>
    %eq3A_133 = arith.cmpi eq, %select_n3A_130, %eq3A_132 : vector<128x128xi32>
    %neg3A_134 = arith.constant 0.000000e+00 : f32
    %neg3A_135 = vector.broadcast %neg3A_134 : f32 to vector<128x128xf32>
    %neg3A_136 = arith.subf %neg3A_135, %concatenate3A_104 : vector<128x128xf32>
    %select_n3A_137 = arith.select %eq3A_133, %neg3A_136, %concatenate3A_107 : vector<128x128xi1>, vector<128x128xf32>
    %get3A_138 = arith.constant 2 : index
    %get3A_139 = arith.constant 0 : index
    %get3A_140 = arith.constant 0 : index
    %get3A_141 = vector.load %arg2[%get3A_138, %get3A_139, %get3A_140] : memref<65x128x256xf32, #tpu.memory_space<vmem>>, vector<1x128x256xf32>
    %get3A_142 = vector.shape_cast %get3A_141 : vector<1x128x256xf32> to vector<128x256xf32>
    %dot_general3A_143 = arith.constant dense<0.000000e+00> : vector<128x256xf32>
    %dot_general3A_144 = tpu.matmul %get3A_101, %get3A_142, %dot_general3A_143 {dimension_numbers = #tpu.dot_dimension_numbers<[1], [0], [0], [1], [0, 0, 1, 1], [], []>, transpose_lhs_hint = false} : vector<128x128xf32>, vector<128x256xf32>, vector<128x256xf32> -> vector<128x256xf32>
    %get3A_145 = arith.constant 2 : index
    %get3A_146 = arith.constant 0 : index
    %get3A_147 = arith.constant 0 : index
    %get3A_148 = vector.load %arg3[%get3A_145, %get3A_146, %get3A_147] : memref<65x128x256xf32, #tpu.memory_space<vmem>>, vector<1x128x256xf32>
    %get3A_149 = vector.shape_cast %get3A_148 : vector<1x128x256xf32> to vector<128x256xf32>
    %dot_general3A_150 = arith.constant dense<0.000000e+00> : vector<128x256xf32>
    %dot_general3A_151 = tpu.matmul %select_n3A_137, %get3A_149, %dot_general3A_150 {dimension_numbers = #tpu.dot_dimension_numbers<[1], [0], [0], [1], [0, 0, 1, 1], [], []>, transpose_lhs_hint = false} : vector<128x128xf32>, vector<128x256xf32>, vector<128x256xf32> -> vector<128x256xf32>
    %add3A_152 = arith.addf %dot_general3A_144, %dot_general3A_151 : vector<128x256xf32>
    %swap3A_153 = arith.constant 0 : index
    %swap3A_154 = arith.constant 512 : index
    %swap3A_155 = vector.load %arg4[%swap3A_153, %swap3A_154] : memref<128x16416xf32, #tpu.memory_space<vmem>>, vector<128x256xf32>
    tpu.vector_store %arg4[%swap3A_153, %swap3A_154], %add3A_152 {strides = array<i32>} : memref<128x16416xf32, #tpu.memory_space<vmem>>, vector<128x256xf32>,
    %get3A_156 = arith.constant 0 : index
    %get3A_157 = arith.constant 384 : index
    %get3A_158 = vector.load %arg1[%get3A_156, %get3A_157] : memref<128x8208xf32, #tpu.memory_space<vmem>>, vector<128x128xf32>
    %slice3A_159 = vector.extract_strided_slice %get3A_158 {offsets = [1, 0], sizes = [127, 128], strides = [1, 1]} : vector<128x128xf32> to vector<127x128xf32>
    %slice3A_160 = vector.extract_strided_slice %get3A_158 {offsets = [0, 0], sizes = [1, 128], strides = [1, 1]} : vector<128x128xf32> to vector<1x128xf32>
    %concatenate3A_161 = tpu.concatenate %slice3A_159, %slice3A_160 in 0 : vector<127x128xf32>, vector<1x128xf32> -> vector<128x128xf32>
    %slice3A_162 = vector.extract_strided_slice %get3A_158 {offsets = [127, 0], sizes = [1, 128], strides = [1, 1]} : vector<128x128xf32> to vector<1x128xf32>
    %slice3A_163 = vector.extract_strided_slice %get3A_158 {offsets = [0, 0], sizes = [127, 128], strides = [1, 1]} : vector<128x128xf32> to vector<127x128xf32>
    %concatenate3A_164 = tpu.concatenate %slice3A_162, %slice3A_163 in 0 : vector<1x128xf32>, vector<127x128xf32> -> vector<128x128xf32>
    %iota3A_165 = tpu.iota {dimensions = array<i32: 0>} : vector<128x128xi32>
    %jit3A_166 = arith.constant 2 : i32
    %eq3A_167 = arith.constant 0 : i32
    %eq3A_168 = arith.cmpi eq, %jit3A_166, %eq3A_167 : i32
    %jit3A_169 = arith.constant 1 : i32
    %select_n3A_170 = arith.select %eq3A_168, %jit3A_169, %jit3A_166 : i32
    %rem3A_171 = vector.broadcast %select_n3A_170 : i32 to vector<128x128xi32>
    %rem3A_172 = arith.remsi %iota3A_165, %rem3A_171 : vector<128x128xi32>
    %ne3A_173 = arith.constant 0 : i32
    %ne3A_174 = vector.broadcast %ne3A_173 : i32 to vector<128x128xi32>
    %ne3A_175 = arith.cmpi ne, %rem3A_172, %ne3A_174 : vector<128x128xi32>
    %lt3A_176 = arith.constant 0 : i32
    %lt3A_177 = vector.broadcast %lt3A_176 : i32 to vector<128x128xi32>
    %lt3A_178 = arith.cmpi slt, %rem3A_172, %lt3A_177 : vector<128x128xi32>
    %lt3A_179 = arith.constant 0 : i32
    %lt3A_180 = arith.cmpi slt, %select_n3A_170, %lt3A_179 : i32
    %ne3A_181 = vector.broadcast %lt3A_180 : i1 to vector<128x128xi1>
    %ne3A_182 = vector.broadcast %ne3A_181 : vector<128x128xi1> to vector<128x128xi1>
    %ne3A_183 = arith.xori %lt3A_178, %ne3A_182 : vector<128x128xi1>
    %and3A_184 = arith.andi %ne3A_183, %ne3A_175 : vector<128x128xi1>
    %add3A_185 = vector.broadcast %select_n3A_170 : i32 to vector<128x128xi32>
    %add3A_186 = arith.addi %rem3A_172, %add3A_185 : vector<128x128xi32>
    %select_n3A_187 = arith.select %and3A_184, %add3A_186, %rem3A_172 : vector<128x128xi1>, vector<128x128xi32>
    %eq3A_188 = arith.constant 0 : i32
    %eq3A_189 = vector.broadcast %eq3A_188 : i32 to vector<128x128xi32>
    %eq3A_190 = arith.cmpi eq, %select_n3A_187, %eq3A_189 : vector<128x128xi32>
    %neg3A_191 = arith.constant 0.000000e+00 : f32
    %neg3A_192 = vector.broadcast %neg3A_191 : f32 to vector<128x128xf32>
    %neg3A_193 = arith.subf %neg3A_192, %concatenate3A_161 : vector<128x128xf32>
    %select_n3A_194 = arith.select %eq3A_190, %neg3A_193, %concatenate3A_164 : vector<128x128xi1>, vector<128x128xf32>
    %get3A_195 = arith.constant 3 : index
    %get3A_196 = arith.constant 0 : index
    %get3A_197 = arith.constant 0 : index
    %get3A_198 = vector.load %arg2[%get3A_195, %get3A_196, %get3A_197] : memref<65x128x256xf32, #tpu.memory_space<vmem>>, vector<1x128x256xf32>
    %get3A_199 = vector.shape_cast %get3A_198 : vector<1x128x256xf32> to vector<128x256xf32>
    %dot_general3A_200 = arith.constant dense<0.000000e+00> : vector<128x256xf32>
    %dot_general3A_201 = tpu.matmul %get3A_158, %get3A_199, %dot_general3A_200 {dimension_numbers = #tpu.dot_dimension_numbers<[1], [0], [0], [1], [0, 0, 1, 1], [], []>, transpose_lhs_hint = false} : vector<128x128xf32>, vector<128x256xf32>, vector<128x256xf32> -> vector<128x256xf32>
    %get3A_202 = arith.constant 3 : index
    %get3A_203 = arith.constant 0 : index
    %get3A_204 = arith.constant 0 : index
    %get3A_205 = vector.load %arg3[%get3A_202, %get3A_203, %get3A_204] : memref<65x128x256xf32, #tpu.memory_space<vmem>>, vector<1x128x256xf32>
    %get3A_206 = vector.shape_cast %get3A_205 : vector<1x128x256xf32> to vector<128x256xf32>
    %dot_general3A_207 = arith.constant dense<0.000000e+00> : vector<128x256xf32>
    %dot_general3A_208 = tpu.matmul %select_n3A_194, %get3A_206, %dot_general3A_207 {dimension_numbers = #tpu.dot_dimension_numbers<[1], [0], [0], [1], [0, 0, 1, 1], [], []>, transpose_lhs_hint = false} : vector<128x128xf32>, vector<128x256xf32>, vector<128x256xf32> -> vector<128x256xf32>
    %add3A_209 = arith.addf %dot_general3A_201, %dot_general3A_208 : vector<128x256xf32>
    %swap3A_210 = arith.constant 0 : index
    %swap3A_211 = arith.constant 768 : index
    %swap3A_212 = vector.load %arg4[%swap3A_210, %swap3A_211] : memref<128x16416xf32, #tpu.memory_space<vmem>>, vector<128x256xf32>
    tpu.vector_store %arg4[%swap3A_210, %swap3A_211], %add3A_209 {strides = array<i32>} : memref<128x16416xf32, #tpu.memory_space<vmem>>, vector<128x256xf32>,
    %get3A_213 = arith.constant 0 : index
    %get3A_214 = arith.constant 512 : index
    %get3A_215 = vector.load %arg1[%get3A_213, %get3A_214] : memref<128x8208xf32, #tpu.memory_space<vmem>>, vector<128x128xf32>
    %slice3A_216 = vector.extract_strided_slice %get3A_215 {offsets = [1, 0], sizes = [127, 128], strides = [1, 1]} : vector<128x128xf32> to vector<127x128xf32>
    %slice3A_217 = vector.extract_strided_slice %get3A_215 {offsets = [0, 0], sizes = [1, 128], strides = [1, 1]} : vector<128x128xf32> to vector<1x128xf32>
    %concatenate3A_218 = tpu.concatenate %slice3A_216, %slice3A_217 in 0 : vector<127x128xf32>, vector<1x128xf32> -> vector<128x128xf32>
    %slice3A_219 = vector.extract_strided_slice %get3A_215 {offsets = [127, 0], sizes = [1, 128], strides = [1, 1]} : vector<128x128xf32> to vector<1x128xf32>
    %slice3A_220 = vector.extract_strided_slice %get3A_215 {offsets = [0, 0], sizes = [127, 128], strides = [1, 1]} : vector<128x128xf32> to vector<127x128xf32>
    %concatenate3A_221 = tpu.concatenate %slice3A_219, %slice3A_220 in 0 : vector<1x128xf32>, vector<127x128xf32> -> vector<128x128xf32>
    %iota3A_222 = tpu.iota {dimensions = array<i32: 0>} : vector<128x128xi32>
    %jit3A_223 = arith.constant 2 : i32
    %eq3A_224 = arith.constant 0 : i32
    %eq3A_225 = arith.cmpi eq, %jit3A_223, %eq3A_224 : i32
    %jit3A_226 = arith.constant 1 : i32
    %select_n3A_227 = arith.select %eq3A_225, %jit3A_226, %jit3A_223 : i32
    %rem3A_228 = vector.broadcast %select_n3A_227 : i32 to vector<128x128xi32>
    %rem3A_229 = arith.remsi %iota3A_222, %rem3A_228 : vector<128x128xi32>
    %ne3A_230 = arith.constant 0 : i32
    %ne3A_231 = vector.broadcast %ne3A_230 : i32 to vector<128x128xi32>
    %ne3A_232 = arith.cmpi ne, %rem3A_229, %ne3A_231 : vector<128x128xi32>
    %lt3A_233 = arith.constant 0 : i32
    %lt3A_234 = vector.broadcast %lt3A_233 : i32 to vector<128x128xi32>
    %lt3A_235 = arith.cmpi slt, %rem3A_229, %lt3A_234 : vector<128x128xi32>
    %lt3A_236 = arith.constant 0 : i32
    %lt3A_237 = arith.cmpi slt, %select_n3A_227, %lt3A_236 : i32
    %ne3A_238 = vector.broadcast %lt3A_237 : i1 to vector<128x128xi1>
    %ne3A_239 = vector.broadcast %ne3A_238 : vector<128x128xi1> to vector<128x128xi1>
    %ne3A_240 = arith.xori %lt3A_235, %ne3A_239 : vector<128x128xi1>
    %and3A_241 = arith.andi %ne3A_240, %ne3A_232 : vector<128x128xi1>
    %add3A_242 = vector.broadcast %select_n3A_227 : i32 to vector<128x128xi32>
    %add3A_243 = arith.addi %rem3A_229, %add3A_242 : vector<128x128xi32>
    %select_n3A_244 = arith.select %and3A_241, %add3A_243, %rem3A_229 : vector<128x128xi1>, vector<128x128xi32>
    %eq3A_245 = arith.constant 0 : i32
    %eq3A_246 = vector.broadcast %eq3A_245 : i32 to vector<128x128xi32>
    %eq3A_247 = arith.cmpi eq, %select_n3A_244, %eq3A_246 : vector<128x128xi32>
    %neg3A_248 = arith.constant 0.000000e+00 : f32
    %neg3A_249 = vector.broadcast %neg3A_248 : f32 to vector<128x128xf32>
    %neg3A_250 = arith.subf %neg3A_249, %concatenate3A_218 : vector<128x128xf32>
    %select_n3A_251 = arith.select %eq3A_247, %neg3A_250, %concatenate3A_221 : vector<128x128xi1>, vector<128x128xf32>
    %get3A_252 = arith.constant 4 : index
    %get3A_253 = arith.constant 0 : index
    %get3A_254 = arith.constant 0 : index
    %get3A_255 = vector.load %arg2[%get3A_252, %get3A_253, %get3A_254] : memref<65x128x256xf32, #tpu.memory_space<vmem>>, vector<1x128x256xf32>
    %get3A_256 = vector.shape_cast %get3A_255 : vector<1x128x256xf32> to vector<128x256xf32>
    %dot_general3A_257 = arith.constant dense<0.000000e+00> : vector<128x256xf32>
    %dot_general3A_258 = tpu.matmul %get3A_215, %get3A_256, %dot_general3A_257 {dimension_numbers = #tpu.dot_dimension_numbers<[1], [0], [0], [1], [0, 0, 1, 1], [], []>, transpose_lhs_hint = false} : vector<128x128xf32>, vector<128x256xf32>, vector<128x256xf32> -> vector<128x256xf32>
    %get3A_259 = arith.constant 4 : index
    %get3A_260 = arith.constant 0 : index
    %get3A_261 = arith.constant 0 : index
    %get3A_262 = vector.load %arg3[%get3A_259, %get3A_260, %get3A_261] : memref<65x128x256xf32, #tpu.memory_space<vmem>>, vector<1x128x256xf32>
    %get3A_263 = vector.shape_cast %get3A_262 : vector<1x128x256xf32> to vector<128x256xf32>
    %dot_general3A_264 = arith.constant dense<0.000000e+00> : vector<128x256xf32>
    %dot_general3A_265 = tpu.matmul %select_n3A_251, %get3A_263, %dot_general3A_264 {dimension_numbers = #tpu.dot_dimension_numbers<[1], [0], [0], [1], [0, 0, 1, 1], [], []>, transpose_lhs_hint = false} : vector<128x128xf32>, vector<128x256xf32>, vector<128x256xf32> -> vector<128x256xf32>
    %add3A_266 = arith.addf %dot_general3A_258, %dot_general3A_265 : vector<128x256xf32>
    %swap3A_267 = arith.constant 0 : index
    %swap3A_268 = arith.constant 1024 : index
    %swap3A_269 = vector.load %arg4[%swap3A_267, %swap3A_268] : memref<128x16416xf32, #tpu.memory_space<vmem>>, vector<128x256xf32>
    tpu.vector_store %arg4[%swap3A_267, %swap3A_268], %add3A_266 {strides = array<i32>} : memref<128x16416xf32, #tpu.memory_space<vmem>>, vector<128x256xf32>,
    %get3A_270 = arith.constant 0 : index
    %get3A_271 = arith.constant 640 : index
    %get3A_272 = vector.load %arg1[%get3A_270, %get3A_271] : memref<128x8208xf32, #tpu.memory_space<vmem>>, vector<128x128xf32>
    %slice3A_273 = vector.extract_strided_slice %get3A_272 {offsets = [1, 0], sizes = [127, 128], strides = [1, 1]} : vector<128x128xf32> to vector<127x128xf32>
    %slice3A_274 = vector.extract_strided_slice %get3A_272 {offsets = [0, 0], sizes = [1, 128], strides = [1, 1]} : vector<128x128xf32> to vector<1x128xf32>
    %concatenate3A_275 = tpu.concatenate %slice3A_273, %slice3A_274 in 0 : vector<127x128xf32>, vector<1x128xf32> -> vector<128x128xf32>
    %slice3A_276 = vector.extract_strided_slice %get3A_272 {offsets = [127, 0], sizes = [1, 128], strides = [1, 1]} : vector<128x128xf32> to vector<1x128xf32>
    %slice3A_277 = vector.extract_strided_slice %get3A_272 {offsets = [0, 0], sizes = [127, 128], strides = [1, 1]} : vector<128x128xf32> to vector<127x128xf32>
    %concatenate3A_278 = tpu.concatenate %slice3A_276, %slice3A_277 in 0 : vector<1x128xf32>, vector<127x128xf32> -> vector<128x128xf32>
    %iota3A_279 = tpu.iota {dimensions = array<i32: 0>} : vector<128x128xi32>
    %jit3A_280 = arith.constant 2 : i32
    %eq3A_281 = arith.constant 0 : i32
    %eq3A_282 = arith.cmpi eq, %jit3A_280, %eq3A_281 : i32
    %jit3A_283 = arith.constant 1 : i32
    %select_n3A_284 = arith.select %eq3A_282, %jit3A_283, %jit3A_280 : i32
    %rem3A_285 = vector.broadcast %select_n3A_284 : i32 to vector<128x128xi32>
    %rem3A_286 = arith.remsi %iota3A_279, %rem3A_285 : vector<128x128xi32>
    %ne3A_287 = arith.constant 0 : i32
    %ne3A_288 = vector.broadcast %ne3A_287 : i32 to vector<128x128xi32>
    %ne3A_289 = arith.cmpi ne, %rem3A_286, %ne3A_288 : vector<128x128xi32>
    %lt3A_290 = arith.constant 0 : i32
    %lt3A_291 = vector.broadcast %lt3A_290 : i32 to vector<128x128xi32>
    %lt3A_292 = arith.cmpi slt, %rem3A_286, %lt3A_291 : vector<128x128xi32>
    %lt3A_293 = arith.constant 0 : i32
    %lt3A_294 = arith.cmpi slt, %select_n3A_284, %lt3A_293 : i32
    %ne3A_295 = vector.broadcast %lt3A_294 : i1 to vector<128x128xi1>
    %ne3A_296 = vector.broadcast %ne3A_295 : vector<128x128xi1> to vector<128x128xi1>
    %ne3A_297 = arith.xori %lt3A_292, %ne3A_296 : vector<128x128xi1>
    %and3A_298 = arith.andi %ne3A_297, %ne3A_289 : vector<128x128xi1>
    %add3A_299 = vector.broadcast %select_n3A_284 : i32 to vector<128x128xi32>
    %add3A_300 = arith.addi %rem3A_286, %add3A_299 : vector<128x128xi32>
    %select_n3A_301 = arith.select %and3A_298, %add3A_300, %rem3A_286 : vector<128x128xi1>, vector<128x128xi32>
    %eq3A_302 = arith.constant 0 : i32
    %eq3A_303 = vector.broadcast %eq3A_302 : i32 to vector<128x128xi32>
    %eq3A_304 = arith.cmpi eq, %select_n3A_301, %eq3A_303 : vector<128x128xi32>
    %neg3A_305 = arith.constant 0.000000e+00 : f32
    %neg3A_306 = vector.broadcast %neg3A_305 : f32 to vector<128x128xf32>
    %neg3A_307 = arith.subf %neg3A_306, %concatenate3A_275 : vector<128x128xf32>
    %select_n3A_308 = arith.select %eq3A_304, %neg3A_307, %concatenate3A_278 : vector<128x128xi1>, vector<128x128xf32>
    %get3A_309 = arith.constant 5 : index
    %get3A_310 = arith.constant 0 : index
    %get3A_311 = arith.constant 0 : index
    %get3A_312 = vector.load %arg2[%get3A_309, %get3A_310, %get3A_311] : memref<65x128x256xf32, #tpu.memory_space<vmem>>, vector<1x128x256xf32>
    %get3A_313 = vector.shape_cast %get3A_312 : vector<1x128x256xf32> to vector<128x256xf32>
    %dot_general3A_314 = arith.constant dense<0.000000e+00> : vector<128x256xf32>
    %dot_general3A_315 = tpu.matmul %get3A_272, %get3A_313, %dot_general3A_314 {dimension_numbers = #tpu.dot_dimension_numbers<[1], [0], [0], [1], [0, 0, 1, 1], [], []>, transpose_lhs_hint = false} : vector<128x128xf32>, vector<128x256xf32>, vector<128x256xf32> -> vector<128x256xf32>
    %get3A_316 = arith.constant 5 : index
    %get3A_317 = arith.constant 0 : index
    %get3A_318 = arith.constant 0 : index
    %get3A_319 = vector.load %arg3[%get3A_316, %get3A_317, %get3A_318] : memref<65x128x256xf32, #tpu.memory_space<vmem>>, vector<1x128x256xf32>
    %get3A_320 = vector.shape_cast %get3A_319 : vector<1x128x256xf32> to vector<128x256xf32>
    %dot_general3A_321 = arith.constant dense<0.000000e+00> : vector<128x256xf32>
    %dot_general3A_322 = tpu.matmul %select_n3A_308, %get3A_320, %dot_general3A_321 {dimension_numbers = #tpu.dot_dimension_numbers<[1], [0], [0], [1], [0, 0, 1, 1], [], []>, transpose_lhs_hint = false} : vector<128x128xf32>, vector<128x256xf32>, vector<128x256xf32> -> vector<128x256xf32>
    %add3A_323 = arith.addf %dot_general3A_315, %dot_general3A_322 : vector<128x256xf32>
    %swap3A_324 = arith.constant 0 : index
    %swap3A_325 = arith.constant 1280 : index
    %swap3A_326 = vector.load %arg4[%swap3A_324, %swap3A_325] : memref<128x16416xf32, #tpu.memory_space<vmem>>, vector<128x256xf32>
    tpu.vector_store %arg4[%swap3A_324, %swap3A_325], %add3A_323 {strides = array<i32>} : memref<128x16416xf32, #tpu.memory_space<vmem>>, vector<128x256xf32>,
    %get3A_327 = arith.constant 0 : index
    %get3A_328 = arith.constant 768 : index
    %get3A_329 = vector.load %arg1[%get3A_327, %get3A_328] : memref<128x8208xf32, #tpu.memory_space<vmem>>, vector<128x128xf32>
    %slice3A_330 = vector.extract_strided_slice %get3A_329 {offsets = [1, 0], sizes = [127, 128], strides = [1, 1]} : vector<128x128xf32> to vector<127x128xf32>
    %slice3A_331 = vector.extract_strided_slice %get3A_329 {offsets = [0, 0], sizes = [1, 128], strides = [1, 1]} : vector<128x128xf32> to vector<1x128xf32>
    %concatenate3A_332 = tpu.concatenate %slice3A_330, %slice3A_331 in 0 : vector<127x128xf32>, vector<1x128xf32> -> vector<128x128xf32>
    %slice3A_333 = vector.extract_strided_slice %get3A_329 {offsets = [127, 0], sizes = [1, 128], strides = [1, 1]} : vector<128x128xf32> to vector<1x128xf32>
    %slice3A_334 = vector.extract_strided_slice %get3A_329 {offsets = [0, 0], sizes = [127, 128], strides = [1, 1]} : vector<128x128xf32> to vector<127x128xf32>
    %concatenate3A_335 = tpu.concatenate %slice3A_333, %slice3A_334 in 0 : vector<1x128xf32>, vector<127x128xf32> -> vector<128x128xf32>
    %iota3A_336 = tpu.iota {dimensions = array<i32: 0>} : vector<128x128xi32>
    %jit3A_337 = arith.constant 2 : i32
    %eq3A_338 = arith.constant 0 : i32
    %eq3A_339 = arith.cmpi eq, %jit3A_337, %eq3A_338 : i32
    %jit3A_340 = arith.constant 1 : i32
    %select_n3A_341 = arith.select %eq3A_339, %jit3A_340, %jit3A_337 : i32
    %rem3A_342 = vector.broadcast %select_n3A_341 : i32 to vector<128x128xi32>
    %rem3A_343 = arith.remsi %iota3A_336, %rem3A_342 : vector<128x128xi32>
    %ne3A_344 = arith.constant 0 : i32
    %ne3A_345 = vector.broadcast %ne3A_344 : i32 to vector<128x128xi32>
    %ne3A_346 = arith.cmpi ne, %rem3A_343, %ne3A_345 : vector<128x128xi32>
    %lt3A_347 = arith.constant 0 : i32
    %lt3A_348 = vector.broadcast %lt3A_347 : i32 to vector<128x128xi32>
    %lt3A_349 = arith.cmpi slt, %rem3A_343, %lt3A_348 : vector<128x128xi32>
    %lt3A_350 = arith.constant 0 : i32
    %lt3A_351 = arith.cmpi slt, %select_n3A_341, %lt3A_350 : i32
    %ne3A_352 = vector.broadcast %lt3A_351 : i1 to vector<128x128xi1>
    %ne3A_353 = vector.broadcast %ne3A_352 : vector<128x128xi1> to vector<128x128xi1>
    %ne3A_354 = arith.xori %lt3A_349, %ne3A_353 : vector<128x128xi1>
    %and3A_355 = arith.andi %ne3A_354, %ne3A_346 : vector<128x128xi1>
    %add3A_356 = vector.broadcast %select_n3A_341 : i32 to vector<128x128xi32>
    %add3A_357 = arith.addi %rem3A_343, %add3A_356 : vector<128x128xi32>
    %select_n3A_358 = arith.select %and3A_355, %add3A_357, %rem3A_343 : vector<128x128xi1>, vector<128x128xi32>
    %eq3A_359 = arith.constant 0 : i32
    %eq3A_360 = vector.broadcast %eq3A_359 : i32 to vector<128x128xi32>
    %eq3A_361 = arith.cmpi eq, %select_n3A_358, %eq3A_360 : vector<128x128xi32>
    %neg3A_362 = arith.constant 0.000000e+00 : f32
    %neg3A_363 = vector.broadcast %neg3A_362 : f32 to vector<128x128xf32>
    %neg3A_364 = arith.subf %neg3A_363, %concatenate3A_332 : vector<128x128xf32>
    %select_n3A_365 = arith.select %eq3A_361, %neg3A_364, %concatenate3A_335 : vector<128x128xi1>, vector<128x128xf32>
    %get3A_366 = arith.constant 6 : index
    %get3A_367 = arith.constant 0 : index
    %get3A_368 = arith.constant 0 : index
    %get3A_369 = vector.load %arg2[%get3A_366, %get3A_367, %get3A_368] : memref<65x128x256xf32, #tpu.memory_space<vmem>>, vector<1x128x256xf32>
    %get3A_370 = vector.shape_cast %get3A_369 : vector<1x128x256xf32> to vector<128x256xf32>
    %dot_general3A_371 = arith.constant dense<0.000000e+00> : vector<128x256xf32>
    %dot_general3A_372 = tpu.matmul %get3A_329, %get3A_370, %dot_general3A_371 {dimension_numbers = #tpu.dot_dimension_numbers<[1], [0], [0], [1], [0, 0, 1, 1], [], []>, transpose_lhs_hint = false} : vector<128x128xf32>, vector<128x256xf32>, vector<128x256xf32> -> vector<128x256xf32>
    %get3A_373 = arith.constant 6 : index
    %get3A_374 = arith.constant 0 : index
    %get3A_375 = arith.constant 0 : index
    %get3A_376 = vector.load %arg3[%get3A_373, %get3A_374, %get3A_375] : memref<65x128x256xf32, #tpu.memory_space<vmem>>, vector<1x128x256xf32>
    %get3A_377 = vector.shape_cast %get3A_376 : vector<1x128x256xf32> to vector<128x256xf32>
    %dot_general3A_378 = arith.constant dense<0.000000e+00> : vector<128x256xf32>
    %dot_general3A_379 = tpu.matmul %select_n3A_365, %get3A_377, %dot_general3A_378 {dimension_numbers = #tpu.dot_dimension_numbers<[1], [0], [0], [1], [0, 0, 1, 1], [], []>, transpose_lhs_hint = false} : vector<128x128xf32>, vector<128x256xf32>, vector<128x256xf32> -> vector<128x256xf32>
    %add3A_380 = arith.addf %dot_general3A_372, %dot_general3A_379 : vector<128x256xf32>
    %swap3A_381 = arith.constant 0 : index
    %swap3A_382 = arith.constant 1536 : index
    %swap3A_383 = vector.load %arg4[%swap3A_381, %swap3A_382] : memref<128x16416xf32, #tpu.memory_space<vmem>>, vector<128x256xf32>
    tpu.vector_store %arg4[%swap3A_381, %swap3A_382], %add3A_380 {strides = array<i32>} : memref<128x16416xf32, #tpu.memory_space<vmem>>, vector<128x256xf32>,
    %get3A_384 = arith.constant 0 : index
    %get3A_385 = arith.constant 896 : index
    %get3A_386 = vector.load %arg1[%get3A_384, %get3A_385] : memref<128x8208xf32, #tpu.memory_space<vmem>>, vector<128x128xf32>
    %slice3A_387 = vector.extract_strided_slice %get3A_386 {offsets = [1, 0], sizes = [127, 128], strides = [1, 1]} : vector<128x128xf32> to vector<127x128xf32>
    %slice3A_388 = vector.extract_strided_slice %get3A_386 {offsets = [0, 0], sizes = [1, 128], strides = [1, 1]} : vector<128x128xf32> to vector<1x128xf32>
    %concatenate3A_389 = tpu.concatenate %slice3A_387, %slice3A_388 in 0 : vector<127x128xf32>, vector<1x128xf32> -> vector<128x128xf32>
    %slice3A_390 = vector.extract_strided_slice %get3A_386 {offsets = [127, 0], sizes = [1, 128], strides = [1, 1]} : vector<128x128xf32> to vector<1x128xf32>
    %slice3A_391 = vector.extract_strided_slice %get3A_386 {offsets = [0, 0], sizes = [127, 128], strides = [1, 1]} : vector<128x128xf32> to vector<127x128xf32>
    %concatenate3A_392 = tpu.concatenate %slice3A_390, %slice3A_391 in 0 : vector<1x128xf32>, vector<127x128xf32> -> vector<128x128xf32>
    %iota3A_393 = tpu.iota {dimensions = array<i32: 0>} : vector<128x128xi32>
    %jit3A_394 = arith.constant 2 : i32
    %eq3A_395 = arith.constant 0 : i32
    %eq3A_396 = arith.cmpi eq, %jit3A_394, %eq3A_395 : i32
    %jit3A_397 = arith.constant 1 : i32
    %select_n3A_398 = arith.select %eq3A_396, %jit3A_397, %jit3A_394 : i32
    %rem3A_399 = vector.broadcast %select_n3A_398 : i32 to vector<128x128xi32>
    %rem3A_400 = arith.remsi %iota3A_393, %rem3A_399 : vector<128x128xi32>
    %ne3A_401 = arith.constant 0 : i32
    %ne3A_402 = vector.broadcast %ne3A_401 : i32 to vector<128x128xi32>
    %ne3A_403 = arith.cmpi ne, %rem3A_400, %ne3A_402 : vector<128x128xi32>
    %lt3A_404 = arith.constant 0 : i32
    %lt3A_405 = vector.broadcast %lt3A_404 : i32 to vector<128x128xi32>
    %lt3A_406 = arith.cmpi slt, %rem3A_400, %lt3A_405 : vector<128x128xi32>
    %lt3A_407 = arith.constant 0 : i32
    %lt3A_408 = arith.cmpi slt, %select_n3A_398, %lt3A_407 : i32
    %ne3A_409 = vector.broadcast %lt3A_408 : i1 to vector<128x128xi1>
    %ne3A_410 = vector.broadcast %ne3A_409 : vector<128x128xi1> to vector<128x128xi1>
    %ne3A_411 = arith.xori %lt3A_406, %ne3A_410 : vector<128x128xi1>
    %and3A_412 = arith.andi %ne3A_411, %ne3A_403 : vector<128x128xi1>
    %add3A_413 = vector.broadcast %select_n3A_398 : i32 to vector<128x128xi32>
    %add3A_414 = arith.addi %rem3A_400, %add3A_413 : vector<128x128xi32>
    %select_n3A_415 = arith.select %and3A_412, %add3A_414, %rem3A_400 : vector<128x128xi1>, vector<128x128xi32>
    %eq3A_416 = arith.constant 0 : i32
    %eq3A_417 = vector.broadcast %eq3A_416 : i32 to vector<128x128xi32>
    %eq3A_418 = arith.cmpi eq, %select_n3A_415, %eq3A_417 : vector<128x128xi32>
    %neg3A_419 = arith.constant 0.000000e+00 : f32
    %neg3A_420 = vector.broadcast %neg3A_419 : f32 to vector<128x128xf32>
    %neg3A_421 = arith.subf %neg3A_420, %concatenate3A_389 : vector<128x128xf32>
    %select_n3A_422 = arith.select %eq3A_418, %neg3A_421, %concatenate3A_392 : vector<128x128xi1>, vector<128x128xf32>
    %get3A_423 = arith.constant 7 : index
    %get3A_424 = arith.constant 0 : index
    %get3A_425 = arith.constant 0 : index
    %get3A_426 = vector.load %arg2[%get3A_423, %get3A_424, %get3A_425] : memref<65x128x256xf32, #tpu.memory_space<vmem>>, vector<1x128x256xf32>
    %get3A_427 = vector.shape_cast %get3A_426 : vector<1x128x256xf32> to vector<128x256xf32>
    %dot_general3A_428 = arith.constant dense<0.000000e+00> : vector<128x256xf32>
    %dot_general3A_429 = tpu.matmul %get3A_386, %get3A_427, %dot_general3A_428 {dimension_numbers = #tpu.dot_dimension_numbers<[1], [0], [0], [1], [0, 0, 1, 1], [], []>, transpose_lhs_hint = false} : vector<128x128xf32>, vector<128x256xf32>, vector<128x256xf32> -> vector<128x256xf32>
    %get3A_430 = arith.constant 7 : index
    %get3A_431 = arith.constant 0 : index
    %get3A_432 = arith.constant 0 : index
    %get3A_433 = vector.load %arg3[%get3A_430, %get3A_431, %get3A_432] : memref<65x128x256xf32, #tpu.memory_space<vmem>>, vector<1x128x256xf32>
    %get3A_434 = vector.shape_cast %get3A_433 : vector<1x128x256xf32> to vector<128x256xf32>
    %dot_general3A_435 = arith.constant dense<0.000000e+00> : vector<128x256xf32>
    %dot_general3A_436 = tpu.matmul %select_n3A_422, %get3A_434, %dot_general3A_435 {dimension_numbers = #tpu.dot_dimension_numbers<[1], [0], [0], [1], [0, 0, 1, 1], [], []>, transpose_lhs_hint = false} : vector<128x128xf32>, vector<128x256xf32>, vector<128x256xf32> -> vector<128x256xf32>
    %add3A_437 = arith.addf %dot_general3A_429, %dot_general3A_436 : vector<128x256xf32>
    %swap3A_438 = arith.constant 0 : index
    %swap3A_439 = arith.constant 1792 : index
    %swap3A_440 = vector.load %arg4[%swap3A_438, %swap3A_439] : memref<128x16416xf32, #tpu.memory_space<vmem>>, vector<128x256xf32>
    tpu.vector_store %arg4[%swap3A_438, %swap3A_439], %add3A_437 {strides = array<i32>} : memref<128x16416xf32, #tpu.memory_space<vmem>>, vector<128x256xf32>,
    %get3A_441 = arith.constant 0 : index
    %get3A_442 = arith.constant 1024 : index
    %get3A_443 = vector.load %arg1[%get3A_441, %get3A_442] : memref<128x8208xf32, #tpu.memory_space<vmem>>, vector<128x128xf32>
    %slice3A_444 = vector.extract_strided_slice %get3A_443 {offsets = [1, 0], sizes = [127, 128], strides = [1, 1]} : vector<128x128xf32> to vector<127x128xf32>
    %slice3A_445 = vector.extract_strided_slice %get3A_443 {offsets = [0, 0], sizes = [1, 128], strides = [1, 1]} : vector<128x128xf32> to vector<1x128xf32>
    %concatenate3A_446 = tpu.concatenate %slice3A_444, %slice3A_445 in 0 : vector<127x128xf32>, vector<1x128xf32> -> vector<128x128xf32>
    %slice3A_447 = vector.extract_strided_slice %get3A_443 {offsets = [127, 0], sizes = [1, 128], strides = [1, 1]} : vector<128x128xf32> to vector<1x128xf32>
    %slice3A_448 = vector.extract_strided_slice %get3A_443 {offsets = [0, 0], sizes = [127, 128], strides = [1, 1]} : vector<128x128xf32> to vector<127x128xf32>
    %concatenate3A_449 = tpu.concatenate %slice3A_447, %slice3A_448 in 0 : vector<1x128xf32>, vector<127x128xf32> -> vector<128x128xf32>
    %iota3A_450 = tpu.iota {dimensions = array<i32: 0>} : vector<128x128xi32>
    %jit3A_451 = arith.constant 2 : i32
    %eq3A_452 = arith.constant 0 : i32
    %eq3A_453 = arith.cmpi eq, %jit3A_451, %eq3A_452 : i32
    %jit3A_454 = arith.constant 1 : i32
    %select_n3A_455 = arith.select %eq3A_453, %jit3A_454, %jit3A_451 : i32
    %rem3A_456 = vector.broadcast %select_n3A_455 : i32 to vector<128x128xi32>
    %rem3A_457 = arith.remsi %iota3A_450, %rem3A_456 : vector<128x128xi32>
    %ne3A_458 = arith.constant 0 : i32
    %ne3A_459 = vector.broadcast %ne3A_458 : i32 to vector<128x128xi32>
    %ne3A_460 = arith.cmpi ne, %rem3A_457, %ne3A_459 : vector<128x128xi32>
    %lt3A_461 = arith.constant 0 : i32
    %lt3A_462 = vector.broadcast %lt3A_461 : i32 to vector<128x128xi32>
    %lt3A_463 = arith.cmpi slt, %rem3A_457, %lt3A_462 : vector<128x128xi32>
    %lt3A_464 = arith.constant 0 : i32
    %lt3A_465 = arith.cmpi slt, %select_n3A_455, %lt3A_464 : i32
    %ne3A_466 = vector.broadcast %lt3A_465 : i1 to vector<128x128xi1>
    %ne3A_467 = vector.broadcast %ne3A_466 : vector<128x128xi1> to vector<128x128xi1>
    %ne3A_468 = arith.xori %lt3A_463, %ne3A_467 : vector<128x128xi1>
    %and3A_469 = arith.andi %ne3A_468, %ne3A_460 : vector<128x128xi1>
    %add3A_470 = vector.broadcast %select_n3A_455 : i32 to vector<128x128xi32>
    %add3A_471 = arith.addi %rem3A_457, %add3A_470 : vector<128x128xi32>
    %select_n3A_472 = arith.select %and3A_469, %add3A_471, %rem3A_457 : vector<128x128xi1>, vector<128x128xi32>
    %eq3A_473 = arith.constant 0 : i32
    %eq3A_474 = vector.broadcast %eq3A_473 : i32 to vector<128x128xi32>
    %eq3A_475 = arith.cmpi eq, %select_n3A_472, %eq3A_474 : vector<128x128xi32>
    %neg3A_476 = arith.constant 0.000000e+00 : f32
    %neg3A_477 = vector.broadcast %neg3A_476 : f32 to vector<128x128xf32>
    %neg3A_478 = arith.subf %neg3A_477, %concatenate3A_446 : vector<128x128xf32>
    %select_n3A_479 = arith.select %eq3A_475, %neg3A_478, %concatenate3A_449 : vector<128x128xi1>, vector<128x128xf32>
    %get3A_480 = arith.constant 8 : index
    %get3A_481 = arith.constant 0 : index
    %get3A_482 = arith.constant 0 : index
    %get3A_483 = vector.load %arg2[%get3A_480, %get3A_481, %get3A_482] : memref<65x128x256xf32, #tpu.memory_space<vmem>>, vector<1x128x256xf32>
    %get3A_484 = vector.shape_cast %get3A_483 : vector<1x128x256xf32> to vector<128x256xf32>
    %dot_general3A_485 = arith.constant dense<0.000000e+00> : vector<128x256xf32>
    %dot_general3A_486 = tpu.matmul %get3A_443, %get3A_484, %dot_general3A_485 {dimension_numbers = #tpu.dot_dimension_numbers<[1], [0], [0], [1], [0, 0, 1, 1], [], []>, transpose_lhs_hint = false} : vector<128x128xf32>, vector<128x256xf32>, vector<128x256xf32> -> vector<128x256xf32>
    %get3A_487 = arith.constant 8 : index
    %get3A_488 = arith.constant 0 : index
    %get3A_489 = arith.constant 0 : index
    %get3A_490 = vector.load %arg3[%get3A_487, %get3A_488, %get3A_489] : memref<65x128x256xf32, #tpu.memory_space<vmem>>, vector<1x128x256xf32>
    %get3A_491 = vector.shape_cast %get3A_490 : vector<1x128x256xf32> to vector<128x256xf32>
    %dot_general3A_492 = arith.constant dense<0.000000e+00> : vector<128x256xf32>
    %dot_general3A_493 = tpu.matmul %select_n3A_479, %get3A_491, %dot_general3A_492 {dimension_numbers = #tpu.dot_dimension_numbers<[1], [0], [0], [1], [0, 0, 1, 1], [], []>, transpose_lhs_hint = false} : vector<128x128xf32>, vector<128x256xf32>, vector<128x256xf32> -> vector<128x256xf32>
    %add3A_494 = arith.addf %dot_general3A_486, %dot_general3A_493 : vector<128x256xf32>
    %swap3A_495 = arith.constant 0 : index
    %swap3A_496 = arith.constant 2048 : index
    %swap3A_497 = vector.load %arg4[%swap3A_495, %swap3A_496] : memref<128x16416xf32, #tpu.memory_space<vmem>>, vector<128x256xf32>
    tpu.vector_store %arg4[%swap3A_495, %swap3A_496], %add3A_494 {strides = array<i32>} : memref<128x16416xf32, #tpu.memory_space<vmem>>, vector<128x256xf32>,
    %get3A_498 = arith.constant 0 : index
    %get3A_499 = arith.constant 1152 : index
    %get3A_500 = vector.load %arg1[%get3A_498, %get3A_499] : memref<128x8208xf32, #tpu.memory_space<vmem>>, vector<128x128xf32>
    %slice3A_501 = vector.extract_strided_slice %get3A_500 {offsets = [1, 0], sizes = [127, 128], strides = [1, 1]} : vector<128x128xf32> to vector<127x128xf32>
    %slice3A_502 = vector.extract_strided_slice %get3A_500 {offsets = [0, 0], sizes = [1, 128], strides = [1, 1]} : vector<128x128xf32> to vector<1x128xf32>
    %concatenate3A_503 = tpu.concatenate %slice3A_501, %slice3A_502 in 0 : vector<127x128xf32>, vector<1x128xf32> -> vector<128x128xf32>
    %slice3A_504 = vector.extract_strided_slice %get3A_500 {offsets = [127, 0], sizes = [1, 128], strides = [1, 1]} : vector<128x128xf32> to vector<1x128xf32>
    %slice3A_505 = vector.extract_strided_slice %get3A_500 {offsets = [0, 0], sizes = [127, 128], strides = [1, 1]} : vector<128x128xf32> to vector<127x128xf32>
    %concatenate3A_506 = tpu.concatenate %slice3A_504, %slice3A_505 in 0 : vector<1x128xf32>, vector<127x128xf32> -> vector<128x128xf32>
    %iota3A_507 = tpu.iota {dimensions = array<i32: 0>} : vector<128x128xi32>
    %jit3A_508 = arith.constant 2 : i32
    %eq3A_509 = arith.constant 0 : i32
    %eq3A_510 = arith.cmpi eq, %jit3A_508, %eq3A_509 : i32
    %jit3A_511 = arith.constant 1 : i32
    %select_n3A_512 = arith.select %eq3A_510, %jit3A_511, %jit3A_508 : i32
    %rem3A_513 = vector.broadcast %select_n3A_512 : i32 to vector<128x128xi32>
    %rem3A_514 = arith.remsi %iota3A_507, %rem3A_513 : vector<128x128xi32>
    %ne3A_515 = arith.constant 0 : i32
    %ne3A_516 = vector.broadcast %ne3A_515 : i32 to vector<128x128xi32>
    %ne3A_517 = arith.cmpi ne, %rem3A_514, %ne3A_516 : vector<128x128xi32>
    %lt3A_518 = arith.constant 0 : i32
    %lt3A_519 = vector.broadcast %lt3A_518 : i32 to vector<128x128xi32>
    %lt3A_520 = arith.cmpi slt, %rem3A_514, %lt3A_519 : vector<128x128xi32>
    %lt3A_521 = arith.constant 0 : i32
    %lt3A_522 = arith.cmpi slt, %select_n3A_512, %lt3A_521 : i32
    %ne3A_523 = vector.broadcast %lt3A_522 : i1 to vector<128x128xi1>
    %ne3A_524 = vector.broadcast %ne3A_523 : vector<128x128xi1> to vector<128x128xi1>
    %ne3A_525 = arith.xori %lt3A_520, %ne3A_524 : vector<128x128xi1>
    %and3A_526 = arith.andi %ne3A_525, %ne3A_517 : vector<128x128xi1>
    %add3A_527 = vector.broadcast %select_n3A_512 : i32 to vector<128x128xi32>
    %add3A_528 = arith.addi %rem3A_514, %add3A_527 : vector<128x128xi32>
    %select_n3A_529 = arith.select %and3A_526, %add3A_528, %rem3A_514 : vector<128x128xi1>, vector<128x128xi32>
    %eq3A_530 = arith.constant 0 : i32
    %eq3A_531 = vector.broadcast %eq3A_530 : i32 to vector<128x128xi32>
    %eq3A_532 = arith.cmpi eq, %select_n3A_529, %eq3A_531 : vector<128x128xi32>
    %neg3A_533 = arith.constant 0.000000e+00 : f32
    %neg3A_534 = vector.broadcast %neg3A_533 : f32 to vector<128x128xf32>
    %neg3A_535 = arith.subf %neg3A_534, %concatenate3A_503 : vector<128x128xf32>
    %select_n3A_536 = arith.select %eq3A_532, %neg3A_535, %concatenate3A_506 : vector<128x128xi1>, vector<128x128xf32>
    %get3A_537 = arith.constant 9 : index
    %get3A_538 = arith.constant 0 : index
    %get3A_539 = arith.constant 0 : index
    %get3A_540 = vector.load %arg2[%get3A_537, %get3A_538, %get3A_539] : memref<65x128x256xf32, #tpu.memory_space<vmem>>, vector<1x128x256xf32>
    %get3A_541 = vector.shape_cast %get3A_540 : vector<1x128x256xf32> to vector<128x256xf32>
    %dot_general3A_542 = arith.constant dense<0.000000e+00> : vector<128x256xf32>
    %dot_general3A_543 = tpu.matmul %get3A_500, %get3A_541, %dot_general3A_542 {dimension_numbers = #tpu.dot_dimension_numbers<[1], [0], [0], [1], [0, 0, 1, 1], [], []>, transpose_lhs_hint = false} : vector<128x128xf32>, vector<128x256xf32>, vector<128x256xf32> -> vector<128x256xf32>
    %get3A_544 = arith.constant 9 : index
    %get3A_545 = arith.constant 0 : index
    %get3A_546 = arith.constant 0 : index
    %get3A_547 = vector.load %arg3[%get3A_544, %get3A_545, %get3A_546] : memref<65x128x256xf32, #tpu.memory_space<vmem>>, vector<1x128x256xf32>
    %get3A_548 = vector.shape_cast %get3A_547 : vector<1x128x256xf32> to vector<128x256xf32>
    %dot_general3A_549 = arith.constant dense<0.000000e+00> : vector<128x256xf32>
    %dot_general3A_550 = tpu.matmul %select_n3A_536, %get3A_548, %dot_general3A_549 {dimension_numbers = #tpu.dot_dimension_numbers<[1], [0], [0], [1], [0, 0, 1, 1], [], []>, transpose_lhs_hint = false} : vector<128x128xf32>, vector<128x256xf32>, vector<128x256xf32> -> vector<128x256xf32>
    %add3A_551 = arith.addf %dot_general3A_543, %dot_general3A_550 : vector<128x256xf32>
    %swap3A_552 = arith.constant 0 : index
    %swap3A_553 = arith.constant 2304 : index
    %swap3A_554 = vector.load %arg4[%swap3A_552, %swap3A_553] : memref<128x16416xf32, #tpu.memory_space<vmem>>, vector<128x256xf32>
    tpu.vector_store %arg4[%swap3A_552, %swap3A_553], %add3A_551 {strides = array<i32>} : memref<128x16416xf32, #tpu.memory_space<vmem>>, vector<128x256xf32>,
    %get3A_555 = arith.constant 0 : index
    %get3A_556 = arith.constant 1280 : index
    %get3A_557 = vector.load %arg1[%get3A_555, %get3A_556] : memref<128x8208xf32, #tpu.memory_space<vmem>>, vector<128x128xf32>
    %slice3A_558 = vector.extract_strided_slice %get3A_557 {offsets = [1, 0], sizes = [127, 128], strides = [1, 1]} : vector<128x128xf32> to vector<127x128xf32>
    %slice3A_559 = vector.extract_strided_slice %get3A_557 {offsets = [0, 0], sizes = [1, 128], strides = [1, 1]} : vector<128x128xf32> to vector<1x128xf32>
    %concatenate3A_560 = tpu.concatenate %slice3A_558, %slice3A_559 in 0 : vector<127x128xf32>, vector<1x128xf32> -> vector<128x128xf32>
    %slice3A_561 = vector.extract_strided_slice %get3A_557 {offsets = [127, 0], sizes = [1, 128], strides = [1, 1]} : vector<128x128xf32> to vector<1x128xf32>
    %slice3A_562 = vector.extract_strided_slice %get3A_557 {offsets = [0, 0], sizes = [127, 128], strides = [1, 1]} : vector<128x128xf32> to vector<127x128xf32>
    %concatenate3A_563 = tpu.concatenate %slice3A_561, %slice3A_562 in 0 : vector<1x128xf32>, vector<127x128xf32> -> vector<128x128xf32>
    %iota3A_564 = tpu.iota {dimensions = array<i32: 0>} : vector<128x128xi32>
    %jit3A_565 = arith.constant 2 : i32
    %eq3A_566 = arith.constant 0 : i32
    %eq3A_567 = arith.cmpi eq, %jit3A_565, %eq3A_566 : i32
    %jit3A_568 = arith.constant 1 : i32
    %select_n3A_569 = arith.select %eq3A_567, %jit3A_568, %jit3A_565 : i32
    %rem3A_570 = vector.broadcast %select_n3A_569 : i32 to vector<128x128xi32>
    %rem3A_571 = arith.remsi %iota3A_564, %rem3A_570 : vector<128x128xi32>
    %ne3A_572 = arith.constant 0 : i32
    %ne3A_573 = vector.broadcast %ne3A_572 : i32 to vector<128x128xi32>
    %ne3A_574 = arith.cmpi ne, %rem3A_571, %ne3A_573 : vector<128x128xi32>
    %lt3A_575 = arith.constant 0 : i32
    %lt3A_576 = vector.broadcast %lt3A_575 : i32 to vector<128x128xi32>
    %lt3A_577 = arith.cmpi slt, %rem3A_571, %lt3A_576 : vector<128x128xi32>
    %lt3A_578 = arith.constant 0 : i32
    %lt3A_579 = arith.cmpi slt, %select_n3A_569, %lt3A_578 : i32
    %ne3A_580 = vector.broadcast %lt3A_579 : i1 to vector<128x128xi1>
    %ne3A_581 = vector.broadcast %ne3A_580 : vector<128x128xi1> to vector<128x128xi1>
    %ne3A_582 = arith.xori %lt3A_577, %ne3A_581 : vector<128x128xi1>
    %and3A_583 = arith.andi %ne3A_582, %ne3A_574 : vector<128x128xi1>
    %add3A_584 = vector.broadcast %select_n3A_569 : i32 to vector<128x128xi32>
    %add3A_585 = arith.addi %rem3A_571, %add3A_584 : vector<128x128xi32>
    %select_n3A_586 = arith.select %and3A_583, %add3A_585, %rem3A_571 : vector<128x128xi1>, vector<128x128xi32>
    %eq3A_587 = arith.constant 0 : i32
    %eq3A_588 = vector.broadcast %eq3A_587 : i32 to vector<128x128xi32>
    %eq3A_589 = arith.cmpi eq, %select_n3A_586, %eq3A_588 : vector<128x128xi32>
    %neg3A_590 = arith.constant 0.000000e+00 : f32
    %neg3A_591 = vector.broadcast %neg3A_590 : f32 to vector<128x128xf32>
    %neg3A_592 = arith.subf %neg3A_591, %concatenate3A_560 : vector<128x128xf32>
    %select_n3A_593 = arith.select %eq3A_589, %neg3A_592, %concatenate3A_563 : vector<128x128xi1>, vector<128x128xf32>
    %get3A_594 = arith.constant 10 : index
    %get3A_595 = arith.constant 0 : index
    %get3A_596 = arith.constant 0 : index
    %get3A_597 = vector.load %arg2[%get3A_594, %get3A_595, %get3A_596] : memref<65x128x256xf32, #tpu.memory_space<vmem>>, vector<1x128x256xf32>
    %get3A_598 = vector.shape_cast %get3A_597 : vector<1x128x256xf32> to vector<128x256xf32>
    %dot_general3A_599 = arith.constant dense<0.000000e+00> : vector<128x256xf32>
    %dot_general3A_600 = tpu.matmul %get3A_557, %get3A_598, %dot_general3A_599 {dimension_numbers = #tpu.dot_dimension_numbers<[1], [0], [0], [1], [0, 0, 1, 1], [], []>, transpose_lhs_hint = false} : vector<128x128xf32>, vector<128x256xf32>, vector<128x256xf32> -> vector<128x256xf32>
    %get3A_601 = arith.constant 10 : index
    %get3A_602 = arith.constant 0 : index
    %get3A_603 = arith.constant 0 : index
    %get3A_604 = vector.load %arg3[%get3A_601, %get3A_602, %get3A_603] : memref<65x128x256xf32, #tpu.memory_space<vmem>>, vector<1x128x256xf32>
    %get3A_605 = vector.shape_cast %get3A_604 : vector<1x128x256xf32> to vector<128x256xf32>
    %dot_general3A_606 = arith.constant dense<0.000000e+00> : vector<128x256xf32>
    %dot_general3A_607 = tpu.matmul %select_n3A_593, %get3A_605, %dot_general3A_606 {dimension_numbers = #tpu.dot_dimension_numbers<[1], [0], [0], [1], [0, 0, 1, 1], [], []>, transpose_lhs_hint = false} : vector<128x128xf32>, vector<128x256xf32>, vector<128x256xf32> -> vector<128x256xf32>
    %add3A_608 = arith.addf %dot_general3A_600, %dot_general3A_607 : vector<128x256xf32>
    %swap3A_609 = arith.constant 0 : index
    %swap3A_610 = arith.constant 2560 : index
    %swap3A_611 = vector.load %arg4[%swap3A_609, %swap3A_610] : memref<128x16416xf32, #tpu.memory_space<vmem>>, vector<128x256xf32>
    tpu.vector_store %arg4[%swap3A_609, %swap3A_610], %add3A_608 {strides = array<i32>} : memref<128x16416xf32, #tpu.memory_space<vmem>>, vector<128x256xf32>,
    %get3A_612 = arith.constant 0 : index
    %get3A_613 = arith.constant 1408 : index
    %get3A_614 = vector.load %arg1[%get3A_612, %get3A_613] : memref<128x8208xf32, #tpu.memory_space<vmem>>, vector<128x128xf32>
    %slice3A_615 = vector.extract_strided_slice %get3A_614 {offsets = [1, 0], sizes = [127, 128], strides = [1, 1]} : vector<128x128xf32> to vector<127x128xf32>
    %slice3A_616 = vector.extract_strided_slice %get3A_614 {offsets = [0, 0], sizes = [1, 128], strides = [1, 1]} : vector<128x128xf32> to vector<1x128xf32>
    %concatenate3A_617 = tpu.concatenate %slice3A_615, %slice3A_616 in 0 : vector<127x128xf32>, vector<1x128xf32> -> vector<128x128xf32>
    %slice3A_618 = vector.extract_strided_slice %get3A_614 {offsets = [127, 0], sizes = [1, 128], strides = [1, 1]} : vector<128x128xf32> to vector<1x128xf32>
    %slice3A_619 = vector.extract_strided_slice %get3A_614 {offsets = [0, 0], sizes = [127, 128], strides = [1, 1]} : vector<128x128xf32> to vector<127x128xf32>
    %concatenate3A_620 = tpu.concatenate %slice3A_618, %slice3A_619 in 0 : vector<1x128xf32>, vector<127x128xf32> -> vector<128x128xf32>
    %iota3A_621 = tpu.iota {dimensions = array<i32: 0>} : vector<128x128xi32>
    %jit3A_622 = arith.constant 2 : i32
    %eq3A_623 = arith.constant 0 : i32
    %eq3A_624 = arith.cmpi eq, %jit3A_622, %eq3A_623 : i32
    %jit3A_625 = arith.constant 1 : i32
    %select_n3A_626 = arith.select %eq3A_624, %jit3A_625, %jit3A_622 : i32
    %rem3A_627 = vector.broadcast %select_n3A_626 : i32 to vector<128x128xi32>
    %rem3A_628 = arith.remsi %iota3A_621, %rem3A_627 : vector<128x128xi32>
    %ne3A_629 = arith.constant 0 : i32
    %ne3A_630 = vector.broadcast %ne3A_629 : i32 to vector<128x128xi32>
    %ne3A_631 = arith.cmpi ne, %rem3A_628, %ne3A_630 : vector<128x128xi32>
    %lt3A_632 = arith.constant 0 : i32
    %lt3A_633 = vector.broadcast %lt3A_632 : i32 to vector<128x128xi32>
    %lt3A_634 = arith.cmpi slt, %rem3A_628, %lt3A_633 : vector<128x128xi32>
    %lt3A_635 = arith.constant 0 : i32
    %lt3A_636 = arith.cmpi slt, %select_n3A_626, %lt3A_635 : i32
    %ne3A_637 = vector.broadcast %lt3A_636 : i1 to vector<128x128xi1>
    %ne3A_638 = vector.broadcast %ne3A_637 : vector<128x128xi1> to vector<128x128xi1>
    %ne3A_639 = arith.xori %lt3A_634, %ne3A_638 : vector<128x128xi1>
    %and3A_640 = arith.andi %ne3A_639, %ne3A_631 : vector<128x128xi1>
    %add3A_641 = vector.broadcast %select_n3A_626 : i32 to vector<128x128xi32>
    %add3A_642 = arith.addi %rem3A_628, %add3A_641 : vector<128x128xi32>
    %select_n3A_643 = arith.select %and3A_640, %add3A_642, %rem3A_628 : vector<128x128xi1>, vector<128x128xi32>
    %eq3A_644 = arith.constant 0 : i32
    %eq3A_645 = vector.broadcast %eq3A_644 : i32 to vector<128x128xi32>
    %eq3A_646 = arith.cmpi eq, %select_n3A_643, %eq3A_645 : vector<128x128xi32>
    %neg3A_647 = arith.constant 0.000000e+00 : f32
    %neg3A_648 = vector.broadcast %neg3A_647 : f32 to vector<128x128xf32>
    %neg3A_649 = arith.subf %neg3A_648, %concatenate3A_617 : vector<128x128xf32>
    %select_n3A_650 = arith.select %eq3A_646, %neg3A_649, %concatenate3A_620 : vector<128x128xi1>, vector<128x128xf32>
    %get3A_651 = arith.constant 11 : index
    %get3A_652 = arith.constant 0 : index
    %get3A_653 = arith.constant 0 : index
    %get3A_654 = vector.load %arg2[%get3A_651, %get3A_652, %get3A_653] : memref<65x128x256xf32, #tpu.memory_space<vmem>>, vector<1x128x256xf32>
    %get3A_655 = vector.shape_cast %get3A_654 : vector<1x128x256xf32> to vector<128x256xf32>
    %dot_general3A_656 = arith.constant dense<0.000000e+00> : vector<128x256xf32>
    %dot_general3A_657 = tpu.matmul %get3A_614, %get3A_655, %dot_general3A_656 {dimension_numbers = #tpu.dot_dimension_numbers<[1], [0], [0], [1], [0, 0, 1, 1], [], []>, transpose_lhs_hint = false} : vector<128x128xf32>, vector<128x256xf32>, vector<128x256xf32> -> vector<128x256xf32>
    %get3A_658 = arith.constant 11 : index
    %get3A_659 = arith.constant 0 : index
    %get3A_660 = arith.constant 0 : index
    %get3A_661 = vector.load %arg3[%get3A_658, %get3A_659, %get3A_660] : memref<65x128x256xf32, #tpu.memory_space<vmem>>, vector<1x128x256xf32>
    %get3A_662 = vector.shape_cast %get3A_661 : vector<1x128x256xf32> to vector<128x256xf32>
    %dot_general3A_663 = arith.constant dense<0.000000e+00> : vector<128x256xf32>
    %dot_general3A_664 = tpu.matmul %select_n3A_650, %get3A_662, %dot_general3A_663 {dimension_numbers = #tpu.dot_dimension_numbers<[1], [0], [0], [1], [0, 0, 1, 1], [], []>, transpose_lhs_hint = false} : vector<128x128xf32>, vector<128x256xf32>, vector<128x256xf32> -> vector<128x256xf32>
    %add3A_665 = arith.addf %dot_general3A_657, %dot_general3A_664 : vector<128x256xf32>
    %swap3A_666 = arith.constant 0 : index
    %swap3A_667 = arith.constant 2816 : index
    %swap3A_668 = vector.load %arg4[%swap3A_666, %swap3A_667] : memref<128x16416xf32, #tpu.memory_space<vmem>>, vector<128x256xf32>
    tpu.vector_store %arg4[%swap3A_666, %swap3A_667], %add3A_665 {strides = array<i32>} : memref<128x16416xf32, #tpu.memory_space<vmem>>, vector<128x256xf32>,
    %get3A_669 = arith.constant 0 : index
    %get3A_670 = arith.constant 1536 : index
    %get3A_671 = vector.load %arg1[%get3A_669, %get3A_670] : memref<128x8208xf32, #tpu.memory_space<vmem>>, vector<128x128xf32>
    %slice3A_672 = vector.extract_strided_slice %get3A_671 {offsets = [1, 0], sizes = [127, 128], strides = [1, 1]} : vector<128x128xf32> to vector<127x128xf32>
    %slice3A_673 = vector.extract_strided_slice %get3A_671 {offsets = [0, 0], sizes = [1, 128], strides = [1, 1]} : vector<128x128xf32> to vector<1x128xf32>
    %concatenate3A_674 = tpu.concatenate %slice3A_672, %slice3A_673 in 0 : vector<127x128xf32>, vector<1x128xf32> -> vector<128x128xf32>
    %slice3A_675 = vector.extract_strided_slice %get3A_671 {offsets = [127, 0], sizes = [1, 128], strides = [1, 1]} : vector<128x128xf32> to vector<1x128xf32>
    %slice3A_676 = vector.extract_strided_slice %get3A_671 {offsets = [0, 0], sizes = [127, 128], strides = [1, 1]} : vector<128x128xf32> to vector<127x128xf32>
    %concatenate3A_677 = tpu.concatenate %slice3A_675, %slice3A_676 in 0 : vector<1x128xf32>, vector<127x128xf32> -> vector<128x128xf32>
    %iota3A_678 = tpu.iota {dimensions = array<i32: 0>} : vector<128x128xi32>
    %jit3A_679 = arith.constant 2 : i32
    %eq3A_680 = arith.constant 0 : i32
    %eq3A_681 = arith.cmpi eq, %jit3A_679, %eq3A_680 : i32
    %jit3A_682 = arith.constant 1 : i32
    %select_n3A_683 = arith.select %eq3A_681, %jit3A_682, %jit3A_679 : i32
    %rem3A_684 = vector.broadcast %select_n3A_683 : i32 to vector<128x128xi32>
    %rem3A_685 = arith.remsi %iota3A_678, %rem3A_684 : vector<128x128xi32>
    %ne3A_686 = arith.constant 0 : i32
    %ne3A_687 = vector.broadcast %ne3A_686 : i32 to vector<128x128xi32>
    %ne3A_688 = arith.cmpi ne, %rem3A_685, %ne3A_687 : vector<128x128xi32>
    %lt3A_689 = arith.constant 0 : i32
    %lt3A_690 = vector.broadcast %lt3A_689 : i32 to vector<128x128xi32>
    %lt3A_691 = arith.cmpi slt, %rem3A_685, %lt3A_690 : vector<128x128xi32>
    %lt3A_692 = arith.constant 0 : i32
    %lt3A_693 = arith.cmpi slt, %select_n3A_683, %lt3A_692 : i32
    %ne3A_694 = vector.broadcast %lt3A_693 : i1 to vector<128x128xi1>
    %ne3A_695 = vector.broadcast %ne3A_694 : vector<128x128xi1> to vector<128x128xi1>
    %ne3A_696 = arith.xori %lt3A_691, %ne3A_695 : vector<128x128xi1>
    %and3A_697 = arith.andi %ne3A_696, %ne3A_688 : vector<128x128xi1>
    %add3A_698 = vector.broadcast %select_n3A_683 : i32 to vector<128x128xi32>
    %add3A_699 = arith.addi %rem3A_685, %add3A_698 : vector<128x128xi32>
    %select_n3A_700 = arith.select %and3A_697, %add3A_699, %rem3A_685 : vector<128x128xi1>, vector<128x128xi32>
    %eq3A_701 = arith.constant 0 : i32
    %eq3A_702 = vector.broadcast %eq3A_701 : i32 to vector<128x128xi32>
    %eq3A_703 = arith.cmpi eq, %select_n3A_700, %eq3A_702 : vector<128x128xi32>
    %neg3A_704 = arith.constant 0.000000e+00 : f32
    %neg3A_705 = vector.broadcast %neg3A_704 : f32 to vector<128x128xf32>
    %neg3A_706 = arith.subf %neg3A_705, %concatenate3A_674 : vector<128x128xf32>
    %select_n3A_707 = arith.select %eq3A_703, %neg3A_706, %concatenate3A_677 : vector<128x128xi1>, vector<128x128xf32>
    %get3A_708 = arith.constant 12 : index
    %get3A_709 = arith.constant 0 : index
    %get3A_710 = arith.constant 0 : index
    %get3A_711 = vector.load %arg2[%get3A_708, %get3A_709, %get3A_710] : memref<65x128x256xf32, #tpu.memory_space<vmem>>, vector<1x128x256xf32>
    %get3A_712 = vector.shape_cast %get3A_711 : vector<1x128x256xf32> to vector<128x256xf32>
    %dot_general3A_713 = arith.constant dense<0.000000e+00> : vector<128x256xf32>
    %dot_general3A_714 = tpu.matmul %get3A_671, %get3A_712, %dot_general3A_713 {dimension_numbers = #tpu.dot_dimension_numbers<[1], [0], [0], [1], [0, 0, 1, 1], [], []>, transpose_lhs_hint = false} : vector<128x128xf32>, vector<128x256xf32>, vector<128x256xf32> -> vector<128x256xf32>
    %get3A_715 = arith.constant 12 : index
    %get3A_716 = arith.constant 0 : index
    %get3A_717 = arith.constant 0 : index
    %get3A_718 = vector.load %arg3[%get3A_715, %get3A_716, %get3A_717] : memref<65x128x256xf32, #tpu.memory_space<vmem>>, vector<1x128x256xf32>
    %get3A_719 = vector.shape_cast %get3A_718 : vector<1x128x256xf32> to vector<128x256xf32>
    %dot_general3A_720 = arith.constant dense<0.000000e+00> : vector<128x256xf32>
    %dot_general3A_721 = tpu.matmul %select_n3A_707, %get3A_719, %dot_general3A_720 {dimension_numbers = #tpu.dot_dimension_numbers<[1], [0], [0], [1], [0, 0, 1, 1], [], []>, transpose_lhs_hint = false} : vector<128x128xf32>, vector<128x256xf32>, vector<128x256xf32> -> vector<128x256xf32>
    %add3A_722 = arith.addf %dot_general3A_714, %dot_general3A_721 : vector<128x256xf32>
    %swap3A_723 = arith.constant 0 : index
    %swap3A_724 = arith.constant 3072 : index
    %swap3A_725 = vector.load %arg4[%swap3A_723, %swap3A_724] : memref<128x16416xf32, #tpu.memory_space<vmem>>, vector<128x256xf32>
    tpu.vector_store %arg4[%swap3A_723, %swap3A_724], %add3A_722 {strides = array<i32>} : memref<128x16416xf32, #tpu.memory_space<vmem>>, vector<128x256xf32>,
    %get3A_726 = arith.constant 0 : index
    %get3A_727 = arith.constant 1664 : index
    %get3A_728 = vector.load %arg1[%get3A_726, %get3A_727] : memref<128x8208xf32, #tpu.memory_space<vmem>>, vector<128x128xf32>
    %slice3A_729 = vector.extract_strided_slice %get3A_728 {offsets = [1, 0], sizes = [127, 128], strides = [1, 1]} : vector<128x128xf32> to vector<127x128xf32>
    %slice3A_730 = vector.extract_strided_slice %get3A_728 {offsets = [0, 0], sizes = [1, 128], strides = [1, 1]} : vector<128x128xf32> to vector<1x128xf32>
    %concatenate3A_731 = tpu.concatenate %slice3A_729, %slice3A_730 in 0 : vector<127x128xf32>, vector<1x128xf32> -> vector<128x128xf32>
    %slice3A_732 = vector.extract_strided_slice %get3A_728 {offsets = [127, 0], sizes = [1, 128], strides = [1, 1]} : vector<128x128xf32> to vector<1x128xf32>
    %slice3A_733 = vector.extract_strided_slice %get3A_728 {offsets = [0, 0], sizes = [127, 128], strides = [1, 1]} : vector<128x128xf32> to vector<127x128xf32>
    %concatenate3A_734 = tpu.concatenate %slice3A_732, %slice3A_733 in 0 : vector<1x128xf32>, vector<127x128xf32> -> vector<128x128xf32>
    %iota3A_735 = tpu.iota {dimensions = array<i32: 0>} : vector<128x128xi32>
    %jit3A_736 = arith.constant 2 : i32
    %eq3A_737 = arith.constant 0 : i32
    %eq3A_738 = arith.cmpi eq, %jit3A_736, %eq3A_737 : i32
    %jit3A_739 = arith.constant 1 : i32
    %select_n3A_740 = arith.select %eq3A_738, %jit3A_739, %jit3A_736 : i32
    %rem3A_741 = vector.broadcast %select_n3A_740 : i32 to vector<128x128xi32>
    %rem3A_742 = arith.remsi %iota3A_735, %rem3A_741 : vector<128x128xi32>
    %ne3A_743 = arith.constant 0 : i32
    %ne3A_744 = vector.broadcast %ne3A_743 : i32 to vector<128x128xi32>
    %ne3A_745 = arith.cmpi ne, %rem3A_742, %ne3A_744 : vector<128x128xi32>
    %lt3A_746 = arith.constant 0 : i32
    %lt3A_747 = vector.broadcast %lt3A_746 : i32 to vector<128x128xi32>
    %lt3A_748 = arith.cmpi slt, %rem3A_742, %lt3A_747 : vector<128x128xi32>
    %lt3A_749 = arith.constant 0 : i32
    %lt3A_750 = arith.cmpi slt, %select_n3A_740, %lt3A_749 : i32
    %ne3A_751 = vector.broadcast %lt3A_750 : i1 to vector<128x128xi1>
    %ne3A_752 = vector.broadcast %ne3A_751 : vector<128x128xi1> to vector<128x128xi1>
    %ne3A_753 = arith.xori %lt3A_748, %ne3A_752 : vector<128x128xi1>
    %and3A_754 = arith.andi %ne3A_753, %ne3A_745 : vector<128x128xi1>
    %add3A_755 = vector.broadcast %select_n3A_740 : i32 to vector<128x128xi32>
    %add3A_756 = arith.addi %rem3A_742, %add3A_755 : vector<128x128xi32>
    %select_n3A_757 = arith.select %and3A_754, %add3A_756, %rem3A_742 : vector<128x128xi1>, vector<128x128xi32>
    %eq3A_758 = arith.constant 0 : i32
    %eq3A_759 = vector.broadcast %eq3A_758 : i32 to vector<128x128xi32>
    %eq3A_760 = arith.cmpi eq, %select_n3A_757, %eq3A_759 : vector<128x128xi32>
    %neg3A_761 = arith.constant 0.000000e+00 : f32
    %neg3A_762 = vector.broadcast %neg3A_761 : f32 to vector<128x128xf32>
    %neg3A_763 = arith.subf %neg3A_762, %concatenate3A_731 : vector<128x128xf32>
    %select_n3A_764 = arith.select %eq3A_760, %neg3A_763, %concatenate3A_734 : vector<128x128xi1>, vector<128x128xf32>
    %get3A_765 = arith.constant 13 : index
    %get3A_766 = arith.constant 0 : index
    %get3A_767 = arith.constant 0 : index
    %get3A_768 = vector.load %arg2[%get3A_765, %get3A_766, %get3A_767] : memref<65x128x256xf32, #tpu.memory_space<vmem>>, vector<1x128x256xf32>
    %get3A_769 = vector.shape_cast %get3A_768 : vector<1x128x256xf32> to vector<128x256xf32>
    %dot_general3A_770 = arith.constant dense<0.000000e+00> : vector<128x256xf32>
    %dot_general3A_771 = tpu.matmul %get3A_728, %get3A_769, %dot_general3A_770 {dimension_numbers = #tpu.dot_dimension_numbers<[1], [0], [0], [1], [0, 0, 1, 1], [], []>, transpose_lhs_hint = false} : vector<128x128xf32>, vector<128x256xf32>, vector<128x256xf32> -> vector<128x256xf32>
    %get3A_772 = arith.constant 13 : index
    %get3A_773 = arith.constant 0 : index
    %get3A_774 = arith.constant 0 : index
    %get3A_775 = vector.load %arg3[%get3A_772, %get3A_773, %get3A_774] : memref<65x128x256xf32, #tpu.memory_space<vmem>>, vector<1x128x256xf32>
    %get3A_776 = vector.shape_cast %get3A_775 : vector<1x128x256xf32> to vector<128x256xf32>
    %dot_general3A_777 = arith.constant dense<0.000000e+00> : vector<128x256xf32>
    %dot_general3A_778 = tpu.matmul %select_n3A_764, %get3A_776, %dot_general3A_777 {dimension_numbers = #tpu.dot_dimension_numbers<[1], [0], [0], [1], [0, 0, 1, 1], [], []>, transpose_lhs_hint = false} : vector<128x128xf32>, vector<128x256xf32>, vector<128x256xf32> -> vector<128x256xf32>
    %add3A_779 = arith.addf %dot_general3A_771, %dot_general3A_778 : vector<128x256xf32>
    %swap3A_780 = arith.constant 0 : index
    %swap3A_781 = arith.constant 3328 : index
    %swap3A_782 = vector.load %arg4[%swap3A_780, %swap3A_781] : memref<128x16416xf32, #tpu.memory_space<vmem>>, vector<128x256xf32>
    tpu.vector_store %arg4[%swap3A_780, %swap3A_781], %add3A_779 {strides = array<i32>} : memref<128x16416xf32, #tpu.memory_space<vmem>>, vector<128x256xf32>,
    %get3A_783 = arith.constant 0 : index
    %get3A_784 = arith.constant 1792 : index
    %get3A_785 = vector.load %arg1[%get3A_783, %get3A_784] : memref<128x8208xf32, #tpu.memory_space<vmem>>, vector<128x128xf32>
    %slice3A_786 = vector.extract_strided_slice %get3A_785 {offsets = [1, 0], sizes = [127, 128], strides = [1, 1]} : vector<128x128xf32> to vector<127x128xf32>
    %slice3A_787 = vector.extract_strided_slice %get3A_785 {offsets = [0, 0], sizes = [1, 128], strides = [1, 1]} : vector<128x128xf32> to vector<1x128xf32>
    %concatenate3A_788 = tpu.concatenate %slice3A_786, %slice3A_787 in 0 : vector<127x128xf32>, vector<1x128xf32> -> vector<128x128xf32>
    %slice3A_789 = vector.extract_strided_slice %get3A_785 {offsets = [127, 0], sizes = [1, 128], strides = [1, 1]} : vector<128x128xf32> to vector<1x128xf32>
    %slice3A_790 = vector.extract_strided_slice %get3A_785 {offsets = [0, 0], sizes = [127, 128], strides = [1, 1]} : vector<128x128xf32> to vector<127x128xf32>
    %concatenate3A_791 = tpu.concatenate %slice3A_789, %slice3A_790 in 0 : vector<1x128xf32>, vector<127x128xf32> -> vector<128x128xf32>
    %iota3A_792 = tpu.iota {dimensions = array<i32: 0>} : vector<128x128xi32>
    %jit3A_793 = arith.constant 2 : i32
    %eq3A_794 = arith.constant 0 : i32
    %eq3A_795 = arith.cmpi eq, %jit3A_793, %eq3A_794 : i32
    %jit3A_796 = arith.constant 1 : i32
    %select_n3A_797 = arith.select %eq3A_795, %jit3A_796, %jit3A_793 : i32
    %rem3A_798 = vector.broadcast %select_n3A_797 : i32 to vector<128x128xi32>
    %rem3A_799 = arith.remsi %iota3A_792, %rem3A_798 : vector<128x128xi32>
    %ne3A_800 = arith.constant 0 : i32
    %ne3A_801 = vector.broadcast %ne3A_800 : i32 to vector<128x128xi32>
    %ne3A_802 = arith.cmpi ne, %rem3A_799, %ne3A_801 : vector<128x128xi32>
    %lt3A_803 = arith.constant 0 : i32
    %lt3A_804 = vector.broadcast %lt3A_803 : i32 to vector<128x128xi32>
    %lt3A_805 = arith.cmpi slt, %rem3A_799, %lt3A_804 : vector<128x128xi32>
    %lt3A_806 = arith.constant 0 : i32
    %lt3A_807 = arith.cmpi slt, %select_n3A_797, %lt3A_806 : i32
    %ne3A_808 = vector.broadcast %lt3A_807 : i1 to vector<128x128xi1>
    %ne3A_809 = vector.broadcast %ne3A_808 : vector<128x128xi1> to vector<128x128xi1>
    %ne3A_810 = arith.xori %lt3A_805, %ne3A_809 : vector<128x128xi1>
    %and3A_811 = arith.andi %ne3A_810, %ne3A_802 : vector<128x128xi1>
    %add3A_812 = vector.broadcast %select_n3A_797 : i32 to vector<128x128xi32>
    %add3A_813 = arith.addi %rem3A_799, %add3A_812 : vector<128x128xi32>
    %select_n3A_814 = arith.select %and3A_811, %add3A_813, %rem3A_799 : vector<128x128xi1>, vector<128x128xi32>
    %eq3A_815 = arith.constant 0 : i32
    %eq3A_816 = vector.broadcast %eq3A_815 : i32 to vector<128x128xi32>
    %eq3A_817 = arith.cmpi eq, %select_n3A_814, %eq3A_816 : vector<128x128xi32>
    %neg3A_818 = arith.constant 0.000000e+00 : f32
    %neg3A_819 = vector.broadcast %neg3A_818 : f32 to vector<128x128xf32>
    %neg3A_820 = arith.subf %neg3A_819, %concatenate3A_788 : vector<128x128xf32>
    %select_n3A_821 = arith.select %eq3A_817, %neg3A_820, %concatenate3A_791 : vector<128x128xi1>, vector<128x128xf32>
    %get3A_822 = arith.constant 14 : index
    %get3A_823 = arith.constant 0 : index
    %get3A_824 = arith.constant 0 : index
    %get3A_825 = vector.load %arg2[%get3A_822, %get3A_823, %get3A_824] : memref<65x128x256xf32, #tpu.memory_space<vmem>>, vector<1x128x256xf32>
    %get3A_826 = vector.shape_cast %get3A_825 : vector<1x128x256xf32> to vector<128x256xf32>
    %dot_general3A_827 = arith.constant dense<0.000000e+00> : vector<128x256xf32>
    %dot_general3A_828 = tpu.matmul %get3A_785, %get3A_826, %dot_general3A_827 {dimension_numbers = #tpu.dot_dimension_numbers<[1], [0], [0], [1], [0, 0, 1, 1], [], []>, transpose_lhs_hint = false} : vector<128x128xf32>, vector<128x256xf32>, vector<128x256xf32> -> vector<128x256xf32>
    %get3A_829 = arith.constant 14 : index
    %get3A_830 = arith.constant 0 : index
    %get3A_831 = arith.constant 0 : index
    %get3A_832 = vector.load %arg3[%get3A_829, %get3A_830, %get3A_831] : memref<65x128x256xf32, #tpu.memory_space<vmem>>, vector<1x128x256xf32>
    %get3A_833 = vector.shape_cast %get3A_832 : vector<1x128x256xf32> to vector<128x256xf32>
    %dot_general3A_834 = arith.constant dense<0.000000e+00> : vector<128x256xf32>
    %dot_general3A_835 = tpu.matmul %select_n3A_821, %get3A_833, %dot_general3A_834 {dimension_numbers = #tpu.dot_dimension_numbers<[1], [0], [0], [1], [0, 0, 1, 1], [], []>, transpose_lhs_hint = false} : vector<128x128xf32>, vector<128x256xf32>, vector<128x256xf32> -> vector<128x256xf32>
    %add3A_836 = arith.addf %dot_general3A_828, %dot_general3A_835 : vector<128x256xf32>
    %swap3A_837 = arith.constant 0 : index
    %swap3A_838 = arith.constant 3584 : index
    %swap3A_839 = vector.load %arg4[%swap3A_837, %swap3A_838] : memref<128x16416xf32, #tpu.memory_space<vmem>>, vector<128x256xf32>
    tpu.vector_store %arg4[%swap3A_837, %swap3A_838], %add3A_836 {strides = array<i32>} : memref<128x16416xf32, #tpu.memory_space<vmem>>, vector<128x256xf32>,
    %get3A_840 = arith.constant 0 : index
    %get3A_841 = arith.constant 1920 : index
    %get3A_842 = vector.load %arg1[%get3A_840, %get3A_841] : memref<128x8208xf32, #tpu.memory_space<vmem>>, vector<128x128xf32>
    %slice3A_843 = vector.extract_strided_slice %get3A_842 {offsets = [1, 0], sizes = [127, 128], strides = [1, 1]} : vector<128x128xf32> to vector<127x128xf32>
    %slice3A_844 = vector.extract_strided_slice %get3A_842 {offsets = [0, 0], sizes = [1, 128], strides = [1, 1]} : vector<128x128xf32> to vector<1x128xf32>
    %concatenate3A_845 = tpu.concatenate %slice3A_843, %slice3A_844 in 0 : vector<127x128xf32>, vector<1x128xf32> -> vector<128x128xf32>
    %slice3A_846 = vector.extract_strided_slice %get3A_842 {offsets = [127, 0], sizes = [1, 128], strides = [1, 1]} : vector<128x128xf32> to vector<1x128xf32>
    %slice3A_847 = vector.extract_strided_slice %get3A_842 {offsets = [0, 0], sizes = [127, 128], strides = [1, 1]} : vector<128x128xf32> to vector<127x128xf32>
    %concatenate3A_848 = tpu.concatenate %slice3A_846, %slice3A_847 in 0 : vector<1x128xf32>, vector<127x128xf32> -> vector<128x128xf32>
    %iota3A_849 = tpu.iota {dimensions = array<i32: 0>} : vector<128x128xi32>
    %jit3A_850 = arith.constant 2 : i32
    %eq3A_851 = arith.constant 0 : i32
    %eq3A_852 = arith.cmpi eq, %jit3A_850, %eq3A_851 : i32
    %jit3A_853 = arith.constant 1 : i32
    %select_n3A_854 = arith.select %eq3A_852, %jit3A_853, %jit3A_850 : i32
    %rem3A_855 = vector.broadcast %select_n3A_854 : i32 to vector<128x128xi32>
    %rem3A_856 = arith.remsi %iota3A_849, %rem3A_855 : vector<128x128xi32>
    %ne3A_857 = arith.constant 0 : i32
    %ne3A_858 = vector.broadcast %ne3A_857 : i32 to vector<128x128xi32>
    %ne3A_859 = arith.cmpi ne, %rem3A_856, %ne3A_858 : vector<128x128xi32>
    %lt3A_860 = arith.constant 0 : i32
    %lt3A_861 = vector.broadcast %lt3A_860 : i32 to vector<128x128xi32>
    %lt3A_862 = arith.cmpi slt, %rem3A_856, %lt3A_861 : vector<128x128xi32>
    %lt3A_863 = arith.constant 0 : i32
    %lt3A_864 = arith.cmpi slt, %select_n3A_854, %lt3A_863 : i32
    %ne3A_865 = vector.broadcast %lt3A_864 : i1 to vector<128x128xi1>
    %ne3A_866 = vector.broadcast %ne3A_865 : vector<128x128xi1> to vector<128x128xi1>
    %ne3A_867 = arith.xori %lt3A_862, %ne3A_866 : vector<128x128xi1>
    %and3A_868 = arith.andi %ne3A_867, %ne3A_859 : vector<128x128xi1>
    %add3A_869 = vector.broadcast %select_n3A_854 : i32 to vector<128x128xi32>
    %add3A_870 = arith.addi %rem3A_856, %add3A_869 : vector<128x128xi32>
    %select_n3A_871 = arith.select %and3A_868, %add3A_870, %rem3A_856 : vector<128x128xi1>, vector<128x128xi32>
    %eq3A_872 = arith.constant 0 : i32
    %eq3A_873 = vector.broadcast %eq3A_872 : i32 to vector<128x128xi32>
    %eq3A_874 = arith.cmpi eq, %select_n3A_871, %eq3A_873 : vector<128x128xi32>
    %neg3A_875 = arith.constant 0.000000e+00 : f32
    %neg3A_876 = vector.broadcast %neg3A_875 : f32 to vector<128x128xf32>
    %neg3A_877 = arith.subf %neg3A_876, %concatenate3A_845 : vector<128x128xf32>
    %select_n3A_878 = arith.select %eq3A_874, %neg3A_877, %concatenate3A_848 : vector<128x128xi1>, vector<128x128xf32>
    %get3A_879 = arith.constant 15 : index
    %get3A_880 = arith.constant 0 : index
    %get3A_881 = arith.constant 0 : index
    %get3A_882 = vector.load %arg2[%get3A_879, %get3A_880, %get3A_881] : memref<65x128x256xf32, #tpu.memory_space<vmem>>, vector<1x128x256xf32>
    %get3A_883 = vector.shape_cast %get3A_882 : vector<1x128x256xf32> to vector<128x256xf32>
    %dot_general3A_884 = arith.constant dense<0.000000e+00> : vector<128x256xf32>
    %dot_general3A_885 = tpu.matmul %get3A_842, %get3A_883, %dot_general3A_884 {dimension_numbers = #tpu.dot_dimension_numbers<[1], [0], [0], [1], [0, 0, 1, 1], [], []>, transpose_lhs_hint = false} : vector<128x128xf32>, vector<128x256xf32>, vector<128x256xf32> -> vector<128x256xf32>
    %get3A_886 = arith.constant 15 : index
    %get3A_887 = arith.constant 0 : index
    %get3A_888 = arith.constant 0 : index
    %get3A_889 = vector.load %arg3[%get3A_886, %get3A_887, %get3A_888] : memref<65x128x256xf32, #tpu.memory_space<vmem>>, vector<1x128x256xf32>
    %get3A_890 = vector.shape_cast %get3A_889 : vector<1x128x256xf32> to vector<128x256xf32>
    %dot_general3A_891 = arith.constant dense<0.000000e+00> : vector<128x256xf32>
    %dot_general3A_892 = tpu.matmul %select_n3A_878, %get3A_890, %dot_general3A_891 {dimension_numbers = #tpu.dot_dimension_numbers<[1], [0], [0], [1], [0, 0, 1, 1], [], []>, transpose_lhs_hint = false} : vector<128x128xf32>, vector<128x256xf32>, vector<128x256xf32> -> vector<128x256xf32>
    %add3A_893 = arith.addf %dot_general3A_885, %dot_general3A_892 : vector<128x256xf32>
    %swap3A_894 = arith.constant 0 : index
    %swap3A_895 = arith.constant 3840 : index
    %swap3A_896 = vector.load %arg4[%swap3A_894, %swap3A_895] : memref<128x16416xf32, #tpu.memory_space<vmem>>, vector<128x256xf32>
    tpu.vector_store %arg4[%swap3A_894, %swap3A_895], %add3A_893 {strides = array<i32>} : memref<128x16416xf32, #tpu.memory_space<vmem>>, vector<128x256xf32>,
    %get3A_897 = arith.constant 0 : index
    %get3A_898 = arith.constant 2048 : index
    %get3A_899 = vector.load %arg1[%get3A_897, %get3A_898] : memref<128x8208xf32, #tpu.memory_space<vmem>>, vector<128x128xf32>
    %slice3A_900 = vector.extract_strided_slice %get3A_899 {offsets = [1, 0], sizes = [127, 128], strides = [1, 1]} : vector<128x128xf32> to vector<127x128xf32>
    %slice3A_901 = vector.extract_strided_slice %get3A_899 {offsets = [0, 0], sizes = [1, 128], strides = [1, 1]} : vector<128x128xf32> to vector<1x128xf32>
    %concatenate3A_902 = tpu.concatenate %slice3A_900, %slice3A_901 in 0 : vector<127x128xf32>, vector<1x128xf32> -> vector<128x128xf32>
    %slice3A_903 = vector.extract_strided_slice %get3A_899 {offsets = [127, 0], sizes = [1, 128], strides = [1, 1]} : vector<128x128xf32> to vector<1x128xf32>
    %slice3A_904 = vector.extract_strided_slice %get3A_899 {offsets = [0, 0], sizes = [127, 128], strides = [1, 1]} : vector<128x128xf32> to vector<127x128xf32>
    %concatenate3A_905 = tpu.concatenate %slice3A_903, %slice3A_904 in 0 : vector<1x128xf32>, vector<127x128xf32> -> vector<128x128xf32>
    %iota3A_906 = tpu.iota {dimensions = array<i32: 0>} : vector<128x128xi32>
    %jit3A_907 = arith.constant 2 : i32
    %eq3A_908 = arith.constant 0 : i32
    %eq3A_909 = arith.cmpi eq, %jit3A_907, %eq3A_908 : i32
    %jit3A_910 = arith.constant 1 : i32
    %select_n3A_911 = arith.select %eq3A_909, %jit3A_910, %jit3A_907 : i32
    %rem3A_912 = vector.broadcast %select_n3A_911 : i32 to vector<128x128xi32>
    %rem3A_913 = arith.remsi %iota3A_906, %rem3A_912 : vector<128x128xi32>
    %ne3A_914 = arith.constant 0 : i32
    %ne3A_915 = vector.broadcast %ne3A_914 : i32 to vector<128x128xi32>
    %ne3A_916 = arith.cmpi ne, %rem3A_913, %ne3A_915 : vector<128x128xi32>
    %lt3A_917 = arith.constant 0 : i32
    %lt3A_918 = vector.broadcast %lt3A_917 : i32 to vector<128x128xi32>
    %lt3A_919 = arith.cmpi slt, %rem3A_913, %lt3A_918 : vector<128x128xi32>
    %lt3A_920 = arith.constant 0 : i32
    %lt3A_921 = arith.cmpi slt, %select_n3A_911, %lt3A_920 : i32
    %ne3A_922 = vector.broadcast %lt3A_921 : i1 to vector<128x128xi1>
    %ne3A_923 = vector.broadcast %ne3A_922 : vector<128x128xi1> to vector<128x128xi1>
    %ne3A_924 = arith.xori %lt3A_919, %ne3A_923 : vector<128x128xi1>
    %and3A_925 = arith.andi %ne3A_924, %ne3A_916 : vector<128x128xi1>
    %add3A_926 = vector.broadcast %select_n3A_911 : i32 to vector<128x128xi32>
    %add3A_927 = arith.addi %rem3A_913, %add3A_926 : vector<128x128xi32>
    %select_n3A_928 = arith.select %and3A_925, %add3A_927, %rem3A_913 : vector<128x128xi1>, vector<128x128xi32>
    %eq3A_929 = arith.constant 0 : i32
    %eq3A_930 = vector.broadcast %eq3A_929 : i32 to vector<128x128xi32>
    %eq3A_931 = arith.cmpi eq, %select_n3A_928, %eq3A_930 : vector<128x128xi32>
    %neg3A_932 = arith.constant 0.000000e+00 : f32
    %neg3A_933 = vector.broadcast %neg3A_932 : f32 to vector<128x128xf32>
    %neg3A_934 = arith.subf %neg3A_933, %concatenate3A_902 : vector<128x128xf32>
    %select_n3A_935 = arith.select %eq3A_931, %neg3A_934, %concatenate3A_905 : vector<128x128xi1>, vector<128x128xf32>
    %get3A_936 = arith.constant 16 : index
    %get3A_937 = arith.constant 0 : index
    %get3A_938 = arith.constant 0 : index
    %get3A_939 = vector.load %arg2[%get3A_936, %get3A_937, %get3A_938] : memref<65x128x256xf32, #tpu.memory_space<vmem>>, vector<1x128x256xf32>
    %get3A_940 = vector.shape_cast %get3A_939 : vector<1x128x256xf32> to vector<128x256xf32>
    %dot_general3A_941 = arith.constant dense<0.000000e+00> : vector<128x256xf32>
    %dot_general3A_942 = tpu.matmul %get3A_899, %get3A_940, %dot_general3A_941 {dimension_numbers = #tpu.dot_dimension_numbers<[1], [0], [0], [1], [0, 0, 1, 1], [], []>, transpose_lhs_hint = false} : vector<128x128xf32>, vector<128x256xf32>, vector<128x256xf32> -> vector<128x256xf32>
    %get3A_943 = arith.constant 16 : index
    %get3A_944 = arith.constant 0 : index
    %get3A_945 = arith.constant 0 : index
    %get3A_946 = vector.load %arg3[%get3A_943, %get3A_944, %get3A_945] : memref<65x128x256xf32, #tpu.memory_space<vmem>>, vector<1x128x256xf32>
    %get3A_947 = vector.shape_cast %get3A_946 : vector<1x128x256xf32> to vector<128x256xf32>
    %dot_general3A_948 = arith.constant dense<0.000000e+00> : vector<128x256xf32>
    %dot_general3A_949 = tpu.matmul %select_n3A_935, %get3A_947, %dot_general3A_948 {dimension_numbers = #tpu.dot_dimension_numbers<[1], [0], [0], [1], [0, 0, 1, 1], [], []>, transpose_lhs_hint = false} : vector<128x128xf32>, vector<128x256xf32>, vector<128x256xf32> -> vector<128x256xf32>
    %add3A_950 = arith.addf %dot_general3A_942, %dot_general3A_949 : vector<128x256xf32>
    %swap3A_951 = arith.constant 0 : index
    %swap3A_952 = arith.constant 4096 : index
    %swap3A_953 = vector.load %arg4[%swap3A_951, %swap3A_952] : memref<128x16416xf32, #tpu.memory_space<vmem>>, vector<128x256xf32>
    tpu.vector_store %arg4[%swap3A_951, %swap3A_952], %add3A_950 {strides = array<i32>} : memref<128x16416xf32, #tpu.memory_space<vmem>>, vector<128x256xf32>,
    %get3A_954 = arith.constant 0 : index
    %get3A_955 = arith.constant 2176 : index
    %get3A_956 = vector.load %arg1[%get3A_954, %get3A_955] : memref<128x8208xf32, #tpu.memory_space<vmem>>, vector<128x128xf32>
    %slice3A_957 = vector.extract_strided_slice %get3A_956 {offsets = [1, 0], sizes = [127, 128], strides = [1, 1]} : vector<128x128xf32> to vector<127x128xf32>
    %slice3A_958 = vector.extract_strided_slice %get3A_956 {offsets = [0, 0], sizes = [1, 128], strides = [1, 1]} : vector<128x128xf32> to vector<1x128xf32>
    %concatenate3A_959 = tpu.concatenate %slice3A_957, %slice3A_958 in 0 : vector<127x128xf32>, vector<1x128xf32> -> vector<128x128xf32>
    %slice3A_960 = vector.extract_strided_slice %get3A_956 {offsets = [127, 0], sizes = [1, 128], strides = [1, 1]} : vector<128x128xf32> to vector<1x128xf32>
    %slice3A_961 = vector.extract_strided_slice %get3A_956 {offsets = [0, 0], sizes = [127, 128], strides = [1, 1]} : vector<128x128xf32> to vector<127x128xf32>
    %concatenate3A_962 = tpu.concatenate %slice3A_960, %slice3A_961 in 0 : vector<1x128xf32>, vector<127x128xf32> -> vector<128x128xf32>
    %iota3A_963 = tpu.iota {dimensions = array<i32: 0>} : vector<128x128xi32>
    %jit3A_964 = arith.constant 2 : i32
    %eq3A_965 = arith.constant 0 : i32
    %eq3A_966 = arith.cmpi eq, %jit3A_964, %eq3A_965 : i32
    %jit3A_967 = arith.constant 1 : i32
    %select_n3A_968 = arith.select %eq3A_966, %jit3A_967, %jit3A_964 : i32
    %rem3A_969 = vector.broadcast %select_n3A_968 : i32 to vector<128x128xi32>
    %rem3A_970 = arith.remsi %iota3A_963, %rem3A_969 : vector<128x128xi32>
    %ne3A_971 = arith.constant 0 : i32
    %ne3A_972 = vector.broadcast %ne3A_971 : i32 to vector<128x128xi32>
    %ne3A_973 = arith.cmpi ne, %rem3A_970, %ne3A_972 : vector<128x128xi32>
    %lt3A_974 = arith.constant 0 : i32
    %lt3A_975 = vector.broadcast %lt3A_974 : i32 to vector<128x128xi32>
    %lt3A_976 = arith.cmpi slt, %rem3A_970, %lt3A_975 : vector<128x128xi32>
    %lt3A_977 = arith.constant 0 : i32
    %lt3A_978 = arith.cmpi slt, %select_n3A_968, %lt3A_977 : i32
    %ne3A_979 = vector.broadcast %lt3A_978 : i1 to vector<128x128xi1>
    %ne3A_980 = vector.broadcast %ne3A_979 : vector<128x128xi1> to vector<128x128xi1>
    %ne3A_981 = arith.xori %lt3A_976, %ne3A_980 : vector<128x128xi1>
    %and3A_982 = arith.andi %ne3A_981, %ne3A_973 : vector<128x128xi1>
    %add3A_983 = vector.broadcast %select_n3A_968 : i32 to vector<128x128xi32>
    %add3A_984 = arith.addi %rem3A_970, %add3A_983 : vector<128x128xi32>
    %select_n3A_985 = arith.select %and3A_982, %add3A_984, %rem3A_970 : vector<128x128xi1>, vector<128x128xi32>
    %eq3A_986 = arith.constant 0 : i32
    %eq3A_987 = vector.broadcast %eq3A_986 : i32 to vector<128x128xi32>
    %eq3A_988 = arith.cmpi eq, %select_n3A_985, %eq3A_987 : vector<128x128xi32>
    %neg3A_989 = arith.constant 0.000000e+00 : f32
    %neg3A_990 = vector.broadcast %neg3A_989 : f32 to vector<128x128xf32>
    %neg3A_991 = arith.subf %neg3A_990, %concatenate3A_959 : vector<128x128xf32>
    %select_n3A_992 = arith.select %eq3A_988, %neg3A_991, %concatenate3A_962 : vector<128x128xi1>, vector<128x128xf32>
    %get3A_993 = arith.constant 17 : index
    %get3A_994 = arith.constant 0 : index
    %get3A_995 = arith.constant 0 : index
    %get3A_996 = vector.load %arg2[%get3A_993, %get3A_994, %get3A_995] : memref<65x128x256xf32, #tpu.memory_space<vmem>>, vector<1x128x256xf32>
    %get3A_997 = vector.shape_cast %get3A_996 : vector<1x128x256xf32> to vector<128x256xf32>
    %dot_general3A_998 = arith.constant dense<0.000000e+00> : vector<128x256xf32>
    %dot_general3A_999 = tpu.matmul %get3A_956, %get3A_997, %dot_general3A_998 {dimension_numbers = #tpu.dot_dimension_numbers<[1], [0], [0], [1], [0, 0, 1, 1], [], []>, transpose_lhs_hint = false} : vector<128x128xf32>, vector<128x256xf32>, vector<128x256xf32> -> vector<128x256xf32>
    %get3A_1000 = arith.constant 17 : index
    %get3A_1001 = arith.constant 0 : index
    %get3A_1002 = arith.constant 0 : index
    %get3A_1003 = vector.load %arg3[%get3A_1000, %get3A_1001, %get3A_1002] : memref<65x128x256xf32, #tpu.memory_space<vmem>>, vector<1x128x256xf32>
    %get3A_1004 = vector.shape_cast %get3A_1003 : vector<1x128x256xf32> to vector<128x256xf32>
    %dot_general3A_1005 = arith.constant dense<0.000000e+00> : vector<128x256xf32>
    %dot_general3A_1006 = tpu.matmul %select_n3A_992, %get3A_1004, %dot_general3A_1005 {dimension_numbers = #tpu.dot_dimension_numbers<[1], [0], [0], [1], [0, 0, 1, 1], [], []>, transpose_lhs_hint = false} : vector<128x128xf32>, vector<128x256xf32>, vector<128x256xf32> -> vector<128x256xf32>
    %add3A_1007 = arith.addf %dot_general3A_999, %dot_general3A_1006 : vector<128x256xf32>
    %swap3A_1008 = arith.constant 0 : index
    %swap3A_1009 = arith.constant 4352 : index
    %swap3A_1010 = vector.load %arg4[%swap3A_1008, %swap3A_1009] : memref<128x16416xf32, #tpu.memory_space<vmem>>, vector<128x256xf32>
    tpu.vector_store %arg4[%swap3A_1008, %swap3A_1009], %add3A_1007 {strides = array<i32>} : memref<128x16416xf32, #tpu.memory_space<vmem>>, vector<128x256xf32>,
    %get3A_1011 = arith.constant 0 : index
    %get3A_1012 = arith.constant 2304 : index
    %get3A_1013 = vector.load %arg1[%get3A_1011, %get3A_1012] : memref<128x8208xf32, #tpu.memory_space<vmem>>, vector<128x128xf32>
    %slice3A_1014 = vector.extract_strided_slice %get3A_1013 {offsets = [1, 0], sizes = [127, 128], strides = [1, 1]} : vector<128x128xf32> to vector<127x128xf32>
    %slice3A_1015 = vector.extract_strided_slice %get3A_1013 {offsets = [0, 0], sizes = [1, 128], strides = [1, 1]} : vector<128x128xf32> to vector<1x128xf32>
    %concatenate3A_1016 = tpu.concatenate %slice3A_1014, %slice3A_1015 in 0 : vector<127x128xf32>, vector<1x128xf32> -> vector<128x128xf32>
    %slice3A_1017 = vector.extract_strided_slice %get3A_1013 {offsets = [127, 0], sizes = [1, 128], strides = [1, 1]} : vector<128x128xf32> to vector<1x128xf32>
    %slice3A_1018 = vector.extract_strided_slice %get3A_1013 {offsets = [0, 0], sizes = [127, 128], strides = [1, 1]} : vector<128x128xf32> to vector<127x128xf32>
    %concatenate3A_1019 = tpu.concatenate %slice3A_1017, %slice3A_1018 in 0 : vector<1x128xf32>, vector<127x128xf32> -> vector<128x128xf32>
    %iota3A_1020 = tpu.iota {dimensions = array<i32: 0>} : vector<128x128xi32>
    %jit3A_1021 = arith.constant 2 : i32
    %eq3A_1022 = arith.constant 0 : i32
    %eq3A_1023 = arith.cmpi eq, %jit3A_1021, %eq3A_1022 : i32
    %jit3A_1024 = arith.constant 1 : i32
    %select_n3A_1025 = arith.select %eq3A_1023, %jit3A_1024, %jit3A_1021 : i32
    %rem3A_1026 = vector.broadcast %select_n3A_1025 : i32 to vector<128x128xi32>
    %rem3A_1027 = arith.remsi %iota3A_1020, %rem3A_1026 : vector<128x128xi32>
    %ne3A_1028 = arith.constant 0 : i32
    %ne3A_1029 = vector.broadcast %ne3A_1028 : i32 to vector<128x128xi32>
    %ne3A_1030 = arith.cmpi ne, %rem3A_1027, %ne3A_1029 : vector<128x128xi32>
    %lt3A_1031 = arith.constant 0 : i32
    %lt3A_1032 = vector.broadcast %lt3A_1031 : i32 to vector<128x128xi32>
    %lt3A_1033 = arith.cmpi slt, %rem3A_1027, %lt3A_1032 : vector<128x128xi32>
    %lt3A_1034 = arith.constant 0 : i32
    %lt3A_1035 = arith.cmpi slt, %select_n3A_1025, %lt3A_1034 : i32
    %ne3A_1036 = vector.broadcast %lt3A_1035 : i1 to vector<128x128xi1>
    %ne3A_1037 = vector.broadcast %ne3A_1036 : vector<128x128xi1> to vector<128x128xi1>
    %ne3A_1038 = arith.xori %lt3A_1033, %ne3A_1037 : vector<128x128xi1>
    %and3A_1039 = arith.andi %ne3A_1038, %ne3A_1030 : vector<128x128xi1>
    %add3A_1040 = vector.broadcast %select_n3A_1025 : i32 to vector<128x128xi32>
    %add3A_1041 = arith.addi %rem3A_1027, %add3A_1040 : vector<128x128xi32>
    %select_n3A_1042 = arith.select %and3A_1039, %add3A_1041, %rem3A_1027 : vector<128x128xi1>, vector<128x128xi32>
    %eq3A_1043 = arith.constant 0 : i32
    %eq3A_1044 = vector.broadcast %eq3A_1043 : i32 to vector<128x128xi32>
    %eq3A_1045 = arith.cmpi eq, %select_n3A_1042, %eq3A_1044 : vector<128x128xi32>
    %neg3A_1046 = arith.constant 0.000000e+00 : f32
    %neg3A_1047 = vector.broadcast %neg3A_1046 : f32 to vector<128x128xf32>
    %neg3A_1048 = arith.subf %neg3A_1047, %concatenate3A_1016 : vector<128x128xf32>
    %select_n3A_1049 = arith.select %eq3A_1045, %neg3A_1048, %concatenate3A_1019 : vector<128x128xi1>, vector<128x128xf32>
    %get3A_1050 = arith.constant 18 : index
    %get3A_1051 = arith.constant 0 : index
    %get3A_1052 = arith.constant 0 : index
    %get3A_1053 = vector.load %arg2[%get3A_1050, %get3A_1051, %get3A_1052] : memref<65x128x256xf32, #tpu.memory_space<vmem>>, vector<1x128x256xf32>
    %get3A_1054 = vector.shape_cast %get3A_1053 : vector<1x128x256xf32> to vector<128x256xf32>
    %dot_general3A_1055 = arith.constant dense<0.000000e+00> : vector<128x256xf32>
    %dot_general3A_1056 = tpu.matmul %get3A_1013, %get3A_1054, %dot_general3A_1055 {dimension_numbers = #tpu.dot_dimension_numbers<[1], [0], [0], [1], [0, 0, 1, 1], [], []>, transpose_lhs_hint = false} : vector<128x128xf32>, vector<128x256xf32>, vector<128x256xf32> -> vector<128x256xf32>
    %get3A_1057 = arith.constant 18 : index
    %get3A_1058 = arith.constant 0 : index
    %get3A_1059 = arith.constant 0 : index
    %get3A_1060 = vector.load %arg3[%get3A_1057, %get3A_1058, %get3A_1059] : memref<65x128x256xf32, #tpu.memory_space<vmem>>, vector<1x128x256xf32>
    %get3A_1061 = vector.shape_cast %get3A_1060 : vector<1x128x256xf32> to vector<128x256xf32>
    %dot_general3A_1062 = arith.constant dense<0.000000e+00> : vector<128x256xf32>
    %dot_general3A_1063 = tpu.matmul %select_n3A_1049, %get3A_1061, %dot_general3A_1062 {dimension_numbers = #tpu.dot_dimension_numbers<[1], [0], [0], [1], [0, 0, 1, 1], [], []>, transpose_lhs_hint = false} : vector<128x128xf32>, vector<128x256xf32>, vector<128x256xf32> -> vector<128x256xf32>
    %add3A_1064 = arith.addf %dot_general3A_1056, %dot_general3A_1063 : vector<128x256xf32>
    %swap3A_1065 = arith.constant 0 : index
    %swap3A_1066 = arith.constant 4608 : index
    %swap3A_1067 = vector.load %arg4[%swap3A_1065, %swap3A_1066] : memref<128x16416xf32, #tpu.memory_space<vmem>>, vector<128x256xf32>
    tpu.vector_store %arg4[%swap3A_1065, %swap3A_1066], %add3A_1064 {strides = array<i32>} : memref<128x16416xf32, #tpu.memory_space<vmem>>, vector<128x256xf32>,
    %get3A_1068 = arith.constant 0 : index
    %get3A_1069 = arith.constant 2432 : index
    %get3A_1070 = vector.load %arg1[%get3A_1068, %get3A_1069] : memref<128x8208xf32, #tpu.memory_space<vmem>>, vector<128x128xf32>
    %slice3A_1071 = vector.extract_strided_slice %get3A_1070 {offsets = [1, 0], sizes = [127, 128], strides = [1, 1]} : vector<128x128xf32> to vector<127x128xf32>
    %slice3A_1072 = vector.extract_strided_slice %get3A_1070 {offsets = [0, 0], sizes = [1, 128], strides = [1, 1]} : vector<128x128xf32> to vector<1x128xf32>
    %concatenate3A_1073 = tpu.concatenate %slice3A_1071, %slice3A_1072 in 0 : vector<127x128xf32>, vector<1x128xf32> -> vector<128x128xf32>
    %slice3A_1074 = vector.extract_strided_slice %get3A_1070 {offsets = [127, 0], sizes = [1, 128], strides = [1, 1]} : vector<128x128xf32> to vector<1x128xf32>
    %slice3A_1075 = vector.extract_strided_slice %get3A_1070 {offsets = [0, 0], sizes = [127, 128], strides = [1, 1]} : vector<128x128xf32> to vector<127x128xf32>
    %concatenate3A_1076 = tpu.concatenate %slice3A_1074, %slice3A_1075 in 0 : vector<1x128xf32>, vector<127x128xf32> -> vector<128x128xf32>
    %iota3A_1077 = tpu.iota {dimensions = array<i32: 0>} : vector<128x128xi32>
    %jit3A_1078 = arith.constant 2 : i32
    %eq3A_1079 = arith.constant 0 : i32
    %eq3A_1080 = arith.cmpi eq, %jit3A_1078, %eq3A_1079 : i32
    %jit3A_1081 = arith.constant 1 : i32
    %select_n3A_1082 = arith.select %eq3A_1080, %jit3A_1081, %jit3A_1078 : i32
    %rem3A_1083 = vector.broadcast %select_n3A_1082 : i32 to vector<128x128xi32>
    %rem3A_1084 = arith.remsi %iota3A_1077, %rem3A_1083 : vector<128x128xi32>
    %ne3A_1085 = arith.constant 0 : i32
    %ne3A_1086 = vector.broadcast %ne3A_1085 : i32 to vector<128x128xi32>
    %ne3A_1087 = arith.cmpi ne, %rem3A_1084, %ne3A_1086 : vector<128x128xi32>
    %lt3A_1088 = arith.constant 0 : i32
    %lt3A_1089 = vector.broadcast %lt3A_1088 : i32 to vector<128x128xi32>
    %lt3A_1090 = arith.cmpi slt, %rem3A_1084, %lt3A_1089 : vector<128x128xi32>
    %lt3A_1091 = arith.constant 0 : i32
    %lt3A_1092 = arith.cmpi slt, %select_n3A_1082, %lt3A_1091 : i32
    %ne3A_1093 = vector.broadcast %lt3A_1092 : i1 to vector<128x128xi1>
    %ne3A_1094 = vector.broadcast %ne3A_1093 : vector<128x128xi1> to vector<128x128xi1>
    %ne3A_1095 = arith.xori %lt3A_1090, %ne3A_1094 : vector<128x128xi1>
    %and3A_1096 = arith.andi %ne3A_1095, %ne3A_1087 : vector<128x128xi1>
    %add3A_1097 = vector.broadcast %select_n3A_1082 : i32 to vector<128x128xi32>
    %add3A_1098 = arith.addi %rem3A_1084, %add3A_1097 : vector<128x128xi32>
    %select_n3A_1099 = arith.select %and3A_1096, %add3A_1098, %rem3A_1084 : vector<128x128xi1>, vector<128x128xi32>
    %eq3A_1100 = arith.constant 0 : i32
    %eq3A_1101 = vector.broadcast %eq3A_1100 : i32 to vector<128x128xi32>
    %eq3A_1102 = arith.cmpi eq, %select_n3A_1099, %eq3A_1101 : vector<128x128xi32>
    %neg3A_1103 = arith.constant 0.000000e+00 : f32
    %neg3A_1104 = vector.broadcast %neg3A_1103 : f32 to vector<128x128xf32>
    %neg3A_1105 = arith.subf %neg3A_1104, %concatenate3A_1073 : vector<128x128xf32>
    %select_n3A_1106 = arith.select %eq3A_1102, %neg3A_1105, %concatenate3A_1076 : vector<128x128xi1>, vector<128x128xf32>
    %get3A_1107 = arith.constant 19 : index
    %get3A_1108 = arith.constant 0 : index
    %get3A_1109 = arith.constant 0 : index
    %get3A_1110 = vector.load %arg2[%get3A_1107, %get3A_1108, %get3A_1109] : memref<65x128x256xf32, #tpu.memory_space<vmem>>, vector<1x128x256xf32>
    %get3A_1111 = vector.shape_cast %get3A_1110 : vector<1x128x256xf32> to vector<128x256xf32>
    %dot_general3A_1112 = arith.constant dense<0.000000e+00> : vector<128x256xf32>
    %dot_general3A_1113 = tpu.matmul %get3A_1070, %get3A_1111, %dot_general3A_1112 {dimension_numbers = #tpu.dot_dimension_numbers<[1], [0], [0], [1], [0, 0, 1, 1], [], []>, transpose_lhs_hint = false} : vector<128x128xf32>, vector<128x256xf32>, vector<128x256xf32> -> vector<128x256xf32>
    %get3A_1114 = arith.constant 19 : index
    %get3A_1115 = arith.constant 0 : index
    %get3A_1116 = arith.constant 0 : index
    %get3A_1117 = vector.load %arg3[%get3A_1114, %get3A_1115, %get3A_1116] : memref<65x128x256xf32, #tpu.memory_space<vmem>>, vector<1x128x256xf32>
    %get3A_1118 = vector.shape_cast %get3A_1117 : vector<1x128x256xf32> to vector<128x256xf32>
    %dot_general3A_1119 = arith.constant dense<0.000000e+00> : vector<128x256xf32>
    %dot_general3A_1120 = tpu.matmul %select_n3A_1106, %get3A_1118, %dot_general3A_1119 {dimension_numbers = #tpu.dot_dimension_numbers<[1], [0], [0], [1], [0, 0, 1, 1], [], []>, transpose_lhs_hint = false} : vector<128x128xf32>, vector<128x256xf32>, vector<128x256xf32> -> vector<128x256xf32>
    %add3A_1121 = arith.addf %dot_general3A_1113, %dot_general3A_1120 : vector<128x256xf32>
    %swap3A_1122 = arith.constant 0 : index
    %swap3A_1123 = arith.constant 4864 : index
    %swap3A_1124 = vector.load %arg4[%swap3A_1122, %swap3A_1123] : memref<128x16416xf32, #tpu.memory_space<vmem>>, vector<128x256xf32>
    tpu.vector_store %arg4[%swap3A_1122, %swap3A_1123], %add3A_1121 {strides = array<i32>} : memref<128x16416xf32, #tpu.memory_space<vmem>>, vector<128x256xf32>,
    %get3A_1125 = arith.constant 0 : index
    %get3A_1126 = arith.constant 2560 : index
    %get3A_1127 = vector.load %arg1[%get3A_1125, %get3A_1126] : memref<128x8208xf32, #tpu.memory_space<vmem>>, vector<128x128xf32>
    %slice3A_1128 = vector.extract_strided_slice %get3A_1127 {offsets = [1, 0], sizes = [127, 128], strides = [1, 1]} : vector<128x128xf32> to vector<127x128xf32>
    %slice3A_1129 = vector.extract_strided_slice %get3A_1127 {offsets = [0, 0], sizes = [1, 128], strides = [1, 1]} : vector<128x128xf32> to vector<1x128xf32>
    %concatenate3A_1130 = tpu.concatenate %slice3A_1128, %slice3A_1129 in 0 : vector<127x128xf32>, vector<1x128xf32> -> vector<128x128xf32>
    %slice3A_1131 = vector.extract_strided_slice %get3A_1127 {offsets = [127, 0], sizes = [1, 128], strides = [1, 1]} : vector<128x128xf32> to vector<1x128xf32>
    %slice3A_1132 = vector.extract_strided_slice %get3A_1127 {offsets = [0, 0], sizes = [127, 128], strides = [1, 1]} : vector<128x128xf32> to vector<127x128xf32>
    %concatenate3A_1133 = tpu.concatenate %slice3A_1131, %slice3A_1132 in 0 : vector<1x128xf32>, vector<127x128xf32> -> vector<128x128xf32>
    %iota3A_1134 = tpu.iota {dimensions = array<i32: 0>} : vector<128x128xi32>
    %jit3A_1135 = arith.constant 2 : i32
    %eq3A_1136 = arith.constant 0 : i32
    %eq3A_1137 = arith.cmpi eq, %jit3A_1135, %eq3A_1136 : i32
    %jit3A_1138 = arith.constant 1 : i32
    %select_n3A_1139 = arith.select %eq3A_1137, %jit3A_1138, %jit3A_1135 : i32
    %rem3A_1140 = vector.broadcast %select_n3A_1139 : i32 to vector<128x128xi32>
    %rem3A_1141 = arith.remsi %iota3A_1134, %rem3A_1140 : vector<128x128xi32>
    %ne3A_1142 = arith.constant 0 : i32
    %ne3A_1143 = vector.broadcast %ne3A_1142 : i32 to vector<128x128xi32>
    %ne3A_1144 = arith.cmpi ne, %rem3A_1141, %ne3A_1143 : vector<128x128xi32>
    %lt3A_1145 = arith.constant 0 : i32
    %lt3A_1146 = vector.broadcast %lt3A_1145 : i32 to vector<128x128xi32>
    %lt3A_1147 = arith.cmpi slt, %rem3A_1141, %lt3A_1146 : vector<128x128xi32>
    %lt3A_1148 = arith.constant 0 : i32
    %lt3A_1149 = arith.cmpi slt, %select_n3A_1139, %lt3A_1148 : i32
    %ne3A_1150 = vector.broadcast %lt3A_1149 : i1 to vector<128x128xi1>
    %ne3A_1151 = vector.broadcast %ne3A_1150 : vector<128x128xi1> to vector<128x128xi1>
    %ne3A_1152 = arith.xori %lt3A_1147, %ne3A_1151 : vector<128x128xi1>
    %and3A_1153 = arith.andi %ne3A_1152, %ne3A_1144 : vector<128x128xi1>
    %add3A_1154 = vector.broadcast %select_n3A_1139 : i32 to vector<128x128xi32>
    %add3A_1155 = arith.addi %rem3A_1141, %add3A_1154 : vector<128x128xi32>
    %select_n3A_1156 = arith.select %and3A_1153, %add3A_1155, %rem3A_1141 : vector<128x128xi1>, vector<128x128xi32>
    %eq3A_1157 = arith.constant 0 : i32
    %eq3A_1158 = vector.broadcast %eq3A_1157 : i32 to vector<128x128xi32>
    %eq3A_1159 = arith.cmpi eq, %select_n3A_1156, %eq3A_1158 : vector<128x128xi32>
    %neg3A_1160 = arith.constant 0.000000e+00 : f32
    %neg3A_1161 = vector.broadcast %neg3A_1160 : f32 to vector<128x128xf32>
    %neg3A_1162 = arith.subf %neg3A_1161, %concatenate3A_1130 : vector<128x128xf32>
    %select_n3A_1163 = arith.select %eq3A_1159, %neg3A_1162, %concatenate3A_1133 : vector<128x128xi1>, vector<128x128xf32>
    %get3A_1164 = arith.constant 20 : index
    %get3A_1165 = arith.constant 0 : index
    %get3A_1166 = arith.constant 0 : index
    %get3A_1167 = vector.load %arg2[%get3A_1164, %get3A_1165, %get3A_1166] : memref<65x128x256xf32, #tpu.memory_space<vmem>>, vector<1x128x256xf32>
    %get3A_1168 = vector.shape_cast %get3A_1167 : vector<1x128x256xf32> to vector<128x256xf32>
    %dot_general3A_1169 = arith.constant dense<0.000000e+00> : vector<128x256xf32>
    %dot_general3A_1170 = tpu.matmul %get3A_1127, %get3A_1168, %dot_general3A_1169 {dimension_numbers = #tpu.dot_dimension_numbers<[1], [0], [0], [1], [0, 0, 1, 1], [], []>, transpose_lhs_hint = false} : vector<128x128xf32>, vector<128x256xf32>, vector<128x256xf32> -> vector<128x256xf32>
    %get3A_1171 = arith.constant 20 : index
    %get3A_1172 = arith.constant 0 : index
    %get3A_1173 = arith.constant 0 : index
    %get3A_1174 = vector.load %arg3[%get3A_1171, %get3A_1172, %get3A_1173] : memref<65x128x256xf32, #tpu.memory_space<vmem>>, vector<1x128x256xf32>
    %get3A_1175 = vector.shape_cast %get3A_1174 : vector<1x128x256xf32> to vector<128x256xf32>
    %dot_general3A_1176 = arith.constant dense<0.000000e+00> : vector<128x256xf32>
    %dot_general3A_1177 = tpu.matmul %select_n3A_1163, %get3A_1175, %dot_general3A_1176 {dimension_numbers = #tpu.dot_dimension_numbers<[1], [0], [0], [1], [0, 0, 1, 1], [], []>, transpose_lhs_hint = false} : vector<128x128xf32>, vector<128x256xf32>, vector<128x256xf32> -> vector<128x256xf32>
    %add3A_1178 = arith.addf %dot_general3A_1170, %dot_general3A_1177 : vector<128x256xf32>
    %swap3A_1179 = arith.constant 0 : index
    %swap3A_1180 = arith.constant 5120 : index
    %swap3A_1181 = vector.load %arg4[%swap3A_1179, %swap3A_1180] : memref<128x16416xf32, #tpu.memory_space<vmem>>, vector<128x256xf32>
    tpu.vector_store %arg4[%swap3A_1179, %swap3A_1180], %add3A_1178 {strides = array<i32>} : memref<128x16416xf32, #tpu.memory_space<vmem>>, vector<128x256xf32>,
    %get3A_1182 = arith.constant 0 : index
    %get3A_1183 = arith.constant 2688 : index
    %get3A_1184 = vector.load %arg1[%get3A_1182, %get3A_1183] : memref<128x8208xf32, #tpu.memory_space<vmem>>, vector<128x128xf32>
    %slice3A_1185 = vector.extract_strided_slice %get3A_1184 {offsets = [1, 0], sizes = [127, 128], strides = [1, 1]} : vector<128x128xf32> to vector<127x128xf32>
    %slice3A_1186 = vector.extract_strided_slice %get3A_1184 {offsets = [0, 0], sizes = [1, 128], strides = [1, 1]} : vector<128x128xf32> to vector<1x128xf32>
    %concatenate3A_1187 = tpu.concatenate %slice3A_1185, %slice3A_1186 in 0 : vector<127x128xf32>, vector<1x128xf32> -> vector<128x128xf32>
    %slice3A_1188 = vector.extract_strided_slice %get3A_1184 {offsets = [127, 0], sizes = [1, 128], strides = [1, 1]} : vector<128x128xf32> to vector<1x128xf32>
    %slice3A_1189 = vector.extract_strided_slice %get3A_1184 {offsets = [0, 0], sizes = [127, 128], strides = [1, 1]} : vector<128x128xf32> to vector<127x128xf32>
    %concatenate3A_1190 = tpu.concatenate %slice3A_1188, %slice3A_1189 in 0 : vector<1x128xf32>, vector<127x128xf32> -> vector<128x128xf32>
    %iota3A_1191 = tpu.iota {dimensions = array<i32: 0>} : vector<128x128xi32>
    %jit3A_1192 = arith.constant 2 : i32
    %eq3A_1193 = arith.constant 0 : i32
    %eq3A_1194 = arith.cmpi eq, %jit3A_1192, %eq3A_1193 : i32
    %jit3A_1195 = arith.constant 1 : i32
    %select_n3A_1196 = arith.select %eq3A_1194, %jit3A_1195, %jit3A_1192 : i32
    %rem3A_1197 = vector.broadcast %select_n3A_1196 : i32 to vector<128x128xi32>
    %rem3A_1198 = arith.remsi %iota3A_1191, %rem3A_1197 : vector<128x128xi32>
    %ne3A_1199 = arith.constant 0 : i32
    %ne3A_1200 = vector.broadcast %ne3A_1199 : i32 to vector<128x128xi32>
    %ne3A_1201 = arith.cmpi ne, %rem3A_1198, %ne3A_1200 : vector<128x128xi32>
    %lt3A_1202 = arith.constant 0 : i32
    %lt3A_1203 = vector.broadcast %lt3A_1202 : i32 to vector<128x128xi32>
    %lt3A_1204 = arith.cmpi slt, %rem3A_1198, %lt3A_1203 : vector<128x128xi32>
    %lt3A_1205 = arith.constant 0 : i32
    %lt3A_1206 = arith.cmpi slt, %select_n3A_1196, %lt3A_1205 : i32
    %ne3A_1207 = vector.broadcast %lt3A_1206 : i1 to vector<128x128xi1>
    %ne3A_1208 = vector.broadcast %ne3A_1207 : vector<128x128xi1> to vector<128x128xi1>
    %ne3A_1209 = arith.xori %lt3A_1204, %ne3A_1208 : vector<128x128xi1>
    %and3A_1210 = arith.andi %ne3A_1209, %ne3A_1201 : vector<128x128xi1>
    %add3A_1211 = vector.broadcast %select_n3A_1196 : i32 to vector<128x128xi32>
    %add3A_1212 = arith.addi %rem3A_1198, %add3A_1211 : vector<128x128xi32>
    %select_n3A_1213 = arith.select %and3A_1210, %add3A_1212, %rem3A_1198 : vector<128x128xi1>, vector<128x128xi32>
    %eq3A_1214 = arith.constant 0 : i32
    %eq3A_1215 = vector.broadcast %eq3A_1214 : i32 to vector<128x128xi32>
    %eq3A_1216 = arith.cmpi eq, %select_n3A_1213, %eq3A_1215 : vector<128x128xi32>
    %neg3A_1217 = arith.constant 0.000000e+00 : f32
    %neg3A_1218 = vector.broadcast %neg3A_1217 : f32 to vector<128x128xf32>
    %neg3A_1219 = arith.subf %neg3A_1218, %concatenate3A_1187 : vector<128x128xf32>
    %select_n3A_1220 = arith.select %eq3A_1216, %neg3A_1219, %concatenate3A_1190 : vector<128x128xi1>, vector<128x128xf32>
    %get3A_1221 = arith.constant 21 : index
    %get3A_1222 = arith.constant 0 : index
    %get3A_1223 = arith.constant 0 : index
    %get3A_1224 = vector.load %arg2[%get3A_1221, %get3A_1222, %get3A_1223] : memref<65x128x256xf32, #tpu.memory_space<vmem>>, vector<1x128x256xf32>
    %get3A_1225 = vector.shape_cast %get3A_1224 : vector<1x128x256xf32> to vector<128x256xf32>
    %dot_general3A_1226 = arith.constant dense<0.000000e+00> : vector<128x256xf32>
    %dot_general3A_1227 = tpu.matmul %get3A_1184, %get3A_1225, %dot_general3A_1226 {dimension_numbers = #tpu.dot_dimension_numbers<[1], [0], [0], [1], [0, 0, 1, 1], [], []>, transpose_lhs_hint = false} : vector<128x128xf32>, vector<128x256xf32>, vector<128x256xf32> -> vector<128x256xf32>
    %get3A_1228 = arith.constant 21 : index
    %get3A_1229 = arith.constant 0 : index
    %get3A_1230 = arith.constant 0 : index
    %get3A_1231 = vector.load %arg3[%get3A_1228, %get3A_1229, %get3A_1230] : memref<65x128x256xf32, #tpu.memory_space<vmem>>, vector<1x128x256xf32>
    %get3A_1232 = vector.shape_cast %get3A_1231 : vector<1x128x256xf32> to vector<128x256xf32>
    %dot_general3A_1233 = arith.constant dense<0.000000e+00> : vector<128x256xf32>
    %dot_general3A_1234 = tpu.matmul %select_n3A_1220, %get3A_1232, %dot_general3A_1233 {dimension_numbers = #tpu.dot_dimension_numbers<[1], [0], [0], [1], [0, 0, 1, 1], [], []>, transpose_lhs_hint = false} : vector<128x128xf32>, vector<128x256xf32>, vector<128x256xf32> -> vector<128x256xf32>
    %add3A_1235 = arith.addf %dot_general3A_1227, %dot_general3A_1234 : vector<128x256xf32>
    %swap3A_1236 = arith.constant 0 : index
    %swap3A_1237 = arith.constant 5376 : index
    %swap3A_1238 = vector.load %arg4[%swap3A_1236, %swap3A_1237] : memref<128x16416xf32, #tpu.memory_space<vmem>>, vector<128x256xf32>
    tpu.vector_store %arg4[%swap3A_1236, %swap3A_1237], %add3A_1235 {strides = array<i32>} : memref<128x16416xf32, #tpu.memory_space<vmem>>, vector<128x256xf32>,
    %get3A_1239 = arith.constant 0 : index
    %get3A_1240 = arith.constant 2816 : index
    %get3A_1241 = vector.load %arg1[%get3A_1239, %get3A_1240] : memref<128x8208xf32, #tpu.memory_space<vmem>>, vector<128x128xf32>
    %slice3A_1242 = vector.extract_strided_slice %get3A_1241 {offsets = [1, 0], sizes = [127, 128], strides = [1, 1]} : vector<128x128xf32> to vector<127x128xf32>
    %slice3A_1243 = vector.extract_strided_slice %get3A_1241 {offsets = [0, 0], sizes = [1, 128], strides = [1, 1]} : vector<128x128xf32> to vector<1x128xf32>
    %concatenate3A_1244 = tpu.concatenate %slice3A_1242, %slice3A_1243 in 0 : vector<127x128xf32>, vector<1x128xf32> -> vector<128x128xf32>
    %slice3A_1245 = vector.extract_strided_slice %get3A_1241 {offsets = [127, 0], sizes = [1, 128], strides = [1, 1]} : vector<128x128xf32> to vector<1x128xf32>
    %slice3A_1246 = vector.extract_strided_slice %get3A_1241 {offsets = [0, 0], sizes = [127, 128], strides = [1, 1]} : vector<128x128xf32> to vector<127x128xf32>
    %concatenate3A_1247 = tpu.concatenate %slice3A_1245, %slice3A_1246 in 0 : vector<1x128xf32>, vector<127x128xf32> -> vector<128x128xf32>
    %iota3A_1248 = tpu.iota {dimensions = array<i32: 0>} : vector<128x128xi32>
    %jit3A_1249 = arith.constant 2 : i32
    %eq3A_1250 = arith.constant 0 : i32
    %eq3A_1251 = arith.cmpi eq, %jit3A_1249, %eq3A_1250 : i32
    %jit3A_1252 = arith.constant 1 : i32
    %select_n3A_1253 = arith.select %eq3A_1251, %jit3A_1252, %jit3A_1249 : i32
    %rem3A_1254 = vector.broadcast %select_n3A_1253 : i32 to vector<128x128xi32>
    %rem3A_1255 = arith.remsi %iota3A_1248, %rem3A_1254 : vector<128x128xi32>
    %ne3A_1256 = arith.constant 0 : i32
    %ne3A_1257 = vector.broadcast %ne3A_1256 : i32 to vector<128x128xi32>
    %ne3A_1258 = arith.cmpi ne, %rem3A_1255, %ne3A_1257 : vector<128x128xi32>
    %lt3A_1259 = arith.constant 0 : i32
    %lt3A_1260 = vector.broadcast %lt3A_1259 : i32 to vector<128x128xi32>
    %lt3A_1261 = arith.cmpi slt, %rem3A_1255, %lt3A_1260 : vector<128x128xi32>
    %lt3A_1262 = arith.constant 0 : i32
    %lt3A_1263 = arith.cmpi slt, %select_n3A_1253, %lt3A_1262 : i32
    %ne3A_1264 = vector.broadcast %lt3A_1263 : i1 to vector<128x128xi1>
    %ne3A_1265 = vector.broadcast %ne3A_1264 : vector<128x128xi1> to vector<128x128xi1>
    %ne3A_1266 = arith.xori %lt3A_1261, %ne3A_1265 : vector<128x128xi1>
    %and3A_1267 = arith.andi %ne3A_1266, %ne3A_1258 : vector<128x128xi1>
    %add3A_1268 = vector.broadcast %select_n3A_1253 : i32 to vector<128x128xi32>
    %add3A_1269 = arith.addi %rem3A_1255, %add3A_1268 : vector<128x128xi32>
    %select_n3A_1270 = arith.select %and3A_1267, %add3A_1269, %rem3A_1255 : vector<128x128xi1>, vector<128x128xi32>
    %eq3A_1271 = arith.constant 0 : i32
    %eq3A_1272 = vector.broadcast %eq3A_1271 : i32 to vector<128x128xi32>
    %eq3A_1273 = arith.cmpi eq, %select_n3A_1270, %eq3A_1272 : vector<128x128xi32>
    %neg3A_1274 = arith.constant 0.000000e+00 : f32
    %neg3A_1275 = vector.broadcast %neg3A_1274 : f32 to vector<128x128xf32>
    %neg3A_1276 = arith.subf %neg3A_1275, %concatenate3A_1244 : vector<128x128xf32>
    %select_n3A_1277 = arith.select %eq3A_1273, %neg3A_1276, %concatenate3A_1247 : vector<128x128xi1>, vector<128x128xf32>
    %get3A_1278 = arith.constant 22 : index
    %get3A_1279 = arith.constant 0 : index
    %get3A_1280 = arith.constant 0 : index
    %get3A_1281 = vector.load %arg2[%get3A_1278, %get3A_1279, %get3A_1280] : memref<65x128x256xf32, #tpu.memory_space<vmem>>, vector<1x128x256xf32>
    %get3A_1282 = vector.shape_cast %get3A_1281 : vector<1x128x256xf32> to vector<128x256xf32>
    %dot_general3A_1283 = arith.constant dense<0.000000e+00> : vector<128x256xf32>
    %dot_general3A_1284 = tpu.matmul %get3A_1241, %get3A_1282, %dot_general3A_1283 {dimension_numbers = #tpu.dot_dimension_numbers<[1], [0], [0], [1], [0, 0, 1, 1], [], []>, transpose_lhs_hint = false} : vector<128x128xf32>, vector<128x256xf32>, vector<128x256xf32> -> vector<128x256xf32>
    %get3A_1285 = arith.constant 22 : index
    %get3A_1286 = arith.constant 0 : index
    %get3A_1287 = arith.constant 0 : index
    %get3A_1288 = vector.load %arg3[%get3A_1285, %get3A_1286, %get3A_1287] : memref<65x128x256xf32, #tpu.memory_space<vmem>>, vector<1x128x256xf32>
    %get3A_1289 = vector.shape_cast %get3A_1288 : vector<1x128x256xf32> to vector<128x256xf32>
    %dot_general3A_1290 = arith.constant dense<0.000000e+00> : vector<128x256xf32>
    %dot_general3A_1291 = tpu.matmul %select_n3A_1277, %get3A_1289, %dot_general3A_1290 {dimension_numbers = #tpu.dot_dimension_numbers<[1], [0], [0], [1], [0, 0, 1, 1], [], []>, transpose_lhs_hint = false} : vector<128x128xf32>, vector<128x256xf32>, vector<128x256xf32> -> vector<128x256xf32>
    %add3A_1292 = arith.addf %dot_general3A_1284, %dot_general3A_1291 : vector<128x256xf32>
    %swap3A_1293 = arith.constant 0 : index
    %swap3A_1294 = arith.constant 5632 : index
    %swap3A_1295 = vector.load %arg4[%swap3A_1293, %swap3A_1294] : memref<128x16416xf32, #tpu.memory_space<vmem>>, vector<128x256xf32>
    tpu.vector_store %arg4[%swap3A_1293, %swap3A_1294], %add3A_1292 {strides = array<i32>} : memref<128x16416xf32, #tpu.memory_space<vmem>>, vector<128x256xf32>,
    %get3A_1296 = arith.constant 0 : index
    %get3A_1297 = arith.constant 2944 : index
    %get3A_1298 = vector.load %arg1[%get3A_1296, %get3A_1297] : memref<128x8208xf32, #tpu.memory_space<vmem>>, vector<128x128xf32>
    %slice3A_1299 = vector.extract_strided_slice %get3A_1298 {offsets = [1, 0], sizes = [127, 128], strides = [1, 1]} : vector<128x128xf32> to vector<127x128xf32>
    %slice3A_1300 = vector.extract_strided_slice %get3A_1298 {offsets = [0, 0], sizes = [1, 128], strides = [1, 1]} : vector<128x128xf32> to vector<1x128xf32>
    %concatenate3A_1301 = tpu.concatenate %slice3A_1299, %slice3A_1300 in 0 : vector<127x128xf32>, vector<1x128xf32> -> vector<128x128xf32>
    %slice3A_1302 = vector.extract_strided_slice %get3A_1298 {offsets = [127, 0], sizes = [1, 128], strides = [1, 1]} : vector<128x128xf32> to vector<1x128xf32>
    %slice3A_1303 = vector.extract_strided_slice %get3A_1298 {offsets = [0, 0], sizes = [127, 128], strides = [1, 1]} : vector<128x128xf32> to vector<127x128xf32>
    %concatenate3A_1304 = tpu.concatenate %slice3A_1302, %slice3A_1303 in 0 : vector<1x128xf32>, vector<127x128xf32> -> vector<128x128xf32>
    %iota3A_1305 = tpu.iota {dimensions = array<i32: 0>} : vector<128x128xi32>
    %jit3A_1306 = arith.constant 2 : i32
    %eq3A_1307 = arith.constant 0 : i32
    %eq3A_1308 = arith.cmpi eq, %jit3A_1306, %eq3A_1307 : i32
    %jit3A_1309 = arith.constant 1 : i32
    %select_n3A_1310 = arith.select %eq3A_1308, %jit3A_1309, %jit3A_1306 : i32
    %rem3A_1311 = vector.broadcast %select_n3A_1310 : i32 to vector<128x128xi32>
    %rem3A_1312 = arith.remsi %iota3A_1305, %rem3A_1311 : vector<128x128xi32>
    %ne3A_1313 = arith.constant 0 : i32
    %ne3A_1314 = vector.broadcast %ne3A_1313 : i32 to vector<128x128xi32>
    %ne3A_1315 = arith.cmpi ne, %rem3A_1312, %ne3A_1314 : vector<128x128xi32>
    %lt3A_1316 = arith.constant 0 : i32
    %lt3A_1317 = vector.broadcast %lt3A_1316 : i32 to vector<128x128xi32>
    %lt3A_1318 = arith.cmpi slt, %rem3A_1312, %lt3A_1317 : vector<128x128xi32>
    %lt3A_1319 = arith.constant 0 : i32
    %lt3A_1320 = arith.cmpi slt, %select_n3A_1310, %lt3A_1319 : i32
    %ne3A_1321 = vector.broadcast %lt3A_1320 : i1 to vector<128x128xi1>
    %ne3A_1322 = vector.broadcast %ne3A_1321 : vector<128x128xi1> to vector<128x128xi1>
    %ne3A_1323 = arith.xori %lt3A_1318, %ne3A_1322 : vector<128x128xi1>
    %and3A_1324 = arith.andi %ne3A_1323, %ne3A_1315 : vector<128x128xi1>
    %add3A_1325 = vector.broadcast %select_n3A_1310 : i32 to vector<128x128xi32>
    %add3A_1326 = arith.addi %rem3A_1312, %add3A_1325 : vector<128x128xi32>
    %select_n3A_1327 = arith.select %and3A_1324, %add3A_1326, %rem3A_1312 : vector<128x128xi1>, vector<128x128xi32>
    %eq3A_1328 = arith.constant 0 : i32
    %eq3A_1329 = vector.broadcast %eq3A_1328 : i32 to vector<128x128xi32>
    %eq3A_1330 = arith.cmpi eq, %select_n3A_1327, %eq3A_1329 : vector<128x128xi32>
    %neg3A_1331 = arith.constant 0.000000e+00 : f32
    %neg3A_1332 = vector.broadcast %neg3A_1331 : f32 to vector<128x128xf32>
    %neg3A_1333 = arith.subf %neg3A_1332, %concatenate3A_1301 : vector<128x128xf32>
    %select_n3A_1334 = arith.select %eq3A_1330, %neg3A_1333, %concatenate3A_1304 : vector<128x128xi1>, vector<128x128xf32>
    %get3A_1335 = arith.constant 23 : index
    %get3A_1336 = arith.constant 0 : index
    %get3A_1337 = arith.constant 0 : index
    %get3A_1338 = vector.load %arg2[%get3A_1335, %get3A_1336, %get3A_1337] : memref<65x128x256xf32, #tpu.memory_space<vmem>>, vector<1x128x256xf32>
    %get3A_1339 = vector.shape_cast %get3A_1338 : vector<1x128x256xf32> to vector<128x256xf32>
    %dot_general3A_1340 = arith.constant dense<0.000000e+00> : vector<128x256xf32>
    %dot_general3A_1341 = tpu.matmul %get3A_1298, %get3A_1339, %dot_general3A_1340 {dimension_numbers = #tpu.dot_dimension_numbers<[1], [0], [0], [1], [0, 0, 1, 1], [], []>, transpose_lhs_hint = false} : vector<128x128xf32>, vector<128x256xf32>, vector<128x256xf32> -> vector<128x256xf32>
    %get3A_1342 = arith.constant 23 : index
    %get3A_1343 = arith.constant 0 : index
    %get3A_1344 = arith.constant 0 : index
    %get3A_1345 = vector.load %arg3[%get3A_1342, %get3A_1343, %get3A_1344] : memref<65x128x256xf32, #tpu.memory_space<vmem>>, vector<1x128x256xf32>
    %get3A_1346 = vector.shape_cast %get3A_1345 : vector<1x128x256xf32> to vector<128x256xf32>
    %dot_general3A_1347 = arith.constant dense<0.000000e+00> : vector<128x256xf32>
    %dot_general3A_1348 = tpu.matmul %select_n3A_1334, %get3A_1346, %dot_general3A_1347 {dimension_numbers = #tpu.dot_dimension_numbers<[1], [0], [0], [1], [0, 0, 1, 1], [], []>, transpose_lhs_hint = false} : vector<128x128xf32>, vector<128x256xf32>, vector<128x256xf32> -> vector<128x256xf32>
    %add3A_1349 = arith.addf %dot_general3A_1341, %dot_general3A_1348 : vector<128x256xf32>
    %swap3A_1350 = arith.constant 0 : index
    %swap3A_1351 = arith.constant 5888 : index
    %swap3A_1352 = vector.load %arg4[%swap3A_1350, %swap3A_1351] : memref<128x16416xf32, #tpu.memory_space<vmem>>, vector<128x256xf32>
    tpu.vector_store %arg4[%swap3A_1350, %swap3A_1351], %add3A_1349 {strides = array<i32>} : memref<128x16416xf32, #tpu.memory_space<vmem>>, vector<128x256xf32>,
    %get3A_1353 = arith.constant 0 : index
    %get3A_1354 = arith.constant 3072 : index
    %get3A_1355 = vector.load %arg1[%get3A_1353, %get3A_1354] : memref<128x8208xf32, #tpu.memory_space<vmem>>, vector<128x128xf32>
    %slice3A_1356 = vector.extract_strided_slice %get3A_1355 {offsets = [1, 0], sizes = [127, 128], strides = [1, 1]} : vector<128x128xf32> to vector<127x128xf32>
    %slice3A_1357 = vector.extract_strided_slice %get3A_1355 {offsets = [0, 0], sizes = [1, 128], strides = [1, 1]} : vector<128x128xf32> to vector<1x128xf32>
    %concatenate3A_1358 = tpu.concatenate %slice3A_1356, %slice3A_1357 in 0 : vector<127x128xf32>, vector<1x128xf32> -> vector<128x128xf32>
    %slice3A_1359 = vector.extract_strided_slice %get3A_1355 {offsets = [127, 0], sizes = [1, 128], strides = [1, 1]} : vector<128x128xf32> to vector<1x128xf32>
    %slice3A_1360 = vector.extract_strided_slice %get3A_1355 {offsets = [0, 0], sizes = [127, 128], strides = [1, 1]} : vector<128x128xf32> to vector<127x128xf32>
    %concatenate3A_1361 = tpu.concatenate %slice3A_1359, %slice3A_1360 in 0 : vector<1x128xf32>, vector<127x128xf32> -> vector<128x128xf32>
    %iota3A_1362 = tpu.iota {dimensions = array<i32: 0>} : vector<128x128xi32>
    %jit3A_1363 = arith.constant 2 : i32
    %eq3A_1364 = arith.constant 0 : i32
    %eq3A_1365 = arith.cmpi eq, %jit3A_1363, %eq3A_1364 : i32
    %jit3A_1366 = arith.constant 1 : i32
    %select_n3A_1367 = arith.select %eq3A_1365, %jit3A_1366, %jit3A_1363 : i32
    %rem3A_1368 = vector.broadcast %select_n3A_1367 : i32 to vector<128x128xi32>
    %rem3A_1369 = arith.remsi %iota3A_1362, %rem3A_1368 : vector<128x128xi32>
    %ne3A_1370 = arith.constant 0 : i32
    %ne3A_1371 = vector.broadcast %ne3A_1370 : i32 to vector<128x128xi32>
    %ne3A_1372 = arith.cmpi ne, %rem3A_1369, %ne3A_1371 : vector<128x128xi32>
    %lt3A_1373 = arith.constant 0 : i32
    %lt3A_1374 = vector.broadcast %lt3A_1373 : i32 to vector<128x128xi32>
    %lt3A_1375 = arith.cmpi slt, %rem3A_1369, %lt3A_1374 : vector<128x128xi32>
    %lt3A_1376 = arith.constant 0 : i32
    %lt3A_1377 = arith.cmpi slt, %select_n3A_1367, %lt3A_1376 : i32
    %ne3A_1378 = vector.broadcast %lt3A_1377 : i1 to vector<128x128xi1>
    %ne3A_1379 = vector.broadcast %ne3A_1378 : vector<128x128xi1> to vector<128x128xi1>
    %ne3A_1380 = arith.xori %lt3A_1375, %ne3A_1379 : vector<128x128xi1>
    %and3A_1381 = arith.andi %ne3A_1380, %ne3A_1372 : vector<128x128xi1>
    %add3A_1382 = vector.broadcast %select_n3A_1367 : i32 to vector<128x128xi32>
    %add3A_1383 = arith.addi %rem3A_1369, %add3A_1382 : vector<128x128xi32>
    %select_n3A_1384 = arith.select %and3A_1381, %add3A_1383, %rem3A_1369 : vector<128x128xi1>, vector<128x128xi32>
    %eq3A_1385 = arith.constant 0 : i32
    %eq3A_1386 = vector.broadcast %eq3A_1385 : i32 to vector<128x128xi32>
    %eq3A_1387 = arith.cmpi eq, %select_n3A_1384, %eq3A_1386 : vector<128x128xi32>
    %neg3A_1388 = arith.constant 0.000000e+00 : f32
    %neg3A_1389 = vector.broadcast %neg3A_1388 : f32 to vector<128x128xf32>
    %neg3A_1390 = arith.subf %neg3A_1389, %concatenate3A_1358 : vector<128x128xf32>
    %select_n3A_1391 = arith.select %eq3A_1387, %neg3A_1390, %concatenate3A_1361 : vector<128x128xi1>, vector<128x128xf32>
    %get3A_1392 = arith.constant 24 : index
    %get3A_1393 = arith.constant 0 : index
    %get3A_1394 = arith.constant 0 : index
    %get3A_1395 = vector.load %arg2[%get3A_1392, %get3A_1393, %get3A_1394] : memref<65x128x256xf32, #tpu.memory_space<vmem>>, vector<1x128x256xf32>
    %get3A_1396 = vector.shape_cast %get3A_1395 : vector<1x128x256xf32> to vector<128x256xf32>
    %dot_general3A_1397 = arith.constant dense<0.000000e+00> : vector<128x256xf32>
    %dot_general3A_1398 = tpu.matmul %get3A_1355, %get3A_1396, %dot_general3A_1397 {dimension_numbers = #tpu.dot_dimension_numbers<[1], [0], [0], [1], [0, 0, 1, 1], [], []>, transpose_lhs_hint = false} : vector<128x128xf32>, vector<128x256xf32>, vector<128x256xf32> -> vector<128x256xf32>
    %get3A_1399 = arith.constant 24 : index
    %get3A_1400 = arith.constant 0 : index
    %get3A_1401 = arith.constant 0 : index
    %get3A_1402 = vector.load %arg3[%get3A_1399, %get3A_1400, %get3A_1401] : memref<65x128x256xf32, #tpu.memory_space<vmem>>, vector<1x128x256xf32>
    %get3A_1403 = vector.shape_cast %get3A_1402 : vector<1x128x256xf32> to vector<128x256xf32>
    %dot_general3A_1404 = arith.constant dense<0.000000e+00> : vector<128x256xf32>
    %dot_general3A_1405 = tpu.matmul %select_n3A_1391, %get3A_1403, %dot_general3A_1404 {dimension_numbers = #tpu.dot_dimension_numbers<[1], [0], [0], [1], [0, 0, 1, 1], [], []>, transpose_lhs_hint = false} : vector<128x128xf32>, vector<128x256xf32>, vector<128x256xf32> -> vector<128x256xf32>
    %add3A_1406 = arith.addf %dot_general3A_1398, %dot_general3A_1405 : vector<128x256xf32>
    %swap3A_1407 = arith.constant 0 : index
    %swap3A_1408 = arith.constant 6144 : index
    %swap3A_1409 = vector.load %arg4[%swap3A_1407, %swap3A_1408] : memref<128x16416xf32, #tpu.memory_space<vmem>>, vector<128x256xf32>
    tpu.vector_store %arg4[%swap3A_1407, %swap3A_1408], %add3A_1406 {strides = array<i32>} : memref<128x16416xf32, #tpu.memory_space<vmem>>, vector<128x256xf32>,
    %get3A_1410 = arith.constant 0 : index
    %get3A_1411 = arith.constant 3200 : index
    %get3A_1412 = vector.load %arg1[%get3A_1410, %get3A_1411] : memref<128x8208xf32, #tpu.memory_space<vmem>>, vector<128x128xf32>
    %slice3A_1413 = vector.extract_strided_slice %get3A_1412 {offsets = [1, 0], sizes = [127, 128], strides = [1, 1]} : vector<128x128xf32> to vector<127x128xf32>
    %slice3A_1414 = vector.extract_strided_slice %get3A_1412 {offsets = [0, 0], sizes = [1, 128], strides = [1, 1]} : vector<128x128xf32> to vector<1x128xf32>
    %concatenate3A_1415 = tpu.concatenate %slice3A_1413, %slice3A_1414 in 0 : vector<127x128xf32>, vector<1x128xf32> -> vector<128x128xf32>
    %slice3A_1416 = vector.extract_strided_slice %get3A_1412 {offsets = [127, 0], sizes = [1, 128], strides = [1, 1]} : vector<128x128xf32> to vector<1x128xf32>
    %slice3A_1417 = vector.extract_strided_slice %get3A_1412 {offsets = [0, 0], sizes = [127, 128], strides = [1, 1]} : vector<128x128xf32> to vector<127x128xf32>
    %concatenate3A_1418 = tpu.concatenate %slice3A_1416, %slice3A_1417 in 0 : vector<1x128xf32>, vector<127x128xf32> -> vector<128x128xf32>
    %iota3A_1419 = tpu.iota {dimensions = array<i32: 0>} : vector<128x128xi32>
    %jit3A_1420 = arith.constant 2 : i32
    %eq3A_1421 = arith.constant 0 : i32
    %eq3A_1422 = arith.cmpi eq, %jit3A_1420, %eq3A_1421 : i32
    %jit3A_1423 = arith.constant 1 : i32
    %select_n3A_1424 = arith.select %eq3A_1422, %jit3A_1423, %jit3A_1420 : i32
    %rem3A_1425 = vector.broadcast %select_n3A_1424 : i32 to vector<128x128xi32>
    %rem3A_1426 = arith.remsi %iota3A_1419, %rem3A_1425 : vector<128x128xi32>
    %ne3A_1427 = arith.constant 0 : i32
    %ne3A_1428 = vector.broadcast %ne3A_1427 : i32 to vector<128x128xi32>
    %ne3A_1429 = arith.cmpi ne, %rem3A_1426, %ne3A_1428 : vector<128x128xi32>
    %lt3A_1430 = arith.constant 0 : i32
    %lt3A_1431 = vector.broadcast %lt3A_1430 : i32 to vector<128x128xi32>
    %lt3A_1432 = arith.cmpi slt, %rem3A_1426, %lt3A_1431 : vector<128x128xi32>
    %lt3A_1433 = arith.constant 0 : i32
    %lt3A_1434 = arith.cmpi slt, %select_n3A_1424, %lt3A_1433 : i32
    %ne3A_1435 = vector.broadcast %lt3A_1434 : i1 to vector<128x128xi1>
    %ne3A_1436 = vector.broadcast %ne3A_1435 : vector<128x128xi1> to vector<128x128xi1>
    %ne3A_1437 = arith.xori %lt3A_1432, %ne3A_1436 : vector<128x128xi1>
    %and3A_1438 = arith.andi %ne3A_1437, %ne3A_1429 : vector<128x128xi1>
    %add3A_1439 = vector.broadcast %select_n3A_1424 : i32 to vector<128x128xi32>
    %add3A_1440 = arith.addi %rem3A_1426, %add3A_1439 : vector<128x128xi32>
    %select_n3A_1441 = arith.select %and3A_1438, %add3A_1440, %rem3A_1426 : vector<128x128xi1>, vector<128x128xi32>
    %eq3A_1442 = arith.constant 0 : i32
    %eq3A_1443 = vector.broadcast %eq3A_1442 : i32 to vector<128x128xi32>
    %eq3A_1444 = arith.cmpi eq, %select_n3A_1441, %eq3A_1443 : vector<128x128xi32>
    %neg3A_1445 = arith.constant 0.000000e+00 : f32
    %neg3A_1446 = vector.broadcast %neg3A_1445 : f32 to vector<128x128xf32>
    %neg3A_1447 = arith.subf %neg3A_1446, %concatenate3A_1415 : vector<128x128xf32>
    %select_n3A_1448 = arith.select %eq3A_1444, %neg3A_1447, %concatenate3A_1418 : vector<128x128xi1>, vector<128x128xf32>
    %get3A_1449 = arith.constant 25 : index
    %get3A_1450 = arith.constant 0 : index
    %get3A_1451 = arith.constant 0 : index
    %get3A_1452 = vector.load %arg2[%get3A_1449, %get3A_1450, %get3A_1451] : memref<65x128x256xf32, #tpu.memory_space<vmem>>, vector<1x128x256xf32>
    %get3A_1453 = vector.shape_cast %get3A_1452 : vector<1x128x256xf32> to vector<128x256xf32>
    %dot_general3A_1454 = arith.constant dense<0.000000e+00> : vector<128x256xf32>
    %dot_general3A_1455 = tpu.matmul %get3A_1412, %get3A_1453, %dot_general3A_1454 {dimension_numbers = #tpu.dot_dimension_numbers<[1], [0], [0], [1], [0, 0, 1, 1], [], []>, transpose_lhs_hint = false} : vector<128x128xf32>, vector<128x256xf32>, vector<128x256xf32> -> vector<128x256xf32>
    %get3A_1456 = arith.constant 25 : index
    %get3A_1457 = arith.constant 0 : index
    %get3A_1458 = arith.constant 0 : index
    %get3A_1459 = vector.load %arg3[%get3A_1456, %get3A_1457, %get3A_1458] : memref<65x128x256xf32, #tpu.memory_space<vmem>>, vector<1x128x256xf32>
    %get3A_1460 = vector.shape_cast %get3A_1459 : vector<1x128x256xf32> to vector<128x256xf32>
    %dot_general3A_1461 = arith.constant dense<0.000000e+00> : vector<128x256xf32>
    %dot_general3A_1462 = tpu.matmul %select_n3A_1448, %get3A_1460, %dot_general3A_1461 {dimension_numbers = #tpu.dot_dimension_numbers<[1], [0], [0], [1], [0, 0, 1, 1], [], []>, transpose_lhs_hint = false} : vector<128x128xf32>, vector<128x256xf32>, vector<128x256xf32> -> vector<128x256xf32>
    %add3A_1463 = arith.addf %dot_general3A_1455, %dot_general3A_1462 : vector<128x256xf32>
    %swap3A_1464 = arith.constant 0 : index
    %swap3A_1465 = arith.constant 6400 : index
    %swap3A_1466 = vector.load %arg4[%swap3A_1464, %swap3A_1465] : memref<128x16416xf32, #tpu.memory_space<vmem>>, vector<128x256xf32>
    tpu.vector_store %arg4[%swap3A_1464, %swap3A_1465], %add3A_1463 {strides = array<i32>} : memref<128x16416xf32, #tpu.memory_space<vmem>>, vector<128x256xf32>,
    %get3A_1467 = arith.constant 0 : index
    %get3A_1468 = arith.constant 3328 : index
    %get3A_1469 = vector.load %arg1[%get3A_1467, %get3A_1468] : memref<128x8208xf32, #tpu.memory_space<vmem>>, vector<128x128xf32>
    %slice3A_1470 = vector.extract_strided_slice %get3A_1469 {offsets = [1, 0], sizes = [127, 128], strides = [1, 1]} : vector<128x128xf32> to vector<127x128xf32>
    %slice3A_1471 = vector.extract_strided_slice %get3A_1469 {offsets = [0, 0], sizes = [1, 128], strides = [1, 1]} : vector<128x128xf32> to vector<1x128xf32>
    %concatenate3A_1472 = tpu.concatenate %slice3A_1470, %slice3A_1471 in 0 : vector<127x128xf32>, vector<1x128xf32> -> vector<128x128xf32>
    %slice3A_1473 = vector.extract_strided_slice %get3A_1469 {offsets = [127, 0], sizes = [1, 128], strides = [1, 1]} : vector<128x128xf32> to vector<1x128xf32>
    %slice3A_1474 = vector.extract_strided_slice %get3A_1469 {offsets = [0, 0], sizes = [127, 128], strides = [1, 1]} : vector<128x128xf32> to vector<127x128xf32>
    %concatenate3A_1475 = tpu.concatenate %slice3A_1473, %slice3A_1474 in 0 : vector<1x128xf32>, vector<127x128xf32> -> vector<128x128xf32>
    %iota3A_1476 = tpu.iota {dimensions = array<i32: 0>} : vector<128x128xi32>
    %jit3A_1477 = arith.constant 2 : i32
    %eq3A_1478 = arith.constant 0 : i32
    %eq3A_1479 = arith.cmpi eq, %jit3A_1477, %eq3A_1478 : i32
    %jit3A_1480 = arith.constant 1 : i32
    %select_n3A_1481 = arith.select %eq3A_1479, %jit3A_1480, %jit3A_1477 : i32
    %rem3A_1482 = vector.broadcast %select_n3A_1481 : i32 to vector<128x128xi32>
    %rem3A_1483 = arith.remsi %iota3A_1476, %rem3A_1482 : vector<128x128xi32>
    %ne3A_1484 = arith.constant 0 : i32
    %ne3A_1485 = vector.broadcast %ne3A_1484 : i32 to vector<128x128xi32>
    %ne3A_1486 = arith.cmpi ne, %rem3A_1483, %ne3A_1485 : vector<128x128xi32>
    %lt3A_1487 = arith.constant 0 : i32
    %lt3A_1488 = vector.broadcast %lt3A_1487 : i32 to vector<128x128xi32>
    %lt3A_1489 = arith.cmpi slt, %rem3A_1483, %lt3A_1488 : vector<128x128xi32>
    %lt3A_1490 = arith.constant 0 : i32
    %lt3A_1491 = arith.cmpi slt, %select_n3A_1481, %lt3A_1490 : i32
    %ne3A_1492 = vector.broadcast %lt3A_1491 : i1 to vector<128x128xi1>
    %ne3A_1493 = vector.broadcast %ne3A_1492 : vector<128x128xi1> to vector<128x128xi1>
    %ne3A_1494 = arith.xori %lt3A_1489, %ne3A_1493 : vector<128x128xi1>
    %and3A_1495 = arith.andi %ne3A_1494, %ne3A_1486 : vector<128x128xi1>
    %add3A_1496 = vector.broadcast %select_n3A_1481 : i32 to vector<128x128xi32>
    %add3A_1497 = arith.addi %rem3A_1483, %add3A_1496 : vector<128x128xi32>
    %select_n3A_1498 = arith.select %and3A_1495, %add3A_1497, %rem3A_1483 : vector<128x128xi1>, vector<128x128xi32>
    %eq3A_1499 = arith.constant 0 : i32
    %eq3A_1500 = vector.broadcast %eq3A_1499 : i32 to vector<128x128xi32>
    %eq3A_1501 = arith.cmpi eq, %select_n3A_1498, %eq3A_1500 : vector<128x128xi32>
    %neg3A_1502 = arith.constant 0.000000e+00 : f32
    %neg3A_1503 = vector.broadcast %neg3A_1502 : f32 to vector<128x128xf32>
    %neg3A_1504 = arith.subf %neg3A_1503, %concatenate3A_1472 : vector<128x128xf32>
    %select_n3A_1505 = arith.select %eq3A_1501, %neg3A_1504, %concatenate3A_1475 : vector<128x128xi1>, vector<128x128xf32>
    %get3A_1506 = arith.constant 26 : index
    %get3A_1507 = arith.constant 0 : index
    %get3A_1508 = arith.constant 0 : index
    %get3A_1509 = vector.load %arg2[%get3A_1506, %get3A_1507, %get3A_1508] : memref<65x128x256xf32, #tpu.memory_space<vmem>>, vector<1x128x256xf32>
    %get3A_1510 = vector.shape_cast %get3A_1509 : vector<1x128x256xf32> to vector<128x256xf32>
    %dot_general3A_1511 = arith.constant dense<0.000000e+00> : vector<128x256xf32>
    %dot_general3A_1512 = tpu.matmul %get3A_1469, %get3A_1510, %dot_general3A_1511 {dimension_numbers = #tpu.dot_dimension_numbers<[1], [0], [0], [1], [0, 0, 1, 1], [], []>, transpose_lhs_hint = false} : vector<128x128xf32>, vector<128x256xf32>, vector<128x256xf32> -> vector<128x256xf32>
    %get3A_1513 = arith.constant 26 : index
    %get3A_1514 = arith.constant 0 : index
    %get3A_1515 = arith.constant 0 : index
    %get3A_1516 = vector.load %arg3[%get3A_1513, %get3A_1514, %get3A_1515] : memref<65x128x256xf32, #tpu.memory_space<vmem>>, vector<1x128x256xf32>
    %get3A_1517 = vector.shape_cast %get3A_1516 : vector<1x128x256xf32> to vector<128x256xf32>
    %dot_general3A_1518 = arith.constant dense<0.000000e+00> : vector<128x256xf32>
    %dot_general3A_1519 = tpu.matmul %select_n3A_1505, %get3A_1517, %dot_general3A_1518 {dimension_numbers = #tpu.dot_dimension_numbers<[1], [0], [0], [1], [0, 0, 1, 1], [], []>, transpose_lhs_hint = false} : vector<128x128xf32>, vector<128x256xf32>, vector<128x256xf32> -> vector<128x256xf32>
    %add3A_1520 = arith.addf %dot_general3A_1512, %dot_general3A_1519 : vector<128x256xf32>
    %swap3A_1521 = arith.constant 0 : index
    %swap3A_1522 = arith.constant 6656 : index
    %swap3A_1523 = vector.load %arg4[%swap3A_1521, %swap3A_1522] : memref<128x16416xf32, #tpu.memory_space<vmem>>, vector<128x256xf32>
    tpu.vector_store %arg4[%swap3A_1521, %swap3A_1522], %add3A_1520 {strides = array<i32>} : memref<128x16416xf32, #tpu.memory_space<vmem>>, vector<128x256xf32>,
    %get3A_1524 = arith.constant 0 : index
    %get3A_1525 = arith.constant 3456 : index
    %get3A_1526 = vector.load %arg1[%get3A_1524, %get3A_1525] : memref<128x8208xf32, #tpu.memory_space<vmem>>, vector<128x128xf32>
    %slice3A_1527 = vector.extract_strided_slice %get3A_1526 {offsets = [1, 0], sizes = [127, 128], strides = [1, 1]} : vector<128x128xf32> to vector<127x128xf32>
    %slice3A_1528 = vector.extract_strided_slice %get3A_1526 {offsets = [0, 0], sizes = [1, 128], strides = [1, 1]} : vector<128x128xf32> to vector<1x128xf32>
    %concatenate3A_1529 = tpu.concatenate %slice3A_1527, %slice3A_1528 in 0 : vector<127x128xf32>, vector<1x128xf32> -> vector<128x128xf32>
    %slice3A_1530 = vector.extract_strided_slice %get3A_1526 {offsets = [127, 0], sizes = [1, 128], strides = [1, 1]} : vector<128x128xf32> to vector<1x128xf32>
    %slice3A_1531 = vector.extract_strided_slice %get3A_1526 {offsets = [0, 0], sizes = [127, 128], strides = [1, 1]} : vector<128x128xf32> to vector<127x128xf32>
    %concatenate3A_1532 = tpu.concatenate %slice3A_1530, %slice3A_1531 in 0 : vector<1x128xf32>, vector<127x128xf32> -> vector<128x128xf32>
    %iota3A_1533 = tpu.iota {dimensions = array<i32: 0>} : vector<128x128xi32>
    %jit3A_1534 = arith.constant 2 : i32
    %eq3A_1535 = arith.constant 0 : i32
    %eq3A_1536 = arith.cmpi eq, %jit3A_1534, %eq3A_1535 : i32
    %jit3A_1537 = arith.constant 1 : i32
    %select_n3A_1538 = arith.select %eq3A_1536, %jit3A_1537, %jit3A_1534 : i32
    %rem3A_1539 = vector.broadcast %select_n3A_1538 : i32 to vector<128x128xi32>
    %rem3A_1540 = arith.remsi %iota3A_1533, %rem3A_1539 : vector<128x128xi32>
    %ne3A_1541 = arith.constant 0 : i32
    %ne3A_1542 = vector.broadcast %ne3A_1541 : i32 to vector<128x128xi32>
    %ne3A_1543 = arith.cmpi ne, %rem3A_1540, %ne3A_1542 : vector<128x128xi32>
    %lt3A_1544 = arith.constant 0 : i32
    %lt3A_1545 = vector.broadcast %lt3A_1544 : i32 to vector<128x128xi32>
    %lt3A_1546 = arith.cmpi slt, %rem3A_1540, %lt3A_1545 : vector<128x128xi32>
    %lt3A_1547 = arith.constant 0 : i32
    %lt3A_1548 = arith.cmpi slt, %select_n3A_1538, %lt3A_1547 : i32
    %ne3A_1549 = vector.broadcast %lt3A_1548 : i1 to vector<128x128xi1>
    %ne3A_1550 = vector.broadcast %ne3A_1549 : vector<128x128xi1> to vector<128x128xi1>
    %ne3A_1551 = arith.xori %lt3A_1546, %ne3A_1550 : vector<128x128xi1>
    %and3A_1552 = arith.andi %ne3A_1551, %ne3A_1543 : vector<128x128xi1>
    %add3A_1553 = vector.broadcast %select_n3A_1538 : i32 to vector<128x128xi32>
    %add3A_1554 = arith.addi %rem3A_1540, %add3A_1553 : vector<128x128xi32>
    %select_n3A_1555 = arith.select %and3A_1552, %add3A_1554, %rem3A_1540 : vector<128x128xi1>, vector<128x128xi32>
    %eq3A_1556 = arith.constant 0 : i32
    %eq3A_1557 = vector.broadcast %eq3A_1556 : i32 to vector<128x128xi32>
    %eq3A_1558 = arith.cmpi eq, %select_n3A_1555, %eq3A_1557 : vector<128x128xi32>
    %neg3A_1559 = arith.constant 0.000000e+00 : f32
    %neg3A_1560 = vector.broadcast %neg3A_1559 : f32 to vector<128x128xf32>
    %neg3A_1561 = arith.subf %neg3A_1560, %concatenate3A_1529 : vector<128x128xf32>
    %select_n3A_1562 = arith.select %eq3A_1558, %neg3A_1561, %concatenate3A_1532 : vector<128x128xi1>, vector<128x128xf32>
    %get3A_1563 = arith.constant 27 : index
    %get3A_1564 = arith.constant 0 : index
    %get3A_1565 = arith.constant 0 : index
    %get3A_1566 = vector.load %arg2[%get3A_1563, %get3A_1564, %get3A_1565] : memref<65x128x256xf32, #tpu.memory_space<vmem>>, vector<1x128x256xf32>
    %get3A_1567 = vector.shape_cast %get3A_1566 : vector<1x128x256xf32> to vector<128x256xf32>
    %dot_general3A_1568 = arith.constant dense<0.000000e+00> : vector<128x256xf32>
    %dot_general3A_1569 = tpu.matmul %get3A_1526, %get3A_1567, %dot_general3A_1568 {dimension_numbers = #tpu.dot_dimension_numbers<[1], [0], [0], [1], [0, 0, 1, 1], [], []>, transpose_lhs_hint = false} : vector<128x128xf32>, vector<128x256xf32>, vector<128x256xf32> -> vector<128x256xf32>
    %get3A_1570 = arith.constant 27 : index
    %get3A_1571 = arith.constant 0 : index
    %get3A_1572 = arith.constant 0 : index
    %get3A_1573 = vector.load %arg3[%get3A_1570, %get3A_1571, %get3A_1572] : memref<65x128x256xf32, #tpu.memory_space<vmem>>, vector<1x128x256xf32>
    %get3A_1574 = vector.shape_cast %get3A_1573 : vector<1x128x256xf32> to vector<128x256xf32>
    %dot_general3A_1575 = arith.constant dense<0.000000e+00> : vector<128x256xf32>
    %dot_general3A_1576 = tpu.matmul %select_n3A_1562, %get3A_1574, %dot_general3A_1575 {dimension_numbers = #tpu.dot_dimension_numbers<[1], [0], [0], [1], [0, 0, 1, 1], [], []>, transpose_lhs_hint = false} : vector<128x128xf32>, vector<128x256xf32>, vector<128x256xf32> -> vector<128x256xf32>
    %add3A_1577 = arith.addf %dot_general3A_1569, %dot_general3A_1576 : vector<128x256xf32>
    %swap3A_1578 = arith.constant 0 : index
    %swap3A_1579 = arith.constant 6912 : index
    %swap3A_1580 = vector.load %arg4[%swap3A_1578, %swap3A_1579] : memref<128x16416xf32, #tpu.memory_space<vmem>>, vector<128x256xf32>
    tpu.vector_store %arg4[%swap3A_1578, %swap3A_1579], %add3A_1577 {strides = array<i32>} : memref<128x16416xf32, #tpu.memory_space<vmem>>, vector<128x256xf32>,
    %get3A_1581 = arith.constant 0 : index
    %get3A_1582 = arith.constant 3584 : index
    %get3A_1583 = vector.load %arg1[%get3A_1581, %get3A_1582] : memref<128x8208xf32, #tpu.memory_space<vmem>>, vector<128x128xf32>
    %slice3A_1584 = vector.extract_strided_slice %get3A_1583 {offsets = [1, 0], sizes = [127, 128], strides = [1, 1]} : vector<128x128xf32> to vector<127x128xf32>
    %slice3A_1585 = vector.extract_strided_slice %get3A_1583 {offsets = [0, 0], sizes = [1, 128], strides = [1, 1]} : vector<128x128xf32> to vector<1x128xf32>
    %concatenate3A_1586 = tpu.concatenate %slice3A_1584, %slice3A_1585 in 0 : vector<127x128xf32>, vector<1x128xf32> -> vector<128x128xf32>
    %slice3A_1587 = vector.extract_strided_slice %get3A_1583 {offsets = [127, 0], sizes = [1, 128], strides = [1, 1]} : vector<128x128xf32> to vector<1x128xf32>
    %slice3A_1588 = vector.extract_strided_slice %get3A_1583 {offsets = [0, 0], sizes = [127, 128], strides = [1, 1]} : vector<128x128xf32> to vector<127x128xf32>
    %concatenate3A_1589 = tpu.concatenate %slice3A_1587, %slice3A_1588 in 0 : vector<1x128xf32>, vector<127x128xf32> -> vector<128x128xf32>
    %iota3A_1590 = tpu.iota {dimensions = array<i32: 0>} : vector<128x128xi32>
    %jit3A_1591 = arith.constant 2 : i32
    %eq3A_1592 = arith.constant 0 : i32
    %eq3A_1593 = arith.cmpi eq, %jit3A_1591, %eq3A_1592 : i32
    %jit3A_1594 = arith.constant 1 : i32
    %select_n3A_1595 = arith.select %eq3A_1593, %jit3A_1594, %jit3A_1591 : i32
    %rem3A_1596 = vector.broadcast %select_n3A_1595 : i32 to vector<128x128xi32>
    %rem3A_1597 = arith.remsi %iota3A_1590, %rem3A_1596 : vector<128x128xi32>
    %ne3A_1598 = arith.constant 0 : i32
    %ne3A_1599 = vector.broadcast %ne3A_1598 : i32 to vector<128x128xi32>
    %ne3A_1600 = arith.cmpi ne, %rem3A_1597, %ne3A_1599 : vector<128x128xi32>
    %lt3A_1601 = arith.constant 0 : i32
    %lt3A_1602 = vector.broadcast %lt3A_1601 : i32 to vector<128x128xi32>
    %lt3A_1603 = arith.cmpi slt, %rem3A_1597, %lt3A_1602 : vector<128x128xi32>
    %lt3A_1604 = arith.constant 0 : i32
    %lt3A_1605 = arith.cmpi slt, %select_n3A_1595, %lt3A_1604 : i32
    %ne3A_1606 = vector.broadcast %lt3A_1605 : i1 to vector<128x128xi1>
    %ne3A_1607 = vector.broadcast %ne3A_1606 : vector<128x128xi1> to vector<128x128xi1>
    %ne3A_1608 = arith.xori %lt3A_1603, %ne3A_1607 : vector<128x128xi1>
    %and3A_1609 = arith.andi %ne3A_1608, %ne3A_1600 : vector<128x128xi1>
    %add3A_1610 = vector.broadcast %select_n3A_1595 : i32 to vector<128x128xi32>
    %add3A_1611 = arith.addi %rem3A_1597, %add3A_1610 : vector<128x128xi32>
    %select_n3A_1612 = arith.select %and3A_1609, %add3A_1611, %rem3A_1597 : vector<128x128xi1>, vector<128x128xi32>
    %eq3A_1613 = arith.constant 0 : i32
    %eq3A_1614 = vector.broadcast %eq3A_1613 : i32 to vector<128x128xi32>
    %eq3A_1615 = arith.cmpi eq, %select_n3A_1612, %eq3A_1614 : vector<128x128xi32>
    %neg3A_1616 = arith.constant 0.000000e+00 : f32
    %neg3A_1617 = vector.broadcast %neg3A_1616 : f32 to vector<128x128xf32>
    %neg3A_1618 = arith.subf %neg3A_1617, %concatenate3A_1586 : vector<128x128xf32>
    %select_n3A_1619 = arith.select %eq3A_1615, %neg3A_1618, %concatenate3A_1589 : vector<128x128xi1>, vector<128x128xf32>
    %get3A_1620 = arith.constant 28 : index
    %get3A_1621 = arith.constant 0 : index
    %get3A_1622 = arith.constant 0 : index
    %get3A_1623 = vector.load %arg2[%get3A_1620, %get3A_1621, %get3A_1622] : memref<65x128x256xf32, #tpu.memory_space<vmem>>, vector<1x128x256xf32>
    %get3A_1624 = vector.shape_cast %get3A_1623 : vector<1x128x256xf32> to vector<128x256xf32>
    %dot_general3A_1625 = arith.constant dense<0.000000e+00> : vector<128x256xf32>
    %dot_general3A_1626 = tpu.matmul %get3A_1583, %get3A_1624, %dot_general3A_1625 {dimension_numbers = #tpu.dot_dimension_numbers<[1], [0], [0], [1], [0, 0, 1, 1], [], []>, transpose_lhs_hint = false} : vector<128x128xf32>, vector<128x256xf32>, vector<128x256xf32> -> vector<128x256xf32>
    %get3A_1627 = arith.constant 28 : index
    %get3A_1628 = arith.constant 0 : index
    %get3A_1629 = arith.constant 0 : index
    %get3A_1630 = vector.load %arg3[%get3A_1627, %get3A_1628, %get3A_1629] : memref<65x128x256xf32, #tpu.memory_space<vmem>>, vector<1x128x256xf32>
    %get3A_1631 = vector.shape_cast %get3A_1630 : vector<1x128x256xf32> to vector<128x256xf32>
    %dot_general3A_1632 = arith.constant dense<0.000000e+00> : vector<128x256xf32>
    %dot_general3A_1633 = tpu.matmul %select_n3A_1619, %get3A_1631, %dot_general3A_1632 {dimension_numbers = #tpu.dot_dimension_numbers<[1], [0], [0], [1], [0, 0, 1, 1], [], []>, transpose_lhs_hint = false} : vector<128x128xf32>, vector<128x256xf32>, vector<128x256xf32> -> vector<128x256xf32>
    %add3A_1634 = arith.addf %dot_general3A_1626, %dot_general3A_1633 : vector<128x256xf32>
    %swap3A_1635 = arith.constant 0 : index
    %swap3A_1636 = arith.constant 7168 : index
    %swap3A_1637 = vector.load %arg4[%swap3A_1635, %swap3A_1636] : memref<128x16416xf32, #tpu.memory_space<vmem>>, vector<128x256xf32>
    tpu.vector_store %arg4[%swap3A_1635, %swap3A_1636], %add3A_1634 {strides = array<i32>} : memref<128x16416xf32, #tpu.memory_space<vmem>>, vector<128x256xf32>,
    %get3A_1638 = arith.constant 0 : index
    %get3A_1639 = arith.constant 3712 : index
    %get3A_1640 = vector.load %arg1[%get3A_1638, %get3A_1639] : memref<128x8208xf32, #tpu.memory_space<vmem>>, vector<128x128xf32>
    %slice3A_1641 = vector.extract_strided_slice %get3A_1640 {offsets = [1, 0], sizes = [127, 128], strides = [1, 1]} : vector<128x128xf32> to vector<127x128xf32>
    %slice3A_1642 = vector.extract_strided_slice %get3A_1640 {offsets = [0, 0], sizes = [1, 128], strides = [1, 1]} : vector<128x128xf32> to vector<1x128xf32>
    %concatenate3A_1643 = tpu.concatenate %slice3A_1641, %slice3A_1642 in 0 : vector<127x128xf32>, vector<1x128xf32> -> vector<128x128xf32>
    %slice3A_1644 = vector.extract_strided_slice %get3A_1640 {offsets = [127, 0], sizes = [1, 128], strides = [1, 1]} : vector<128x128xf32> to vector<1x128xf32>
    %slice3A_1645 = vector.extract_strided_slice %get3A_1640 {offsets = [0, 0], sizes = [127, 128], strides = [1, 1]} : vector<128x128xf32> to vector<127x128xf32>
    %concatenate3A_1646 = tpu.concatenate %slice3A_1644, %slice3A_1645 in 0 : vector<1x128xf32>, vector<127x128xf32> -> vector<128x128xf32>
    %iota3A_1647 = tpu.iota {dimensions = array<i32: 0>} : vector<128x128xi32>
    %jit3A_1648 = arith.constant 2 : i32
    %eq3A_1649 = arith.constant 0 : i32
    %eq3A_1650 = arith.cmpi eq, %jit3A_1648, %eq3A_1649 : i32
    %jit3A_1651 = arith.constant 1 : i32
    %select_n3A_1652 = arith.select %eq3A_1650, %jit3A_1651, %jit3A_1648 : i32
    %rem3A_1653 = vector.broadcast %select_n3A_1652 : i32 to vector<128x128xi32>
    %rem3A_1654 = arith.remsi %iota3A_1647, %rem3A_1653 : vector<128x128xi32>
    %ne3A_1655 = arith.constant 0 : i32
    %ne3A_1656 = vector.broadcast %ne3A_1655 : i32 to vector<128x128xi32>
    %ne3A_1657 = arith.cmpi ne, %rem3A_1654, %ne3A_1656 : vector<128x128xi32>
    %lt3A_1658 = arith.constant 0 : i32
    %lt3A_1659 = vector.broadcast %lt3A_1658 : i32 to vector<128x128xi32>
    %lt3A_1660 = arith.cmpi slt, %rem3A_1654, %lt3A_1659 : vector<128x128xi32>
    %lt3A_1661 = arith.constant 0 : i32
    %lt3A_1662 = arith.cmpi slt, %select_n3A_1652, %lt3A_1661 : i32
    %ne3A_1663 = vector.broadcast %lt3A_1662 : i1 to vector<128x128xi1>
    %ne3A_1664 = vector.broadcast %ne3A_1663 : vector<128x128xi1> to vector<128x128xi1>
    %ne3A_1665 = arith.xori %lt3A_1660, %ne3A_1664 : vector<128x128xi1>
    %and3A_1666 = arith.andi %ne3A_1665, %ne3A_1657 : vector<128x128xi1>
    %add3A_1667 = vector.broadcast %select_n3A_1652 : i32 to vector<128x128xi32>
    %add3A_1668 = arith.addi %rem3A_1654, %add3A_1667 : vector<128x128xi32>
    %select_n3A_1669 = arith.select %and3A_1666, %add3A_1668, %rem3A_1654 : vector<128x128xi1>, vector<128x128xi32>
    %eq3A_1670 = arith.constant 0 : i32
    %eq3A_1671 = vector.broadcast %eq3A_1670 : i32 to vector<128x128xi32>
    %eq3A_1672 = arith.cmpi eq, %select_n3A_1669, %eq3A_1671 : vector<128x128xi32>
    %neg3A_1673 = arith.constant 0.000000e+00 : f32
    %neg3A_1674 = vector.broadcast %neg3A_1673 : f32 to vector<128x128xf32>
    %neg3A_1675 = arith.subf %neg3A_1674, %concatenate3A_1643 : vector<128x128xf32>
    %select_n3A_1676 = arith.select %eq3A_1672, %neg3A_1675, %concatenate3A_1646 : vector<128x128xi1>, vector<128x128xf32>
    %get3A_1677 = arith.constant 29 : index
    %get3A_1678 = arith.constant 0 : index
    %get3A_1679 = arith.constant 0 : index
    %get3A_1680 = vector.load %arg2[%get3A_1677, %get3A_1678, %get3A_1679] : memref<65x128x256xf32, #tpu.memory_space<vmem>>, vector<1x128x256xf32>
    %get3A_1681 = vector.shape_cast %get3A_1680 : vector<1x128x256xf32> to vector<128x256xf32>
    %dot_general3A_1682 = arith.constant dense<0.000000e+00> : vector<128x256xf32>
    %dot_general3A_1683 = tpu.matmul %get3A_1640, %get3A_1681, %dot_general3A_1682 {dimension_numbers = #tpu.dot_dimension_numbers<[1], [0], [0], [1], [0, 0, 1, 1], [], []>, transpose_lhs_hint = false} : vector<128x128xf32>, vector<128x256xf32>, vector<128x256xf32> -> vector<128x256xf32>
    %get3A_1684 = arith.constant 29 : index
    %get3A_1685 = arith.constant 0 : index
    %get3A_1686 = arith.constant 0 : index
    %get3A_1687 = vector.load %arg3[%get3A_1684, %get3A_1685, %get3A_1686] : memref<65x128x256xf32, #tpu.memory_space<vmem>>, vector<1x128x256xf32>
    %get3A_1688 = vector.shape_cast %get3A_1687 : vector<1x128x256xf32> to vector<128x256xf32>
    %dot_general3A_1689 = arith.constant dense<0.000000e+00> : vector<128x256xf32>
    %dot_general3A_1690 = tpu.matmul %select_n3A_1676, %get3A_1688, %dot_general3A_1689 {dimension_numbers = #tpu.dot_dimension_numbers<[1], [0], [0], [1], [0, 0, 1, 1], [], []>, transpose_lhs_hint = false} : vector<128x128xf32>, vector<128x256xf32>, vector<128x256xf32> -> vector<128x256xf32>
    %add3A_1691 = arith.addf %dot_general3A_1683, %dot_general3A_1690 : vector<128x256xf32>
    %swap3A_1692 = arith.constant 0 : index
    %swap3A_1693 = arith.constant 7424 : index
    %swap3A_1694 = vector.load %arg4[%swap3A_1692, %swap3A_1693] : memref<128x16416xf32, #tpu.memory_space<vmem>>, vector<128x256xf32>
    tpu.vector_store %arg4[%swap3A_1692, %swap3A_1693], %add3A_1691 {strides = array<i32>} : memref<128x16416xf32, #tpu.memory_space<vmem>>, vector<128x256xf32>,
    %get3A_1695 = arith.constant 0 : index
    %get3A_1696 = arith.constant 3840 : index
    %get3A_1697 = vector.load %arg1[%get3A_1695, %get3A_1696] : memref<128x8208xf32, #tpu.memory_space<vmem>>, vector<128x128xf32>
    %slice3A_1698 = vector.extract_strided_slice %get3A_1697 {offsets = [1, 0], sizes = [127, 128], strides = [1, 1]} : vector<128x128xf32> to vector<127x128xf32>
    %slice3A_1699 = vector.extract_strided_slice %get3A_1697 {offsets = [0, 0], sizes = [1, 128], strides = [1, 1]} : vector<128x128xf32> to vector<1x128xf32>
    %concatenate3A_1700 = tpu.concatenate %slice3A_1698, %slice3A_1699 in 0 : vector<127x128xf32>, vector<1x128xf32> -> vector<128x128xf32>
    %slice3A_1701 = vector.extract_strided_slice %get3A_1697 {offsets = [127, 0], sizes = [1, 128], strides = [1, 1]} : vector<128x128xf32> to vector<1x128xf32>
    %slice3A_1702 = vector.extract_strided_slice %get3A_1697 {offsets = [0, 0], sizes = [127, 128], strides = [1, 1]} : vector<128x128xf32> to vector<127x128xf32>
    %concatenate3A_1703 = tpu.concatenate %slice3A_1701, %slice3A_1702 in 0 : vector<1x128xf32>, vector<127x128xf32> -> vector<128x128xf32>
    %iota3A_1704 = tpu.iota {dimensions = array<i32: 0>} : vector<128x128xi32>
    %jit3A_1705 = arith.constant 2 : i32
    %eq3A_1706 = arith.constant 0 : i32
    %eq3A_1707 = arith.cmpi eq, %jit3A_1705, %eq3A_1706 : i32
    %jit3A_1708 = arith.constant 1 : i32
    %select_n3A_1709 = arith.select %eq3A_1707, %jit3A_1708, %jit3A_1705 : i32
    %rem3A_1710 = vector.broadcast %select_n3A_1709 : i32 to vector<128x128xi32>
    %rem3A_1711 = arith.remsi %iota3A_1704, %rem3A_1710 : vector<128x128xi32>
    %ne3A_1712 = arith.constant 0 : i32
    %ne3A_1713 = vector.broadcast %ne3A_1712 : i32 to vector<128x128xi32>
    %ne3A_1714 = arith.cmpi ne, %rem3A_1711, %ne3A_1713 : vector<128x128xi32>
    %lt3A_1715 = arith.constant 0 : i32
    %lt3A_1716 = vector.broadcast %lt3A_1715 : i32 to vector<128x128xi32>
    %lt3A_1717 = arith.cmpi slt, %rem3A_1711, %lt3A_1716 : vector<128x128xi32>
    %lt3A_1718 = arith.constant 0 : i32
    %lt3A_1719 = arith.cmpi slt, %select_n3A_1709, %lt3A_1718 : i32
    %ne3A_1720 = vector.broadcast %lt3A_1719 : i1 to vector<128x128xi1>
    %ne3A_1721 = vector.broadcast %ne3A_1720 : vector<128x128xi1> to vector<128x128xi1>
    %ne3A_1722 = arith.xori %lt3A_1717, %ne3A_1721 : vector<128x128xi1>
    %and3A_1723 = arith.andi %ne3A_1722, %ne3A_1714 : vector<128x128xi1>
    %add3A_1724 = vector.broadcast %select_n3A_1709 : i32 to vector<128x128xi32>
    %add3A_1725 = arith.addi %rem3A_1711, %add3A_1724 : vector<128x128xi32>
    %select_n3A_1726 = arith.select %and3A_1723, %add3A_1725, %rem3A_1711 : vector<128x128xi1>, vector<128x128xi32>
    %eq3A_1727 = arith.constant 0 : i32
    %eq3A_1728 = vector.broadcast %eq3A_1727 : i32 to vector<128x128xi32>
    %eq3A_1729 = arith.cmpi eq, %select_n3A_1726, %eq3A_1728 : vector<128x128xi32>
    %neg3A_1730 = arith.constant 0.000000e+00 : f32
    %neg3A_1731 = vector.broadcast %neg3A_1730 : f32 to vector<128x128xf32>
    %neg3A_1732 = arith.subf %neg3A_1731, %concatenate3A_1700 : vector<128x128xf32>
    %select_n3A_1733 = arith.select %eq3A_1729, %neg3A_1732, %concatenate3A_1703 : vector<128x128xi1>, vector<128x128xf32>
    %get3A_1734 = arith.constant 30 : index
    %get3A_1735 = arith.constant 0 : index
    %get3A_1736 = arith.constant 0 : index
    %get3A_1737 = vector.load %arg2[%get3A_1734, %get3A_1735, %get3A_1736] : memref<65x128x256xf32, #tpu.memory_space<vmem>>, vector<1x128x256xf32>
    %get3A_1738 = vector.shape_cast %get3A_1737 : vector<1x128x256xf32> to vector<128x256xf32>
    %dot_general3A_1739 = arith.constant dense<0.000000e+00> : vector<128x256xf32>
    %dot_general3A_1740 = tpu.matmul %get3A_1697, %get3A_1738, %dot_general3A_1739 {dimension_numbers = #tpu.dot_dimension_numbers<[1], [0], [0], [1], [0, 0, 1, 1], [], []>, transpose_lhs_hint = false} : vector<128x128xf32>, vector<128x256xf32>, vector<128x256xf32> -> vector<128x256xf32>
    %get3A_1741 = arith.constant 30 : index
    %get3A_1742 = arith.constant 0 : index
    %get3A_1743 = arith.constant 0 : index
    %get3A_1744 = vector.load %arg3[%get3A_1741, %get3A_1742, %get3A_1743] : memref<65x128x256xf32, #tpu.memory_space<vmem>>, vector<1x128x256xf32>
    %get3A_1745 = vector.shape_cast %get3A_1744 : vector<1x128x256xf32> to vector<128x256xf32>
    %dot_general3A_1746 = arith.constant dense<0.000000e+00> : vector<128x256xf32>
    %dot_general3A_1747 = tpu.matmul %select_n3A_1733, %get3A_1745, %dot_general3A_1746 {dimension_numbers = #tpu.dot_dimension_numbers<[1], [0], [0], [1], [0, 0, 1, 1], [], []>, transpose_lhs_hint = false} : vector<128x128xf32>, vector<128x256xf32>, vector<128x256xf32> -> vector<128x256xf32>
    %add3A_1748 = arith.addf %dot_general3A_1740, %dot_general3A_1747 : vector<128x256xf32>
    %swap3A_1749 = arith.constant 0 : index
    %swap3A_1750 = arith.constant 7680 : index
    %swap3A_1751 = vector.load %arg4[%swap3A_1749, %swap3A_1750] : memref<128x16416xf32, #tpu.memory_space<vmem>>, vector<128x256xf32>
    tpu.vector_store %arg4[%swap3A_1749, %swap3A_1750], %add3A_1748 {strides = array<i32>} : memref<128x16416xf32, #tpu.memory_space<vmem>>, vector<128x256xf32>,
    %get3A_1752 = arith.constant 0 : index
    %get3A_1753 = arith.constant 3968 : index
    %get3A_1754 = vector.load %arg1[%get3A_1752, %get3A_1753] : memref<128x8208xf32, #tpu.memory_space<vmem>>, vector<128x128xf32>
    %slice3A_1755 = vector.extract_strided_slice %get3A_1754 {offsets = [1, 0], sizes = [127, 128], strides = [1, 1]} : vector<128x128xf32> to vector<127x128xf32>
    %slice3A_1756 = vector.extract_strided_slice %get3A_1754 {offsets = [0, 0], sizes = [1, 128], strides = [1, 1]} : vector<128x128xf32> to vector<1x128xf32>
    %concatenate3A_1757 = tpu.concatenate %slice3A_1755, %slice3A_1756 in 0 : vector<127x128xf32>, vector<1x128xf32> -> vector<128x128xf32>
    %slice3A_1758 = vector.extract_strided_slice %get3A_1754 {offsets = [127, 0], sizes = [1, 128], strides = [1, 1]} : vector<128x128xf32> to vector<1x128xf32>
    %slice3A_1759 = vector.extract_strided_slice %get3A_1754 {offsets = [0, 0], sizes = [127, 128], strides = [1, 1]} : vector<128x128xf32> to vector<127x128xf32>
    %concatenate3A_1760 = tpu.concatenate %slice3A_1758, %slice3A_1759 in 0 : vector<1x128xf32>, vector<127x128xf32> -> vector<128x128xf32>
    %iota3A_1761 = tpu.iota {dimensions = array<i32: 0>} : vector<128x128xi32>
    %jit3A_1762 = arith.constant 2 : i32
    %eq3A_1763 = arith.constant 0 : i32
    %eq3A_1764 = arith.cmpi eq, %jit3A_1762, %eq3A_1763 : i32
    %jit3A_1765 = arith.constant 1 : i32
    %select_n3A_1766 = arith.select %eq3A_1764, %jit3A_1765, %jit3A_1762 : i32
    %rem3A_1767 = vector.broadcast %select_n3A_1766 : i32 to vector<128x128xi32>
    %rem3A_1768 = arith.remsi %iota3A_1761, %rem3A_1767 : vector<128x128xi32>
    %ne3A_1769 = arith.constant 0 : i32
    %ne3A_1770 = vector.broadcast %ne3A_1769 : i32 to vector<128x128xi32>
    %ne3A_1771 = arith.cmpi ne, %rem3A_1768, %ne3A_1770 : vector<128x128xi32>
    %lt3A_1772 = arith.constant 0 : i32
    %lt3A_1773 = vector.broadcast %lt3A_1772 : i32 to vector<128x128xi32>
    %lt3A_1774 = arith.cmpi slt, %rem3A_1768, %lt3A_1773 : vector<128x128xi32>
    %lt3A_1775 = arith.constant 0 : i32
    %lt3A_1776 = arith.cmpi slt, %select_n3A_1766, %lt3A_1775 : i32
    %ne3A_1777 = vector.broadcast %lt3A_1776 : i1 to vector<128x128xi1>
    %ne3A_1778 = vector.broadcast %ne3A_1777 : vector<128x128xi1> to vector<128x128xi1>
    %ne3A_1779 = arith.xori %lt3A_1774, %ne3A_1778 : vector<128x128xi1>
    %and3A_1780 = arith.andi %ne3A_1779, %ne3A_1771 : vector<128x128xi1>
    %add3A_1781 = vector.broadcast %select_n3A_1766 : i32 to vector<128x128xi32>
    %add3A_1782 = arith.addi %rem3A_1768, %add3A_1781 : vector<128x128xi32>
    %select_n3A_1783 = arith.select %and3A_1780, %add3A_1782, %rem3A_1768 : vector<128x128xi1>, vector<128x128xi32>
    %eq3A_1784 = arith.constant 0 : i32
    %eq3A_1785 = vector.broadcast %eq3A_1784 : i32 to vector<128x128xi32>
    %eq3A_1786 = arith.cmpi eq, %select_n3A_1783, %eq3A_1785 : vector<128x128xi32>
    %neg3A_1787 = arith.constant 0.000000e+00 : f32
    %neg3A_1788 = vector.broadcast %neg3A_1787 : f32 to vector<128x128xf32>
    %neg3A_1789 = arith.subf %neg3A_1788, %concatenate3A_1757 : vector<128x128xf32>
    %select_n3A_1790 = arith.select %eq3A_1786, %neg3A_1789, %concatenate3A_1760 : vector<128x128xi1>, vector<128x128xf32>
    %get3A_1791 = arith.constant 31 : index
    %get3A_1792 = arith.constant 0 : index
    %get3A_1793 = arith.constant 0 : index
    %get3A_1794 = vector.load %arg2[%get3A_1791, %get3A_1792, %get3A_1793] : memref<65x128x256xf32, #tpu.memory_space<vmem>>, vector<1x128x256xf32>
    %get3A_1795 = vector.shape_cast %get3A_1794 : vector<1x128x256xf32> to vector<128x256xf32>
    %dot_general3A_1796 = arith.constant dense<0.000000e+00> : vector<128x256xf32>
    %dot_general3A_1797 = tpu.matmul %get3A_1754, %get3A_1795, %dot_general3A_1796 {dimension_numbers = #tpu.dot_dimension_numbers<[1], [0], [0], [1], [0, 0, 1, 1], [], []>, transpose_lhs_hint = false} : vector<128x128xf32>, vector<128x256xf32>, vector<128x256xf32> -> vector<128x256xf32>
    %get3A_1798 = arith.constant 31 : index
    %get3A_1799 = arith.constant 0 : index
    %get3A_1800 = arith.constant 0 : index
    %get3A_1801 = vector.load %arg3[%get3A_1798, %get3A_1799, %get3A_1800] : memref<65x128x256xf32, #tpu.memory_space<vmem>>, vector<1x128x256xf32>
    %get3A_1802 = vector.shape_cast %get3A_1801 : vector<1x128x256xf32> to vector<128x256xf32>
    %dot_general3A_1803 = arith.constant dense<0.000000e+00> : vector<128x256xf32>
    %dot_general3A_1804 = tpu.matmul %select_n3A_1790, %get3A_1802, %dot_general3A_1803 {dimension_numbers = #tpu.dot_dimension_numbers<[1], [0], [0], [1], [0, 0, 1, 1], [], []>, transpose_lhs_hint = false} : vector<128x128xf32>, vector<128x256xf32>, vector<128x256xf32> -> vector<128x256xf32>
    %add3A_1805 = arith.addf %dot_general3A_1797, %dot_general3A_1804 : vector<128x256xf32>
    %swap3A_1806 = arith.constant 0 : index
    %swap3A_1807 = arith.constant 7936 : index
    %swap3A_1808 = vector.load %arg4[%swap3A_1806, %swap3A_1807] : memref<128x16416xf32, #tpu.memory_space<vmem>>, vector<128x256xf32>
    tpu.vector_store %arg4[%swap3A_1806, %swap3A_1807], %add3A_1805 {strides = array<i32>} : memref<128x16416xf32, #tpu.memory_space<vmem>>, vector<128x256xf32>,
    %get3A_1809 = arith.constant 0 : index
    %get3A_1810 = arith.constant 4096 : index
    %get3A_1811 = vector.load %arg1[%get3A_1809, %get3A_1810] : memref<128x8208xf32, #tpu.memory_space<vmem>>, vector<128x128xf32>
    %slice3A_1812 = vector.extract_strided_slice %get3A_1811 {offsets = [1, 0], sizes = [127, 128], strides = [1, 1]} : vector<128x128xf32> to vector<127x128xf32>
    %slice3A_1813 = vector.extract_strided_slice %get3A_1811 {offsets = [0, 0], sizes = [1, 128], strides = [1, 1]} : vector<128x128xf32> to vector<1x128xf32>
    %concatenate3A_1814 = tpu.concatenate %slice3A_1812, %slice3A_1813 in 0 : vector<127x128xf32>, vector<1x128xf32> -> vector<128x128xf32>
    %slice3A_1815 = vector.extract_strided_slice %get3A_1811 {offsets = [127, 0], sizes = [1, 128], strides = [1, 1]} : vector<128x128xf32> to vector<1x128xf32>
    %slice3A_1816 = vector.extract_strided_slice %get3A_1811 {offsets = [0, 0], sizes = [127, 128], strides = [1, 1]} : vector<128x128xf32> to vector<127x128xf32>
    %concatenate3A_1817 = tpu.concatenate %slice3A_1815, %slice3A_1816 in 0 : vector<1x128xf32>, vector<127x128xf32> -> vector<128x128xf32>
    %iota3A_1818 = tpu.iota {dimensions = array<i32: 0>} : vector<128x128xi32>
    %jit3A_1819 = arith.constant 2 : i32
    %eq3A_1820 = arith.constant 0 : i32
    %eq3A_1821 = arith.cmpi eq, %jit3A_1819, %eq3A_1820 : i32
    %jit3A_1822 = arith.constant 1 : i32
    %select_n3A_1823 = arith.select %eq3A_1821, %jit3A_1822, %jit3A_1819 : i32
    %rem3A_1824 = vector.broadcast %select_n3A_1823 : i32 to vector<128x128xi32>
    %rem3A_1825 = arith.remsi %iota3A_1818, %rem3A_1824 : vector<128x128xi32>
    %ne3A_1826 = arith.constant 0 : i32
    %ne3A_1827 = vector.broadcast %ne3A_1826 : i32 to vector<128x128xi32>
    %ne3A_1828 = arith.cmpi ne, %rem3A_1825, %ne3A_1827 : vector<128x128xi32>
    %lt3A_1829 = arith.constant 0 : i32
    %lt3A_1830 = vector.broadcast %lt3A_1829 : i32 to vector<128x128xi32>
    %lt3A_1831 = arith.cmpi slt, %rem3A_1825, %lt3A_1830 : vector<128x128xi32>
    %lt3A_1832 = arith.constant 0 : i32
    %lt3A_1833 = arith.cmpi slt, %select_n3A_1823, %lt3A_1832 : i32
    %ne3A_1834 = vector.broadcast %lt3A_1833 : i1 to vector<128x128xi1>
    %ne3A_1835 = vector.broadcast %ne3A_1834 : vector<128x128xi1> to vector<128x128xi1>
    %ne3A_1836 = arith.xori %lt3A_1831, %ne3A_1835 : vector<128x128xi1>
    %and3A_1837 = arith.andi %ne3A_1836, %ne3A_1828 : vector<128x128xi1>
    %add3A_1838 = vector.broadcast %select_n3A_1823 : i32 to vector<128x128xi32>
    %add3A_1839 = arith.addi %rem3A_1825, %add3A_1838 : vector<128x128xi32>
    %select_n3A_1840 = arith.select %and3A_1837, %add3A_1839, %rem3A_1825 : vector<128x128xi1>, vector<128x128xi32>
    %eq3A_1841 = arith.constant 0 : i32
    %eq3A_1842 = vector.broadcast %eq3A_1841 : i32 to vector<128x128xi32>
    %eq3A_1843 = arith.cmpi eq, %select_n3A_1840, %eq3A_1842 : vector<128x128xi32>
    %neg3A_1844 = arith.constant 0.000000e+00 : f32
    %neg3A_1845 = vector.broadcast %neg3A_1844 : f32 to vector<128x128xf32>
    %neg3A_1846 = arith.subf %neg3A_1845, %concatenate3A_1814 : vector<128x128xf32>
    %select_n3A_1847 = arith.select %eq3A_1843, %neg3A_1846, %concatenate3A_1817 : vector<128x128xi1>, vector<128x128xf32>
    %get3A_1848 = arith.constant 32 : index
    %get3A_1849 = arith.constant 0 : index
    %get3A_1850 = arith.constant 0 : index
    %get3A_1851 = vector.load %arg2[%get3A_1848, %get3A_1849, %get3A_1850] : memref<65x128x256xf32, #tpu.memory_space<vmem>>, vector<1x128x256xf32>
    %get3A_1852 = vector.shape_cast %get3A_1851 : vector<1x128x256xf32> to vector<128x256xf32>
    %dot_general3A_1853 = arith.constant dense<0.000000e+00> : vector<128x256xf32>
    %dot_general3A_1854 = tpu.matmul %get3A_1811, %get3A_1852, %dot_general3A_1853 {dimension_numbers = #tpu.dot_dimension_numbers<[1], [0], [0], [1], [0, 0, 1, 1], [], []>, transpose_lhs_hint = false} : vector<128x128xf32>, vector<128x256xf32>, vector<128x256xf32> -> vector<128x256xf32>
    %get3A_1855 = arith.constant 32 : index
    %get3A_1856 = arith.constant 0 : index
    %get3A_1857 = arith.constant 0 : index
    %get3A_1858 = vector.load %arg3[%get3A_1855, %get3A_1856, %get3A_1857] : memref<65x128x256xf32, #tpu.memory_space<vmem>>, vector<1x128x256xf32>
    %get3A_1859 = vector.shape_cast %get3A_1858 : vector<1x128x256xf32> to vector<128x256xf32>
    %dot_general3A_1860 = arith.constant dense<0.000000e+00> : vector<128x256xf32>
    %dot_general3A_1861 = tpu.matmul %select_n3A_1847, %get3A_1859, %dot_general3A_1860 {dimension_numbers = #tpu.dot_dimension_numbers<[1], [0], [0], [1], [0, 0, 1, 1], [], []>, transpose_lhs_hint = false} : vector<128x128xf32>, vector<128x256xf32>, vector<128x256xf32> -> vector<128x256xf32>
    %add3A_1862 = arith.addf %dot_general3A_1854, %dot_general3A_1861 : vector<128x256xf32>
    %swap3A_1863 = arith.constant 0 : index
    %swap3A_1864 = arith.constant 8192 : index
    %swap3A_1865 = vector.load %arg4[%swap3A_1863, %swap3A_1864] : memref<128x16416xf32, #tpu.memory_space<vmem>>, vector<128x256xf32>
    tpu.vector_store %arg4[%swap3A_1863, %swap3A_1864], %add3A_1862 {strides = array<i32>} : memref<128x16416xf32, #tpu.memory_space<vmem>>, vector<128x256xf32>,
    %get3A_1866 = arith.constant 0 : index
    %get3A_1867 = arith.constant 4224 : index
    %get3A_1868 = vector.load %arg1[%get3A_1866, %get3A_1867] : memref<128x8208xf32, #tpu.memory_space<vmem>>, vector<128x128xf32>
    %slice3A_1869 = vector.extract_strided_slice %get3A_1868 {offsets = [1, 0], sizes = [127, 128], strides = [1, 1]} : vector<128x128xf32> to vector<127x128xf32>
    %slice3A_1870 = vector.extract_strided_slice %get3A_1868 {offsets = [0, 0], sizes = [1, 128], strides = [1, 1]} : vector<128x128xf32> to vector<1x128xf32>
    %concatenate3A_1871 = tpu.concatenate %slice3A_1869, %slice3A_1870 in 0 : vector<127x128xf32>, vector<1x128xf32> -> vector<128x128xf32>
    %slice3A_1872 = vector.extract_strided_slice %get3A_1868 {offsets = [127, 0], sizes = [1, 128], strides = [1, 1]} : vector<128x128xf32> to vector<1x128xf32>
    %slice3A_1873 = vector.extract_strided_slice %get3A_1868 {offsets = [0, 0], sizes = [127, 128], strides = [1, 1]} : vector<128x128xf32> to vector<127x128xf32>
    %concatenate3A_1874 = tpu.concatenate %slice3A_1872, %slice3A_1873 in 0 : vector<1x128xf32>, vector<127x128xf32> -> vector<128x128xf32>
    %iota3A_1875 = tpu.iota {dimensions = array<i32: 0>} : vector<128x128xi32>
    %jit3A_1876 = arith.constant 2 : i32
    %eq3A_1877 = arith.constant 0 : i32
    %eq3A_1878 = arith.cmpi eq, %jit3A_1876, %eq3A_1877 : i32
    %jit3A_1879 = arith.constant 1 : i32
    %select_n3A_1880 = arith.select %eq3A_1878, %jit3A_1879, %jit3A_1876 : i32
    %rem3A_1881 = vector.broadcast %select_n3A_1880 : i32 to vector<128x128xi32>
    %rem3A_1882 = arith.remsi %iota3A_1875, %rem3A_1881 : vector<128x128xi32>
    %ne3A_1883 = arith.constant 0 : i32
    %ne3A_1884 = vector.broadcast %ne3A_1883 : i32 to vector<128x128xi32>
    %ne3A_1885 = arith.cmpi ne, %rem3A_1882, %ne3A_1884 : vector<128x128xi32>
    %lt3A_1886 = arith.constant 0 : i32
    %lt3A_1887 = vector.broadcast %lt3A_1886 : i32 to vector<128x128xi32>
    %lt3A_1888 = arith.cmpi slt, %rem3A_1882, %lt3A_1887 : vector<128x128xi32>
    %lt3A_1889 = arith.constant 0 : i32
    %lt3A_1890 = arith.cmpi slt, %select_n3A_1880, %lt3A_1889 : i32
    %ne3A_1891 = vector.broadcast %lt3A_1890 : i1 to vector<128x128xi1>
    %ne3A_1892 = vector.broadcast %ne3A_1891 : vector<128x128xi1> to vector<128x128xi1>
    %ne3A_1893 = arith.xori %lt3A_1888, %ne3A_1892 : vector<128x128xi1>
    %and3A_1894 = arith.andi %ne3A_1893, %ne3A_1885 : vector<128x128xi1>
    %add3A_1895 = vector.broadcast %select_n3A_1880 : i32 to vector<128x128xi32>
    %add3A_1896 = arith.addi %rem3A_1882, %add3A_1895 : vector<128x128xi32>
    %select_n3A_1897 = arith.select %and3A_1894, %add3A_1896, %rem3A_1882 : vector<128x128xi1>, vector<128x128xi32>
    %eq3A_1898 = arith.constant 0 : i32
    %eq3A_1899 = vector.broadcast %eq3A_1898 : i32 to vector<128x128xi32>
    %eq3A_1900 = arith.cmpi eq, %select_n3A_1897, %eq3A_1899 : vector<128x128xi32>
    %neg3A_1901 = arith.constant 0.000000e+00 : f32
    %neg3A_1902 = vector.broadcast %neg3A_1901 : f32 to vector<128x128xf32>
    %neg3A_1903 = arith.subf %neg3A_1902, %concatenate3A_1871 : vector<128x128xf32>
    %select_n3A_1904 = arith.select %eq3A_1900, %neg3A_1903, %concatenate3A_1874 : vector<128x128xi1>, vector<128x128xf32>
    %get3A_1905 = arith.constant 33 : index
    %get3A_1906 = arith.constant 0 : index
    %get3A_1907 = arith.constant 0 : index
    %get3A_1908 = vector.load %arg2[%get3A_1905, %get3A_1906, %get3A_1907] : memref<65x128x256xf32, #tpu.memory_space<vmem>>, vector<1x128x256xf32>
    %get3A_1909 = vector.shape_cast %get3A_1908 : vector<1x128x256xf32> to vector<128x256xf32>
    %dot_general3A_1910 = arith.constant dense<0.000000e+00> : vector<128x256xf32>
    %dot_general3A_1911 = tpu.matmul %get3A_1868, %get3A_1909, %dot_general3A_1910 {dimension_numbers = #tpu.dot_dimension_numbers<[1], [0], [0], [1], [0, 0, 1, 1], [], []>, transpose_lhs_hint = false} : vector<128x128xf32>, vector<128x256xf32>, vector<128x256xf32> -> vector<128x256xf32>
    %get3A_1912 = arith.constant 33 : index
    %get3A_1913 = arith.constant 0 : index
    %get3A_1914 = arith.constant 0 : index
    %get3A_1915 = vector.load %arg3[%get3A_1912, %get3A_1913, %get3A_1914] : memref<65x128x256xf32, #tpu.memory_space<vmem>>, vector<1x128x256xf32>
    %get3A_1916 = vector.shape_cast %get3A_1915 : vector<1x128x256xf32> to vector<128x256xf32>
    %dot_general3A_1917 = arith.constant dense<0.000000e+00> : vector<128x256xf32>
    %dot_general3A_1918 = tpu.matmul %select_n3A_1904, %get3A_1916, %dot_general3A_1917 {dimension_numbers = #tpu.dot_dimension_numbers<[1], [0], [0], [1], [0, 0, 1, 1], [], []>, transpose_lhs_hint = false} : vector<128x128xf32>, vector<128x256xf32>, vector<128x256xf32> -> vector<128x256xf32>
    %add3A_1919 = arith.addf %dot_general3A_1911, %dot_general3A_1918 : vector<128x256xf32>
    %swap3A_1920 = arith.constant 0 : index
    %swap3A_1921 = arith.constant 8448 : index
    %swap3A_1922 = vector.load %arg4[%swap3A_1920, %swap3A_1921] : memref<128x16416xf32, #tpu.memory_space<vmem>>, vector<128x256xf32>
    tpu.vector_store %arg4[%swap3A_1920, %swap3A_1921], %add3A_1919 {strides = array<i32>} : memref<128x16416xf32, #tpu.memory_space<vmem>>, vector<128x256xf32>,
    %get3A_1923 = arith.constant 0 : index
    %get3A_1924 = arith.constant 4352 : index
    %get3A_1925 = vector.load %arg1[%get3A_1923, %get3A_1924] : memref<128x8208xf32, #tpu.memory_space<vmem>>, vector<128x128xf32>
    %slice3A_1926 = vector.extract_strided_slice %get3A_1925 {offsets = [1, 0], sizes = [127, 128], strides = [1, 1]} : vector<128x128xf32> to vector<127x128xf32>
    %slice3A_1927 = vector.extract_strided_slice %get3A_1925 {offsets = [0, 0], sizes = [1, 128], strides = [1, 1]} : vector<128x128xf32> to vector<1x128xf32>
    %concatenate3A_1928 = tpu.concatenate %slice3A_1926, %slice3A_1927 in 0 : vector<127x128xf32>, vector<1x128xf32> -> vector<128x128xf32>
    %slice3A_1929 = vector.extract_strided_slice %get3A_1925 {offsets = [127, 0], sizes = [1, 128], strides = [1, 1]} : vector<128x128xf32> to vector<1x128xf32>
    %slice3A_1930 = vector.extract_strided_slice %get3A_1925 {offsets = [0, 0], sizes = [127, 128], strides = [1, 1]} : vector<128x128xf32> to vector<127x128xf32>
    %concatenate3A_1931 = tpu.concatenate %slice3A_1929, %slice3A_1930 in 0 : vector<1x128xf32>, vector<127x128xf32> -> vector<128x128xf32>
    %iota3A_1932 = tpu.iota {dimensions = array<i32: 0>} : vector<128x128xi32>
    %jit3A_1933 = arith.constant 2 : i32
    %eq3A_1934 = arith.constant 0 : i32
    %eq3A_1935 = arith.cmpi eq, %jit3A_1933, %eq3A_1934 : i32
    %jit3A_1936 = arith.constant 1 : i32
    %select_n3A_1937 = arith.select %eq3A_1935, %jit3A_1936, %jit3A_1933 : i32
    %rem3A_1938 = vector.broadcast %select_n3A_1937 : i32 to vector<128x128xi32>
    %rem3A_1939 = arith.remsi %iota3A_1932, %rem3A_1938 : vector<128x128xi32>
    %ne3A_1940 = arith.constant 0 : i32
    %ne3A_1941 = vector.broadcast %ne3A_1940 : i32 to vector<128x128xi32>
    %ne3A_1942 = arith.cmpi ne, %rem3A_1939, %ne3A_1941 : vector<128x128xi32>
    %lt3A_1943 = arith.constant 0 : i32
    %lt3A_1944 = vector.broadcast %lt3A_1943 : i32 to vector<128x128xi32>
    %lt3A_1945 = arith.cmpi slt, %rem3A_1939, %lt3A_1944 : vector<128x128xi32>
    %lt3A_1946 = arith.constant 0 : i32
    %lt3A_1947 = arith.cmpi slt, %select_n3A_1937, %lt3A_1946 : i32
    %ne3A_1948 = vector.broadcast %lt3A_1947 : i1 to vector<128x128xi1>
    %ne3A_1949 = vector.broadcast %ne3A_1948 : vector<128x128xi1> to vector<128x128xi1>
    %ne3A_1950 = arith.xori %lt3A_1945, %ne3A_1949 : vector<128x128xi1>
    %and3A_1951 = arith.andi %ne3A_1950, %ne3A_1942 : vector<128x128xi1>
    %add3A_1952 = vector.broadcast %select_n3A_1937 : i32 to vector<128x128xi32>
    %add3A_1953 = arith.addi %rem3A_1939, %add3A_1952 : vector<128x128xi32>
    %select_n3A_1954 = arith.select %and3A_1951, %add3A_1953, %rem3A_1939 : vector<128x128xi1>, vector<128x128xi32>
    %eq3A_1955 = arith.constant 0 : i32
    %eq3A_1956 = vector.broadcast %eq3A_1955 : i32 to vector<128x128xi32>
    %eq3A_1957 = arith.cmpi eq, %select_n3A_1954, %eq3A_1956 : vector<128x128xi32>
    %neg3A_1958 = arith.constant 0.000000e+00 : f32
    %neg3A_1959 = vector.broadcast %neg3A_1958 : f32 to vector<128x128xf32>
    %neg3A_1960 = arith.subf %neg3A_1959, %concatenate3A_1928 : vector<128x128xf32>
    %select_n3A_1961 = arith.select %eq3A_1957, %neg3A_1960, %concatenate3A_1931 : vector<128x128xi1>, vector<128x128xf32>
    %get3A_1962 = arith.constant 34 : index
    %get3A_1963 = arith.constant 0 : index
    %get3A_1964 = arith.constant 0 : index
    %get3A_1965 = vector.load %arg2[%get3A_1962, %get3A_1963, %get3A_1964] : memref<65x128x256xf32, #tpu.memory_space<vmem>>, vector<1x128x256xf32>
    %get3A_1966 = vector.shape_cast %get3A_1965 : vector<1x128x256xf32> to vector<128x256xf32>
    %dot_general3A_1967 = arith.constant dense<0.000000e+00> : vector<128x256xf32>
    %dot_general3A_1968 = tpu.matmul %get3A_1925, %get3A_1966, %dot_general3A_1967 {dimension_numbers = #tpu.dot_dimension_numbers<[1], [0], [0], [1], [0, 0, 1, 1], [], []>, transpose_lhs_hint = false} : vector<128x128xf32>, vector<128x256xf32>, vector<128x256xf32> -> vector<128x256xf32>
    %get3A_1969 = arith.constant 34 : index
    %get3A_1970 = arith.constant 0 : index
    %get3A_1971 = arith.constant 0 : index
    %get3A_1972 = vector.load %arg3[%get3A_1969, %get3A_1970, %get3A_1971] : memref<65x128x256xf32, #tpu.memory_space<vmem>>, vector<1x128x256xf32>
    %get3A_1973 = vector.shape_cast %get3A_1972 : vector<1x128x256xf32> to vector<128x256xf32>
    %dot_general3A_1974 = arith.constant dense<0.000000e+00> : vector<128x256xf32>
    %dot_general3A_1975 = tpu.matmul %select_n3A_1961, %get3A_1973, %dot_general3A_1974 {dimension_numbers = #tpu.dot_dimension_numbers<[1], [0], [0], [1], [0, 0, 1, 1], [], []>, transpose_lhs_hint = false} : vector<128x128xf32>, vector<128x256xf32>, vector<128x256xf32> -> vector<128x256xf32>
    %add3A_1976 = arith.addf %dot_general3A_1968, %dot_general3A_1975 : vector<128x256xf32>
    %swap3A_1977 = arith.constant 0 : index
    %swap3A_1978 = arith.constant 8704 : index
    %swap3A_1979 = vector.load %arg4[%swap3A_1977, %swap3A_1978] : memref<128x16416xf32, #tpu.memory_space<vmem>>, vector<128x256xf32>
    tpu.vector_store %arg4[%swap3A_1977, %swap3A_1978], %add3A_1976 {strides = array<i32>} : memref<128x16416xf32, #tpu.memory_space<vmem>>, vector<128x256xf32>,
    %get3A_1980 = arith.constant 0 : index
    %get3A_1981 = arith.constant 4480 : index
    %get3A_1982 = vector.load %arg1[%get3A_1980, %get3A_1981] : memref<128x8208xf32, #tpu.memory_space<vmem>>, vector<128x128xf32>
    %slice3A_1983 = vector.extract_strided_slice %get3A_1982 {offsets = [1, 0], sizes = [127, 128], strides = [1, 1]} : vector<128x128xf32> to vector<127x128xf32>
    %slice3A_1984 = vector.extract_strided_slice %get3A_1982 {offsets = [0, 0], sizes = [1, 128], strides = [1, 1]} : vector<128x128xf32> to vector<1x128xf32>
    %concatenate3A_1985 = tpu.concatenate %slice3A_1983, %slice3A_1984 in 0 : vector<127x128xf32>, vector<1x128xf32> -> vector<128x128xf32>
    %slice3A_1986 = vector.extract_strided_slice %get3A_1982 {offsets = [127, 0], sizes = [1, 128], strides = [1, 1]} : vector<128x128xf32> to vector<1x128xf32>
    %slice3A_1987 = vector.extract_strided_slice %get3A_1982 {offsets = [0, 0], sizes = [127, 128], strides = [1, 1]} : vector<128x128xf32> to vector<127x128xf32>
    %concatenate3A_1988 = tpu.concatenate %slice3A_1986, %slice3A_1987 in 0 : vector<1x128xf32>, vector<127x128xf32> -> vector<128x128xf32>
    %iota3A_1989 = tpu.iota {dimensions = array<i32: 0>} : vector<128x128xi32>
    %jit3A_1990 = arith.constant 2 : i32
    %eq3A_1991 = arith.constant 0 : i32
    %eq3A_1992 = arith.cmpi eq, %jit3A_1990, %eq3A_1991 : i32
    %jit3A_1993 = arith.constant 1 : i32
    %select_n3A_1994 = arith.select %eq3A_1992, %jit3A_1993, %jit3A_1990 : i32
    %rem3A_1995 = vector.broadcast %select_n3A_1994 : i32 to vector<128x128xi32>
    %rem3A_1996 = arith.remsi %iota3A_1989, %rem3A_1995 : vector<128x128xi32>
    %ne3A_1997 = arith.constant 0 : i32
    %ne3A_1998 = vector.broadcast %ne3A_1997 : i32 to vector<128x128xi32>
    %ne3A_1999 = arith.cmpi ne, %rem3A_1996, %ne3A_1998 : vector<128x128xi32>
    %lt3A_2000 = arith.constant 0 : i32
    %lt3A_2001 = vector.broadcast %lt3A_2000 : i32 to vector<128x128xi32>
    %lt3A_2002 = arith.cmpi slt, %rem3A_1996, %lt3A_2001 : vector<128x128xi32>
    %lt3A_2003 = arith.constant 0 : i32
    %lt3A_2004 = arith.cmpi slt, %select_n3A_1994, %lt3A_2003 : i32
    %ne3A_2005 = vector.broadcast %lt3A_2004 : i1 to vector<128x128xi1>
    %ne3A_2006 = vector.broadcast %ne3A_2005 : vector<128x128xi1> to vector<128x128xi1>
    %ne3A_2007 = arith.xori %lt3A_2002, %ne3A_2006 : vector<128x128xi1>
    %and3A_2008 = arith.andi %ne3A_2007, %ne3A_1999 : vector<128x128xi1>
    %add3A_2009 = vector.broadcast %select_n3A_1994 : i32 to vector<128x128xi32>
    %add3A_2010 = arith.addi %rem3A_1996, %add3A_2009 : vector<128x128xi32>
    %select_n3A_2011 = arith.select %and3A_2008, %add3A_2010, %rem3A_1996 : vector<128x128xi1>, vector<128x128xi32>
    %eq3A_2012 = arith.constant 0 : i32
    %eq3A_2013 = vector.broadcast %eq3A_2012 : i32 to vector<128x128xi32>
    %eq3A_2014 = arith.cmpi eq, %select_n3A_2011, %eq3A_2013 : vector<128x128xi32>
    %neg3A_2015 = arith.constant 0.000000e+00 : f32
    %neg3A_2016 = vector.broadcast %neg3A_2015 : f32 to vector<128x128xf32>
    %neg3A_2017 = arith.subf %neg3A_2016, %concatenate3A_1985 : vector<128x128xf32>
    %select_n3A_2018 = arith.select %eq3A_2014, %neg3A_2017, %concatenate3A_1988 : vector<128x128xi1>, vector<128x128xf32>
    %get3A_2019 = arith.constant 35 : index
    %get3A_2020 = arith.constant 0 : index
    %get3A_2021 = arith.constant 0 : index
    %get3A_2022 = vector.load %arg2[%get3A_2019, %get3A_2020, %get3A_2021] : memref<65x128x256xf32, #tpu.memory_space<vmem>>, vector<1x128x256xf32>
    %get3A_2023 = vector.shape_cast %get3A_2022 : vector<1x128x256xf32> to vector<128x256xf32>
    %dot_general3A_2024 = arith.constant dense<0.000000e+00> : vector<128x256xf32>
    %dot_general3A_2025 = tpu.matmul %get3A_1982, %get3A_2023, %dot_general3A_2024 {dimension_numbers = #tpu.dot_dimension_numbers<[1], [0], [0], [1], [0, 0, 1, 1], [], []>, transpose_lhs_hint = false} : vector<128x128xf32>, vector<128x256xf32>, vector<128x256xf32> -> vector<128x256xf32>
    %get3A_2026 = arith.constant 35 : index
    %get3A_2027 = arith.constant 0 : index
    %get3A_2028 = arith.constant 0 : index
    %get3A_2029 = vector.load %arg3[%get3A_2026, %get3A_2027, %get3A_2028] : memref<65x128x256xf32, #tpu.memory_space<vmem>>, vector<1x128x256xf32>
    %get3A_2030 = vector.shape_cast %get3A_2029 : vector<1x128x256xf32> to vector<128x256xf32>
    %dot_general3A_2031 = arith.constant dense<0.000000e+00> : vector<128x256xf32>
    %dot_general3A_2032 = tpu.matmul %select_n3A_2018, %get3A_2030, %dot_general3A_2031 {dimension_numbers = #tpu.dot_dimension_numbers<[1], [0], [0], [1], [0, 0, 1, 1], [], []>, transpose_lhs_hint = false} : vector<128x128xf32>, vector<128x256xf32>, vector<128x256xf32> -> vector<128x256xf32>
    %add3A_2033 = arith.addf %dot_general3A_2025, %dot_general3A_2032 : vector<128x256xf32>
    %swap3A_2034 = arith.constant 0 : index
    %swap3A_2035 = arith.constant 8960 : index
    %swap3A_2036 = vector.load %arg4[%swap3A_2034, %swap3A_2035] : memref<128x16416xf32, #tpu.memory_space<vmem>>, vector<128x256xf32>
    tpu.vector_store %arg4[%swap3A_2034, %swap3A_2035], %add3A_2033 {strides = array<i32>} : memref<128x16416xf32, #tpu.memory_space<vmem>>, vector<128x256xf32>,
    %get3A_2037 = arith.constant 0 : index
    %get3A_2038 = arith.constant 4608 : index
    %get3A_2039 = vector.load %arg1[%get3A_2037, %get3A_2038] : memref<128x8208xf32, #tpu.memory_space<vmem>>, vector<128x128xf32>
    %slice3A_2040 = vector.extract_strided_slice %get3A_2039 {offsets = [1, 0], sizes = [127, 128], strides = [1, 1]} : vector<128x128xf32> to vector<127x128xf32>
    %slice3A_2041 = vector.extract_strided_slice %get3A_2039 {offsets = [0, 0], sizes = [1, 128], strides = [1, 1]} : vector<128x128xf32> to vector<1x128xf32>
    %concatenate3A_2042 = tpu.concatenate %slice3A_2040, %slice3A_2041 in 0 : vector<127x128xf32>, vector<1x128xf32> -> vector<128x128xf32>
    %slice3A_2043 = vector.extract_strided_slice %get3A_2039 {offsets = [127, 0], sizes = [1, 128], strides = [1, 1]} : vector<128x128xf32> to vector<1x128xf32>
    %slice3A_2044 = vector.extract_strided_slice %get3A_2039 {offsets = [0, 0], sizes = [127, 128], strides = [1, 1]} : vector<128x128xf32> to vector<127x128xf32>
    %concatenate3A_2045 = tpu.concatenate %slice3A_2043, %slice3A_2044 in 0 : vector<1x128xf32>, vector<127x128xf32> -> vector<128x128xf32>
    %iota3A_2046 = tpu.iota {dimensions = array<i32: 0>} : vector<128x128xi32>
    %jit3A_2047 = arith.constant 2 : i32
    %eq3A_2048 = arith.constant 0 : i32
    %eq3A_2049 = arith.cmpi eq, %jit3A_2047, %eq3A_2048 : i32
    %jit3A_2050 = arith.constant 1 : i32
    %select_n3A_2051 = arith.select %eq3A_2049, %jit3A_2050, %jit3A_2047 : i32
    %rem3A_2052 = vector.broadcast %select_n3A_2051 : i32 to vector<128x128xi32>
    %rem3A_2053 = arith.remsi %iota3A_2046, %rem3A_2052 : vector<128x128xi32>
    %ne3A_2054 = arith.constant 0 : i32
    %ne3A_2055 = vector.broadcast %ne3A_2054 : i32 to vector<128x128xi32>
    %ne3A_2056 = arith.cmpi ne, %rem3A_2053, %ne3A_2055 : vector<128x128xi32>
    %lt3A_2057 = arith.constant 0 : i32
    %lt3A_2058 = vector.broadcast %lt3A_2057 : i32 to vector<128x128xi32>
    %lt3A_2059 = arith.cmpi slt, %rem3A_2053, %lt3A_2058 : vector<128x128xi32>
    %lt3A_2060 = arith.constant 0 : i32
    %lt3A_2061 = arith.cmpi slt, %select_n3A_2051, %lt3A_2060 : i32
    %ne3A_2062 = vector.broadcast %lt3A_2061 : i1 to vector<128x128xi1>
    %ne3A_2063 = vector.broadcast %ne3A_2062 : vector<128x128xi1> to vector<128x128xi1>
    %ne3A_2064 = arith.xori %lt3A_2059, %ne3A_2063 : vector<128x128xi1>
    %and3A_2065 = arith.andi %ne3A_2064, %ne3A_2056 : vector<128x128xi1>
    %add3A_2066 = vector.broadcast %select_n3A_2051 : i32 to vector<128x128xi32>
    %add3A_2067 = arith.addi %rem3A_2053, %add3A_2066 : vector<128x128xi32>
    %select_n3A_2068 = arith.select %and3A_2065, %add3A_2067, %rem3A_2053 : vector<128x128xi1>, vector<128x128xi32>
    %eq3A_2069 = arith.constant 0 : i32
    %eq3A_2070 = vector.broadcast %eq3A_2069 : i32 to vector<128x128xi32>
    %eq3A_2071 = arith.cmpi eq, %select_n3A_2068, %eq3A_2070 : vector<128x128xi32>
    %neg3A_2072 = arith.constant 0.000000e+00 : f32
    %neg3A_2073 = vector.broadcast %neg3A_2072 : f32 to vector<128x128xf32>
    %neg3A_2074 = arith.subf %neg3A_2073, %concatenate3A_2042 : vector<128x128xf32>
    %select_n3A_2075 = arith.select %eq3A_2071, %neg3A_2074, %concatenate3A_2045 : vector<128x128xi1>, vector<128x128xf32>
    %get3A_2076 = arith.constant 36 : index
    %get3A_2077 = arith.constant 0 : index
    %get3A_2078 = arith.constant 0 : index
    %get3A_2079 = vector.load %arg2[%get3A_2076, %get3A_2077, %get3A_2078] : memref<65x128x256xf32, #tpu.memory_space<vmem>>, vector<1x128x256xf32>
    %get3A_2080 = vector.shape_cast %get3A_2079 : vector<1x128x256xf32> to vector<128x256xf32>
    %dot_general3A_2081 = arith.constant dense<0.000000e+00> : vector<128x256xf32>
    %dot_general3A_2082 = tpu.matmul %get3A_2039, %get3A_2080, %dot_general3A_2081 {dimension_numbers = #tpu.dot_dimension_numbers<[1], [0], [0], [1], [0, 0, 1, 1], [], []>, transpose_lhs_hint = false} : vector<128x128xf32>, vector<128x256xf32>, vector<128x256xf32> -> vector<128x256xf32>
    %get3A_2083 = arith.constant 36 : index
    %get3A_2084 = arith.constant 0 : index
    %get3A_2085 = arith.constant 0 : index
    %get3A_2086 = vector.load %arg3[%get3A_2083, %get3A_2084, %get3A_2085] : memref<65x128x256xf32, #tpu.memory_space<vmem>>, vector<1x128x256xf32>
    %get3A_2087 = vector.shape_cast %get3A_2086 : vector<1x128x256xf32> to vector<128x256xf32>
    %dot_general3A_2088 = arith.constant dense<0.000000e+00> : vector<128x256xf32>
    %dot_general3A_2089 = tpu.matmul %select_n3A_2075, %get3A_2087, %dot_general3A_2088 {dimension_numbers = #tpu.dot_dimension_numbers<[1], [0], [0], [1], [0, 0, 1, 1], [], []>, transpose_lhs_hint = false} : vector<128x128xf32>, vector<128x256xf32>, vector<128x256xf32> -> vector<128x256xf32>
    %add3A_2090 = arith.addf %dot_general3A_2082, %dot_general3A_2089 : vector<128x256xf32>
    %swap3A_2091 = arith.constant 0 : index
    %swap3A_2092 = arith.constant 9216 : index
    %swap3A_2093 = vector.load %arg4[%swap3A_2091, %swap3A_2092] : memref<128x16416xf32, #tpu.memory_space<vmem>>, vector<128x256xf32>
    tpu.vector_store %arg4[%swap3A_2091, %swap3A_2092], %add3A_2090 {strides = array<i32>} : memref<128x16416xf32, #tpu.memory_space<vmem>>, vector<128x256xf32>,
    %get3A_2094 = arith.constant 0 : index
    %get3A_2095 = arith.constant 4736 : index
    %get3A_2096 = vector.load %arg1[%get3A_2094, %get3A_2095] : memref<128x8208xf32, #tpu.memory_space<vmem>>, vector<128x128xf32>
    %slice3A_2097 = vector.extract_strided_slice %get3A_2096 {offsets = [1, 0], sizes = [127, 128], strides = [1, 1]} : vector<128x128xf32> to vector<127x128xf32>
    %slice3A_2098 = vector.extract_strided_slice %get3A_2096 {offsets = [0, 0], sizes = [1, 128], strides = [1, 1]} : vector<128x128xf32> to vector<1x128xf32>
    %concatenate3A_2099 = tpu.concatenate %slice3A_2097, %slice3A_2098 in 0 : vector<127x128xf32>, vector<1x128xf32> -> vector<128x128xf32>
    %slice3A_2100 = vector.extract_strided_slice %get3A_2096 {offsets = [127, 0], sizes = [1, 128], strides = [1, 1]} : vector<128x128xf32> to vector<1x128xf32>
    %slice3A_2101 = vector.extract_strided_slice %get3A_2096 {offsets = [0, 0], sizes = [127, 128], strides = [1, 1]} : vector<128x128xf32> to vector<127x128xf32>
    %concatenate3A_2102 = tpu.concatenate %slice3A_2100, %slice3A_2101 in 0 : vector<1x128xf32>, vector<127x128xf32> -> vector<128x128xf32>
    %iota3A_2103 = tpu.iota {dimensions = array<i32: 0>} : vector<128x128xi32>
    %jit3A_2104 = arith.constant 2 : i32
    %eq3A_2105 = arith.constant 0 : i32
    %eq3A_2106 = arith.cmpi eq, %jit3A_2104, %eq3A_2105 : i32
    %jit3A_2107 = arith.constant 1 : i32
    %select_n3A_2108 = arith.select %eq3A_2106, %jit3A_2107, %jit3A_2104 : i32
    %rem3A_2109 = vector.broadcast %select_n3A_2108 : i32 to vector<128x128xi32>
    %rem3A_2110 = arith.remsi %iota3A_2103, %rem3A_2109 : vector<128x128xi32>
    %ne3A_2111 = arith.constant 0 : i32
    %ne3A_2112 = vector.broadcast %ne3A_2111 : i32 to vector<128x128xi32>
    %ne3A_2113 = arith.cmpi ne, %rem3A_2110, %ne3A_2112 : vector<128x128xi32>
    %lt3A_2114 = arith.constant 0 : i32
    %lt3A_2115 = vector.broadcast %lt3A_2114 : i32 to vector<128x128xi32>
    %lt3A_2116 = arith.cmpi slt, %rem3A_2110, %lt3A_2115 : vector<128x128xi32>
    %lt3A_2117 = arith.constant 0 : i32
    %lt3A_2118 = arith.cmpi slt, %select_n3A_2108, %lt3A_2117 : i32
    %ne3A_2119 = vector.broadcast %lt3A_2118 : i1 to vector<128x128xi1>
    %ne3A_2120 = vector.broadcast %ne3A_2119 : vector<128x128xi1> to vector<128x128xi1>
    %ne3A_2121 = arith.xori %lt3A_2116, %ne3A_2120 : vector<128x128xi1>
    %and3A_2122 = arith.andi %ne3A_2121, %ne3A_2113 : vector<128x128xi1>
    %add3A_2123 = vector.broadcast %select_n3A_2108 : i32 to vector<128x128xi32>
    %add3A_2124 = arith.addi %rem3A_2110, %add3A_2123 : vector<128x128xi32>
    %select_n3A_2125 = arith.select %and3A_2122, %add3A_2124, %rem3A_2110 : vector<128x128xi1>, vector<128x128xi32>
    %eq3A_2126 = arith.constant 0 : i32
    %eq3A_2127 = vector.broadcast %eq3A_2126 : i32 to vector<128x128xi32>
    %eq3A_2128 = arith.cmpi eq, %select_n3A_2125, %eq3A_2127 : vector<128x128xi32>
    %neg3A_2129 = arith.constant 0.000000e+00 : f32
    %neg3A_2130 = vector.broadcast %neg3A_2129 : f32 to vector<128x128xf32>
    %neg3A_2131 = arith.subf %neg3A_2130, %concatenate3A_2099 : vector<128x128xf32>
    %select_n3A_2132 = arith.select %eq3A_2128, %neg3A_2131, %concatenate3A_2102 : vector<128x128xi1>, vector<128x128xf32>
    %get3A_2133 = arith.constant 37 : index
    %get3A_2134 = arith.constant 0 : index
    %get3A_2135 = arith.constant 0 : index
    %get3A_2136 = vector.load %arg2[%get3A_2133, %get3A_2134, %get3A_2135] : memref<65x128x256xf32, #tpu.memory_space<vmem>>, vector<1x128x256xf32>
    %get3A_2137 = vector.shape_cast %get3A_2136 : vector<1x128x256xf32> to vector<128x256xf32>
    %dot_general3A_2138 = arith.constant dense<0.000000e+00> : vector<128x256xf32>
    %dot_general3A_2139 = tpu.matmul %get3A_2096, %get3A_2137, %dot_general3A_2138 {dimension_numbers = #tpu.dot_dimension_numbers<[1], [0], [0], [1], [0, 0, 1, 1], [], []>, transpose_lhs_hint = false} : vector<128x128xf32>, vector<128x256xf32>, vector<128x256xf32> -> vector<128x256xf32>
    %get3A_2140 = arith.constant 37 : index
    %get3A_2141 = arith.constant 0 : index
    %get3A_2142 = arith.constant 0 : index
    %get3A_2143 = vector.load %arg3[%get3A_2140, %get3A_2141, %get3A_2142] : memref<65x128x256xf32, #tpu.memory_space<vmem>>, vector<1x128x256xf32>
    %get3A_2144 = vector.shape_cast %get3A_2143 : vector<1x128x256xf32> to vector<128x256xf32>
    %dot_general3A_2145 = arith.constant dense<0.000000e+00> : vector<128x256xf32>
    %dot_general3A_2146 = tpu.matmul %select_n3A_2132, %get3A_2144, %dot_general3A_2145 {dimension_numbers = #tpu.dot_dimension_numbers<[1], [0], [0], [1], [0, 0, 1, 1], [], []>, transpose_lhs_hint = false} : vector<128x128xf32>, vector<128x256xf32>, vector<128x256xf32> -> vector<128x256xf32>
    %add3A_2147 = arith.addf %dot_general3A_2139, %dot_general3A_2146 : vector<128x256xf32>
    %swap3A_2148 = arith.constant 0 : index
    %swap3A_2149 = arith.constant 9472 : index
    %swap3A_2150 = vector.load %arg4[%swap3A_2148, %swap3A_2149] : memref<128x16416xf32, #tpu.memory_space<vmem>>, vector<128x256xf32>
    tpu.vector_store %arg4[%swap3A_2148, %swap3A_2149], %add3A_2147 {strides = array<i32>} : memref<128x16416xf32, #tpu.memory_space<vmem>>, vector<128x256xf32>,
    %get3A_2151 = arith.constant 0 : index
    %get3A_2152 = arith.constant 4864 : index
    %get3A_2153 = vector.load %arg1[%get3A_2151, %get3A_2152] : memref<128x8208xf32, #tpu.memory_space<vmem>>, vector<128x128xf32>
    %slice3A_2154 = vector.extract_strided_slice %get3A_2153 {offsets = [1, 0], sizes = [127, 128], strides = [1, 1]} : vector<128x128xf32> to vector<127x128xf32>
    %slice3A_2155 = vector.extract_strided_slice %get3A_2153 {offsets = [0, 0], sizes = [1, 128], strides = [1, 1]} : vector<128x128xf32> to vector<1x128xf32>
    %concatenate3A_2156 = tpu.concatenate %slice3A_2154, %slice3A_2155 in 0 : vector<127x128xf32>, vector<1x128xf32> -> vector<128x128xf32>
    %slice3A_2157 = vector.extract_strided_slice %get3A_2153 {offsets = [127, 0], sizes = [1, 128], strides = [1, 1]} : vector<128x128xf32> to vector<1x128xf32>
    %slice3A_2158 = vector.extract_strided_slice %get3A_2153 {offsets = [0, 0], sizes = [127, 128], strides = [1, 1]} : vector<128x128xf32> to vector<127x128xf32>
    %concatenate3A_2159 = tpu.concatenate %slice3A_2157, %slice3A_2158 in 0 : vector<1x128xf32>, vector<127x128xf32> -> vector<128x128xf32>
    %iota3A_2160 = tpu.iota {dimensions = array<i32: 0>} : vector<128x128xi32>
    %jit3A_2161 = arith.constant 2 : i32
    %eq3A_2162 = arith.constant 0 : i32
    %eq3A_2163 = arith.cmpi eq, %jit3A_2161, %eq3A_2162 : i32
    %jit3A_2164 = arith.constant 1 : i32
    %select_n3A_2165 = arith.select %eq3A_2163, %jit3A_2164, %jit3A_2161 : i32
    %rem3A_2166 = vector.broadcast %select_n3A_2165 : i32 to vector<128x128xi32>
    %rem3A_2167 = arith.remsi %iota3A_2160, %rem3A_2166 : vector<128x128xi32>
    %ne3A_2168 = arith.constant 0 : i32
    %ne3A_2169 = vector.broadcast %ne3A_2168 : i32 to vector<128x128xi32>
    %ne3A_2170 = arith.cmpi ne, %rem3A_2167, %ne3A_2169 : vector<128x128xi32>
    %lt3A_2171 = arith.constant 0 : i32
    %lt3A_2172 = vector.broadcast %lt3A_2171 : i32 to vector<128x128xi32>
    %lt3A_2173 = arith.cmpi slt, %rem3A_2167, %lt3A_2172 : vector<128x128xi32>
    %lt3A_2174 = arith.constant 0 : i32
    %lt3A_2175 = arith.cmpi slt, %select_n3A_2165, %lt3A_2174 : i32
    %ne3A_2176 = vector.broadcast %lt3A_2175 : i1 to vector<128x128xi1>
    %ne3A_2177 = vector.broadcast %ne3A_2176 : vector<128x128xi1> to vector<128x128xi1>
    %ne3A_2178 = arith.xori %lt3A_2173, %ne3A_2177 : vector<128x128xi1>
    %and3A_2179 = arith.andi %ne3A_2178, %ne3A_2170 : vector<128x128xi1>
    %add3A_2180 = vector.broadcast %select_n3A_2165 : i32 to vector<128x128xi32>
    %add3A_2181 = arith.addi %rem3A_2167, %add3A_2180 : vector<128x128xi32>
    %select_n3A_2182 = arith.select %and3A_2179, %add3A_2181, %rem3A_2167 : vector<128x128xi1>, vector<128x128xi32>
    %eq3A_2183 = arith.constant 0 : i32
    %eq3A_2184 = vector.broadcast %eq3A_2183 : i32 to vector<128x128xi32>
    %eq3A_2185 = arith.cmpi eq, %select_n3A_2182, %eq3A_2184 : vector<128x128xi32>
    %neg3A_2186 = arith.constant 0.000000e+00 : f32
    %neg3A_2187 = vector.broadcast %neg3A_2186 : f32 to vector<128x128xf32>
    %neg3A_2188 = arith.subf %neg3A_2187, %concatenate3A_2156 : vector<128x128xf32>
    %select_n3A_2189 = arith.select %eq3A_2185, %neg3A_2188, %concatenate3A_2159 : vector<128x128xi1>, vector<128x128xf32>
    %get3A_2190 = arith.constant 38 : index
    %get3A_2191 = arith.constant 0 : index
    %get3A_2192 = arith.constant 0 : index
    %get3A_2193 = vector.load %arg2[%get3A_2190, %get3A_2191, %get3A_2192] : memref<65x128x256xf32, #tpu.memory_space<vmem>>, vector<1x128x256xf32>
    %get3A_2194 = vector.shape_cast %get3A_2193 : vector<1x128x256xf32> to vector<128x256xf32>
    %dot_general3A_2195 = arith.constant dense<0.000000e+00> : vector<128x256xf32>
    %dot_general3A_2196 = tpu.matmul %get3A_2153, %get3A_2194, %dot_general3A_2195 {dimension_numbers = #tpu.dot_dimension_numbers<[1], [0], [0], [1], [0, 0, 1, 1], [], []>, transpose_lhs_hint = false} : vector<128x128xf32>, vector<128x256xf32>, vector<128x256xf32> -> vector<128x256xf32>
    %get3A_2197 = arith.constant 38 : index
    %get3A_2198 = arith.constant 0 : index
    %get3A_2199 = arith.constant 0 : index
    %get3A_2200 = vector.load %arg3[%get3A_2197, %get3A_2198, %get3A_2199] : memref<65x128x256xf32, #tpu.memory_space<vmem>>, vector<1x128x256xf32>
    %get3A_2201 = vector.shape_cast %get3A_2200 : vector<1x128x256xf32> to vector<128x256xf32>
    %dot_general3A_2202 = arith.constant dense<0.000000e+00> : vector<128x256xf32>
    %dot_general3A_2203 = tpu.matmul %select_n3A_2189, %get3A_2201, %dot_general3A_2202 {dimension_numbers = #tpu.dot_dimension_numbers<[1], [0], [0], [1], [0, 0, 1, 1], [], []>, transpose_lhs_hint = false} : vector<128x128xf32>, vector<128x256xf32>, vector<128x256xf32> -> vector<128x256xf32>
    %add3A_2204 = arith.addf %dot_general3A_2196, %dot_general3A_2203 : vector<128x256xf32>
    %swap3A_2205 = arith.constant 0 : index
    %swap3A_2206 = arith.constant 9728 : index
    %swap3A_2207 = vector.load %arg4[%swap3A_2205, %swap3A_2206] : memref<128x16416xf32, #tpu.memory_space<vmem>>, vector<128x256xf32>
    tpu.vector_store %arg4[%swap3A_2205, %swap3A_2206], %add3A_2204 {strides = array<i32>} : memref<128x16416xf32, #tpu.memory_space<vmem>>, vector<128x256xf32>,
    %get3A_2208 = arith.constant 0 : index
    %get3A_2209 = arith.constant 4992 : index
    %get3A_2210 = vector.load %arg1[%get3A_2208, %get3A_2209] : memref<128x8208xf32, #tpu.memory_space<vmem>>, vector<128x128xf32>
    %slice3A_2211 = vector.extract_strided_slice %get3A_2210 {offsets = [1, 0], sizes = [127, 128], strides = [1, 1]} : vector<128x128xf32> to vector<127x128xf32>
    %slice3A_2212 = vector.extract_strided_slice %get3A_2210 {offsets = [0, 0], sizes = [1, 128], strides = [1, 1]} : vector<128x128xf32> to vector<1x128xf32>
    %concatenate3A_2213 = tpu.concatenate %slice3A_2211, %slice3A_2212 in 0 : vector<127x128xf32>, vector<1x128xf32> -> vector<128x128xf32>
    %slice3A_2214 = vector.extract_strided_slice %get3A_2210 {offsets = [127, 0], sizes = [1, 128], strides = [1, 1]} : vector<128x128xf32> to vector<1x128xf32>
    %slice3A_2215 = vector.extract_strided_slice %get3A_2210 {offsets = [0, 0], sizes = [127, 128], strides = [1, 1]} : vector<128x128xf32> to vector<127x128xf32>
    %concatenate3A_2216 = tpu.concatenate %slice3A_2214, %slice3A_2215 in 0 : vector<1x128xf32>, vector<127x128xf32> -> vector<128x128xf32>
    %iota3A_2217 = tpu.iota {dimensions = array<i32: 0>} : vector<128x128xi32>
    %jit3A_2218 = arith.constant 2 : i32
    %eq3A_2219 = arith.constant 0 : i32
    %eq3A_2220 = arith.cmpi eq, %jit3A_2218, %eq3A_2219 : i32
    %jit3A_2221 = arith.constant 1 : i32
    %select_n3A_2222 = arith.select %eq3A_2220, %jit3A_2221, %jit3A_2218 : i32
    %rem3A_2223 = vector.broadcast %select_n3A_2222 : i32 to vector<128x128xi32>
    %rem3A_2224 = arith.remsi %iota3A_2217, %rem3A_2223 : vector<128x128xi32>
    %ne3A_2225 = arith.constant 0 : i32
    %ne3A_2226 = vector.broadcast %ne3A_2225 : i32 to vector<128x128xi32>
    %ne3A_2227 = arith.cmpi ne, %rem3A_2224, %ne3A_2226 : vector<128x128xi32>
    %lt3A_2228 = arith.constant 0 : i32
    %lt3A_2229 = vector.broadcast %lt3A_2228 : i32 to vector<128x128xi32>
    %lt3A_2230 = arith.cmpi slt, %rem3A_2224, %lt3A_2229 : vector<128x128xi32>
    %lt3A_2231 = arith.constant 0 : i32
    %lt3A_2232 = arith.cmpi slt, %select_n3A_2222, %lt3A_2231 : i32
    %ne3A_2233 = vector.broadcast %lt3A_2232 : i1 to vector<128x128xi1>
    %ne3A_2234 = vector.broadcast %ne3A_2233 : vector<128x128xi1> to vector<128x128xi1>
    %ne3A_2235 = arith.xori %lt3A_2230, %ne3A_2234 : vector<128x128xi1>
    %and3A_2236 = arith.andi %ne3A_2235, %ne3A_2227 : vector<128x128xi1>
    %add3A_2237 = vector.broadcast %select_n3A_2222 : i32 to vector<128x128xi32>
    %add3A_2238 = arith.addi %rem3A_2224, %add3A_2237 : vector<128x128xi32>
    %select_n3A_2239 = arith.select %and3A_2236, %add3A_2238, %rem3A_2224 : vector<128x128xi1>, vector<128x128xi32>
    %eq3A_2240 = arith.constant 0 : i32
    %eq3A_2241 = vector.broadcast %eq3A_2240 : i32 to vector<128x128xi32>
    %eq3A_2242 = arith.cmpi eq, %select_n3A_2239, %eq3A_2241 : vector<128x128xi32>
    %neg3A_2243 = arith.constant 0.000000e+00 : f32
    %neg3A_2244 = vector.broadcast %neg3A_2243 : f32 to vector<128x128xf32>
    %neg3A_2245 = arith.subf %neg3A_2244, %concatenate3A_2213 : vector<128x128xf32>
    %select_n3A_2246 = arith.select %eq3A_2242, %neg3A_2245, %concatenate3A_2216 : vector<128x128xi1>, vector<128x128xf32>
    %get3A_2247 = arith.constant 39 : index
    %get3A_2248 = arith.constant 0 : index
    %get3A_2249 = arith.constant 0 : index
    %get3A_2250 = vector.load %arg2[%get3A_2247, %get3A_2248, %get3A_2249] : memref<65x128x256xf32, #tpu.memory_space<vmem>>, vector<1x128x256xf32>
    %get3A_2251 = vector.shape_cast %get3A_2250 : vector<1x128x256xf32> to vector<128x256xf32>
    %dot_general3A_2252 = arith.constant dense<0.000000e+00> : vector<128x256xf32>
    %dot_general3A_2253 = tpu.matmul %get3A_2210, %get3A_2251, %dot_general3A_2252 {dimension_numbers = #tpu.dot_dimension_numbers<[1], [0], [0], [1], [0, 0, 1, 1], [], []>, transpose_lhs_hint = false} : vector<128x128xf32>, vector<128x256xf32>, vector<128x256xf32> -> vector<128x256xf32>
    %get3A_2254 = arith.constant 39 : index
    %get3A_2255 = arith.constant 0 : index
    %get3A_2256 = arith.constant 0 : index
    %get3A_2257 = vector.load %arg3[%get3A_2254, %get3A_2255, %get3A_2256] : memref<65x128x256xf32, #tpu.memory_space<vmem>>, vector<1x128x256xf32>
    %get3A_2258 = vector.shape_cast %get3A_2257 : vector<1x128x256xf32> to vector<128x256xf32>
    %dot_general3A_2259 = arith.constant dense<0.000000e+00> : vector<128x256xf32>
    %dot_general3A_2260 = tpu.matmul %select_n3A_2246, %get3A_2258, %dot_general3A_2259 {dimension_numbers = #tpu.dot_dimension_numbers<[1], [0], [0], [1], [0, 0, 1, 1], [], []>, transpose_lhs_hint = false} : vector<128x128xf32>, vector<128x256xf32>, vector<128x256xf32> -> vector<128x256xf32>
    %add3A_2261 = arith.addf %dot_general3A_2253, %dot_general3A_2260 : vector<128x256xf32>
    %swap3A_2262 = arith.constant 0 : index
    %swap3A_2263 = arith.constant 9984 : index
    %swap3A_2264 = vector.load %arg4[%swap3A_2262, %swap3A_2263] : memref<128x16416xf32, #tpu.memory_space<vmem>>, vector<128x256xf32>
    tpu.vector_store %arg4[%swap3A_2262, %swap3A_2263], %add3A_2261 {strides = array<i32>} : memref<128x16416xf32, #tpu.memory_space<vmem>>, vector<128x256xf32>,
    %get3A_2265 = arith.constant 0 : index
    %get3A_2266 = arith.constant 5120 : index
    %get3A_2267 = vector.load %arg1[%get3A_2265, %get3A_2266] : memref<128x8208xf32, #tpu.memory_space<vmem>>, vector<128x128xf32>
    %slice3A_2268 = vector.extract_strided_slice %get3A_2267 {offsets = [1, 0], sizes = [127, 128], strides = [1, 1]} : vector<128x128xf32> to vector<127x128xf32>
    %slice3A_2269 = vector.extract_strided_slice %get3A_2267 {offsets = [0, 0], sizes = [1, 128], strides = [1, 1]} : vector<128x128xf32> to vector<1x128xf32>
    %concatenate3A_2270 = tpu.concatenate %slice3A_2268, %slice3A_2269 in 0 : vector<127x128xf32>, vector<1x128xf32> -> vector<128x128xf32>
    %slice3A_2271 = vector.extract_strided_slice %get3A_2267 {offsets = [127, 0], sizes = [1, 128], strides = [1, 1]} : vector<128x128xf32> to vector<1x128xf32>
    %slice3A_2272 = vector.extract_strided_slice %get3A_2267 {offsets = [0, 0], sizes = [127, 128], strides = [1, 1]} : vector<128x128xf32> to vector<127x128xf32>
    %concatenate3A_2273 = tpu.concatenate %slice3A_2271, %slice3A_2272 in 0 : vector<1x128xf32>, vector<127x128xf32> -> vector<128x128xf32>
    %iota3A_2274 = tpu.iota {dimensions = array<i32: 0>} : vector<128x128xi32>
    %jit3A_2275 = arith.constant 2 : i32
    %eq3A_2276 = arith.constant 0 : i32
    %eq3A_2277 = arith.cmpi eq, %jit3A_2275, %eq3A_2276 : i32
    %jit3A_2278 = arith.constant 1 : i32
    %select_n3A_2279 = arith.select %eq3A_2277, %jit3A_2278, %jit3A_2275 : i32
    %rem3A_2280 = vector.broadcast %select_n3A_2279 : i32 to vector<128x128xi32>
    %rem3A_2281 = arith.remsi %iota3A_2274, %rem3A_2280 : vector<128x128xi32>
    %ne3A_2282 = arith.constant 0 : i32
    %ne3A_2283 = vector.broadcast %ne3A_2282 : i32 to vector<128x128xi32>
    %ne3A_2284 = arith.cmpi ne, %rem3A_2281, %ne3A_2283 : vector<128x128xi32>
    %lt3A_2285 = arith.constant 0 : i32
    %lt3A_2286 = vector.broadcast %lt3A_2285 : i32 to vector<128x128xi32>
    %lt3A_2287 = arith.cmpi slt, %rem3A_2281, %lt3A_2286 : vector<128x128xi32>
    %lt3A_2288 = arith.constant 0 : i32
    %lt3A_2289 = arith.cmpi slt, %select_n3A_2279, %lt3A_2288 : i32
    %ne3A_2290 = vector.broadcast %lt3A_2289 : i1 to vector<128x128xi1>
    %ne3A_2291 = vector.broadcast %ne3A_2290 : vector<128x128xi1> to vector<128x128xi1>
    %ne3A_2292 = arith.xori %lt3A_2287, %ne3A_2291 : vector<128x128xi1>
    %and3A_2293 = arith.andi %ne3A_2292, %ne3A_2284 : vector<128x128xi1>
    %add3A_2294 = vector.broadcast %select_n3A_2279 : i32 to vector<128x128xi32>
    %add3A_2295 = arith.addi %rem3A_2281, %add3A_2294 : vector<128x128xi32>
    %select_n3A_2296 = arith.select %and3A_2293, %add3A_2295, %rem3A_2281 : vector<128x128xi1>, vector<128x128xi32>
    %eq3A_2297 = arith.constant 0 : i32
    %eq3A_2298 = vector.broadcast %eq3A_2297 : i32 to vector<128x128xi32>
    %eq3A_2299 = arith.cmpi eq, %select_n3A_2296, %eq3A_2298 : vector<128x128xi32>
    %neg3A_2300 = arith.constant 0.000000e+00 : f32
    %neg3A_2301 = vector.broadcast %neg3A_2300 : f32 to vector<128x128xf32>
    %neg3A_2302 = arith.subf %neg3A_2301, %concatenate3A_2270 : vector<128x128xf32>
    %select_n3A_2303 = arith.select %eq3A_2299, %neg3A_2302, %concatenate3A_2273 : vector<128x128xi1>, vector<128x128xf32>
    %get3A_2304 = arith.constant 40 : index
    %get3A_2305 = arith.constant 0 : index
    %get3A_2306 = arith.constant 0 : index
    %get3A_2307 = vector.load %arg2[%get3A_2304, %get3A_2305, %get3A_2306] : memref<65x128x256xf32, #tpu.memory_space<vmem>>, vector<1x128x256xf32>
    %get3A_2308 = vector.shape_cast %get3A_2307 : vector<1x128x256xf32> to vector<128x256xf32>
    %dot_general3A_2309 = arith.constant dense<0.000000e+00> : vector<128x256xf32>
    %dot_general3A_2310 = tpu.matmul %get3A_2267, %get3A_2308, %dot_general3A_2309 {dimension_numbers = #tpu.dot_dimension_numbers<[1], [0], [0], [1], [0, 0, 1, 1], [], []>, transpose_lhs_hint = false} : vector<128x128xf32>, vector<128x256xf32>, vector<128x256xf32> -> vector<128x256xf32>
    %get3A_2311 = arith.constant 40 : index
    %get3A_2312 = arith.constant 0 : index
    %get3A_2313 = arith.constant 0 : index
    %get3A_2314 = vector.load %arg3[%get3A_2311, %get3A_2312, %get3A_2313] : memref<65x128x256xf32, #tpu.memory_space<vmem>>, vector<1x128x256xf32>
    %get3A_2315 = vector.shape_cast %get3A_2314 : vector<1x128x256xf32> to vector<128x256xf32>
    %dot_general3A_2316 = arith.constant dense<0.000000e+00> : vector<128x256xf32>
    %dot_general3A_2317 = tpu.matmul %select_n3A_2303, %get3A_2315, %dot_general3A_2316 {dimension_numbers = #tpu.dot_dimension_numbers<[1], [0], [0], [1], [0, 0, 1, 1], [], []>, transpose_lhs_hint = false} : vector<128x128xf32>, vector<128x256xf32>, vector<128x256xf32> -> vector<128x256xf32>
    %add3A_2318 = arith.addf %dot_general3A_2310, %dot_general3A_2317 : vector<128x256xf32>
    %swap3A_2319 = arith.constant 0 : index
    %swap3A_2320 = arith.constant 10240 : index
    %swap3A_2321 = vector.load %arg4[%swap3A_2319, %swap3A_2320] : memref<128x16416xf32, #tpu.memory_space<vmem>>, vector<128x256xf32>
    tpu.vector_store %arg4[%swap3A_2319, %swap3A_2320], %add3A_2318 {strides = array<i32>} : memref<128x16416xf32, #tpu.memory_space<vmem>>, vector<128x256xf32>,
    %get3A_2322 = arith.constant 0 : index
    %get3A_2323 = arith.constant 5248 : index
    %get3A_2324 = vector.load %arg1[%get3A_2322, %get3A_2323] : memref<128x8208xf32, #tpu.memory_space<vmem>>, vector<128x128xf32>
    %slice3A_2325 = vector.extract_strided_slice %get3A_2324 {offsets = [1, 0], sizes = [127, 128], strides = [1, 1]} : vector<128x128xf32> to vector<127x128xf32>
    %slice3A_2326 = vector.extract_strided_slice %get3A_2324 {offsets = [0, 0], sizes = [1, 128], strides = [1, 1]} : vector<128x128xf32> to vector<1x128xf32>
    %concatenate3A_2327 = tpu.concatenate %slice3A_2325, %slice3A_2326 in 0 : vector<127x128xf32>, vector<1x128xf32> -> vector<128x128xf32>
    %slice3A_2328 = vector.extract_strided_slice %get3A_2324 {offsets = [127, 0], sizes = [1, 128], strides = [1, 1]} : vector<128x128xf32> to vector<1x128xf32>
    %slice3A_2329 = vector.extract_strided_slice %get3A_2324 {offsets = [0, 0], sizes = [127, 128], strides = [1, 1]} : vector<128x128xf32> to vector<127x128xf32>
    %concatenate3A_2330 = tpu.concatenate %slice3A_2328, %slice3A_2329 in 0 : vector<1x128xf32>, vector<127x128xf32> -> vector<128x128xf32>
    %iota3A_2331 = tpu.iota {dimensions = array<i32: 0>} : vector<128x128xi32>
    %jit3A_2332 = arith.constant 2 : i32
    %eq3A_2333 = arith.constant 0 : i32
    %eq3A_2334 = arith.cmpi eq, %jit3A_2332, %eq3A_2333 : i32
    %jit3A_2335 = arith.constant 1 : i32
    %select_n3A_2336 = arith.select %eq3A_2334, %jit3A_2335, %jit3A_2332 : i32
    %rem3A_2337 = vector.broadcast %select_n3A_2336 : i32 to vector<128x128xi32>
    %rem3A_2338 = arith.remsi %iota3A_2331, %rem3A_2337 : vector<128x128xi32>
    %ne3A_2339 = arith.constant 0 : i32
    %ne3A_2340 = vector.broadcast %ne3A_2339 : i32 to vector<128x128xi32>
    %ne3A_2341 = arith.cmpi ne, %rem3A_2338, %ne3A_2340 : vector<128x128xi32>
    %lt3A_2342 = arith.constant 0 : i32
    %lt3A_2343 = vector.broadcast %lt3A_2342 : i32 to vector<128x128xi32>
    %lt3A_2344 = arith.cmpi slt, %rem3A_2338, %lt3A_2343 : vector<128x128xi32>
    %lt3A_2345 = arith.constant 0 : i32
    %lt3A_2346 = arith.cmpi slt, %select_n3A_2336, %lt3A_2345 : i32
    %ne3A_2347 = vector.broadcast %lt3A_2346 : i1 to vector<128x128xi1>
    %ne3A_2348 = vector.broadcast %ne3A_2347 : vector<128x128xi1> to vector<128x128xi1>
    %ne3A_2349 = arith.xori %lt3A_2344, %ne3A_2348 : vector<128x128xi1>
    %and3A_2350 = arith.andi %ne3A_2349, %ne3A_2341 : vector<128x128xi1>
    %add3A_2351 = vector.broadcast %select_n3A_2336 : i32 to vector<128x128xi32>
    %add3A_2352 = arith.addi %rem3A_2338, %add3A_2351 : vector<128x128xi32>
    %select_n3A_2353 = arith.select %and3A_2350, %add3A_2352, %rem3A_2338 : vector<128x128xi1>, vector<128x128xi32>
    %eq3A_2354 = arith.constant 0 : i32
    %eq3A_2355 = vector.broadcast %eq3A_2354 : i32 to vector<128x128xi32>
    %eq3A_2356 = arith.cmpi eq, %select_n3A_2353, %eq3A_2355 : vector<128x128xi32>
    %neg3A_2357 = arith.constant 0.000000e+00 : f32
    %neg3A_2358 = vector.broadcast %neg3A_2357 : f32 to vector<128x128xf32>
    %neg3A_2359 = arith.subf %neg3A_2358, %concatenate3A_2327 : vector<128x128xf32>
    %select_n3A_2360 = arith.select %eq3A_2356, %neg3A_2359, %concatenate3A_2330 : vector<128x128xi1>, vector<128x128xf32>
    %get3A_2361 = arith.constant 41 : index
    %get3A_2362 = arith.constant 0 : index
    %get3A_2363 = arith.constant 0 : index
    %get3A_2364 = vector.load %arg2[%get3A_2361, %get3A_2362, %get3A_2363] : memref<65x128x256xf32, #tpu.memory_space<vmem>>, vector<1x128x256xf32>
    %get3A_2365 = vector.shape_cast %get3A_2364 : vector<1x128x256xf32> to vector<128x256xf32>
    %dot_general3A_2366 = arith.constant dense<0.000000e+00> : vector<128x256xf32>
    %dot_general3A_2367 = tpu.matmul %get3A_2324, %get3A_2365, %dot_general3A_2366 {dimension_numbers = #tpu.dot_dimension_numbers<[1], [0], [0], [1], [0, 0, 1, 1], [], []>, transpose_lhs_hint = false} : vector<128x128xf32>, vector<128x256xf32>, vector<128x256xf32> -> vector<128x256xf32>
    %get3A_2368 = arith.constant 41 : index
    %get3A_2369 = arith.constant 0 : index
    %get3A_2370 = arith.constant 0 : index
    %get3A_2371 = vector.load %arg3[%get3A_2368, %get3A_2369, %get3A_2370] : memref<65x128x256xf32, #tpu.memory_space<vmem>>, vector<1x128x256xf32>
    %get3A_2372 = vector.shape_cast %get3A_2371 : vector<1x128x256xf32> to vector<128x256xf32>
    %dot_general3A_2373 = arith.constant dense<0.000000e+00> : vector<128x256xf32>
    %dot_general3A_2374 = tpu.matmul %select_n3A_2360, %get3A_2372, %dot_general3A_2373 {dimension_numbers = #tpu.dot_dimension_numbers<[1], [0], [0], [1], [0, 0, 1, 1], [], []>, transpose_lhs_hint = false} : vector<128x128xf32>, vector<128x256xf32>, vector<128x256xf32> -> vector<128x256xf32>
    %add3A_2375 = arith.addf %dot_general3A_2367, %dot_general3A_2374 : vector<128x256xf32>
    %swap3A_2376 = arith.constant 0 : index
    %swap3A_2377 = arith.constant 10496 : index
    %swap3A_2378 = vector.load %arg4[%swap3A_2376, %swap3A_2377] : memref<128x16416xf32, #tpu.memory_space<vmem>>, vector<128x256xf32>
    tpu.vector_store %arg4[%swap3A_2376, %swap3A_2377], %add3A_2375 {strides = array<i32>} : memref<128x16416xf32, #tpu.memory_space<vmem>>, vector<128x256xf32>,
    %get3A_2379 = arith.constant 0 : index
    %get3A_2380 = arith.constant 5376 : index
    %get3A_2381 = vector.load %arg1[%get3A_2379, %get3A_2380] : memref<128x8208xf32, #tpu.memory_space<vmem>>, vector<128x128xf32>
    %slice3A_2382 = vector.extract_strided_slice %get3A_2381 {offsets = [1, 0], sizes = [127, 128], strides = [1, 1]} : vector<128x128xf32> to vector<127x128xf32>
    %slice3A_2383 = vector.extract_strided_slice %get3A_2381 {offsets = [0, 0], sizes = [1, 128], strides = [1, 1]} : vector<128x128xf32> to vector<1x128xf32>
    %concatenate3A_2384 = tpu.concatenate %slice3A_2382, %slice3A_2383 in 0 : vector<127x128xf32>, vector<1x128xf32> -> vector<128x128xf32>
    %slice3A_2385 = vector.extract_strided_slice %get3A_2381 {offsets = [127, 0], sizes = [1, 128], strides = [1, 1]} : vector<128x128xf32> to vector<1x128xf32>
    %slice3A_2386 = vector.extract_strided_slice %get3A_2381 {offsets = [0, 0], sizes = [127, 128], strides = [1, 1]} : vector<128x128xf32> to vector<127x128xf32>
    %concatenate3A_2387 = tpu.concatenate %slice3A_2385, %slice3A_2386 in 0 : vector<1x128xf32>, vector<127x128xf32> -> vector<128x128xf32>
    %iota3A_2388 = tpu.iota {dimensions = array<i32: 0>} : vector<128x128xi32>
    %jit3A_2389 = arith.constant 2 : i32
    %eq3A_2390 = arith.constant 0 : i32
    %eq3A_2391 = arith.cmpi eq, %jit3A_2389, %eq3A_2390 : i32
    %jit3A_2392 = arith.constant 1 : i32
    %select_n3A_2393 = arith.select %eq3A_2391, %jit3A_2392, %jit3A_2389 : i32
    %rem3A_2394 = vector.broadcast %select_n3A_2393 : i32 to vector<128x128xi32>
    %rem3A_2395 = arith.remsi %iota3A_2388, %rem3A_2394 : vector<128x128xi32>
    %ne3A_2396 = arith.constant 0 : i32
    %ne3A_2397 = vector.broadcast %ne3A_2396 : i32 to vector<128x128xi32>
    %ne3A_2398 = arith.cmpi ne, %rem3A_2395, %ne3A_2397 : vector<128x128xi32>
    %lt3A_2399 = arith.constant 0 : i32
    %lt3A_2400 = vector.broadcast %lt3A_2399 : i32 to vector<128x128xi32>
    %lt3A_2401 = arith.cmpi slt, %rem3A_2395, %lt3A_2400 : vector<128x128xi32>
    %lt3A_2402 = arith.constant 0 : i32
    %lt3A_2403 = arith.cmpi slt, %select_n3A_2393, %lt3A_2402 : i32
    %ne3A_2404 = vector.broadcast %lt3A_2403 : i1 to vector<128x128xi1>
    %ne3A_2405 = vector.broadcast %ne3A_2404 : vector<128x128xi1> to vector<128x128xi1>
    %ne3A_2406 = arith.xori %lt3A_2401, %ne3A_2405 : vector<128x128xi1>
    %and3A_2407 = arith.andi %ne3A_2406, %ne3A_2398 : vector<128x128xi1>
    %add3A_2408 = vector.broadcast %select_n3A_2393 : i32 to vector<128x128xi32>
    %add3A_2409 = arith.addi %rem3A_2395, %add3A_2408 : vector<128x128xi32>
    %select_n3A_2410 = arith.select %and3A_2407, %add3A_2409, %rem3A_2395 : vector<128x128xi1>, vector<128x128xi32>
    %eq3A_2411 = arith.constant 0 : i32
    %eq3A_2412 = vector.broadcast %eq3A_2411 : i32 to vector<128x128xi32>
    %eq3A_2413 = arith.cmpi eq, %select_n3A_2410, %eq3A_2412 : vector<128x128xi32>
    %neg3A_2414 = arith.constant 0.000000e+00 : f32
    %neg3A_2415 = vector.broadcast %neg3A_2414 : f32 to vector<128x128xf32>
    %neg3A_2416 = arith.subf %neg3A_2415, %concatenate3A_2384 : vector<128x128xf32>
    %select_n3A_2417 = arith.select %eq3A_2413, %neg3A_2416, %concatenate3A_2387 : vector<128x128xi1>, vector<128x128xf32>
    %get3A_2418 = arith.constant 42 : index
    %get3A_2419 = arith.constant 0 : index
    %get3A_2420 = arith.constant 0 : index
    %get3A_2421 = vector.load %arg2[%get3A_2418, %get3A_2419, %get3A_2420] : memref<65x128x256xf32, #tpu.memory_space<vmem>>, vector<1x128x256xf32>
    %get3A_2422 = vector.shape_cast %get3A_2421 : vector<1x128x256xf32> to vector<128x256xf32>
    %dot_general3A_2423 = arith.constant dense<0.000000e+00> : vector<128x256xf32>
    %dot_general3A_2424 = tpu.matmul %get3A_2381, %get3A_2422, %dot_general3A_2423 {dimension_numbers = #tpu.dot_dimension_numbers<[1], [0], [0], [1], [0, 0, 1, 1], [], []>, transpose_lhs_hint = false} : vector<128x128xf32>, vector<128x256xf32>, vector<128x256xf32> -> vector<128x256xf32>
    %get3A_2425 = arith.constant 42 : index
    %get3A_2426 = arith.constant 0 : index
    %get3A_2427 = arith.constant 0 : index
    %get3A_2428 = vector.load %arg3[%get3A_2425, %get3A_2426, %get3A_2427] : memref<65x128x256xf32, #tpu.memory_space<vmem>>, vector<1x128x256xf32>
    %get3A_2429 = vector.shape_cast %get3A_2428 : vector<1x128x256xf32> to vector<128x256xf32>
    %dot_general3A_2430 = arith.constant dense<0.000000e+00> : vector<128x256xf32>
    %dot_general3A_2431 = tpu.matmul %select_n3A_2417, %get3A_2429, %dot_general3A_2430 {dimension_numbers = #tpu.dot_dimension_numbers<[1], [0], [0], [1], [0, 0, 1, 1], [], []>, transpose_lhs_hint = false} : vector<128x128xf32>, vector<128x256xf32>, vector<128x256xf32> -> vector<128x256xf32>
    %add3A_2432 = arith.addf %dot_general3A_2424, %dot_general3A_2431 : vector<128x256xf32>
    %swap3A_2433 = arith.constant 0 : index
    %swap3A_2434 = arith.constant 10752 : index
    %swap3A_2435 = vector.load %arg4[%swap3A_2433, %swap3A_2434] : memref<128x16416xf32, #tpu.memory_space<vmem>>, vector<128x256xf32>
    tpu.vector_store %arg4[%swap3A_2433, %swap3A_2434], %add3A_2432 {strides = array<i32>} : memref<128x16416xf32, #tpu.memory_space<vmem>>, vector<128x256xf32>,
    %get3A_2436 = arith.constant 0 : index
    %get3A_2437 = arith.constant 5504 : index
    %get3A_2438 = vector.load %arg1[%get3A_2436, %get3A_2437] : memref<128x8208xf32, #tpu.memory_space<vmem>>, vector<128x128xf32>
    %slice3A_2439 = vector.extract_strided_slice %get3A_2438 {offsets = [1, 0], sizes = [127, 128], strides = [1, 1]} : vector<128x128xf32> to vector<127x128xf32>
    %slice3A_2440 = vector.extract_strided_slice %get3A_2438 {offsets = [0, 0], sizes = [1, 128], strides = [1, 1]} : vector<128x128xf32> to vector<1x128xf32>
    %concatenate3A_2441 = tpu.concatenate %slice3A_2439, %slice3A_2440 in 0 : vector<127x128xf32>, vector<1x128xf32> -> vector<128x128xf32>
    %slice3A_2442 = vector.extract_strided_slice %get3A_2438 {offsets = [127, 0], sizes = [1, 128], strides = [1, 1]} : vector<128x128xf32> to vector<1x128xf32>
    %slice3A_2443 = vector.extract_strided_slice %get3A_2438 {offsets = [0, 0], sizes = [127, 128], strides = [1, 1]} : vector<128x128xf32> to vector<127x128xf32>
    %concatenate3A_2444 = tpu.concatenate %slice3A_2442, %slice3A_2443 in 0 : vector<1x128xf32>, vector<127x128xf32> -> vector<128x128xf32>
    %iota3A_2445 = tpu.iota {dimensions = array<i32: 0>} : vector<128x128xi32>
    %jit3A_2446 = arith.constant 2 : i32
    %eq3A_2447 = arith.constant 0 : i32
    %eq3A_2448 = arith.cmpi eq, %jit3A_2446, %eq3A_2447 : i32
    %jit3A_2449 = arith.constant 1 : i32
    %select_n3A_2450 = arith.select %eq3A_2448, %jit3A_2449, %jit3A_2446 : i32
    %rem3A_2451 = vector.broadcast %select_n3A_2450 : i32 to vector<128x128xi32>
    %rem3A_2452 = arith.remsi %iota3A_2445, %rem3A_2451 : vector<128x128xi32>
    %ne3A_2453 = arith.constant 0 : i32
    %ne3A_2454 = vector.broadcast %ne3A_2453 : i32 to vector<128x128xi32>
    %ne3A_2455 = arith.cmpi ne, %rem3A_2452, %ne3A_2454 : vector<128x128xi32>
    %lt3A_2456 = arith.constant 0 : i32
    %lt3A_2457 = vector.broadcast %lt3A_2456 : i32 to vector<128x128xi32>
    %lt3A_2458 = arith.cmpi slt, %rem3A_2452, %lt3A_2457 : vector<128x128xi32>
    %lt3A_2459 = arith.constant 0 : i32
    %lt3A_2460 = arith.cmpi slt, %select_n3A_2450, %lt3A_2459 : i32
    %ne3A_2461 = vector.broadcast %lt3A_2460 : i1 to vector<128x128xi1>
    %ne3A_2462 = vector.broadcast %ne3A_2461 : vector<128x128xi1> to vector<128x128xi1>
    %ne3A_2463 = arith.xori %lt3A_2458, %ne3A_2462 : vector<128x128xi1>
    %and3A_2464 = arith.andi %ne3A_2463, %ne3A_2455 : vector<128x128xi1>
    %add3A_2465 = vector.broadcast %select_n3A_2450 : i32 to vector<128x128xi32>
    %add3A_2466 = arith.addi %rem3A_2452, %add3A_2465 : vector<128x128xi32>
    %select_n3A_2467 = arith.select %and3A_2464, %add3A_2466, %rem3A_2452 : vector<128x128xi1>, vector<128x128xi32>
    %eq3A_2468 = arith.constant 0 : i32
    %eq3A_2469 = vector.broadcast %eq3A_2468 : i32 to vector<128x128xi32>
    %eq3A_2470 = arith.cmpi eq, %select_n3A_2467, %eq3A_2469 : vector<128x128xi32>
    %neg3A_2471 = arith.constant 0.000000e+00 : f32
    %neg3A_2472 = vector.broadcast %neg3A_2471 : f32 to vector<128x128xf32>
    %neg3A_2473 = arith.subf %neg3A_2472, %concatenate3A_2441 : vector<128x128xf32>
    %select_n3A_2474 = arith.select %eq3A_2470, %neg3A_2473, %concatenate3A_2444 : vector<128x128xi1>, vector<128x128xf32>
    %get3A_2475 = arith.constant 43 : index
    %get3A_2476 = arith.constant 0 : index
    %get3A_2477 = arith.constant 0 : index
    %get3A_2478 = vector.load %arg2[%get3A_2475, %get3A_2476, %get3A_2477] : memref<65x128x256xf32, #tpu.memory_space<vmem>>, vector<1x128x256xf32>
    %get3A_2479 = vector.shape_cast %get3A_2478 : vector<1x128x256xf32> to vector<128x256xf32>
    %dot_general3A_2480 = arith.constant dense<0.000000e+00> : vector<128x256xf32>
    %dot_general3A_2481 = tpu.matmul %get3A_2438, %get3A_2479, %dot_general3A_2480 {dimension_numbers = #tpu.dot_dimension_numbers<[1], [0], [0], [1], [0, 0, 1, 1], [], []>, transpose_lhs_hint = false} : vector<128x128xf32>, vector<128x256xf32>, vector<128x256xf32> -> vector<128x256xf32>
    %get3A_2482 = arith.constant 43 : index
    %get3A_2483 = arith.constant 0 : index
    %get3A_2484 = arith.constant 0 : index
    %get3A_2485 = vector.load %arg3[%get3A_2482, %get3A_2483, %get3A_2484] : memref<65x128x256xf32, #tpu.memory_space<vmem>>, vector<1x128x256xf32>
    %get3A_2486 = vector.shape_cast %get3A_2485 : vector<1x128x256xf32> to vector<128x256xf32>
    %dot_general3A_2487 = arith.constant dense<0.000000e+00> : vector<128x256xf32>
    %dot_general3A_2488 = tpu.matmul %select_n3A_2474, %get3A_2486, %dot_general3A_2487 {dimension_numbers = #tpu.dot_dimension_numbers<[1], [0], [0], [1], [0, 0, 1, 1], [], []>, transpose_lhs_hint = false} : vector<128x128xf32>, vector<128x256xf32>, vector<128x256xf32> -> vector<128x256xf32>
    %add3A_2489 = arith.addf %dot_general3A_2481, %dot_general3A_2488 : vector<128x256xf32>
    %swap3A_2490 = arith.constant 0 : index
    %swap3A_2491 = arith.constant 11008 : index
    %swap3A_2492 = vector.load %arg4[%swap3A_2490, %swap3A_2491] : memref<128x16416xf32, #tpu.memory_space<vmem>>, vector<128x256xf32>
    tpu.vector_store %arg4[%swap3A_2490, %swap3A_2491], %add3A_2489 {strides = array<i32>} : memref<128x16416xf32, #tpu.memory_space<vmem>>, vector<128x256xf32>,
    %get3A_2493 = arith.constant 0 : index
    %get3A_2494 = arith.constant 5632 : index
    %get3A_2495 = vector.load %arg1[%get3A_2493, %get3A_2494] : memref<128x8208xf32, #tpu.memory_space<vmem>>, vector<128x128xf32>
    %slice3A_2496 = vector.extract_strided_slice %get3A_2495 {offsets = [1, 0], sizes = [127, 128], strides = [1, 1]} : vector<128x128xf32> to vector<127x128xf32>
    %slice3A_2497 = vector.extract_strided_slice %get3A_2495 {offsets = [0, 0], sizes = [1, 128], strides = [1, 1]} : vector<128x128xf32> to vector<1x128xf32>
    %concatenate3A_2498 = tpu.concatenate %slice3A_2496, %slice3A_2497 in 0 : vector<127x128xf32>, vector<1x128xf32> -> vector<128x128xf32>
    %slice3A_2499 = vector.extract_strided_slice %get3A_2495 {offsets = [127, 0], sizes = [1, 128], strides = [1, 1]} : vector<128x128xf32> to vector<1x128xf32>
    %slice3A_2500 = vector.extract_strided_slice %get3A_2495 {offsets = [0, 0], sizes = [127, 128], strides = [1, 1]} : vector<128x128xf32> to vector<127x128xf32>
    %concatenate3A_2501 = tpu.concatenate %slice3A_2499, %slice3A_2500 in 0 : vector<1x128xf32>, vector<127x128xf32> -> vector<128x128xf32>
    %iota3A_2502 = tpu.iota {dimensions = array<i32: 0>} : vector<128x128xi32>
    %jit3A_2503 = arith.constant 2 : i32
    %eq3A_2504 = arith.constant 0 : i32
    %eq3A_2505 = arith.cmpi eq, %jit3A_2503, %eq3A_2504 : i32
    %jit3A_2506 = arith.constant 1 : i32
    %select_n3A_2507 = arith.select %eq3A_2505, %jit3A_2506, %jit3A_2503 : i32
    %rem3A_2508 = vector.broadcast %select_n3A_2507 : i32 to vector<128x128xi32>
    %rem3A_2509 = arith.remsi %iota3A_2502, %rem3A_2508 : vector<128x128xi32>
    %ne3A_2510 = arith.constant 0 : i32
    %ne3A_2511 = vector.broadcast %ne3A_2510 : i32 to vector<128x128xi32>
    %ne3A_2512 = arith.cmpi ne, %rem3A_2509, %ne3A_2511 : vector<128x128xi32>
    %lt3A_2513 = arith.constant 0 : i32
    %lt3A_2514 = vector.broadcast %lt3A_2513 : i32 to vector<128x128xi32>
    %lt3A_2515 = arith.cmpi slt, %rem3A_2509, %lt3A_2514 : vector<128x128xi32>
    %lt3A_2516 = arith.constant 0 : i32
    %lt3A_2517 = arith.cmpi slt, %select_n3A_2507, %lt3A_2516 : i32
    %ne3A_2518 = vector.broadcast %lt3A_2517 : i1 to vector<128x128xi1>
    %ne3A_2519 = vector.broadcast %ne3A_2518 : vector<128x128xi1> to vector<128x128xi1>
    %ne3A_2520 = arith.xori %lt3A_2515, %ne3A_2519 : vector<128x128xi1>
    %and3A_2521 = arith.andi %ne3A_2520, %ne3A_2512 : vector<128x128xi1>
    %add3A_2522 = vector.broadcast %select_n3A_2507 : i32 to vector<128x128xi32>
    %add3A_2523 = arith.addi %rem3A_2509, %add3A_2522 : vector<128x128xi32>
    %select_n3A_2524 = arith.select %and3A_2521, %add3A_2523, %rem3A_2509 : vector<128x128xi1>, vector<128x128xi32>
    %eq3A_2525 = arith.constant 0 : i32
    %eq3A_2526 = vector.broadcast %eq3A_2525 : i32 to vector<128x128xi32>
    %eq3A_2527 = arith.cmpi eq, %select_n3A_2524, %eq3A_2526 : vector<128x128xi32>
    %neg3A_2528 = arith.constant 0.000000e+00 : f32
    %neg3A_2529 = vector.broadcast %neg3A_2528 : f32 to vector<128x128xf32>
    %neg3A_2530 = arith.subf %neg3A_2529, %concatenate3A_2498 : vector<128x128xf32>
    %select_n3A_2531 = arith.select %eq3A_2527, %neg3A_2530, %concatenate3A_2501 : vector<128x128xi1>, vector<128x128xf32>
    %get3A_2532 = arith.constant 44 : index
    %get3A_2533 = arith.constant 0 : index
    %get3A_2534 = arith.constant 0 : index
    %get3A_2535 = vector.load %arg2[%get3A_2532, %get3A_2533, %get3A_2534] : memref<65x128x256xf32, #tpu.memory_space<vmem>>, vector<1x128x256xf32>
    %get3A_2536 = vector.shape_cast %get3A_2535 : vector<1x128x256xf32> to vector<128x256xf32>
    %dot_general3A_2537 = arith.constant dense<0.000000e+00> : vector<128x256xf32>
    %dot_general3A_2538 = tpu.matmul %get3A_2495, %get3A_2536, %dot_general3A_2537 {dimension_numbers = #tpu.dot_dimension_numbers<[1], [0], [0], [1], [0, 0, 1, 1], [], []>, transpose_lhs_hint = false} : vector<128x128xf32>, vector<128x256xf32>, vector<128x256xf32> -> vector<128x256xf32>
    %get3A_2539 = arith.constant 44 : index
    %get3A_2540 = arith.constant 0 : index
    %get3A_2541 = arith.constant 0 : index
    %get3A_2542 = vector.load %arg3[%get3A_2539, %get3A_2540, %get3A_2541] : memref<65x128x256xf32, #tpu.memory_space<vmem>>, vector<1x128x256xf32>
    %get3A_2543 = vector.shape_cast %get3A_2542 : vector<1x128x256xf32> to vector<128x256xf32>
    %dot_general3A_2544 = arith.constant dense<0.000000e+00> : vector<128x256xf32>
    %dot_general3A_2545 = tpu.matmul %select_n3A_2531, %get3A_2543, %dot_general3A_2544 {dimension_numbers = #tpu.dot_dimension_numbers<[1], [0], [0], [1], [0, 0, 1, 1], [], []>, transpose_lhs_hint = false} : vector<128x128xf32>, vector<128x256xf32>, vector<128x256xf32> -> vector<128x256xf32>
    %add3A_2546 = arith.addf %dot_general3A_2538, %dot_general3A_2545 : vector<128x256xf32>
    %swap3A_2547 = arith.constant 0 : index
    %swap3A_2548 = arith.constant 11264 : index
    %swap3A_2549 = vector.load %arg4[%swap3A_2547, %swap3A_2548] : memref<128x16416xf32, #tpu.memory_space<vmem>>, vector<128x256xf32>
    tpu.vector_store %arg4[%swap3A_2547, %swap3A_2548], %add3A_2546 {strides = array<i32>} : memref<128x16416xf32, #tpu.memory_space<vmem>>, vector<128x256xf32>,
    %get3A_2550 = arith.constant 0 : index
    %get3A_2551 = arith.constant 5760 : index
    %get3A_2552 = vector.load %arg1[%get3A_2550, %get3A_2551] : memref<128x8208xf32, #tpu.memory_space<vmem>>, vector<128x128xf32>
    %slice3A_2553 = vector.extract_strided_slice %get3A_2552 {offsets = [1, 0], sizes = [127, 128], strides = [1, 1]} : vector<128x128xf32> to vector<127x128xf32>
    %slice3A_2554 = vector.extract_strided_slice %get3A_2552 {offsets = [0, 0], sizes = [1, 128], strides = [1, 1]} : vector<128x128xf32> to vector<1x128xf32>
    %concatenate3A_2555 = tpu.concatenate %slice3A_2553, %slice3A_2554 in 0 : vector<127x128xf32>, vector<1x128xf32> -> vector<128x128xf32>
    %slice3A_2556 = vector.extract_strided_slice %get3A_2552 {offsets = [127, 0], sizes = [1, 128], strides = [1, 1]} : vector<128x128xf32> to vector<1x128xf32>
    %slice3A_2557 = vector.extract_strided_slice %get3A_2552 {offsets = [0, 0], sizes = [127, 128], strides = [1, 1]} : vector<128x128xf32> to vector<127x128xf32>
    %concatenate3A_2558 = tpu.concatenate %slice3A_2556, %slice3A_2557 in 0 : vector<1x128xf32>, vector<127x128xf32> -> vector<128x128xf32>
    %iota3A_2559 = tpu.iota {dimensions = array<i32: 0>} : vector<128x128xi32>
    %jit3A_2560 = arith.constant 2 : i32
    %eq3A_2561 = arith.constant 0 : i32
    %eq3A_2562 = arith.cmpi eq, %jit3A_2560, %eq3A_2561 : i32
    %jit3A_2563 = arith.constant 1 : i32
    %select_n3A_2564 = arith.select %eq3A_2562, %jit3A_2563, %jit3A_2560 : i32
    %rem3A_2565 = vector.broadcast %select_n3A_2564 : i32 to vector<128x128xi32>
    %rem3A_2566 = arith.remsi %iota3A_2559, %rem3A_2565 : vector<128x128xi32>
    %ne3A_2567 = arith.constant 0 : i32
    %ne3A_2568 = vector.broadcast %ne3A_2567 : i32 to vector<128x128xi32>
    %ne3A_2569 = arith.cmpi ne, %rem3A_2566, %ne3A_2568 : vector<128x128xi32>
    %lt3A_2570 = arith.constant 0 : i32
    %lt3A_2571 = vector.broadcast %lt3A_2570 : i32 to vector<128x128xi32>
    %lt3A_2572 = arith.cmpi slt, %rem3A_2566, %lt3A_2571 : vector<128x128xi32>
    %lt3A_2573 = arith.constant 0 : i32
    %lt3A_2574 = arith.cmpi slt, %select_n3A_2564, %lt3A_2573 : i32
    %ne3A_2575 = vector.broadcast %lt3A_2574 : i1 to vector<128x128xi1>
    %ne3A_2576 = vector.broadcast %ne3A_2575 : vector<128x128xi1> to vector<128x128xi1>
    %ne3A_2577 = arith.xori %lt3A_2572, %ne3A_2576 : vector<128x128xi1>
    %and3A_2578 = arith.andi %ne3A_2577, %ne3A_2569 : vector<128x128xi1>
    %add3A_2579 = vector.broadcast %select_n3A_2564 : i32 to vector<128x128xi32>
    %add3A_2580 = arith.addi %rem3A_2566, %add3A_2579 : vector<128x128xi32>
    %select_n3A_2581 = arith.select %and3A_2578, %add3A_2580, %rem3A_2566 : vector<128x128xi1>, vector<128x128xi32>
    %eq3A_2582 = arith.constant 0 : i32
    %eq3A_2583 = vector.broadcast %eq3A_2582 : i32 to vector<128x128xi32>
    %eq3A_2584 = arith.cmpi eq, %select_n3A_2581, %eq3A_2583 : vector<128x128xi32>
    %neg3A_2585 = arith.constant 0.000000e+00 : f32
    %neg3A_2586 = vector.broadcast %neg3A_2585 : f32 to vector<128x128xf32>
    %neg3A_2587 = arith.subf %neg3A_2586, %concatenate3A_2555 : vector<128x128xf32>
    %select_n3A_2588 = arith.select %eq3A_2584, %neg3A_2587, %concatenate3A_2558 : vector<128x128xi1>, vector<128x128xf32>
    %get3A_2589 = arith.constant 45 : index
    %get3A_2590 = arith.constant 0 : index
    %get3A_2591 = arith.constant 0 : index
    %get3A_2592 = vector.load %arg2[%get3A_2589, %get3A_2590, %get3A_2591] : memref<65x128x256xf32, #tpu.memory_space<vmem>>, vector<1x128x256xf32>
    %get3A_2593 = vector.shape_cast %get3A_2592 : vector<1x128x256xf32> to vector<128x256xf32>
    %dot_general3A_2594 = arith.constant dense<0.000000e+00> : vector<128x256xf32>
    %dot_general3A_2595 = tpu.matmul %get3A_2552, %get3A_2593, %dot_general3A_2594 {dimension_numbers = #tpu.dot_dimension_numbers<[1], [0], [0], [1], [0, 0, 1, 1], [], []>, transpose_lhs_hint = false} : vector<128x128xf32>, vector<128x256xf32>, vector<128x256xf32> -> vector<128x256xf32>
    %get3A_2596 = arith.constant 45 : index
    %get3A_2597 = arith.constant 0 : index
    %get3A_2598 = arith.constant 0 : index
    %get3A_2599 = vector.load %arg3[%get3A_2596, %get3A_2597, %get3A_2598] : memref<65x128x256xf32, #tpu.memory_space<vmem>>, vector<1x128x256xf32>
    %get3A_2600 = vector.shape_cast %get3A_2599 : vector<1x128x256xf32> to vector<128x256xf32>
    %dot_general3A_2601 = arith.constant dense<0.000000e+00> : vector<128x256xf32>
    %dot_general3A_2602 = tpu.matmul %select_n3A_2588, %get3A_2600, %dot_general3A_2601 {dimension_numbers = #tpu.dot_dimension_numbers<[1], [0], [0], [1], [0, 0, 1, 1], [], []>, transpose_lhs_hint = false} : vector<128x128xf32>, vector<128x256xf32>, vector<128x256xf32> -> vector<128x256xf32>
    %add3A_2603 = arith.addf %dot_general3A_2595, %dot_general3A_2602 : vector<128x256xf32>
    %swap3A_2604 = arith.constant 0 : index
    %swap3A_2605 = arith.constant 11520 : index
    %swap3A_2606 = vector.load %arg4[%swap3A_2604, %swap3A_2605] : memref<128x16416xf32, #tpu.memory_space<vmem>>, vector<128x256xf32>
    tpu.vector_store %arg4[%swap3A_2604, %swap3A_2605], %add3A_2603 {strides = array<i32>} : memref<128x16416xf32, #tpu.memory_space<vmem>>, vector<128x256xf32>,
    %get3A_2607 = arith.constant 0 : index
    %get3A_2608 = arith.constant 5888 : index
    %get3A_2609 = vector.load %arg1[%get3A_2607, %get3A_2608] : memref<128x8208xf32, #tpu.memory_space<vmem>>, vector<128x128xf32>
    %slice3A_2610 = vector.extract_strided_slice %get3A_2609 {offsets = [1, 0], sizes = [127, 128], strides = [1, 1]} : vector<128x128xf32> to vector<127x128xf32>
    %slice3A_2611 = vector.extract_strided_slice %get3A_2609 {offsets = [0, 0], sizes = [1, 128], strides = [1, 1]} : vector<128x128xf32> to vector<1x128xf32>
    %concatenate3A_2612 = tpu.concatenate %slice3A_2610, %slice3A_2611 in 0 : vector<127x128xf32>, vector<1x128xf32> -> vector<128x128xf32>
    %slice3A_2613 = vector.extract_strided_slice %get3A_2609 {offsets = [127, 0], sizes = [1, 128], strides = [1, 1]} : vector<128x128xf32> to vector<1x128xf32>
    %slice3A_2614 = vector.extract_strided_slice %get3A_2609 {offsets = [0, 0], sizes = [127, 128], strides = [1, 1]} : vector<128x128xf32> to vector<127x128xf32>
    %concatenate3A_2615 = tpu.concatenate %slice3A_2613, %slice3A_2614 in 0 : vector<1x128xf32>, vector<127x128xf32> -> vector<128x128xf32>
    %iota3A_2616 = tpu.iota {dimensions = array<i32: 0>} : vector<128x128xi32>
    %jit3A_2617 = arith.constant 2 : i32
    %eq3A_2618 = arith.constant 0 : i32
    %eq3A_2619 = arith.cmpi eq, %jit3A_2617, %eq3A_2618 : i32
    %jit3A_2620 = arith.constant 1 : i32
    %select_n3A_2621 = arith.select %eq3A_2619, %jit3A_2620, %jit3A_2617 : i32
    %rem3A_2622 = vector.broadcast %select_n3A_2621 : i32 to vector<128x128xi32>
    %rem3A_2623 = arith.remsi %iota3A_2616, %rem3A_2622 : vector<128x128xi32>
    %ne3A_2624 = arith.constant 0 : i32
    %ne3A_2625 = vector.broadcast %ne3A_2624 : i32 to vector<128x128xi32>
    %ne3A_2626 = arith.cmpi ne, %rem3A_2623, %ne3A_2625 : vector<128x128xi32>
    %lt3A_2627 = arith.constant 0 : i32
    %lt3A_2628 = vector.broadcast %lt3A_2627 : i32 to vector<128x128xi32>
    %lt3A_2629 = arith.cmpi slt, %rem3A_2623, %lt3A_2628 : vector<128x128xi32>
    %lt3A_2630 = arith.constant 0 : i32
    %lt3A_2631 = arith.cmpi slt, %select_n3A_2621, %lt3A_2630 : i32
    %ne3A_2632 = vector.broadcast %lt3A_2631 : i1 to vector<128x128xi1>
    %ne3A_2633 = vector.broadcast %ne3A_2632 : vector<128x128xi1> to vector<128x128xi1>
    %ne3A_2634 = arith.xori %lt3A_2629, %ne3A_2633 : vector<128x128xi1>
    %and3A_2635 = arith.andi %ne3A_2634, %ne3A_2626 : vector<128x128xi1>
    %add3A_2636 = vector.broadcast %select_n3A_2621 : i32 to vector<128x128xi32>
    %add3A_2637 = arith.addi %rem3A_2623, %add3A_2636 : vector<128x128xi32>
    %select_n3A_2638 = arith.select %and3A_2635, %add3A_2637, %rem3A_2623 : vector<128x128xi1>, vector<128x128xi32>
    %eq3A_2639 = arith.constant 0 : i32
    %eq3A_2640 = vector.broadcast %eq3A_2639 : i32 to vector<128x128xi32>
    %eq3A_2641 = arith.cmpi eq, %select_n3A_2638, %eq3A_2640 : vector<128x128xi32>
    %neg3A_2642 = arith.constant 0.000000e+00 : f32
    %neg3A_2643 = vector.broadcast %neg3A_2642 : f32 to vector<128x128xf32>
    %neg3A_2644 = arith.subf %neg3A_2643, %concatenate3A_2612 : vector<128x128xf32>
    %select_n3A_2645 = arith.select %eq3A_2641, %neg3A_2644, %concatenate3A_2615 : vector<128x128xi1>, vector<128x128xf32>
    %get3A_2646 = arith.constant 46 : index
    %get3A_2647 = arith.constant 0 : index
    %get3A_2648 = arith.constant 0 : index
    %get3A_2649 = vector.load %arg2[%get3A_2646, %get3A_2647, %get3A_2648] : memref<65x128x256xf32, #tpu.memory_space<vmem>>, vector<1x128x256xf32>
    %get3A_2650 = vector.shape_cast %get3A_2649 : vector<1x128x256xf32> to vector<128x256xf32>
    %dot_general3A_2651 = arith.constant dense<0.000000e+00> : vector<128x256xf32>
    %dot_general3A_2652 = tpu.matmul %get3A_2609, %get3A_2650, %dot_general3A_2651 {dimension_numbers = #tpu.dot_dimension_numbers<[1], [0], [0], [1], [0, 0, 1, 1], [], []>, transpose_lhs_hint = false} : vector<128x128xf32>, vector<128x256xf32>, vector<128x256xf32> -> vector<128x256xf32>
    %get3A_2653 = arith.constant 46 : index
    %get3A_2654 = arith.constant 0 : index
    %get3A_2655 = arith.constant 0 : index
    %get3A_2656 = vector.load %arg3[%get3A_2653, %get3A_2654, %get3A_2655] : memref<65x128x256xf32, #tpu.memory_space<vmem>>, vector<1x128x256xf32>
    %get3A_2657 = vector.shape_cast %get3A_2656 : vector<1x128x256xf32> to vector<128x256xf32>
    %dot_general3A_2658 = arith.constant dense<0.000000e+00> : vector<128x256xf32>
    %dot_general3A_2659 = tpu.matmul %select_n3A_2645, %get3A_2657, %dot_general3A_2658 {dimension_numbers = #tpu.dot_dimension_numbers<[1], [0], [0], [1], [0, 0, 1, 1], [], []>, transpose_lhs_hint = false} : vector<128x128xf32>, vector<128x256xf32>, vector<128x256xf32> -> vector<128x256xf32>
    %add3A_2660 = arith.addf %dot_general3A_2652, %dot_general3A_2659 : vector<128x256xf32>
    %swap3A_2661 = arith.constant 0 : index
    %swap3A_2662 = arith.constant 11776 : index
    %swap3A_2663 = vector.load %arg4[%swap3A_2661, %swap3A_2662] : memref<128x16416xf32, #tpu.memory_space<vmem>>, vector<128x256xf32>
    tpu.vector_store %arg4[%swap3A_2661, %swap3A_2662], %add3A_2660 {strides = array<i32>} : memref<128x16416xf32, #tpu.memory_space<vmem>>, vector<128x256xf32>,
    %get3A_2664 = arith.constant 0 : index
    %get3A_2665 = arith.constant 6016 : index
    %get3A_2666 = vector.load %arg1[%get3A_2664, %get3A_2665] : memref<128x8208xf32, #tpu.memory_space<vmem>>, vector<128x128xf32>
    %slice3A_2667 = vector.extract_strided_slice %get3A_2666 {offsets = [1, 0], sizes = [127, 128], strides = [1, 1]} : vector<128x128xf32> to vector<127x128xf32>
    %slice3A_2668 = vector.extract_strided_slice %get3A_2666 {offsets = [0, 0], sizes = [1, 128], strides = [1, 1]} : vector<128x128xf32> to vector<1x128xf32>
    %concatenate3A_2669 = tpu.concatenate %slice3A_2667, %slice3A_2668 in 0 : vector<127x128xf32>, vector<1x128xf32> -> vector<128x128xf32>
    %slice3A_2670 = vector.extract_strided_slice %get3A_2666 {offsets = [127, 0], sizes = [1, 128], strides = [1, 1]} : vector<128x128xf32> to vector<1x128xf32>
    %slice3A_2671 = vector.extract_strided_slice %get3A_2666 {offsets = [0, 0], sizes = [127, 128], strides = [1, 1]} : vector<128x128xf32> to vector<127x128xf32>
    %concatenate3A_2672 = tpu.concatenate %slice3A_2670, %slice3A_2671 in 0 : vector<1x128xf32>, vector<127x128xf32> -> vector<128x128xf32>
    %iota3A_2673 = tpu.iota {dimensions = array<i32: 0>} : vector<128x128xi32>
    %jit3A_2674 = arith.constant 2 : i32
    %eq3A_2675 = arith.constant 0 : i32
    %eq3A_2676 = arith.cmpi eq, %jit3A_2674, %eq3A_2675 : i32
    %jit3A_2677 = arith.constant 1 : i32
    %select_n3A_2678 = arith.select %eq3A_2676, %jit3A_2677, %jit3A_2674 : i32
    %rem3A_2679 = vector.broadcast %select_n3A_2678 : i32 to vector<128x128xi32>
    %rem3A_2680 = arith.remsi %iota3A_2673, %rem3A_2679 : vector<128x128xi32>
    %ne3A_2681 = arith.constant 0 : i32
    %ne3A_2682 = vector.broadcast %ne3A_2681 : i32 to vector<128x128xi32>
    %ne3A_2683 = arith.cmpi ne, %rem3A_2680, %ne3A_2682 : vector<128x128xi32>
    %lt3A_2684 = arith.constant 0 : i32
    %lt3A_2685 = vector.broadcast %lt3A_2684 : i32 to vector<128x128xi32>
    %lt3A_2686 = arith.cmpi slt, %rem3A_2680, %lt3A_2685 : vector<128x128xi32>
    %lt3A_2687 = arith.constant 0 : i32
    %lt3A_2688 = arith.cmpi slt, %select_n3A_2678, %lt3A_2687 : i32
    %ne3A_2689 = vector.broadcast %lt3A_2688 : i1 to vector<128x128xi1>
    %ne3A_2690 = vector.broadcast %ne3A_2689 : vector<128x128xi1> to vector<128x128xi1>
    %ne3A_2691 = arith.xori %lt3A_2686, %ne3A_2690 : vector<128x128xi1>
    %and3A_2692 = arith.andi %ne3A_2691, %ne3A_2683 : vector<128x128xi1>
    %add3A_2693 = vector.broadcast %select_n3A_2678 : i32 to vector<128x128xi32>
    %add3A_2694 = arith.addi %rem3A_2680, %add3A_2693 : vector<128x128xi32>
    %select_n3A_2695 = arith.select %and3A_2692, %add3A_2694, %rem3A_2680 : vector<128x128xi1>, vector<128x128xi32>
    %eq3A_2696 = arith.constant 0 : i32
    %eq3A_2697 = vector.broadcast %eq3A_2696 : i32 to vector<128x128xi32>
    %eq3A_2698 = arith.cmpi eq, %select_n3A_2695, %eq3A_2697 : vector<128x128xi32>
    %neg3A_2699 = arith.constant 0.000000e+00 : f32
    %neg3A_2700 = vector.broadcast %neg3A_2699 : f32 to vector<128x128xf32>
    %neg3A_2701 = arith.subf %neg3A_2700, %concatenate3A_2669 : vector<128x128xf32>
    %select_n3A_2702 = arith.select %eq3A_2698, %neg3A_2701, %concatenate3A_2672 : vector<128x128xi1>, vector<128x128xf32>
    %get3A_2703 = arith.constant 47 : index
    %get3A_2704 = arith.constant 0 : index
    %get3A_2705 = arith.constant 0 : index
    %get3A_2706 = vector.load %arg2[%get3A_2703, %get3A_2704, %get3A_2705] : memref<65x128x256xf32, #tpu.memory_space<vmem>>, vector<1x128x256xf32>
    %get3A_2707 = vector.shape_cast %get3A_2706 : vector<1x128x256xf32> to vector<128x256xf32>
    %dot_general3A_2708 = arith.constant dense<0.000000e+00> : vector<128x256xf32>
    %dot_general3A_2709 = tpu.matmul %get3A_2666, %get3A_2707, %dot_general3A_2708 {dimension_numbers = #tpu.dot_dimension_numbers<[1], [0], [0], [1], [0, 0, 1, 1], [], []>, transpose_lhs_hint = false} : vector<128x128xf32>, vector<128x256xf32>, vector<128x256xf32> -> vector<128x256xf32>
    %get3A_2710 = arith.constant 47 : index
    %get3A_2711 = arith.constant 0 : index
    %get3A_2712 = arith.constant 0 : index
    %get3A_2713 = vector.load %arg3[%get3A_2710, %get3A_2711, %get3A_2712] : memref<65x128x256xf32, #tpu.memory_space<vmem>>, vector<1x128x256xf32>
    %get3A_2714 = vector.shape_cast %get3A_2713 : vector<1x128x256xf32> to vector<128x256xf32>
    %dot_general3A_2715 = arith.constant dense<0.000000e+00> : vector<128x256xf32>
    %dot_general3A_2716 = tpu.matmul %select_n3A_2702, %get3A_2714, %dot_general3A_2715 {dimension_numbers = #tpu.dot_dimension_numbers<[1], [0], [0], [1], [0, 0, 1, 1], [], []>, transpose_lhs_hint = false} : vector<128x128xf32>, vector<128x256xf32>, vector<128x256xf32> -> vector<128x256xf32>
    %add3A_2717 = arith.addf %dot_general3A_2709, %dot_general3A_2716 : vector<128x256xf32>
    %swap3A_2718 = arith.constant 0 : index
    %swap3A_2719 = arith.constant 12032 : index
    %swap3A_2720 = vector.load %arg4[%swap3A_2718, %swap3A_2719] : memref<128x16416xf32, #tpu.memory_space<vmem>>, vector<128x256xf32>
    tpu.vector_store %arg4[%swap3A_2718, %swap3A_2719], %add3A_2717 {strides = array<i32>} : memref<128x16416xf32, #tpu.memory_space<vmem>>, vector<128x256xf32>,
    %get3A_2721 = arith.constant 0 : index
    %get3A_2722 = arith.constant 6144 : index
    %get3A_2723 = vector.load %arg1[%get3A_2721, %get3A_2722] : memref<128x8208xf32, #tpu.memory_space<vmem>>, vector<128x128xf32>
    %slice3A_2724 = vector.extract_strided_slice %get3A_2723 {offsets = [1, 0], sizes = [127, 128], strides = [1, 1]} : vector<128x128xf32> to vector<127x128xf32>
    %slice3A_2725 = vector.extract_strided_slice %get3A_2723 {offsets = [0, 0], sizes = [1, 128], strides = [1, 1]} : vector<128x128xf32> to vector<1x128xf32>
    %concatenate3A_2726 = tpu.concatenate %slice3A_2724, %slice3A_2725 in 0 : vector<127x128xf32>, vector<1x128xf32> -> vector<128x128xf32>
    %slice3A_2727 = vector.extract_strided_slice %get3A_2723 {offsets = [127, 0], sizes = [1, 128], strides = [1, 1]} : vector<128x128xf32> to vector<1x128xf32>
    %slice3A_2728 = vector.extract_strided_slice %get3A_2723 {offsets = [0, 0], sizes = [127, 128], strides = [1, 1]} : vector<128x128xf32> to vector<127x128xf32>
    %concatenate3A_2729 = tpu.concatenate %slice3A_2727, %slice3A_2728 in 0 : vector<1x128xf32>, vector<127x128xf32> -> vector<128x128xf32>
    %iota3A_2730 = tpu.iota {dimensions = array<i32: 0>} : vector<128x128xi32>
    %jit3A_2731 = arith.constant 2 : i32
    %eq3A_2732 = arith.constant 0 : i32
    %eq3A_2733 = arith.cmpi eq, %jit3A_2731, %eq3A_2732 : i32
    %jit3A_2734 = arith.constant 1 : i32
    %select_n3A_2735 = arith.select %eq3A_2733, %jit3A_2734, %jit3A_2731 : i32
    %rem3A_2736 = vector.broadcast %select_n3A_2735 : i32 to vector<128x128xi32>
    %rem3A_2737 = arith.remsi %iota3A_2730, %rem3A_2736 : vector<128x128xi32>
    %ne3A_2738 = arith.constant 0 : i32
    %ne3A_2739 = vector.broadcast %ne3A_2738 : i32 to vector<128x128xi32>
    %ne3A_2740 = arith.cmpi ne, %rem3A_2737, %ne3A_2739 : vector<128x128xi32>
    %lt3A_2741 = arith.constant 0 : i32
    %lt3A_2742 = vector.broadcast %lt3A_2741 : i32 to vector<128x128xi32>
    %lt3A_2743 = arith.cmpi slt, %rem3A_2737, %lt3A_2742 : vector<128x128xi32>
    %lt3A_2744 = arith.constant 0 : i32
    %lt3A_2745 = arith.cmpi slt, %select_n3A_2735, %lt3A_2744 : i32
    %ne3A_2746 = vector.broadcast %lt3A_2745 : i1 to vector<128x128xi1>
    %ne3A_2747 = vector.broadcast %ne3A_2746 : vector<128x128xi1> to vector<128x128xi1>
    %ne3A_2748 = arith.xori %lt3A_2743, %ne3A_2747 : vector<128x128xi1>
    %and3A_2749 = arith.andi %ne3A_2748, %ne3A_2740 : vector<128x128xi1>
    %add3A_2750 = vector.broadcast %select_n3A_2735 : i32 to vector<128x128xi32>
    %add3A_2751 = arith.addi %rem3A_2737, %add3A_2750 : vector<128x128xi32>
    %select_n3A_2752 = arith.select %and3A_2749, %add3A_2751, %rem3A_2737 : vector<128x128xi1>, vector<128x128xi32>
    %eq3A_2753 = arith.constant 0 : i32
    %eq3A_2754 = vector.broadcast %eq3A_2753 : i32 to vector<128x128xi32>
    %eq3A_2755 = arith.cmpi eq, %select_n3A_2752, %eq3A_2754 : vector<128x128xi32>
    %neg3A_2756 = arith.constant 0.000000e+00 : f32
    %neg3A_2757 = vector.broadcast %neg3A_2756 : f32 to vector<128x128xf32>
    %neg3A_2758 = arith.subf %neg3A_2757, %concatenate3A_2726 : vector<128x128xf32>
    %select_n3A_2759 = arith.select %eq3A_2755, %neg3A_2758, %concatenate3A_2729 : vector<128x128xi1>, vector<128x128xf32>
    %get3A_2760 = arith.constant 48 : index
    %get3A_2761 = arith.constant 0 : index
    %get3A_2762 = arith.constant 0 : index
    %get3A_2763 = vector.load %arg2[%get3A_2760, %get3A_2761, %get3A_2762] : memref<65x128x256xf32, #tpu.memory_space<vmem>>, vector<1x128x256xf32>
    %get3A_2764 = vector.shape_cast %get3A_2763 : vector<1x128x256xf32> to vector<128x256xf32>
    %dot_general3A_2765 = arith.constant dense<0.000000e+00> : vector<128x256xf32>
    %dot_general3A_2766 = tpu.matmul %get3A_2723, %get3A_2764, %dot_general3A_2765 {dimension_numbers = #tpu.dot_dimension_numbers<[1], [0], [0], [1], [0, 0, 1, 1], [], []>, transpose_lhs_hint = false} : vector<128x128xf32>, vector<128x256xf32>, vector<128x256xf32> -> vector<128x256xf32>
    %get3A_2767 = arith.constant 48 : index
    %get3A_2768 = arith.constant 0 : index
    %get3A_2769 = arith.constant 0 : index
    %get3A_2770 = vector.load %arg3[%get3A_2767, %get3A_2768, %get3A_2769] : memref<65x128x256xf32, #tpu.memory_space<vmem>>, vector<1x128x256xf32>
    %get3A_2771 = vector.shape_cast %get3A_2770 : vector<1x128x256xf32> to vector<128x256xf32>
    %dot_general3A_2772 = arith.constant dense<0.000000e+00> : vector<128x256xf32>
    %dot_general3A_2773 = tpu.matmul %select_n3A_2759, %get3A_2771, %dot_general3A_2772 {dimension_numbers = #tpu.dot_dimension_numbers<[1], [0], [0], [1], [0, 0, 1, 1], [], []>, transpose_lhs_hint = false} : vector<128x128xf32>, vector<128x256xf32>, vector<128x256xf32> -> vector<128x256xf32>
    %add3A_2774 = arith.addf %dot_general3A_2766, %dot_general3A_2773 : vector<128x256xf32>
    %swap3A_2775 = arith.constant 0 : index
    %swap3A_2776 = arith.constant 12288 : index
    %swap3A_2777 = vector.load %arg4[%swap3A_2775, %swap3A_2776] : memref<128x16416xf32, #tpu.memory_space<vmem>>, vector<128x256xf32>
    tpu.vector_store %arg4[%swap3A_2775, %swap3A_2776], %add3A_2774 {strides = array<i32>} : memref<128x16416xf32, #tpu.memory_space<vmem>>, vector<128x256xf32>,
    %get3A_2778 = arith.constant 0 : index
    %get3A_2779 = arith.constant 6272 : index
    %get3A_2780 = vector.load %arg1[%get3A_2778, %get3A_2779] : memref<128x8208xf32, #tpu.memory_space<vmem>>, vector<128x128xf32>
    %slice3A_2781 = vector.extract_strided_slice %get3A_2780 {offsets = [1, 0], sizes = [127, 128], strides = [1, 1]} : vector<128x128xf32> to vector<127x128xf32>
    %slice3A_2782 = vector.extract_strided_slice %get3A_2780 {offsets = [0, 0], sizes = [1, 128], strides = [1, 1]} : vector<128x128xf32> to vector<1x128xf32>
    %concatenate3A_2783 = tpu.concatenate %slice3A_2781, %slice3A_2782 in 0 : vector<127x128xf32>, vector<1x128xf32> -> vector<128x128xf32>
    %slice3A_2784 = vector.extract_strided_slice %get3A_2780 {offsets = [127, 0], sizes = [1, 128], strides = [1, 1]} : vector<128x128xf32> to vector<1x128xf32>
    %slice3A_2785 = vector.extract_strided_slice %get3A_2780 {offsets = [0, 0], sizes = [127, 128], strides = [1, 1]} : vector<128x128xf32> to vector<127x128xf32>
    %concatenate3A_2786 = tpu.concatenate %slice3A_2784, %slice3A_2785 in 0 : vector<1x128xf32>, vector<127x128xf32> -> vector<128x128xf32>
    %iota3A_2787 = tpu.iota {dimensions = array<i32: 0>} : vector<128x128xi32>
    %jit3A_2788 = arith.constant 2 : i32
    %eq3A_2789 = arith.constant 0 : i32
    %eq3A_2790 = arith.cmpi eq, %jit3A_2788, %eq3A_2789 : i32
    %jit3A_2791 = arith.constant 1 : i32
    %select_n3A_2792 = arith.select %eq3A_2790, %jit3A_2791, %jit3A_2788 : i32
    %rem3A_2793 = vector.broadcast %select_n3A_2792 : i32 to vector<128x128xi32>
    %rem3A_2794 = arith.remsi %iota3A_2787, %rem3A_2793 : vector<128x128xi32>
    %ne3A_2795 = arith.constant 0 : i32
    %ne3A_2796 = vector.broadcast %ne3A_2795 : i32 to vector<128x128xi32>
    %ne3A_2797 = arith.cmpi ne, %rem3A_2794, %ne3A_2796 : vector<128x128xi32>
    %lt3A_2798 = arith.constant 0 : i32
    %lt3A_2799 = vector.broadcast %lt3A_2798 : i32 to vector<128x128xi32>
    %lt3A_2800 = arith.cmpi slt, %rem3A_2794, %lt3A_2799 : vector<128x128xi32>
    %lt3A_2801 = arith.constant 0 : i32
    %lt3A_2802 = arith.cmpi slt, %select_n3A_2792, %lt3A_2801 : i32
    %ne3A_2803 = vector.broadcast %lt3A_2802 : i1 to vector<128x128xi1>
    %ne3A_2804 = vector.broadcast %ne3A_2803 : vector<128x128xi1> to vector<128x128xi1>
    %ne3A_2805 = arith.xori %lt3A_2800, %ne3A_2804 : vector<128x128xi1>
    %and3A_2806 = arith.andi %ne3A_2805, %ne3A_2797 : vector<128x128xi1>
    %add3A_2807 = vector.broadcast %select_n3A_2792 : i32 to vector<128x128xi32>
    %add3A_2808 = arith.addi %rem3A_2794, %add3A_2807 : vector<128x128xi32>
    %select_n3A_2809 = arith.select %and3A_2806, %add3A_2808, %rem3A_2794 : vector<128x128xi1>, vector<128x128xi32>
    %eq3A_2810 = arith.constant 0 : i32
    %eq3A_2811 = vector.broadcast %eq3A_2810 : i32 to vector<128x128xi32>
    %eq3A_2812 = arith.cmpi eq, %select_n3A_2809, %eq3A_2811 : vector<128x128xi32>
    %neg3A_2813 = arith.constant 0.000000e+00 : f32
    %neg3A_2814 = vector.broadcast %neg3A_2813 : f32 to vector<128x128xf32>
    %neg3A_2815 = arith.subf %neg3A_2814, %concatenate3A_2783 : vector<128x128xf32>
    %select_n3A_2816 = arith.select %eq3A_2812, %neg3A_2815, %concatenate3A_2786 : vector<128x128xi1>, vector<128x128xf32>
    %get3A_2817 = arith.constant 49 : index
    %get3A_2818 = arith.constant 0 : index
    %get3A_2819 = arith.constant 0 : index
    %get3A_2820 = vector.load %arg2[%get3A_2817, %get3A_2818, %get3A_2819] : memref<65x128x256xf32, #tpu.memory_space<vmem>>, vector<1x128x256xf32>
    %get3A_2821 = vector.shape_cast %get3A_2820 : vector<1x128x256xf32> to vector<128x256xf32>
    %dot_general3A_2822 = arith.constant dense<0.000000e+00> : vector<128x256xf32>
    %dot_general3A_2823 = tpu.matmul %get3A_2780, %get3A_2821, %dot_general3A_2822 {dimension_numbers = #tpu.dot_dimension_numbers<[1], [0], [0], [1], [0, 0, 1, 1], [], []>, transpose_lhs_hint = false} : vector<128x128xf32>, vector<128x256xf32>, vector<128x256xf32> -> vector<128x256xf32>
    %get3A_2824 = arith.constant 49 : index
    %get3A_2825 = arith.constant 0 : index
    %get3A_2826 = arith.constant 0 : index
    %get3A_2827 = vector.load %arg3[%get3A_2824, %get3A_2825, %get3A_2826] : memref<65x128x256xf32, #tpu.memory_space<vmem>>, vector<1x128x256xf32>
    %get3A_2828 = vector.shape_cast %get3A_2827 : vector<1x128x256xf32> to vector<128x256xf32>
    %dot_general3A_2829 = arith.constant dense<0.000000e+00> : vector<128x256xf32>
    %dot_general3A_2830 = tpu.matmul %select_n3A_2816, %get3A_2828, %dot_general3A_2829 {dimension_numbers = #tpu.dot_dimension_numbers<[1], [0], [0], [1], [0, 0, 1, 1], [], []>, transpose_lhs_hint = false} : vector<128x128xf32>, vector<128x256xf32>, vector<128x256xf32> -> vector<128x256xf32>
    %add3A_2831 = arith.addf %dot_general3A_2823, %dot_general3A_2830 : vector<128x256xf32>
    %swap3A_2832 = arith.constant 0 : index
    %swap3A_2833 = arith.constant 12544 : index
    %swap3A_2834 = vector.load %arg4[%swap3A_2832, %swap3A_2833] : memref<128x16416xf32, #tpu.memory_space<vmem>>, vector<128x256xf32>
    tpu.vector_store %arg4[%swap3A_2832, %swap3A_2833], %add3A_2831 {strides = array<i32>} : memref<128x16416xf32, #tpu.memory_space<vmem>>, vector<128x256xf32>,
    %get3A_2835 = arith.constant 0 : index
    %get3A_2836 = arith.constant 6400 : index
    %get3A_2837 = vector.load %arg1[%get3A_2835, %get3A_2836] : memref<128x8208xf32, #tpu.memory_space<vmem>>, vector<128x128xf32>
    %slice3A_2838 = vector.extract_strided_slice %get3A_2837 {offsets = [1, 0], sizes = [127, 128], strides = [1, 1]} : vector<128x128xf32> to vector<127x128xf32>
    %slice3A_2839 = vector.extract_strided_slice %get3A_2837 {offsets = [0, 0], sizes = [1, 128], strides = [1, 1]} : vector<128x128xf32> to vector<1x128xf32>
    %concatenate3A_2840 = tpu.concatenate %slice3A_2838, %slice3A_2839 in 0 : vector<127x128xf32>, vector<1x128xf32> -> vector<128x128xf32>
    %slice3A_2841 = vector.extract_strided_slice %get3A_2837 {offsets = [127, 0], sizes = [1, 128], strides = [1, 1]} : vector<128x128xf32> to vector<1x128xf32>
    %slice3A_2842 = vector.extract_strided_slice %get3A_2837 {offsets = [0, 0], sizes = [127, 128], strides = [1, 1]} : vector<128x128xf32> to vector<127x128xf32>
    %concatenate3A_2843 = tpu.concatenate %slice3A_2841, %slice3A_2842 in 0 : vector<1x128xf32>, vector<127x128xf32> -> vector<128x128xf32>
    %iota3A_2844 = tpu.iota {dimensions = array<i32: 0>} : vector<128x128xi32>
    %jit3A_2845 = arith.constant 2 : i32
    %eq3A_2846 = arith.constant 0 : i32
    %eq3A_2847 = arith.cmpi eq, %jit3A_2845, %eq3A_2846 : i32
    %jit3A_2848 = arith.constant 1 : i32
    %select_n3A_2849 = arith.select %eq3A_2847, %jit3A_2848, %jit3A_2845 : i32
    %rem3A_2850 = vector.broadcast %select_n3A_2849 : i32 to vector<128x128xi32>
    %rem3A_2851 = arith.remsi %iota3A_2844, %rem3A_2850 : vector<128x128xi32>
    %ne3A_2852 = arith.constant 0 : i32
    %ne3A_2853 = vector.broadcast %ne3A_2852 : i32 to vector<128x128xi32>
    %ne3A_2854 = arith.cmpi ne, %rem3A_2851, %ne3A_2853 : vector<128x128xi32>
    %lt3A_2855 = arith.constant 0 : i32
    %lt3A_2856 = vector.broadcast %lt3A_2855 : i32 to vector<128x128xi32>
    %lt3A_2857 = arith.cmpi slt, %rem3A_2851, %lt3A_2856 : vector<128x128xi32>
    %lt3A_2858 = arith.constant 0 : i32
    %lt3A_2859 = arith.cmpi slt, %select_n3A_2849, %lt3A_2858 : i32
    %ne3A_2860 = vector.broadcast %lt3A_2859 : i1 to vector<128x128xi1>
    %ne3A_2861 = vector.broadcast %ne3A_2860 : vector<128x128xi1> to vector<128x128xi1>
    %ne3A_2862 = arith.xori %lt3A_2857, %ne3A_2861 : vector<128x128xi1>
    %and3A_2863 = arith.andi %ne3A_2862, %ne3A_2854 : vector<128x128xi1>
    %add3A_2864 = vector.broadcast %select_n3A_2849 : i32 to vector<128x128xi32>
    %add3A_2865 = arith.addi %rem3A_2851, %add3A_2864 : vector<128x128xi32>
    %select_n3A_2866 = arith.select %and3A_2863, %add3A_2865, %rem3A_2851 : vector<128x128xi1>, vector<128x128xi32>
    %eq3A_2867 = arith.constant 0 : i32
    %eq3A_2868 = vector.broadcast %eq3A_2867 : i32 to vector<128x128xi32>
    %eq3A_2869 = arith.cmpi eq, %select_n3A_2866, %eq3A_2868 : vector<128x128xi32>
    %neg3A_2870 = arith.constant 0.000000e+00 : f32
    %neg3A_2871 = vector.broadcast %neg3A_2870 : f32 to vector<128x128xf32>
    %neg3A_2872 = arith.subf %neg3A_2871, %concatenate3A_2840 : vector<128x128xf32>
    %select_n3A_2873 = arith.select %eq3A_2869, %neg3A_2872, %concatenate3A_2843 : vector<128x128xi1>, vector<128x128xf32>
    %get3A_2874 = arith.constant 50 : index
    %get3A_2875 = arith.constant 0 : index
    %get3A_2876 = arith.constant 0 : index
    %get3A_2877 = vector.load %arg2[%get3A_2874, %get3A_2875, %get3A_2876] : memref<65x128x256xf32, #tpu.memory_space<vmem>>, vector<1x128x256xf32>
    %get3A_2878 = vector.shape_cast %get3A_2877 : vector<1x128x256xf32> to vector<128x256xf32>
    %dot_general3A_2879 = arith.constant dense<0.000000e+00> : vector<128x256xf32>
    %dot_general3A_2880 = tpu.matmul %get3A_2837, %get3A_2878, %dot_general3A_2879 {dimension_numbers = #tpu.dot_dimension_numbers<[1], [0], [0], [1], [0, 0, 1, 1], [], []>, transpose_lhs_hint = false} : vector<128x128xf32>, vector<128x256xf32>, vector<128x256xf32> -> vector<128x256xf32>
    %get3A_2881 = arith.constant 50 : index
    %get3A_2882 = arith.constant 0 : index
    %get3A_2883 = arith.constant 0 : index
    %get3A_2884 = vector.load %arg3[%get3A_2881, %get3A_2882, %get3A_2883] : memref<65x128x256xf32, #tpu.memory_space<vmem>>, vector<1x128x256xf32>
    %get3A_2885 = vector.shape_cast %get3A_2884 : vector<1x128x256xf32> to vector<128x256xf32>
    %dot_general3A_2886 = arith.constant dense<0.000000e+00> : vector<128x256xf32>
    %dot_general3A_2887 = tpu.matmul %select_n3A_2873, %get3A_2885, %dot_general3A_2886 {dimension_numbers = #tpu.dot_dimension_numbers<[1], [0], [0], [1], [0, 0, 1, 1], [], []>, transpose_lhs_hint = false} : vector<128x128xf32>, vector<128x256xf32>, vector<128x256xf32> -> vector<128x256xf32>
    %add3A_2888 = arith.addf %dot_general3A_2880, %dot_general3A_2887 : vector<128x256xf32>
    %swap3A_2889 = arith.constant 0 : index
    %swap3A_2890 = arith.constant 12800 : index
    %swap3A_2891 = vector.load %arg4[%swap3A_2889, %swap3A_2890] : memref<128x16416xf32, #tpu.memory_space<vmem>>, vector<128x256xf32>
    tpu.vector_store %arg4[%swap3A_2889, %swap3A_2890], %add3A_2888 {strides = array<i32>} : memref<128x16416xf32, #tpu.memory_space<vmem>>, vector<128x256xf32>,
    %get3A_2892 = arith.constant 0 : index
    %get3A_2893 = arith.constant 6528 : index
    %get3A_2894 = vector.load %arg1[%get3A_2892, %get3A_2893] : memref<128x8208xf32, #tpu.memory_space<vmem>>, vector<128x128xf32>
    %slice3A_2895 = vector.extract_strided_slice %get3A_2894 {offsets = [1, 0], sizes = [127, 128], strides = [1, 1]} : vector<128x128xf32> to vector<127x128xf32>
    %slice3A_2896 = vector.extract_strided_slice %get3A_2894 {offsets = [0, 0], sizes = [1, 128], strides = [1, 1]} : vector<128x128xf32> to vector<1x128xf32>
    %concatenate3A_2897 = tpu.concatenate %slice3A_2895, %slice3A_2896 in 0 : vector<127x128xf32>, vector<1x128xf32> -> vector<128x128xf32>
    %slice3A_2898 = vector.extract_strided_slice %get3A_2894 {offsets = [127, 0], sizes = [1, 128], strides = [1, 1]} : vector<128x128xf32> to vector<1x128xf32>
    %slice3A_2899 = vector.extract_strided_slice %get3A_2894 {offsets = [0, 0], sizes = [127, 128], strides = [1, 1]} : vector<128x128xf32> to vector<127x128xf32>
    %concatenate3A_2900 = tpu.concatenate %slice3A_2898, %slice3A_2899 in 0 : vector<1x128xf32>, vector<127x128xf32> -> vector<128x128xf32>
    %iota3A_2901 = tpu.iota {dimensions = array<i32: 0>} : vector<128x128xi32>
    %jit3A_2902 = arith.constant 2 : i32
    %eq3A_2903 = arith.constant 0 : i32
    %eq3A_2904 = arith.cmpi eq, %jit3A_2902, %eq3A_2903 : i32
    %jit3A_2905 = arith.constant 1 : i32
    %select_n3A_2906 = arith.select %eq3A_2904, %jit3A_2905, %jit3A_2902 : i32
    %rem3A_2907 = vector.broadcast %select_n3A_2906 : i32 to vector<128x128xi32>
    %rem3A_2908 = arith.remsi %iota3A_2901, %rem3A_2907 : vector<128x128xi32>
    %ne3A_2909 = arith.constant 0 : i32
    %ne3A_2910 = vector.broadcast %ne3A_2909 : i32 to vector<128x128xi32>
    %ne3A_2911 = arith.cmpi ne, %rem3A_2908, %ne3A_2910 : vector<128x128xi32>
    %lt3A_2912 = arith.constant 0 : i32
    %lt3A_2913 = vector.broadcast %lt3A_2912 : i32 to vector<128x128xi32>
    %lt3A_2914 = arith.cmpi slt, %rem3A_2908, %lt3A_2913 : vector<128x128xi32>
    %lt3A_2915 = arith.constant 0 : i32
    %lt3A_2916 = arith.cmpi slt, %select_n3A_2906, %lt3A_2915 : i32
    %ne3A_2917 = vector.broadcast %lt3A_2916 : i1 to vector<128x128xi1>
    %ne3A_2918 = vector.broadcast %ne3A_2917 : vector<128x128xi1> to vector<128x128xi1>
    %ne3A_2919 = arith.xori %lt3A_2914, %ne3A_2918 : vector<128x128xi1>
    %and3A_2920 = arith.andi %ne3A_2919, %ne3A_2911 : vector<128x128xi1>
    %add3A_2921 = vector.broadcast %select_n3A_2906 : i32 to vector<128x128xi32>
    %add3A_2922 = arith.addi %rem3A_2908, %add3A_2921 : vector<128x128xi32>
    %select_n3A_2923 = arith.select %and3A_2920, %add3A_2922, %rem3A_2908 : vector<128x128xi1>, vector<128x128xi32>
    %eq3A_2924 = arith.constant 0 : i32
    %eq3A_2925 = vector.broadcast %eq3A_2924 : i32 to vector<128x128xi32>
    %eq3A_2926 = arith.cmpi eq, %select_n3A_2923, %eq3A_2925 : vector<128x128xi32>
    %neg3A_2927 = arith.constant 0.000000e+00 : f32
    %neg3A_2928 = vector.broadcast %neg3A_2927 : f32 to vector<128x128xf32>
    %neg3A_2929 = arith.subf %neg3A_2928, %concatenate3A_2897 : vector<128x128xf32>
    %select_n3A_2930 = arith.select %eq3A_2926, %neg3A_2929, %concatenate3A_2900 : vector<128x128xi1>, vector<128x128xf32>
    %get3A_2931 = arith.constant 51 : index
    %get3A_2932 = arith.constant 0 : index
    %get3A_2933 = arith.constant 0 : index
    %get3A_2934 = vector.load %arg2[%get3A_2931, %get3A_2932, %get3A_2933] : memref<65x128x256xf32, #tpu.memory_space<vmem>>, vector<1x128x256xf32>
    %get3A_2935 = vector.shape_cast %get3A_2934 : vector<1x128x256xf32> to vector<128x256xf32>
    %dot_general3A_2936 = arith.constant dense<0.000000e+00> : vector<128x256xf32>
    %dot_general3A_2937 = tpu.matmul %get3A_2894, %get3A_2935, %dot_general3A_2936 {dimension_numbers = #tpu.dot_dimension_numbers<[1], [0], [0], [1], [0, 0, 1, 1], [], []>, transpose_lhs_hint = false} : vector<128x128xf32>, vector<128x256xf32>, vector<128x256xf32> -> vector<128x256xf32>
    %get3A_2938 = arith.constant 51 : index
    %get3A_2939 = arith.constant 0 : index
    %get3A_2940 = arith.constant 0 : index
    %get3A_2941 = vector.load %arg3[%get3A_2938, %get3A_2939, %get3A_2940] : memref<65x128x256xf32, #tpu.memory_space<vmem>>, vector<1x128x256xf32>
    %get3A_2942 = vector.shape_cast %get3A_2941 : vector<1x128x256xf32> to vector<128x256xf32>
    %dot_general3A_2943 = arith.constant dense<0.000000e+00> : vector<128x256xf32>
    %dot_general3A_2944 = tpu.matmul %select_n3A_2930, %get3A_2942, %dot_general3A_2943 {dimension_numbers = #tpu.dot_dimension_numbers<[1], [0], [0], [1], [0, 0, 1, 1], [], []>, transpose_lhs_hint = false} : vector<128x128xf32>, vector<128x256xf32>, vector<128x256xf32> -> vector<128x256xf32>
    %add3A_2945 = arith.addf %dot_general3A_2937, %dot_general3A_2944 : vector<128x256xf32>
    %swap3A_2946 = arith.constant 0 : index
    %swap3A_2947 = arith.constant 13056 : index
    %swap3A_2948 = vector.load %arg4[%swap3A_2946, %swap3A_2947] : memref<128x16416xf32, #tpu.memory_space<vmem>>, vector<128x256xf32>
    tpu.vector_store %arg4[%swap3A_2946, %swap3A_2947], %add3A_2945 {strides = array<i32>} : memref<128x16416xf32, #tpu.memory_space<vmem>>, vector<128x256xf32>,
    %get3A_2949 = arith.constant 0 : index
    %get3A_2950 = arith.constant 6656 : index
    %get3A_2951 = vector.load %arg1[%get3A_2949, %get3A_2950] : memref<128x8208xf32, #tpu.memory_space<vmem>>, vector<128x128xf32>
    %slice3A_2952 = vector.extract_strided_slice %get3A_2951 {offsets = [1, 0], sizes = [127, 128], strides = [1, 1]} : vector<128x128xf32> to vector<127x128xf32>
    %slice3A_2953 = vector.extract_strided_slice %get3A_2951 {offsets = [0, 0], sizes = [1, 128], strides = [1, 1]} : vector<128x128xf32> to vector<1x128xf32>
    %concatenate3A_2954 = tpu.concatenate %slice3A_2952, %slice3A_2953 in 0 : vector<127x128xf32>, vector<1x128xf32> -> vector<128x128xf32>
    %slice3A_2955 = vector.extract_strided_slice %get3A_2951 {offsets = [127, 0], sizes = [1, 128], strides = [1, 1]} : vector<128x128xf32> to vector<1x128xf32>
    %slice3A_2956 = vector.extract_strided_slice %get3A_2951 {offsets = [0, 0], sizes = [127, 128], strides = [1, 1]} : vector<128x128xf32> to vector<127x128xf32>
    %concatenate3A_2957 = tpu.concatenate %slice3A_2955, %slice3A_2956 in 0 : vector<1x128xf32>, vector<127x128xf32> -> vector<128x128xf32>
    %iota3A_2958 = tpu.iota {dimensions = array<i32: 0>} : vector<128x128xi32>
    %jit3A_2959 = arith.constant 2 : i32
    %eq3A_2960 = arith.constant 0 : i32
    %eq3A_2961 = arith.cmpi eq, %jit3A_2959, %eq3A_2960 : i32
    %jit3A_2962 = arith.constant 1 : i32
    %select_n3A_2963 = arith.select %eq3A_2961, %jit3A_2962, %jit3A_2959 : i32
    %rem3A_2964 = vector.broadcast %select_n3A_2963 : i32 to vector<128x128xi32>
    %rem3A_2965 = arith.remsi %iota3A_2958, %rem3A_2964 : vector<128x128xi32>
    %ne3A_2966 = arith.constant 0 : i32
    %ne3A_2967 = vector.broadcast %ne3A_2966 : i32 to vector<128x128xi32>
    %ne3A_2968 = arith.cmpi ne, %rem3A_2965, %ne3A_2967 : vector<128x128xi32>
    %lt3A_2969 = arith.constant 0 : i32
    %lt3A_2970 = vector.broadcast %lt3A_2969 : i32 to vector<128x128xi32>
    %lt3A_2971 = arith.cmpi slt, %rem3A_2965, %lt3A_2970 : vector<128x128xi32>
    %lt3A_2972 = arith.constant 0 : i32
    %lt3A_2973 = arith.cmpi slt, %select_n3A_2963, %lt3A_2972 : i32
    %ne3A_2974 = vector.broadcast %lt3A_2973 : i1 to vector<128x128xi1>
    %ne3A_2975 = vector.broadcast %ne3A_2974 : vector<128x128xi1> to vector<128x128xi1>
    %ne3A_2976 = arith.xori %lt3A_2971, %ne3A_2975 : vector<128x128xi1>
    %and3A_2977 = arith.andi %ne3A_2976, %ne3A_2968 : vector<128x128xi1>
    %add3A_2978 = vector.broadcast %select_n3A_2963 : i32 to vector<128x128xi32>
    %add3A_2979 = arith.addi %rem3A_2965, %add3A_2978 : vector<128x128xi32>
    %select_n3A_2980 = arith.select %and3A_2977, %add3A_2979, %rem3A_2965 : vector<128x128xi1>, vector<128x128xi32>
    %eq3A_2981 = arith.constant 0 : i32
    %eq3A_2982 = vector.broadcast %eq3A_2981 : i32 to vector<128x128xi32>
    %eq3A_2983 = arith.cmpi eq, %select_n3A_2980, %eq3A_2982 : vector<128x128xi32>
    %neg3A_2984 = arith.constant 0.000000e+00 : f32
    %neg3A_2985 = vector.broadcast %neg3A_2984 : f32 to vector<128x128xf32>
    %neg3A_2986 = arith.subf %neg3A_2985, %concatenate3A_2954 : vector<128x128xf32>
    %select_n3A_2987 = arith.select %eq3A_2983, %neg3A_2986, %concatenate3A_2957 : vector<128x128xi1>, vector<128x128xf32>
    %get3A_2988 = arith.constant 52 : index
    %get3A_2989 = arith.constant 0 : index
    %get3A_2990 = arith.constant 0 : index
    %get3A_2991 = vector.load %arg2[%get3A_2988, %get3A_2989, %get3A_2990] : memref<65x128x256xf32, #tpu.memory_space<vmem>>, vector<1x128x256xf32>
    %get3A_2992 = vector.shape_cast %get3A_2991 : vector<1x128x256xf32> to vector<128x256xf32>
    %dot_general3A_2993 = arith.constant dense<0.000000e+00> : vector<128x256xf32>
    %dot_general3A_2994 = tpu.matmul %get3A_2951, %get3A_2992, %dot_general3A_2993 {dimension_numbers = #tpu.dot_dimension_numbers<[1], [0], [0], [1], [0, 0, 1, 1], [], []>, transpose_lhs_hint = false} : vector<128x128xf32>, vector<128x256xf32>, vector<128x256xf32> -> vector<128x256xf32>
    %get3A_2995 = arith.constant 52 : index
    %get3A_2996 = arith.constant 0 : index
    %get3A_2997 = arith.constant 0 : index
    %get3A_2998 = vector.load %arg3[%get3A_2995, %get3A_2996, %get3A_2997] : memref<65x128x256xf32, #tpu.memory_space<vmem>>, vector<1x128x256xf32>
    %get3A_2999 = vector.shape_cast %get3A_2998 : vector<1x128x256xf32> to vector<128x256xf32>
    %dot_general3A_3000 = arith.constant dense<0.000000e+00> : vector<128x256xf32>
    %dot_general3A_3001 = tpu.matmul %select_n3A_2987, %get3A_2999, %dot_general3A_3000 {dimension_numbers = #tpu.dot_dimension_numbers<[1], [0], [0], [1], [0, 0, 1, 1], [], []>, transpose_lhs_hint = false} : vector<128x128xf32>, vector<128x256xf32>, vector<128x256xf32> -> vector<128x256xf32>
    %add3A_3002 = arith.addf %dot_general3A_2994, %dot_general3A_3001 : vector<128x256xf32>
    %swap3A_3003 = arith.constant 0 : index
    %swap3A_3004 = arith.constant 13312 : index
    %swap3A_3005 = vector.load %arg4[%swap3A_3003, %swap3A_3004] : memref<128x16416xf32, #tpu.memory_space<vmem>>, vector<128x256xf32>
    tpu.vector_store %arg4[%swap3A_3003, %swap3A_3004], %add3A_3002 {strides = array<i32>} : memref<128x16416xf32, #tpu.memory_space<vmem>>, vector<128x256xf32>,
    %get3A_3006 = arith.constant 0 : index
    %get3A_3007 = arith.constant 6784 : index
    %get3A_3008 = vector.load %arg1[%get3A_3006, %get3A_3007] : memref<128x8208xf32, #tpu.memory_space<vmem>>, vector<128x128xf32>
    %slice3A_3009 = vector.extract_strided_slice %get3A_3008 {offsets = [1, 0], sizes = [127, 128], strides = [1, 1]} : vector<128x128xf32> to vector<127x128xf32>
    %slice3A_3010 = vector.extract_strided_slice %get3A_3008 {offsets = [0, 0], sizes = [1, 128], strides = [1, 1]} : vector<128x128xf32> to vector<1x128xf32>
    %concatenate3A_3011 = tpu.concatenate %slice3A_3009, %slice3A_3010 in 0 : vector<127x128xf32>, vector<1x128xf32> -> vector<128x128xf32>
    %slice3A_3012 = vector.extract_strided_slice %get3A_3008 {offsets = [127, 0], sizes = [1, 128], strides = [1, 1]} : vector<128x128xf32> to vector<1x128xf32>
    %slice3A_3013 = vector.extract_strided_slice %get3A_3008 {offsets = [0, 0], sizes = [127, 128], strides = [1, 1]} : vector<128x128xf32> to vector<127x128xf32>
    %concatenate3A_3014 = tpu.concatenate %slice3A_3012, %slice3A_3013 in 0 : vector<1x128xf32>, vector<127x128xf32> -> vector<128x128xf32>
    %iota3A_3015 = tpu.iota {dimensions = array<i32: 0>} : vector<128x128xi32>
    %jit3A_3016 = arith.constant 2 : i32
    %eq3A_3017 = arith.constant 0 : i32
    %eq3A_3018 = arith.cmpi eq, %jit3A_3016, %eq3A_3017 : i32
    %jit3A_3019 = arith.constant 1 : i32
    %select_n3A_3020 = arith.select %eq3A_3018, %jit3A_3019, %jit3A_3016 : i32
    %rem3A_3021 = vector.broadcast %select_n3A_3020 : i32 to vector<128x128xi32>
    %rem3A_3022 = arith.remsi %iota3A_3015, %rem3A_3021 : vector<128x128xi32>
    %ne3A_3023 = arith.constant 0 : i32
    %ne3A_3024 = vector.broadcast %ne3A_3023 : i32 to vector<128x128xi32>
    %ne3A_3025 = arith.cmpi ne, %rem3A_3022, %ne3A_3024 : vector<128x128xi32>
    %lt3A_3026 = arith.constant 0 : i32
    %lt3A_3027 = vector.broadcast %lt3A_3026 : i32 to vector<128x128xi32>
    %lt3A_3028 = arith.cmpi slt, %rem3A_3022, %lt3A_3027 : vector<128x128xi32>
    %lt3A_3029 = arith.constant 0 : i32
    %lt3A_3030 = arith.cmpi slt, %select_n3A_3020, %lt3A_3029 : i32
    %ne3A_3031 = vector.broadcast %lt3A_3030 : i1 to vector<128x128xi1>
    %ne3A_3032 = vector.broadcast %ne3A_3031 : vector<128x128xi1> to vector<128x128xi1>
    %ne3A_3033 = arith.xori %lt3A_3028, %ne3A_3032 : vector<128x128xi1>
    %and3A_3034 = arith.andi %ne3A_3033, %ne3A_3025 : vector<128x128xi1>
    %add3A_3035 = vector.broadcast %select_n3A_3020 : i32 to vector<128x128xi32>
    %add3A_3036 = arith.addi %rem3A_3022, %add3A_3035 : vector<128x128xi32>
    %select_n3A_3037 = arith.select %and3A_3034, %add3A_3036, %rem3A_3022 : vector<128x128xi1>, vector<128x128xi32>
    %eq3A_3038 = arith.constant 0 : i32
    %eq3A_3039 = vector.broadcast %eq3A_3038 : i32 to vector<128x128xi32>
    %eq3A_3040 = arith.cmpi eq, %select_n3A_3037, %eq3A_3039 : vector<128x128xi32>
    %neg3A_3041 = arith.constant 0.000000e+00 : f32
    %neg3A_3042 = vector.broadcast %neg3A_3041 : f32 to vector<128x128xf32>
    %neg3A_3043 = arith.subf %neg3A_3042, %concatenate3A_3011 : vector<128x128xf32>
    %select_n3A_3044 = arith.select %eq3A_3040, %neg3A_3043, %concatenate3A_3014 : vector<128x128xi1>, vector<128x128xf32>
    %get3A_3045 = arith.constant 53 : index
    %get3A_3046 = arith.constant 0 : index
    %get3A_3047 = arith.constant 0 : index
    %get3A_3048 = vector.load %arg2[%get3A_3045, %get3A_3046, %get3A_3047] : memref<65x128x256xf32, #tpu.memory_space<vmem>>, vector<1x128x256xf32>
    %get3A_3049 = vector.shape_cast %get3A_3048 : vector<1x128x256xf32> to vector<128x256xf32>
    %dot_general3A_3050 = arith.constant dense<0.000000e+00> : vector<128x256xf32>
    %dot_general3A_3051 = tpu.matmul %get3A_3008, %get3A_3049, %dot_general3A_3050 {dimension_numbers = #tpu.dot_dimension_numbers<[1], [0], [0], [1], [0, 0, 1, 1], [], []>, transpose_lhs_hint = false} : vector<128x128xf32>, vector<128x256xf32>, vector<128x256xf32> -> vector<128x256xf32>
    %get3A_3052 = arith.constant 53 : index
    %get3A_3053 = arith.constant 0 : index
    %get3A_3054 = arith.constant 0 : index
    %get3A_3055 = vector.load %arg3[%get3A_3052, %get3A_3053, %get3A_3054] : memref<65x128x256xf32, #tpu.memory_space<vmem>>, vector<1x128x256xf32>
    %get3A_3056 = vector.shape_cast %get3A_3055 : vector<1x128x256xf32> to vector<128x256xf32>
    %dot_general3A_3057 = arith.constant dense<0.000000e+00> : vector<128x256xf32>
    %dot_general3A_3058 = tpu.matmul %select_n3A_3044, %get3A_3056, %dot_general3A_3057 {dimension_numbers = #tpu.dot_dimension_numbers<[1], [0], [0], [1], [0, 0, 1, 1], [], []>, transpose_lhs_hint = false} : vector<128x128xf32>, vector<128x256xf32>, vector<128x256xf32> -> vector<128x256xf32>
    %add3A_3059 = arith.addf %dot_general3A_3051, %dot_general3A_3058 : vector<128x256xf32>
    %swap3A_3060 = arith.constant 0 : index
    %swap3A_3061 = arith.constant 13568 : index
    %swap3A_3062 = vector.load %arg4[%swap3A_3060, %swap3A_3061] : memref<128x16416xf32, #tpu.memory_space<vmem>>, vector<128x256xf32>
    tpu.vector_store %arg4[%swap3A_3060, %swap3A_3061], %add3A_3059 {strides = array<i32>} : memref<128x16416xf32, #tpu.memory_space<vmem>>, vector<128x256xf32>,
    %get3A_3063 = arith.constant 0 : index
    %get3A_3064 = arith.constant 6912 : index
    %get3A_3065 = vector.load %arg1[%get3A_3063, %get3A_3064] : memref<128x8208xf32, #tpu.memory_space<vmem>>, vector<128x128xf32>
    %slice3A_3066 = vector.extract_strided_slice %get3A_3065 {offsets = [1, 0], sizes = [127, 128], strides = [1, 1]} : vector<128x128xf32> to vector<127x128xf32>
    %slice3A_3067 = vector.extract_strided_slice %get3A_3065 {offsets = [0, 0], sizes = [1, 128], strides = [1, 1]} : vector<128x128xf32> to vector<1x128xf32>
    %concatenate3A_3068 = tpu.concatenate %slice3A_3066, %slice3A_3067 in 0 : vector<127x128xf32>, vector<1x128xf32> -> vector<128x128xf32>
    %slice3A_3069 = vector.extract_strided_slice %get3A_3065 {offsets = [127, 0], sizes = [1, 128], strides = [1, 1]} : vector<128x128xf32> to vector<1x128xf32>
    %slice3A_3070 = vector.extract_strided_slice %get3A_3065 {offsets = [0, 0], sizes = [127, 128], strides = [1, 1]} : vector<128x128xf32> to vector<127x128xf32>
    %concatenate3A_3071 = tpu.concatenate %slice3A_3069, %slice3A_3070 in 0 : vector<1x128xf32>, vector<127x128xf32> -> vector<128x128xf32>
    %iota3A_3072 = tpu.iota {dimensions = array<i32: 0>} : vector<128x128xi32>
    %jit3A_3073 = arith.constant 2 : i32
    %eq3A_3074 = arith.constant 0 : i32
    %eq3A_3075 = arith.cmpi eq, %jit3A_3073, %eq3A_3074 : i32
    %jit3A_3076 = arith.constant 1 : i32
    %select_n3A_3077 = arith.select %eq3A_3075, %jit3A_3076, %jit3A_3073 : i32
    %rem3A_3078 = vector.broadcast %select_n3A_3077 : i32 to vector<128x128xi32>
    %rem3A_3079 = arith.remsi %iota3A_3072, %rem3A_3078 : vector<128x128xi32>
    %ne3A_3080 = arith.constant 0 : i32
    %ne3A_3081 = vector.broadcast %ne3A_3080 : i32 to vector<128x128xi32>
    %ne3A_3082 = arith.cmpi ne, %rem3A_3079, %ne3A_3081 : vector<128x128xi32>
    %lt3A_3083 = arith.constant 0 : i32
    %lt3A_3084 = vector.broadcast %lt3A_3083 : i32 to vector<128x128xi32>
    %lt3A_3085 = arith.cmpi slt, %rem3A_3079, %lt3A_3084 : vector<128x128xi32>
    %lt3A_3086 = arith.constant 0 : i32
    %lt3A_3087 = arith.cmpi slt, %select_n3A_3077, %lt3A_3086 : i32
    %ne3A_3088 = vector.broadcast %lt3A_3087 : i1 to vector<128x128xi1>
    %ne3A_3089 = vector.broadcast %ne3A_3088 : vector<128x128xi1> to vector<128x128xi1>
    %ne3A_3090 = arith.xori %lt3A_3085, %ne3A_3089 : vector<128x128xi1>
    %and3A_3091 = arith.andi %ne3A_3090, %ne3A_3082 : vector<128x128xi1>
    %add3A_3092 = vector.broadcast %select_n3A_3077 : i32 to vector<128x128xi32>
    %add3A_3093 = arith.addi %rem3A_3079, %add3A_3092 : vector<128x128xi32>
    %select_n3A_3094 = arith.select %and3A_3091, %add3A_3093, %rem3A_3079 : vector<128x128xi1>, vector<128x128xi32>
    %eq3A_3095 = arith.constant 0 : i32
    %eq3A_3096 = vector.broadcast %eq3A_3095 : i32 to vector<128x128xi32>
    %eq3A_3097 = arith.cmpi eq, %select_n3A_3094, %eq3A_3096 : vector<128x128xi32>
    %neg3A_3098 = arith.constant 0.000000e+00 : f32
    %neg3A_3099 = vector.broadcast %neg3A_3098 : f32 to vector<128x128xf32>
    %neg3A_3100 = arith.subf %neg3A_3099, %concatenate3A_3068 : vector<128x128xf32>
    %select_n3A_3101 = arith.select %eq3A_3097, %neg3A_3100, %concatenate3A_3071 : vector<128x128xi1>, vector<128x128xf32>
    %get3A_3102 = arith.constant 54 : index
    %get3A_3103 = arith.constant 0 : index
    %get3A_3104 = arith.constant 0 : index
    %get3A_3105 = vector.load %arg2[%get3A_3102, %get3A_3103, %get3A_3104] : memref<65x128x256xf32, #tpu.memory_space<vmem>>, vector<1x128x256xf32>
    %get3A_3106 = vector.shape_cast %get3A_3105 : vector<1x128x256xf32> to vector<128x256xf32>
    %dot_general3A_3107 = arith.constant dense<0.000000e+00> : vector<128x256xf32>
    %dot_general3A_3108 = tpu.matmul %get3A_3065, %get3A_3106, %dot_general3A_3107 {dimension_numbers = #tpu.dot_dimension_numbers<[1], [0], [0], [1], [0, 0, 1, 1], [], []>, transpose_lhs_hint = false} : vector<128x128xf32>, vector<128x256xf32>, vector<128x256xf32> -> vector<128x256xf32>
    %get3A_3109 = arith.constant 54 : index
    %get3A_3110 = arith.constant 0 : index
    %get3A_3111 = arith.constant 0 : index
    %get3A_3112 = vector.load %arg3[%get3A_3109, %get3A_3110, %get3A_3111] : memref<65x128x256xf32, #tpu.memory_space<vmem>>, vector<1x128x256xf32>
    %get3A_3113 = vector.shape_cast %get3A_3112 : vector<1x128x256xf32> to vector<128x256xf32>
    %dot_general3A_3114 = arith.constant dense<0.000000e+00> : vector<128x256xf32>
    %dot_general3A_3115 = tpu.matmul %select_n3A_3101, %get3A_3113, %dot_general3A_3114 {dimension_numbers = #tpu.dot_dimension_numbers<[1], [0], [0], [1], [0, 0, 1, 1], [], []>, transpose_lhs_hint = false} : vector<128x128xf32>, vector<128x256xf32>, vector<128x256xf32> -> vector<128x256xf32>
    %add3A_3116 = arith.addf %dot_general3A_3108, %dot_general3A_3115 : vector<128x256xf32>
    %swap3A_3117 = arith.constant 0 : index
    %swap3A_3118 = arith.constant 13824 : index
    %swap3A_3119 = vector.load %arg4[%swap3A_3117, %swap3A_3118] : memref<128x16416xf32, #tpu.memory_space<vmem>>, vector<128x256xf32>
    tpu.vector_store %arg4[%swap3A_3117, %swap3A_3118], %add3A_3116 {strides = array<i32>} : memref<128x16416xf32, #tpu.memory_space<vmem>>, vector<128x256xf32>,
    %get3A_3120 = arith.constant 0 : index
    %get3A_3121 = arith.constant 7040 : index
    %get3A_3122 = vector.load %arg1[%get3A_3120, %get3A_3121] : memref<128x8208xf32, #tpu.memory_space<vmem>>, vector<128x128xf32>
    %slice3A_3123 = vector.extract_strided_slice %get3A_3122 {offsets = [1, 0], sizes = [127, 128], strides = [1, 1]} : vector<128x128xf32> to vector<127x128xf32>
    %slice3A_3124 = vector.extract_strided_slice %get3A_3122 {offsets = [0, 0], sizes = [1, 128], strides = [1, 1]} : vector<128x128xf32> to vector<1x128xf32>
    %concatenate3A_3125 = tpu.concatenate %slice3A_3123, %slice3A_3124 in 0 : vector<127x128xf32>, vector<1x128xf32> -> vector<128x128xf32>
    %slice3A_3126 = vector.extract_strided_slice %get3A_3122 {offsets = [127, 0], sizes = [1, 128], strides = [1, 1]} : vector<128x128xf32> to vector<1x128xf32>
    %slice3A_3127 = vector.extract_strided_slice %get3A_3122 {offsets = [0, 0], sizes = [127, 128], strides = [1, 1]} : vector<128x128xf32> to vector<127x128xf32>
    %concatenate3A_3128 = tpu.concatenate %slice3A_3126, %slice3A_3127 in 0 : vector<1x128xf32>, vector<127x128xf32> -> vector<128x128xf32>
    %iota3A_3129 = tpu.iota {dimensions = array<i32: 0>} : vector<128x128xi32>
    %jit3A_3130 = arith.constant 2 : i32
    %eq3A_3131 = arith.constant 0 : i32
    %eq3A_3132 = arith.cmpi eq, %jit3A_3130, %eq3A_3131 : i32
    %jit3A_3133 = arith.constant 1 : i32
    %select_n3A_3134 = arith.select %eq3A_3132, %jit3A_3133, %jit3A_3130 : i32
    %rem3A_3135 = vector.broadcast %select_n3A_3134 : i32 to vector<128x128xi32>
    %rem3A_3136 = arith.remsi %iota3A_3129, %rem3A_3135 : vector<128x128xi32>
    %ne3A_3137 = arith.constant 0 : i32
    %ne3A_3138 = vector.broadcast %ne3A_3137 : i32 to vector<128x128xi32>
    %ne3A_3139 = arith.cmpi ne, %rem3A_3136, %ne3A_3138 : vector<128x128xi32>
    %lt3A_3140 = arith.constant 0 : i32
    %lt3A_3141 = vector.broadcast %lt3A_3140 : i32 to vector<128x128xi32>
    %lt3A_3142 = arith.cmpi slt, %rem3A_3136, %lt3A_3141 : vector<128x128xi32>
    %lt3A_3143 = arith.constant 0 : i32
    %lt3A_3144 = arith.cmpi slt, %select_n3A_3134, %lt3A_3143 : i32
    %ne3A_3145 = vector.broadcast %lt3A_3144 : i1 to vector<128x128xi1>
    %ne3A_3146 = vector.broadcast %ne3A_3145 : vector<128x128xi1> to vector<128x128xi1>
    %ne3A_3147 = arith.xori %lt3A_3142, %ne3A_3146 : vector<128x128xi1>
    %and3A_3148 = arith.andi %ne3A_3147, %ne3A_3139 : vector<128x128xi1>
    %add3A_3149 = vector.broadcast %select_n3A_3134 : i32 to vector<128x128xi32>
    %add3A_3150 = arith.addi %rem3A_3136, %add3A_3149 : vector<128x128xi32>
    %select_n3A_3151 = arith.select %and3A_3148, %add3A_3150, %rem3A_3136 : vector<128x128xi1>, vector<128x128xi32>
    %eq3A_3152 = arith.constant 0 : i32
    %eq3A_3153 = vector.broadcast %eq3A_3152 : i32 to vector<128x128xi32>
    %eq3A_3154 = arith.cmpi eq, %select_n3A_3151, %eq3A_3153 : vector<128x128xi32>
    %neg3A_3155 = arith.constant 0.000000e+00 : f32
    %neg3A_3156 = vector.broadcast %neg3A_3155 : f32 to vector<128x128xf32>
    %neg3A_3157 = arith.subf %neg3A_3156, %concatenate3A_3125 : vector<128x128xf32>
    %select_n3A_3158 = arith.select %eq3A_3154, %neg3A_3157, %concatenate3A_3128 : vector<128x128xi1>, vector<128x128xf32>
    %get3A_3159 = arith.constant 55 : index
    %get3A_3160 = arith.constant 0 : index
    %get3A_3161 = arith.constant 0 : index
    %get3A_3162 = vector.load %arg2[%get3A_3159, %get3A_3160, %get3A_3161] : memref<65x128x256xf32, #tpu.memory_space<vmem>>, vector<1x128x256xf32>
    %get3A_3163 = vector.shape_cast %get3A_3162 : vector<1x128x256xf32> to vector<128x256xf32>
    %dot_general3A_3164 = arith.constant dense<0.000000e+00> : vector<128x256xf32>
    %dot_general3A_3165 = tpu.matmul %get3A_3122, %get3A_3163, %dot_general3A_3164 {dimension_numbers = #tpu.dot_dimension_numbers<[1], [0], [0], [1], [0, 0, 1, 1], [], []>, transpose_lhs_hint = false} : vector<128x128xf32>, vector<128x256xf32>, vector<128x256xf32> -> vector<128x256xf32>
    %get3A_3166 = arith.constant 55 : index
    %get3A_3167 = arith.constant 0 : index
    %get3A_3168 = arith.constant 0 : index
    %get3A_3169 = vector.load %arg3[%get3A_3166, %get3A_3167, %get3A_3168] : memref<65x128x256xf32, #tpu.memory_space<vmem>>, vector<1x128x256xf32>
    %get3A_3170 = vector.shape_cast %get3A_3169 : vector<1x128x256xf32> to vector<128x256xf32>
    %dot_general3A_3171 = arith.constant dense<0.000000e+00> : vector<128x256xf32>
    %dot_general3A_3172 = tpu.matmul %select_n3A_3158, %get3A_3170, %dot_general3A_3171 {dimension_numbers = #tpu.dot_dimension_numbers<[1], [0], [0], [1], [0, 0, 1, 1], [], []>, transpose_lhs_hint = false} : vector<128x128xf32>, vector<128x256xf32>, vector<128x256xf32> -> vector<128x256xf32>
    %add3A_3173 = arith.addf %dot_general3A_3165, %dot_general3A_3172 : vector<128x256xf32>
    %swap3A_3174 = arith.constant 0 : index
    %swap3A_3175 = arith.constant 14080 : index
    %swap3A_3176 = vector.load %arg4[%swap3A_3174, %swap3A_3175] : memref<128x16416xf32, #tpu.memory_space<vmem>>, vector<128x256xf32>
    tpu.vector_store %arg4[%swap3A_3174, %swap3A_3175], %add3A_3173 {strides = array<i32>} : memref<128x16416xf32, #tpu.memory_space<vmem>>, vector<128x256xf32>,
    %get3A_3177 = arith.constant 0 : index
    %get3A_3178 = arith.constant 7168 : index
    %get3A_3179 = vector.load %arg1[%get3A_3177, %get3A_3178] : memref<128x8208xf32, #tpu.memory_space<vmem>>, vector<128x128xf32>
    %slice3A_3180 = vector.extract_strided_slice %get3A_3179 {offsets = [1, 0], sizes = [127, 128], strides = [1, 1]} : vector<128x128xf32> to vector<127x128xf32>
    %slice3A_3181 = vector.extract_strided_slice %get3A_3179 {offsets = [0, 0], sizes = [1, 128], strides = [1, 1]} : vector<128x128xf32> to vector<1x128xf32>
    %concatenate3A_3182 = tpu.concatenate %slice3A_3180, %slice3A_3181 in 0 : vector<127x128xf32>, vector<1x128xf32> -> vector<128x128xf32>
    %slice3A_3183 = vector.extract_strided_slice %get3A_3179 {offsets = [127, 0], sizes = [1, 128], strides = [1, 1]} : vector<128x128xf32> to vector<1x128xf32>
    %slice3A_3184 = vector.extract_strided_slice %get3A_3179 {offsets = [0, 0], sizes = [127, 128], strides = [1, 1]} : vector<128x128xf32> to vector<127x128xf32>
    %concatenate3A_3185 = tpu.concatenate %slice3A_3183, %slice3A_3184 in 0 : vector<1x128xf32>, vector<127x128xf32> -> vector<128x128xf32>
    %iota3A_3186 = tpu.iota {dimensions = array<i32: 0>} : vector<128x128xi32>
    %jit3A_3187 = arith.constant 2 : i32
    %eq3A_3188 = arith.constant 0 : i32
    %eq3A_3189 = arith.cmpi eq, %jit3A_3187, %eq3A_3188 : i32
    %jit3A_3190 = arith.constant 1 : i32
    %select_n3A_3191 = arith.select %eq3A_3189, %jit3A_3190, %jit3A_3187 : i32
    %rem3A_3192 = vector.broadcast %select_n3A_3191 : i32 to vector<128x128xi32>
    %rem3A_3193 = arith.remsi %iota3A_3186, %rem3A_3192 : vector<128x128xi32>
    %ne3A_3194 = arith.constant 0 : i32
    %ne3A_3195 = vector.broadcast %ne3A_3194 : i32 to vector<128x128xi32>
    %ne3A_3196 = arith.cmpi ne, %rem3A_3193, %ne3A_3195 : vector<128x128xi32>
    %lt3A_3197 = arith.constant 0 : i32
    %lt3A_3198 = vector.broadcast %lt3A_3197 : i32 to vector<128x128xi32>
    %lt3A_3199 = arith.cmpi slt, %rem3A_3193, %lt3A_3198 : vector<128x128xi32>
    %lt3A_3200 = arith.constant 0 : i32
    %lt3A_3201 = arith.cmpi slt, %select_n3A_3191, %lt3A_3200 : i32
    %ne3A_3202 = vector.broadcast %lt3A_3201 : i1 to vector<128x128xi1>
    %ne3A_3203 = vector.broadcast %ne3A_3202 : vector<128x128xi1> to vector<128x128xi1>
    %ne3A_3204 = arith.xori %lt3A_3199, %ne3A_3203 : vector<128x128xi1>
    %and3A_3205 = arith.andi %ne3A_3204, %ne3A_3196 : vector<128x128xi1>
    %add3A_3206 = vector.broadcast %select_n3A_3191 : i32 to vector<128x128xi32>
    %add3A_3207 = arith.addi %rem3A_3193, %add3A_3206 : vector<128x128xi32>
    %select_n3A_3208 = arith.select %and3A_3205, %add3A_3207, %rem3A_3193 : vector<128x128xi1>, vector<128x128xi32>
    %eq3A_3209 = arith.constant 0 : i32
    %eq3A_3210 = vector.broadcast %eq3A_3209 : i32 to vector<128x128xi32>
    %eq3A_3211 = arith.cmpi eq, %select_n3A_3208, %eq3A_3210 : vector<128x128xi32>
    %neg3A_3212 = arith.constant 0.000000e+00 : f32
    %neg3A_3213 = vector.broadcast %neg3A_3212 : f32 to vector<128x128xf32>
    %neg3A_3214 = arith.subf %neg3A_3213, %concatenate3A_3182 : vector<128x128xf32>
    %select_n3A_3215 = arith.select %eq3A_3211, %neg3A_3214, %concatenate3A_3185 : vector<128x128xi1>, vector<128x128xf32>
    %get3A_3216 = arith.constant 56 : index
    %get3A_3217 = arith.constant 0 : index
    %get3A_3218 = arith.constant 0 : index
    %get3A_3219 = vector.load %arg2[%get3A_3216, %get3A_3217, %get3A_3218] : memref<65x128x256xf32, #tpu.memory_space<vmem>>, vector<1x128x256xf32>
    %get3A_3220 = vector.shape_cast %get3A_3219 : vector<1x128x256xf32> to vector<128x256xf32>
    %dot_general3A_3221 = arith.constant dense<0.000000e+00> : vector<128x256xf32>
    %dot_general3A_3222 = tpu.matmul %get3A_3179, %get3A_3220, %dot_general3A_3221 {dimension_numbers = #tpu.dot_dimension_numbers<[1], [0], [0], [1], [0, 0, 1, 1], [], []>, transpose_lhs_hint = false} : vector<128x128xf32>, vector<128x256xf32>, vector<128x256xf32> -> vector<128x256xf32>
    %get3A_3223 = arith.constant 56 : index
    %get3A_3224 = arith.constant 0 : index
    %get3A_3225 = arith.constant 0 : index
    %get3A_3226 = vector.load %arg3[%get3A_3223, %get3A_3224, %get3A_3225] : memref<65x128x256xf32, #tpu.memory_space<vmem>>, vector<1x128x256xf32>
    %get3A_3227 = vector.shape_cast %get3A_3226 : vector<1x128x256xf32> to vector<128x256xf32>
    %dot_general3A_3228 = arith.constant dense<0.000000e+00> : vector<128x256xf32>
    %dot_general3A_3229 = tpu.matmul %select_n3A_3215, %get3A_3227, %dot_general3A_3228 {dimension_numbers = #tpu.dot_dimension_numbers<[1], [0], [0], [1], [0, 0, 1, 1], [], []>, transpose_lhs_hint = false} : vector<128x128xf32>, vector<128x256xf32>, vector<128x256xf32> -> vector<128x256xf32>
    %add3A_3230 = arith.addf %dot_general3A_3222, %dot_general3A_3229 : vector<128x256xf32>
    %swap3A_3231 = arith.constant 0 : index
    %swap3A_3232 = arith.constant 14336 : index
    %swap3A_3233 = vector.load %arg4[%swap3A_3231, %swap3A_3232] : memref<128x16416xf32, #tpu.memory_space<vmem>>, vector<128x256xf32>
    tpu.vector_store %arg4[%swap3A_3231, %swap3A_3232], %add3A_3230 {strides = array<i32>} : memref<128x16416xf32, #tpu.memory_space<vmem>>, vector<128x256xf32>,
    %get3A_3234 = arith.constant 0 : index
    %get3A_3235 = arith.constant 7296 : index
    %get3A_3236 = vector.load %arg1[%get3A_3234, %get3A_3235] : memref<128x8208xf32, #tpu.memory_space<vmem>>, vector<128x128xf32>
    %slice3A_3237 = vector.extract_strided_slice %get3A_3236 {offsets = [1, 0], sizes = [127, 128], strides = [1, 1]} : vector<128x128xf32> to vector<127x128xf32>
    %slice3A_3238 = vector.extract_strided_slice %get3A_3236 {offsets = [0, 0], sizes = [1, 128], strides = [1, 1]} : vector<128x128xf32> to vector<1x128xf32>
    %concatenate3A_3239 = tpu.concatenate %slice3A_3237, %slice3A_3238 in 0 : vector<127x128xf32>, vector<1x128xf32> -> vector<128x128xf32>
    %slice3A_3240 = vector.extract_strided_slice %get3A_3236 {offsets = [127, 0], sizes = [1, 128], strides = [1, 1]} : vector<128x128xf32> to vector<1x128xf32>
    %slice3A_3241 = vector.extract_strided_slice %get3A_3236 {offsets = [0, 0], sizes = [127, 128], strides = [1, 1]} : vector<128x128xf32> to vector<127x128xf32>
    %concatenate3A_3242 = tpu.concatenate %slice3A_3240, %slice3A_3241 in 0 : vector<1x128xf32>, vector<127x128xf32> -> vector<128x128xf32>
    %iota3A_3243 = tpu.iota {dimensions = array<i32: 0>} : vector<128x128xi32>
    %jit3A_3244 = arith.constant 2 : i32
    %eq3A_3245 = arith.constant 0 : i32
    %eq3A_3246 = arith.cmpi eq, %jit3A_3244, %eq3A_3245 : i32
    %jit3A_3247 = arith.constant 1 : i32
    %select_n3A_3248 = arith.select %eq3A_3246, %jit3A_3247, %jit3A_3244 : i32
    %rem3A_3249 = vector.broadcast %select_n3A_3248 : i32 to vector<128x128xi32>
    %rem3A_3250 = arith.remsi %iota3A_3243, %rem3A_3249 : vector<128x128xi32>
    %ne3A_3251 = arith.constant 0 : i32
    %ne3A_3252 = vector.broadcast %ne3A_3251 : i32 to vector<128x128xi32>
    %ne3A_3253 = arith.cmpi ne, %rem3A_3250, %ne3A_3252 : vector<128x128xi32>
    %lt3A_3254 = arith.constant 0 : i32
    %lt3A_3255 = vector.broadcast %lt3A_3254 : i32 to vector<128x128xi32>
    %lt3A_3256 = arith.cmpi slt, %rem3A_3250, %lt3A_3255 : vector<128x128xi32>
    %lt3A_3257 = arith.constant 0 : i32
    %lt3A_3258 = arith.cmpi slt, %select_n3A_3248, %lt3A_3257 : i32
    %ne3A_3259 = vector.broadcast %lt3A_3258 : i1 to vector<128x128xi1>
    %ne3A_3260 = vector.broadcast %ne3A_3259 : vector<128x128xi1> to vector<128x128xi1>
    %ne3A_3261 = arith.xori %lt3A_3256, %ne3A_3260 : vector<128x128xi1>
    %and3A_3262 = arith.andi %ne3A_3261, %ne3A_3253 : vector<128x128xi1>
    %add3A_3263 = vector.broadcast %select_n3A_3248 : i32 to vector<128x128xi32>
    %add3A_3264 = arith.addi %rem3A_3250, %add3A_3263 : vector<128x128xi32>
    %select_n3A_3265 = arith.select %and3A_3262, %add3A_3264, %rem3A_3250 : vector<128x128xi1>, vector<128x128xi32>
    %eq3A_3266 = arith.constant 0 : i32
    %eq3A_3267 = vector.broadcast %eq3A_3266 : i32 to vector<128x128xi32>
    %eq3A_3268 = arith.cmpi eq, %select_n3A_3265, %eq3A_3267 : vector<128x128xi32>
    %neg3A_3269 = arith.constant 0.000000e+00 : f32
    %neg3A_3270 = vector.broadcast %neg3A_3269 : f32 to vector<128x128xf32>
    %neg3A_3271 = arith.subf %neg3A_3270, %concatenate3A_3239 : vector<128x128xf32>
    %select_n3A_3272 = arith.select %eq3A_3268, %neg3A_3271, %concatenate3A_3242 : vector<128x128xi1>, vector<128x128xf32>
    %get3A_3273 = arith.constant 57 : index
    %get3A_3274 = arith.constant 0 : index
    %get3A_3275 = arith.constant 0 : index
    %get3A_3276 = vector.load %arg2[%get3A_3273, %get3A_3274, %get3A_3275] : memref<65x128x256xf32, #tpu.memory_space<vmem>>, vector<1x128x256xf32>
    %get3A_3277 = vector.shape_cast %get3A_3276 : vector<1x128x256xf32> to vector<128x256xf32>
    %dot_general3A_3278 = arith.constant dense<0.000000e+00> : vector<128x256xf32>
    %dot_general3A_3279 = tpu.matmul %get3A_3236, %get3A_3277, %dot_general3A_3278 {dimension_numbers = #tpu.dot_dimension_numbers<[1], [0], [0], [1], [0, 0, 1, 1], [], []>, transpose_lhs_hint = false} : vector<128x128xf32>, vector<128x256xf32>, vector<128x256xf32> -> vector<128x256xf32>
    %get3A_3280 = arith.constant 57 : index
    %get3A_3281 = arith.constant 0 : index
    %get3A_3282 = arith.constant 0 : index
    %get3A_3283 = vector.load %arg3[%get3A_3280, %get3A_3281, %get3A_3282] : memref<65x128x256xf32, #tpu.memory_space<vmem>>, vector<1x128x256xf32>
    %get3A_3284 = vector.shape_cast %get3A_3283 : vector<1x128x256xf32> to vector<128x256xf32>
    %dot_general3A_3285 = arith.constant dense<0.000000e+00> : vector<128x256xf32>
    %dot_general3A_3286 = tpu.matmul %select_n3A_3272, %get3A_3284, %dot_general3A_3285 {dimension_numbers = #tpu.dot_dimension_numbers<[1], [0], [0], [1], [0, 0, 1, 1], [], []>, transpose_lhs_hint = false} : vector<128x128xf32>, vector<128x256xf32>, vector<128x256xf32> -> vector<128x256xf32>
    %add3A_3287 = arith.addf %dot_general3A_3279, %dot_general3A_3286 : vector<128x256xf32>
    %swap3A_3288 = arith.constant 0 : index
    %swap3A_3289 = arith.constant 14592 : index
    %swap3A_3290 = vector.load %arg4[%swap3A_3288, %swap3A_3289] : memref<128x16416xf32, #tpu.memory_space<vmem>>, vector<128x256xf32>
    tpu.vector_store %arg4[%swap3A_3288, %swap3A_3289], %add3A_3287 {strides = array<i32>} : memref<128x16416xf32, #tpu.memory_space<vmem>>, vector<128x256xf32>,
    %get3A_3291 = arith.constant 0 : index
    %get3A_3292 = arith.constant 7424 : index
    %get3A_3293 = vector.load %arg1[%get3A_3291, %get3A_3292] : memref<128x8208xf32, #tpu.memory_space<vmem>>, vector<128x128xf32>
    %slice3A_3294 = vector.extract_strided_slice %get3A_3293 {offsets = [1, 0], sizes = [127, 128], strides = [1, 1]} : vector<128x128xf32> to vector<127x128xf32>
    %slice3A_3295 = vector.extract_strided_slice %get3A_3293 {offsets = [0, 0], sizes = [1, 128], strides = [1, 1]} : vector<128x128xf32> to vector<1x128xf32>
    %concatenate3A_3296 = tpu.concatenate %slice3A_3294, %slice3A_3295 in 0 : vector<127x128xf32>, vector<1x128xf32> -> vector<128x128xf32>
    %slice3A_3297 = vector.extract_strided_slice %get3A_3293 {offsets = [127, 0], sizes = [1, 128], strides = [1, 1]} : vector<128x128xf32> to vector<1x128xf32>
    %slice3A_3298 = vector.extract_strided_slice %get3A_3293 {offsets = [0, 0], sizes = [127, 128], strides = [1, 1]} : vector<128x128xf32> to vector<127x128xf32>
    %concatenate3A_3299 = tpu.concatenate %slice3A_3297, %slice3A_3298 in 0 : vector<1x128xf32>, vector<127x128xf32> -> vector<128x128xf32>
    %iota3A_3300 = tpu.iota {dimensions = array<i32: 0>} : vector<128x128xi32>
    %jit3A_3301 = arith.constant 2 : i32
    %eq3A_3302 = arith.constant 0 : i32
    %eq3A_3303 = arith.cmpi eq, %jit3A_3301, %eq3A_3302 : i32
    %jit3A_3304 = arith.constant 1 : i32
    %select_n3A_3305 = arith.select %eq3A_3303, %jit3A_3304, %jit3A_3301 : i32
    %rem3A_3306 = vector.broadcast %select_n3A_3305 : i32 to vector<128x128xi32>
    %rem3A_3307 = arith.remsi %iota3A_3300, %rem3A_3306 : vector<128x128xi32>
    %ne3A_3308 = arith.constant 0 : i32
    %ne3A_3309 = vector.broadcast %ne3A_3308 : i32 to vector<128x128xi32>
    %ne3A_3310 = arith.cmpi ne, %rem3A_3307, %ne3A_3309 : vector<128x128xi32>
    %lt3A_3311 = arith.constant 0 : i32
    %lt3A_3312 = vector.broadcast %lt3A_3311 : i32 to vector<128x128xi32>
    %lt3A_3313 = arith.cmpi slt, %rem3A_3307, %lt3A_3312 : vector<128x128xi32>
    %lt3A_3314 = arith.constant 0 : i32
    %lt3A_3315 = arith.cmpi slt, %select_n3A_3305, %lt3A_3314 : i32
    %ne3A_3316 = vector.broadcast %lt3A_3315 : i1 to vector<128x128xi1>
    %ne3A_3317 = vector.broadcast %ne3A_3316 : vector<128x128xi1> to vector<128x128xi1>
    %ne3A_3318 = arith.xori %lt3A_3313, %ne3A_3317 : vector<128x128xi1>
    %and3A_3319 = arith.andi %ne3A_3318, %ne3A_3310 : vector<128x128xi1>
    %add3A_3320 = vector.broadcast %select_n3A_3305 : i32 to vector<128x128xi32>
    %add3A_3321 = arith.addi %rem3A_3307, %add3A_3320 : vector<128x128xi32>
    %select_n3A_3322 = arith.select %and3A_3319, %add3A_3321, %rem3A_3307 : vector<128x128xi1>, vector<128x128xi32>
    %eq3A_3323 = arith.constant 0 : i32
    %eq3A_3324 = vector.broadcast %eq3A_3323 : i32 to vector<128x128xi32>
    %eq3A_3325 = arith.cmpi eq, %select_n3A_3322, %eq3A_3324 : vector<128x128xi32>
    %neg3A_3326 = arith.constant 0.000000e+00 : f32
    %neg3A_3327 = vector.broadcast %neg3A_3326 : f32 to vector<128x128xf32>
    %neg3A_3328 = arith.subf %neg3A_3327, %concatenate3A_3296 : vector<128x128xf32>
    %select_n3A_3329 = arith.select %eq3A_3325, %neg3A_3328, %concatenate3A_3299 : vector<128x128xi1>, vector<128x128xf32>
    %get3A_3330 = arith.constant 58 : index
    %get3A_3331 = arith.constant 0 : index
    %get3A_3332 = arith.constant 0 : index
    %get3A_3333 = vector.load %arg2[%get3A_3330, %get3A_3331, %get3A_3332] : memref<65x128x256xf32, #tpu.memory_space<vmem>>, vector<1x128x256xf32>
    %get3A_3334 = vector.shape_cast %get3A_3333 : vector<1x128x256xf32> to vector<128x256xf32>
    %dot_general3A_3335 = arith.constant dense<0.000000e+00> : vector<128x256xf32>
    %dot_general3A_3336 = tpu.matmul %get3A_3293, %get3A_3334, %dot_general3A_3335 {dimension_numbers = #tpu.dot_dimension_numbers<[1], [0], [0], [1], [0, 0, 1, 1], [], []>, transpose_lhs_hint = false} : vector<128x128xf32>, vector<128x256xf32>, vector<128x256xf32> -> vector<128x256xf32>
    %get3A_3337 = arith.constant 58 : index
    %get3A_3338 = arith.constant 0 : index
    %get3A_3339 = arith.constant 0 : index
    %get3A_3340 = vector.load %arg3[%get3A_3337, %get3A_3338, %get3A_3339] : memref<65x128x256xf32, #tpu.memory_space<vmem>>, vector<1x128x256xf32>
    %get3A_3341 = vector.shape_cast %get3A_3340 : vector<1x128x256xf32> to vector<128x256xf32>
    %dot_general3A_3342 = arith.constant dense<0.000000e+00> : vector<128x256xf32>
    %dot_general3A_3343 = tpu.matmul %select_n3A_3329, %get3A_3341, %dot_general3A_3342 {dimension_numbers = #tpu.dot_dimension_numbers<[1], [0], [0], [1], [0, 0, 1, 1], [], []>, transpose_lhs_hint = false} : vector<128x128xf32>, vector<128x256xf32>, vector<128x256xf32> -> vector<128x256xf32>
    %add3A_3344 = arith.addf %dot_general3A_3336, %dot_general3A_3343 : vector<128x256xf32>
    %swap3A_3345 = arith.constant 0 : index
    %swap3A_3346 = arith.constant 14848 : index
    %swap3A_3347 = vector.load %arg4[%swap3A_3345, %swap3A_3346] : memref<128x16416xf32, #tpu.memory_space<vmem>>, vector<128x256xf32>
    tpu.vector_store %arg4[%swap3A_3345, %swap3A_3346], %add3A_3344 {strides = array<i32>} : memref<128x16416xf32, #tpu.memory_space<vmem>>, vector<128x256xf32>,
    %get3A_3348 = arith.constant 0 : index
    %get3A_3349 = arith.constant 7552 : index
    %get3A_3350 = vector.load %arg1[%get3A_3348, %get3A_3349] : memref<128x8208xf32, #tpu.memory_space<vmem>>, vector<128x128xf32>
    %slice3A_3351 = vector.extract_strided_slice %get3A_3350 {offsets = [1, 0], sizes = [127, 128], strides = [1, 1]} : vector<128x128xf32> to vector<127x128xf32>
    %slice3A_3352 = vector.extract_strided_slice %get3A_3350 {offsets = [0, 0], sizes = [1, 128], strides = [1, 1]} : vector<128x128xf32> to vector<1x128xf32>
    %concatenate3A_3353 = tpu.concatenate %slice3A_3351, %slice3A_3352 in 0 : vector<127x128xf32>, vector<1x128xf32> -> vector<128x128xf32>
    %slice3A_3354 = vector.extract_strided_slice %get3A_3350 {offsets = [127, 0], sizes = [1, 128], strides = [1, 1]} : vector<128x128xf32> to vector<1x128xf32>
    %slice3A_3355 = vector.extract_strided_slice %get3A_3350 {offsets = [0, 0], sizes = [127, 128], strides = [1, 1]} : vector<128x128xf32> to vector<127x128xf32>
    %concatenate3A_3356 = tpu.concatenate %slice3A_3354, %slice3A_3355 in 0 : vector<1x128xf32>, vector<127x128xf32> -> vector<128x128xf32>
    %iota3A_3357 = tpu.iota {dimensions = array<i32: 0>} : vector<128x128xi32>
    %jit3A_3358 = arith.constant 2 : i32
    %eq3A_3359 = arith.constant 0 : i32
    %eq3A_3360 = arith.cmpi eq, %jit3A_3358, %eq3A_3359 : i32
    %jit3A_3361 = arith.constant 1 : i32
    %select_n3A_3362 = arith.select %eq3A_3360, %jit3A_3361, %jit3A_3358 : i32
    %rem3A_3363 = vector.broadcast %select_n3A_3362 : i32 to vector<128x128xi32>
    %rem3A_3364 = arith.remsi %iota3A_3357, %rem3A_3363 : vector<128x128xi32>
    %ne3A_3365 = arith.constant 0 : i32
    %ne3A_3366 = vector.broadcast %ne3A_3365 : i32 to vector<128x128xi32>
    %ne3A_3367 = arith.cmpi ne, %rem3A_3364, %ne3A_3366 : vector<128x128xi32>
    %lt3A_3368 = arith.constant 0 : i32
    %lt3A_3369 = vector.broadcast %lt3A_3368 : i32 to vector<128x128xi32>
    %lt3A_3370 = arith.cmpi slt, %rem3A_3364, %lt3A_3369 : vector<128x128xi32>
    %lt3A_3371 = arith.constant 0 : i32
    %lt3A_3372 = arith.cmpi slt, %select_n3A_3362, %lt3A_3371 : i32
    %ne3A_3373 = vector.broadcast %lt3A_3372 : i1 to vector<128x128xi1>
    %ne3A_3374 = vector.broadcast %ne3A_3373 : vector<128x128xi1> to vector<128x128xi1>
    %ne3A_3375 = arith.xori %lt3A_3370, %ne3A_3374 : vector<128x128xi1>
    %and3A_3376 = arith.andi %ne3A_3375, %ne3A_3367 : vector<128x128xi1>
    %add3A_3377 = vector.broadcast %select_n3A_3362 : i32 to vector<128x128xi32>
    %add3A_3378 = arith.addi %rem3A_3364, %add3A_3377 : vector<128x128xi32>
    %select_n3A_3379 = arith.select %and3A_3376, %add3A_3378, %rem3A_3364 : vector<128x128xi1>, vector<128x128xi32>
    %eq3A_3380 = arith.constant 0 : i32
    %eq3A_3381 = vector.broadcast %eq3A_3380 : i32 to vector<128x128xi32>
    %eq3A_3382 = arith.cmpi eq, %select_n3A_3379, %eq3A_3381 : vector<128x128xi32>
    %neg3A_3383 = arith.constant 0.000000e+00 : f32
    %neg3A_3384 = vector.broadcast %neg3A_3383 : f32 to vector<128x128xf32>
    %neg3A_3385 = arith.subf %neg3A_3384, %concatenate3A_3353 : vector<128x128xf32>
    %select_n3A_3386 = arith.select %eq3A_3382, %neg3A_3385, %concatenate3A_3356 : vector<128x128xi1>, vector<128x128xf32>
    %get3A_3387 = arith.constant 59 : index
    %get3A_3388 = arith.constant 0 : index
    %get3A_3389 = arith.constant 0 : index
    %get3A_3390 = vector.load %arg2[%get3A_3387, %get3A_3388, %get3A_3389] : memref<65x128x256xf32, #tpu.memory_space<vmem>>, vector<1x128x256xf32>
    %get3A_3391 = vector.shape_cast %get3A_3390 : vector<1x128x256xf32> to vector<128x256xf32>
    %dot_general3A_3392 = arith.constant dense<0.000000e+00> : vector<128x256xf32>
    %dot_general3A_3393 = tpu.matmul %get3A_3350, %get3A_3391, %dot_general3A_3392 {dimension_numbers = #tpu.dot_dimension_numbers<[1], [0], [0], [1], [0, 0, 1, 1], [], []>, transpose_lhs_hint = false} : vector<128x128xf32>, vector<128x256xf32>, vector<128x256xf32> -> vector<128x256xf32>
    %get3A_3394 = arith.constant 59 : index
    %get3A_3395 = arith.constant 0 : index
    %get3A_3396 = arith.constant 0 : index
    %get3A_3397 = vector.load %arg3[%get3A_3394, %get3A_3395, %get3A_3396] : memref<65x128x256xf32, #tpu.memory_space<vmem>>, vector<1x128x256xf32>
    %get3A_3398 = vector.shape_cast %get3A_3397 : vector<1x128x256xf32> to vector<128x256xf32>
    %dot_general3A_3399 = arith.constant dense<0.000000e+00> : vector<128x256xf32>
    %dot_general3A_3400 = tpu.matmul %select_n3A_3386, %get3A_3398, %dot_general3A_3399 {dimension_numbers = #tpu.dot_dimension_numbers<[1], [0], [0], [1], [0, 0, 1, 1], [], []>, transpose_lhs_hint = false} : vector<128x128xf32>, vector<128x256xf32>, vector<128x256xf32> -> vector<128x256xf32>
    %add3A_3401 = arith.addf %dot_general3A_3393, %dot_general3A_3400 : vector<128x256xf32>
    %swap3A_3402 = arith.constant 0 : index
    %swap3A_3403 = arith.constant 15104 : index
    %swap3A_3404 = vector.load %arg4[%swap3A_3402, %swap3A_3403] : memref<128x16416xf32, #tpu.memory_space<vmem>>, vector<128x256xf32>
    tpu.vector_store %arg4[%swap3A_3402, %swap3A_3403], %add3A_3401 {strides = array<i32>} : memref<128x16416xf32, #tpu.memory_space<vmem>>, vector<128x256xf32>,
    %get3A_3405 = arith.constant 0 : index
    %get3A_3406 = arith.constant 7680 : index
    %get3A_3407 = vector.load %arg1[%get3A_3405, %get3A_3406] : memref<128x8208xf32, #tpu.memory_space<vmem>>, vector<128x128xf32>
    %slice3A_3408 = vector.extract_strided_slice %get3A_3407 {offsets = [1, 0], sizes = [127, 128], strides = [1, 1]} : vector<128x128xf32> to vector<127x128xf32>
    %slice3A_3409 = vector.extract_strided_slice %get3A_3407 {offsets = [0, 0], sizes = [1, 128], strides = [1, 1]} : vector<128x128xf32> to vector<1x128xf32>
    %concatenate3A_3410 = tpu.concatenate %slice3A_3408, %slice3A_3409 in 0 : vector<127x128xf32>, vector<1x128xf32> -> vector<128x128xf32>
    %slice3A_3411 = vector.extract_strided_slice %get3A_3407 {offsets = [127, 0], sizes = [1, 128], strides = [1, 1]} : vector<128x128xf32> to vector<1x128xf32>
    %slice3A_3412 = vector.extract_strided_slice %get3A_3407 {offsets = [0, 0], sizes = [127, 128], strides = [1, 1]} : vector<128x128xf32> to vector<127x128xf32>
    %concatenate3A_3413 = tpu.concatenate %slice3A_3411, %slice3A_3412 in 0 : vector<1x128xf32>, vector<127x128xf32> -> vector<128x128xf32>
    %iota3A_3414 = tpu.iota {dimensions = array<i32: 0>} : vector<128x128xi32>
    %jit3A_3415 = arith.constant 2 : i32
    %eq3A_3416 = arith.constant 0 : i32
    %eq3A_3417 = arith.cmpi eq, %jit3A_3415, %eq3A_3416 : i32
    %jit3A_3418 = arith.constant 1 : i32
    %select_n3A_3419 = arith.select %eq3A_3417, %jit3A_3418, %jit3A_3415 : i32
    %rem3A_3420 = vector.broadcast %select_n3A_3419 : i32 to vector<128x128xi32>
    %rem3A_3421 = arith.remsi %iota3A_3414, %rem3A_3420 : vector<128x128xi32>
    %ne3A_3422 = arith.constant 0 : i32
    %ne3A_3423 = vector.broadcast %ne3A_3422 : i32 to vector<128x128xi32>
    %ne3A_3424 = arith.cmpi ne, %rem3A_3421, %ne3A_3423 : vector<128x128xi32>
    %lt3A_3425 = arith.constant 0 : i32
    %lt3A_3426 = vector.broadcast %lt3A_3425 : i32 to vector<128x128xi32>
    %lt3A_3427 = arith.cmpi slt, %rem3A_3421, %lt3A_3426 : vector<128x128xi32>
    %lt3A_3428 = arith.constant 0 : i32
    %lt3A_3429 = arith.cmpi slt, %select_n3A_3419, %lt3A_3428 : i32
    %ne3A_3430 = vector.broadcast %lt3A_3429 : i1 to vector<128x128xi1>
    %ne3A_3431 = vector.broadcast %ne3A_3430 : vector<128x128xi1> to vector<128x128xi1>
    %ne3A_3432 = arith.xori %lt3A_3427, %ne3A_3431 : vector<128x128xi1>
    %and3A_3433 = arith.andi %ne3A_3432, %ne3A_3424 : vector<128x128xi1>
    %add3A_3434 = vector.broadcast %select_n3A_3419 : i32 to vector<128x128xi32>
    %add3A_3435 = arith.addi %rem3A_3421, %add3A_3434 : vector<128x128xi32>
    %select_n3A_3436 = arith.select %and3A_3433, %add3A_3435, %rem3A_3421 : vector<128x128xi1>, vector<128x128xi32>
    %eq3A_3437 = arith.constant 0 : i32
    %eq3A_3438 = vector.broadcast %eq3A_3437 : i32 to vector<128x128xi32>
    %eq3A_3439 = arith.cmpi eq, %select_n3A_3436, %eq3A_3438 : vector<128x128xi32>
    %neg3A_3440 = arith.constant 0.000000e+00 : f32
    %neg3A_3441 = vector.broadcast %neg3A_3440 : f32 to vector<128x128xf32>
    %neg3A_3442 = arith.subf %neg3A_3441, %concatenate3A_3410 : vector<128x128xf32>
    %select_n3A_3443 = arith.select %eq3A_3439, %neg3A_3442, %concatenate3A_3413 : vector<128x128xi1>, vector<128x128xf32>
    %get3A_3444 = arith.constant 60 : index
    %get3A_3445 = arith.constant 0 : index
    %get3A_3446 = arith.constant 0 : index
    %get3A_3447 = vector.load %arg2[%get3A_3444, %get3A_3445, %get3A_3446] : memref<65x128x256xf32, #tpu.memory_space<vmem>>, vector<1x128x256xf32>
    %get3A_3448 = vector.shape_cast %get3A_3447 : vector<1x128x256xf32> to vector<128x256xf32>
    %dot_general3A_3449 = arith.constant dense<0.000000e+00> : vector<128x256xf32>
    %dot_general3A_3450 = tpu.matmul %get3A_3407, %get3A_3448, %dot_general3A_3449 {dimension_numbers = #tpu.dot_dimension_numbers<[1], [0], [0], [1], [0, 0, 1, 1], [], []>, transpose_lhs_hint = false} : vector<128x128xf32>, vector<128x256xf32>, vector<128x256xf32> -> vector<128x256xf32>
    %get3A_3451 = arith.constant 60 : index
    %get3A_3452 = arith.constant 0 : index
    %get3A_3453 = arith.constant 0 : index
    %get3A_3454 = vector.load %arg3[%get3A_3451, %get3A_3452, %get3A_3453] : memref<65x128x256xf32, #tpu.memory_space<vmem>>, vector<1x128x256xf32>
    %get3A_3455 = vector.shape_cast %get3A_3454 : vector<1x128x256xf32> to vector<128x256xf32>
    %dot_general3A_3456 = arith.constant dense<0.000000e+00> : vector<128x256xf32>
    %dot_general3A_3457 = tpu.matmul %select_n3A_3443, %get3A_3455, %dot_general3A_3456 {dimension_numbers = #tpu.dot_dimension_numbers<[1], [0], [0], [1], [0, 0, 1, 1], [], []>, transpose_lhs_hint = false} : vector<128x128xf32>, vector<128x256xf32>, vector<128x256xf32> -> vector<128x256xf32>
    %add3A_3458 = arith.addf %dot_general3A_3450, %dot_general3A_3457 : vector<128x256xf32>
    %swap3A_3459 = arith.constant 0 : index
    %swap3A_3460 = arith.constant 15360 : index
    %swap3A_3461 = vector.load %arg4[%swap3A_3459, %swap3A_3460] : memref<128x16416xf32, #tpu.memory_space<vmem>>, vector<128x256xf32>
    tpu.vector_store %arg4[%swap3A_3459, %swap3A_3460], %add3A_3458 {strides = array<i32>} : memref<128x16416xf32, #tpu.memory_space<vmem>>, vector<128x256xf32>,
    %get3A_3462 = arith.constant 0 : index
    %get3A_3463 = arith.constant 7808 : index
    %get3A_3464 = vector.load %arg1[%get3A_3462, %get3A_3463] : memref<128x8208xf32, #tpu.memory_space<vmem>>, vector<128x128xf32>
    %slice3A_3465 = vector.extract_strided_slice %get3A_3464 {offsets = [1, 0], sizes = [127, 128], strides = [1, 1]} : vector<128x128xf32> to vector<127x128xf32>
    %slice3A_3466 = vector.extract_strided_slice %get3A_3464 {offsets = [0, 0], sizes = [1, 128], strides = [1, 1]} : vector<128x128xf32> to vector<1x128xf32>
    %concatenate3A_3467 = tpu.concatenate %slice3A_3465, %slice3A_3466 in 0 : vector<127x128xf32>, vector<1x128xf32> -> vector<128x128xf32>
    %slice3A_3468 = vector.extract_strided_slice %get3A_3464 {offsets = [127, 0], sizes = [1, 128], strides = [1, 1]} : vector<128x128xf32> to vector<1x128xf32>
    %slice3A_3469 = vector.extract_strided_slice %get3A_3464 {offsets = [0, 0], sizes = [127, 128], strides = [1, 1]} : vector<128x128xf32> to vector<127x128xf32>
    %concatenate3A_3470 = tpu.concatenate %slice3A_3468, %slice3A_3469 in 0 : vector<1x128xf32>, vector<127x128xf32> -> vector<128x128xf32>
    %iota3A_3471 = tpu.iota {dimensions = array<i32: 0>} : vector<128x128xi32>
    %jit3A_3472 = arith.constant 2 : i32
    %eq3A_3473 = arith.constant 0 : i32
    %eq3A_3474 = arith.cmpi eq, %jit3A_3472, %eq3A_3473 : i32
    %jit3A_3475 = arith.constant 1 : i32
    %select_n3A_3476 = arith.select %eq3A_3474, %jit3A_3475, %jit3A_3472 : i32
    %rem3A_3477 = vector.broadcast %select_n3A_3476 : i32 to vector<128x128xi32>
    %rem3A_3478 = arith.remsi %iota3A_3471, %rem3A_3477 : vector<128x128xi32>
    %ne3A_3479 = arith.constant 0 : i32
    %ne3A_3480 = vector.broadcast %ne3A_3479 : i32 to vector<128x128xi32>
    %ne3A_3481 = arith.cmpi ne, %rem3A_3478, %ne3A_3480 : vector<128x128xi32>
    %lt3A_3482 = arith.constant 0 : i32
    %lt3A_3483 = vector.broadcast %lt3A_3482 : i32 to vector<128x128xi32>
    %lt3A_3484 = arith.cmpi slt, %rem3A_3478, %lt3A_3483 : vector<128x128xi32>
    %lt3A_3485 = arith.constant 0 : i32
    %lt3A_3486 = arith.cmpi slt, %select_n3A_3476, %lt3A_3485 : i32
    %ne3A_3487 = vector.broadcast %lt3A_3486 : i1 to vector<128x128xi1>
    %ne3A_3488 = vector.broadcast %ne3A_3487 : vector<128x128xi1> to vector<128x128xi1>
    %ne3A_3489 = arith.xori %lt3A_3484, %ne3A_3488 : vector<128x128xi1>
    %and3A_3490 = arith.andi %ne3A_3489, %ne3A_3481 : vector<128x128xi1>
    %add3A_3491 = vector.broadcast %select_n3A_3476 : i32 to vector<128x128xi32>
    %add3A_3492 = arith.addi %rem3A_3478, %add3A_3491 : vector<128x128xi32>
    %select_n3A_3493 = arith.select %and3A_3490, %add3A_3492, %rem3A_3478 : vector<128x128xi1>, vector<128x128xi32>
    %eq3A_3494 = arith.constant 0 : i32
    %eq3A_3495 = vector.broadcast %eq3A_3494 : i32 to vector<128x128xi32>
    %eq3A_3496 = arith.cmpi eq, %select_n3A_3493, %eq3A_3495 : vector<128x128xi32>
    %neg3A_3497 = arith.constant 0.000000e+00 : f32
    %neg3A_3498 = vector.broadcast %neg3A_3497 : f32 to vector<128x128xf32>
    %neg3A_3499 = arith.subf %neg3A_3498, %concatenate3A_3467 : vector<128x128xf32>
    %select_n3A_3500 = arith.select %eq3A_3496, %neg3A_3499, %concatenate3A_3470 : vector<128x128xi1>, vector<128x128xf32>
    %get3A_3501 = arith.constant 61 : index
    %get3A_3502 = arith.constant 0 : index
    %get3A_3503 = arith.constant 0 : index
    %get3A_3504 = vector.load %arg2[%get3A_3501, %get3A_3502, %get3A_3503] : memref<65x128x256xf32, #tpu.memory_space<vmem>>, vector<1x128x256xf32>
    %get3A_3505 = vector.shape_cast %get3A_3504 : vector<1x128x256xf32> to vector<128x256xf32>
    %dot_general3A_3506 = arith.constant dense<0.000000e+00> : vector<128x256xf32>
    %dot_general3A_3507 = tpu.matmul %get3A_3464, %get3A_3505, %dot_general3A_3506 {dimension_numbers = #tpu.dot_dimension_numbers<[1], [0], [0], [1], [0, 0, 1, 1], [], []>, transpose_lhs_hint = false} : vector<128x128xf32>, vector<128x256xf32>, vector<128x256xf32> -> vector<128x256xf32>
    %get3A_3508 = arith.constant 61 : index
    %get3A_3509 = arith.constant 0 : index
    %get3A_3510 = arith.constant 0 : index
    %get3A_3511 = vector.load %arg3[%get3A_3508, %get3A_3509, %get3A_3510] : memref<65x128x256xf32, #tpu.memory_space<vmem>>, vector<1x128x256xf32>
    %get3A_3512 = vector.shape_cast %get3A_3511 : vector<1x128x256xf32> to vector<128x256xf32>
    %dot_general3A_3513 = arith.constant dense<0.000000e+00> : vector<128x256xf32>
    %dot_general3A_3514 = tpu.matmul %select_n3A_3500, %get3A_3512, %dot_general3A_3513 {dimension_numbers = #tpu.dot_dimension_numbers<[1], [0], [0], [1], [0, 0, 1, 1], [], []>, transpose_lhs_hint = false} : vector<128x128xf32>, vector<128x256xf32>, vector<128x256xf32> -> vector<128x256xf32>
    %add3A_3515 = arith.addf %dot_general3A_3507, %dot_general3A_3514 : vector<128x256xf32>
    %swap3A_3516 = arith.constant 0 : index
    %swap3A_3517 = arith.constant 15616 : index
    %swap3A_3518 = vector.load %arg4[%swap3A_3516, %swap3A_3517] : memref<128x16416xf32, #tpu.memory_space<vmem>>, vector<128x256xf32>
    tpu.vector_store %arg4[%swap3A_3516, %swap3A_3517], %add3A_3515 {strides = array<i32>} : memref<128x16416xf32, #tpu.memory_space<vmem>>, vector<128x256xf32>,
    %get3A_3519 = arith.constant 0 : index
    %get3A_3520 = arith.constant 7936 : index
    %get3A_3521 = vector.load %arg1[%get3A_3519, %get3A_3520] : memref<128x8208xf32, #tpu.memory_space<vmem>>, vector<128x128xf32>
    %slice3A_3522 = vector.extract_strided_slice %get3A_3521 {offsets = [1, 0], sizes = [127, 128], strides = [1, 1]} : vector<128x128xf32> to vector<127x128xf32>
    %slice3A_3523 = vector.extract_strided_slice %get3A_3521 {offsets = [0, 0], sizes = [1, 128], strides = [1, 1]} : vector<128x128xf32> to vector<1x128xf32>
    %concatenate3A_3524 = tpu.concatenate %slice3A_3522, %slice3A_3523 in 0 : vector<127x128xf32>, vector<1x128xf32> -> vector<128x128xf32>
    %slice3A_3525 = vector.extract_strided_slice %get3A_3521 {offsets = [127, 0], sizes = [1, 128], strides = [1, 1]} : vector<128x128xf32> to vector<1x128xf32>
    %slice3A_3526 = vector.extract_strided_slice %get3A_3521 {offsets = [0, 0], sizes = [127, 128], strides = [1, 1]} : vector<128x128xf32> to vector<127x128xf32>
    %concatenate3A_3527 = tpu.concatenate %slice3A_3525, %slice3A_3526 in 0 : vector<1x128xf32>, vector<127x128xf32> -> vector<128x128xf32>
    %iota3A_3528 = tpu.iota {dimensions = array<i32: 0>} : vector<128x128xi32>
    %jit3A_3529 = arith.constant 2 : i32
    %eq3A_3530 = arith.constant 0 : i32
    %eq3A_3531 = arith.cmpi eq, %jit3A_3529, %eq3A_3530 : i32
    %jit3A_3532 = arith.constant 1 : i32
    %select_n3A_3533 = arith.select %eq3A_3531, %jit3A_3532, %jit3A_3529 : i32
    %rem3A_3534 = vector.broadcast %select_n3A_3533 : i32 to vector<128x128xi32>
    %rem3A_3535 = arith.remsi %iota3A_3528, %rem3A_3534 : vector<128x128xi32>
    %ne3A_3536 = arith.constant 0 : i32
    %ne3A_3537 = vector.broadcast %ne3A_3536 : i32 to vector<128x128xi32>
    %ne3A_3538 = arith.cmpi ne, %rem3A_3535, %ne3A_3537 : vector<128x128xi32>
    %lt3A_3539 = arith.constant 0 : i32
    %lt3A_3540 = vector.broadcast %lt3A_3539 : i32 to vector<128x128xi32>
    %lt3A_3541 = arith.cmpi slt, %rem3A_3535, %lt3A_3540 : vector<128x128xi32>
    %lt3A_3542 = arith.constant 0 : i32
    %lt3A_3543 = arith.cmpi slt, %select_n3A_3533, %lt3A_3542 : i32
    %ne3A_3544 = vector.broadcast %lt3A_3543 : i1 to vector<128x128xi1>
    %ne3A_3545 = vector.broadcast %ne3A_3544 : vector<128x128xi1> to vector<128x128xi1>
    %ne3A_3546 = arith.xori %lt3A_3541, %ne3A_3545 : vector<128x128xi1>
    %and3A_3547 = arith.andi %ne3A_3546, %ne3A_3538 : vector<128x128xi1>
    %add3A_3548 = vector.broadcast %select_n3A_3533 : i32 to vector<128x128xi32>
    %add3A_3549 = arith.addi %rem3A_3535, %add3A_3548 : vector<128x128xi32>
    %select_n3A_3550 = arith.select %and3A_3547, %add3A_3549, %rem3A_3535 : vector<128x128xi1>, vector<128x128xi32>
    %eq3A_3551 = arith.constant 0 : i32
    %eq3A_3552 = vector.broadcast %eq3A_3551 : i32 to vector<128x128xi32>
    %eq3A_3553 = arith.cmpi eq, %select_n3A_3550, %eq3A_3552 : vector<128x128xi32>
    %neg3A_3554 = arith.constant 0.000000e+00 : f32
    %neg3A_3555 = vector.broadcast %neg3A_3554 : f32 to vector<128x128xf32>
    %neg3A_3556 = arith.subf %neg3A_3555, %concatenate3A_3524 : vector<128x128xf32>
    %select_n3A_3557 = arith.select %eq3A_3553, %neg3A_3556, %concatenate3A_3527 : vector<128x128xi1>, vector<128x128xf32>
    %get3A_3558 = arith.constant 62 : index
    %get3A_3559 = arith.constant 0 : index
    %get3A_3560 = arith.constant 0 : index
    %get3A_3561 = vector.load %arg2[%get3A_3558, %get3A_3559, %get3A_3560] : memref<65x128x256xf32, #tpu.memory_space<vmem>>, vector<1x128x256xf32>
    %get3A_3562 = vector.shape_cast %get3A_3561 : vector<1x128x256xf32> to vector<128x256xf32>
    %dot_general3A_3563 = arith.constant dense<0.000000e+00> : vector<128x256xf32>
    %dot_general3A_3564 = tpu.matmul %get3A_3521, %get3A_3562, %dot_general3A_3563 {dimension_numbers = #tpu.dot_dimension_numbers<[1], [0], [0], [1], [0, 0, 1, 1], [], []>, transpose_lhs_hint = false} : vector<128x128xf32>, vector<128x256xf32>, vector<128x256xf32> -> vector<128x256xf32>
    %get3A_3565 = arith.constant 62 : index
    %get3A_3566 = arith.constant 0 : index
    %get3A_3567 = arith.constant 0 : index
    %get3A_3568 = vector.load %arg3[%get3A_3565, %get3A_3566, %get3A_3567] : memref<65x128x256xf32, #tpu.memory_space<vmem>>, vector<1x128x256xf32>
    %get3A_3569 = vector.shape_cast %get3A_3568 : vector<1x128x256xf32> to vector<128x256xf32>
    %dot_general3A_3570 = arith.constant dense<0.000000e+00> : vector<128x256xf32>
    %dot_general3A_3571 = tpu.matmul %select_n3A_3557, %get3A_3569, %dot_general3A_3570 {dimension_numbers = #tpu.dot_dimension_numbers<[1], [0], [0], [1], [0, 0, 1, 1], [], []>, transpose_lhs_hint = false} : vector<128x128xf32>, vector<128x256xf32>, vector<128x256xf32> -> vector<128x256xf32>
    %add3A_3572 = arith.addf %dot_general3A_3564, %dot_general3A_3571 : vector<128x256xf32>
    %swap3A_3573 = arith.constant 0 : index
    %swap3A_3574 = arith.constant 15872 : index
    %swap3A_3575 = vector.load %arg4[%swap3A_3573, %swap3A_3574] : memref<128x16416xf32, #tpu.memory_space<vmem>>, vector<128x256xf32>
    tpu.vector_store %arg4[%swap3A_3573, %swap3A_3574], %add3A_3572 {strides = array<i32>} : memref<128x16416xf32, #tpu.memory_space<vmem>>, vector<128x256xf32>,
    %get3A_3576 = arith.constant 0 : index
    %get3A_3577 = arith.constant 8064 : index
    %get3A_3578 = vector.load %arg1[%get3A_3576, %get3A_3577] : memref<128x8208xf32, #tpu.memory_space<vmem>>, vector<128x128xf32>
    %slice3A_3579 = vector.extract_strided_slice %get3A_3578 {offsets = [1, 0], sizes = [127, 128], strides = [1, 1]} : vector<128x128xf32> to vector<127x128xf32>
    %slice3A_3580 = vector.extract_strided_slice %get3A_3578 {offsets = [0, 0], sizes = [1, 128], strides = [1, 1]} : vector<128x128xf32> to vector<1x128xf32>
    %concatenate3A_3581 = tpu.concatenate %slice3A_3579, %slice3A_3580 in 0 : vector<127x128xf32>, vector<1x128xf32> -> vector<128x128xf32>
    %slice3A_3582 = vector.extract_strided_slice %get3A_3578 {offsets = [127, 0], sizes = [1, 128], strides = [1, 1]} : vector<128x128xf32> to vector<1x128xf32>
    %slice3A_3583 = vector.extract_strided_slice %get3A_3578 {offsets = [0, 0], sizes = [127, 128], strides = [1, 1]} : vector<128x128xf32> to vector<127x128xf32>
    %concatenate3A_3584 = tpu.concatenate %slice3A_3582, %slice3A_3583 in 0 : vector<1x128xf32>, vector<127x128xf32> -> vector<128x128xf32>
    %iota3A_3585 = tpu.iota {dimensions = array<i32: 0>} : vector<128x128xi32>
    %jit3A_3586 = arith.constant 2 : i32
    %eq3A_3587 = arith.constant 0 : i32
    %eq3A_3588 = arith.cmpi eq, %jit3A_3586, %eq3A_3587 : i32
    %jit3A_3589 = arith.constant 1 : i32
    %select_n3A_3590 = arith.select %eq3A_3588, %jit3A_3589, %jit3A_3586 : i32
    %rem3A_3591 = vector.broadcast %select_n3A_3590 : i32 to vector<128x128xi32>
    %rem3A_3592 = arith.remsi %iota3A_3585, %rem3A_3591 : vector<128x128xi32>
    %ne3A_3593 = arith.constant 0 : i32
    %ne3A_3594 = vector.broadcast %ne3A_3593 : i32 to vector<128x128xi32>
    %ne3A_3595 = arith.cmpi ne, %rem3A_3592, %ne3A_3594 : vector<128x128xi32>
    %lt3A_3596 = arith.constant 0 : i32
    %lt3A_3597 = vector.broadcast %lt3A_3596 : i32 to vector<128x128xi32>
    %lt3A_3598 = arith.cmpi slt, %rem3A_3592, %lt3A_3597 : vector<128x128xi32>
    %lt3A_3599 = arith.constant 0 : i32
    %lt3A_3600 = arith.cmpi slt, %select_n3A_3590, %lt3A_3599 : i32
    %ne3A_3601 = vector.broadcast %lt3A_3600 : i1 to vector<128x128xi1>
    %ne3A_3602 = vector.broadcast %ne3A_3601 : vector<128x128xi1> to vector<128x128xi1>
    %ne3A_3603 = arith.xori %lt3A_3598, %ne3A_3602 : vector<128x128xi1>
    %and3A_3604 = arith.andi %ne3A_3603, %ne3A_3595 : vector<128x128xi1>
    %add3A_3605 = vector.broadcast %select_n3A_3590 : i32 to vector<128x128xi32>
    %add3A_3606 = arith.addi %rem3A_3592, %add3A_3605 : vector<128x128xi32>
    %select_n3A_3607 = arith.select %and3A_3604, %add3A_3606, %rem3A_3592 : vector<128x128xi1>, vector<128x128xi32>
    %eq3A_3608 = arith.constant 0 : i32
    %eq3A_3609 = vector.broadcast %eq3A_3608 : i32 to vector<128x128xi32>
    %eq3A_3610 = arith.cmpi eq, %select_n3A_3607, %eq3A_3609 : vector<128x128xi32>
    %neg3A_3611 = arith.constant 0.000000e+00 : f32
    %neg3A_3612 = vector.broadcast %neg3A_3611 : f32 to vector<128x128xf32>
    %neg3A_3613 = arith.subf %neg3A_3612, %concatenate3A_3581 : vector<128x128xf32>
    %select_n3A_3614 = arith.select %eq3A_3610, %neg3A_3613, %concatenate3A_3584 : vector<128x128xi1>, vector<128x128xf32>
    %get3A_3615 = arith.constant 63 : index
    %get3A_3616 = arith.constant 0 : index
    %get3A_3617 = arith.constant 0 : index
    %get3A_3618 = vector.load %arg2[%get3A_3615, %get3A_3616, %get3A_3617] : memref<65x128x256xf32, #tpu.memory_space<vmem>>, vector<1x128x256xf32>
    %get3A_3619 = vector.shape_cast %get3A_3618 : vector<1x128x256xf32> to vector<128x256xf32>
    %dot_general3A_3620 = arith.constant dense<0.000000e+00> : vector<128x256xf32>
    %dot_general3A_3621 = tpu.matmul %get3A_3578, %get3A_3619, %dot_general3A_3620 {dimension_numbers = #tpu.dot_dimension_numbers<[1], [0], [0], [1], [0, 0, 1, 1], [], []>, transpose_lhs_hint = false} : vector<128x128xf32>, vector<128x256xf32>, vector<128x256xf32> -> vector<128x256xf32>
    %get3A_3622 = arith.constant 63 : index
    %get3A_3623 = arith.constant 0 : index
    %get3A_3624 = arith.constant 0 : index
    %get3A_3625 = vector.load %arg3[%get3A_3622, %get3A_3623, %get3A_3624] : memref<65x128x256xf32, #tpu.memory_space<vmem>>, vector<1x128x256xf32>
    %get3A_3626 = vector.shape_cast %get3A_3625 : vector<1x128x256xf32> to vector<128x256xf32>
    %dot_general3A_3627 = arith.constant dense<0.000000e+00> : vector<128x256xf32>
    %dot_general3A_3628 = tpu.matmul %select_n3A_3614, %get3A_3626, %dot_general3A_3627 {dimension_numbers = #tpu.dot_dimension_numbers<[1], [0], [0], [1], [0, 0, 1, 1], [], []>, transpose_lhs_hint = false} : vector<128x128xf32>, vector<128x256xf32>, vector<128x256xf32> -> vector<128x256xf32>
    %add3A_3629 = arith.addf %dot_general3A_3621, %dot_general3A_3628 : vector<128x256xf32>
    %swap3A_3630 = arith.constant 0 : index
    %swap3A_3631 = arith.constant 16128 : index
    %swap3A_3632 = vector.load %arg4[%swap3A_3630, %swap3A_3631] : memref<128x16416xf32, #tpu.memory_space<vmem>>, vector<128x256xf32>
    tpu.vector_store %arg4[%swap3A_3630, %swap3A_3631], %add3A_3629 {strides = array<i32>} : memref<128x16416xf32, #tpu.memory_space<vmem>>, vector<128x256xf32>,
    %get3A_3633 = arith.constant 0 : index
    %get3A_3634 = arith.constant 8192 : index
    %get3A_3635 = vector.load %arg1[%get3A_3633, %get3A_3634] : memref<128x8208xf32, #tpu.memory_space<vmem>>, vector<128x16xf32>
    %slice3A_3636 = vector.extract_strided_slice %get3A_3635 {offsets = [1, 0], sizes = [127, 16], strides = [1, 1]} : vector<128x16xf32> to vector<127x16xf32>
    %slice3A_3637 = vector.extract_strided_slice %get3A_3635 {offsets = [0, 0], sizes = [1, 16], strides = [1, 1]} : vector<128x16xf32> to vector<1x16xf32>
    %concatenate3A_3638 = tpu.concatenate %slice3A_3636, %slice3A_3637 in 0 : vector<127x16xf32>, vector<1x16xf32> -> vector<128x16xf32>
    %slice3A_3639 = vector.extract_strided_slice %get3A_3635 {offsets = [127, 0], sizes = [1, 16], strides = [1, 1]} : vector<128x16xf32> to vector<1x16xf32>
    %slice3A_3640 = vector.extract_strided_slice %get3A_3635 {offsets = [0, 0], sizes = [127, 16], strides = [1, 1]} : vector<128x16xf32> to vector<127x16xf32>
    %concatenate3A_3641 = tpu.concatenate %slice3A_3639, %slice3A_3640 in 0 : vector<1x16xf32>, vector<127x16xf32> -> vector<128x16xf32>
    %iota3A_3642 = tpu.iota {dimensions = array<i32: 0>} : vector<128x16xi32>
    %jit3A_3643 = arith.constant 2 : i32
    %eq3A_3644 = arith.constant 0 : i32
    %eq3A_3645 = arith.cmpi eq, %jit3A_3643, %eq3A_3644 : i32
    %jit3A_3646 = arith.constant 1 : i32
    %select_n3A_3647 = arith.select %eq3A_3645, %jit3A_3646, %jit3A_3643 : i32
    %rem3A_3648 = vector.broadcast %select_n3A_3647 : i32 to vector<128x16xi32>
    %rem3A_3649 = arith.remsi %iota3A_3642, %rem3A_3648 : vector<128x16xi32>
    %ne3A_3650 = arith.constant 0 : i32
    %ne3A_3651 = vector.broadcast %ne3A_3650 : i32 to vector<128x16xi32>
    %ne3A_3652 = arith.cmpi ne, %rem3A_3649, %ne3A_3651 : vector<128x16xi32>
    %lt3A_3653 = arith.constant 0 : i32
    %lt3A_3654 = vector.broadcast %lt3A_3653 : i32 to vector<128x16xi32>
    %lt3A_3655 = arith.cmpi slt, %rem3A_3649, %lt3A_3654 : vector<128x16xi32>
    %lt3A_3656 = arith.constant 0 : i32
    %lt3A_3657 = arith.cmpi slt, %select_n3A_3647, %lt3A_3656 : i32
    %ne3A_3658 = vector.broadcast %lt3A_3657 : i1 to vector<128x16xi1>
    %ne3A_3659 = vector.broadcast %ne3A_3658 : vector<128x16xi1> to vector<128x16xi1>
    %ne3A_3660 = arith.xori %lt3A_3655, %ne3A_3659 : vector<128x16xi1>
    %and3A_3661 = arith.andi %ne3A_3660, %ne3A_3652 : vector<128x16xi1>
    %add3A_3662 = vector.broadcast %select_n3A_3647 : i32 to vector<128x16xi32>
    %add3A_3663 = arith.addi %rem3A_3649, %add3A_3662 : vector<128x16xi32>
    %select_n3A_3664 = arith.select %and3A_3661, %add3A_3663, %rem3A_3649 : vector<128x16xi1>, vector<128x16xi32>
    %eq3A_3665 = arith.constant 0 : i32
    %eq3A_3666 = vector.broadcast %eq3A_3665 : i32 to vector<128x16xi32>
    %eq3A_3667 = arith.cmpi eq, %select_n3A_3664, %eq3A_3666 : vector<128x16xi32>
    %neg3A_3668 = arith.constant 0.000000e+00 : f32
    %neg3A_3669 = vector.broadcast %neg3A_3668 : f32 to vector<128x16xf32>
    %neg3A_3670 = arith.subf %neg3A_3669, %concatenate3A_3638 : vector<128x16xf32>
    %select_n3A_3671 = arith.select %eq3A_3667, %neg3A_3670, %concatenate3A_3641 : vector<128x16xi1>, vector<128x16xf32>
    %get3A_3672 = arith.constant 64 : index
    %get3A_3673 = arith.constant 0 : index
    %get3A_3674 = arith.constant 0 : index
    %get3A_3675 = vector.load %arg2[%get3A_3672, %get3A_3673, %get3A_3674] : memref<65x128x256xf32, #tpu.memory_space<vmem>>, vector<1x16x256xf32>
    %get3A_3676 = vector.shape_cast %get3A_3675 : vector<1x16x256xf32> to vector<16x256xf32>
    %dot_general3A_3677 = arith.constant dense<0.000000e+00> : vector<128x256xf32>
    %dot_general3A_3678 = tpu.matmul %get3A_3635, %get3A_3676, %dot_general3A_3677 {dimension_numbers = #tpu.dot_dimension_numbers<[1], [0], [0], [1], [0, 0, 1, 1], [], []>, transpose_lhs_hint = false} : vector<128x16xf32>, vector<16x256xf32>, vector<128x256xf32> -> vector<128x256xf32>
    %get3A_3679 = arith.constant 64 : index
    %get3A_3680 = arith.constant 0 : index
    %get3A_3681 = arith.constant 0 : index
    %get3A_3682 = vector.load %arg3[%get3A_3679, %get3A_3680, %get3A_3681] : memref<65x128x256xf32, #tpu.memory_space<vmem>>, vector<1x16x256xf32>
    %get3A_3683 = vector.shape_cast %get3A_3682 : vector<1x16x256xf32> to vector<16x256xf32>
    %dot_general3A_3684 = arith.constant dense<0.000000e+00> : vector<128x256xf32>
    %dot_general3A_3685 = tpu.matmul %select_n3A_3671, %get3A_3683, %dot_general3A_3684 {dimension_numbers = #tpu.dot_dimension_numbers<[1], [0], [0], [1], [0, 0, 1, 1], [], []>, transpose_lhs_hint = false} : vector<128x16xf32>, vector<16x256xf32>, vector<128x256xf32> -> vector<128x256xf32>
    %add3A_3686 = arith.addf %dot_general3A_3678, %dot_general3A_3685 : vector<128x256xf32>
    %slice3A_3687 = vector.extract_strided_slice %add3A_3686 {offsets = [0, 0], sizes = [128, 32], strides = [1, 1]} : vector<128x256xf32> to vector<128x32xf32>
    %swap3A_3688 = arith.constant 0 : index
    %swap3A_3689 = arith.constant 16384 : index
    %swap3A_3690 = vector.load %arg4[%swap3A_3688, %swap3A_3689] : memref<128x16416xf32, #tpu.memory_space<vmem>>, vector<128x32xf32>
    tpu.vector_store %arg4[%swap3A_3688, %swap3A_3689], %slice3A_3687 {strides = array<i32>} : memref<128x16416xf32, #tpu.memory_space<vmem>>, vector<128x32xf32>,
    return
  }
  func.func @transform_0(%arg0: i32) -> (i32, i32) {
    %c0_i32 = arith.constant 0 : i32
    %c0_i32_0 = arith.constant 0 : i32
    return %arg0, %c0_i32 : i32, i32
  }
  func.func @transform_1(%arg0: i32) -> (i32, i32, i32) {
    %c0_i32 = arith.constant 0 : i32
    %c0_i32_0 = arith.constant 0 : i32
    %c0_i32_1 = arith.constant 0 : i32
    %c0_i32_2 = arith.constant 0 : i32
    return %c0_i32, %c0_i32_0, %c0_i32_1 : i32, i32, i32
  }
  func.func @transform_2(%arg0: i32) -> (i32, i32, i32) {
    %c0_i32 = arith.constant 0 : i32
    %c0_i32_0 = arith.constant 0 : i32
    %c0_i32_1 = arith.constant 0 : i32
    %c0_i32_2 = arith.constant 0 : i32
    return %c0_i32, %c0_i32_0, %c0_i32_1 : i32, i32, i32
  }
  func.func @transform_3(%arg0: i32) -> (i32, i32) {
    %c0_i32 = arith.constant 0 : i32
    %c0_i32_0 = arith.constant 0 : i32
    return %arg0, %c0_i32 : i32, i32
  }
}

</mosaic_0001>

<sc_bundles>
// kernel: sparse-core-data-format-call.cloned.1.call-start
scs
called_computation_lowered:
.L_overlay_start_0:
0x0: {  	s2 =	sld [smem:$0x3FD9]  }
0x1: {  	s3 =	sld [smem:$0x3FFE];
	_ =	sdelay $0x1  }
0x2: {  	s1 =	srdreg.scid  }
0x3: {  	s0 =	sand.u32 $0x1, s1  }
0x4: {  	s18 =	sshll.u32 s0, $0xA;
	s2 =	sadd.s32 s3, s2  }
0x5: {  	s2 =	sadd.s32 s2, s18  }
0x6: {  	[smem:$0x3FC6] =	sst s2  }
0x7: {  	_ = 	snop  }
0x8: {  	s2 =	sld [smem:$0x3FD0];
	(tm) =	ssettm $0x1  }
0x9: {  	s19 =	sld [smem:$0x3FFB];
	_ =	sdelay $0x3  }
0xa: {  	_ =	strace s19  }
0xb: {  	s3 =	sld [smem:$0x3FFC];
	_ =	sdelay $0x3  }
0xc: {  	_ =	strace s3  }
0xd: {  	s3 =	sld [smem:$0x3FFD];
	_ =	sdelay $0x3  }
0xe: {  	_ =	strace s3  }
0xf: {  	_ =	strace $0x8FFFFFFF  }
0x10: {  	s20 =	sld [smem:$0x3FDB];
	_ =	sdelay $0x1  }
0x11: {  	s4 =	simm.s32 $_scs_section_size  }
0x12: {  	s5 =	simm.s32 $_size__tile_overlayer_lowered;
	s6 =	simm.s32 $_tile_overlayer_lowered  }
0x13: {  	s23 =	simm.s32 $0x1BFF;
	s22 =	sshll.u32 s6, $0x1;
	s3 =	sadd.s32 s4, s20  }
0x14: {  	s7 =	simm.s32 $0x0;
	s21 =	sshll.u32 s5, $0x1;
	s5 =	sadd.s32 s22, s3  }
0x15: {  	[timem:s7], [sflag:s23] =	dma.local [hbm:s5], s21  }
0x16: {  	_ =	swait.ge [sflag:s23], s21  }
0x17: {  	s4 =	ssub.s32 $0x0, s21;
	[sflag:s23] =	ssyncset.done $0x0  }
0x18: {  	[sflag:s23] =	ssyncadd.s32 s4;
	_ =	sdelay $0x1  }
0x19: {  	s24 =	simm.s32 $0x1B8B  }
0x1a: {  	_ =	swait.ge [sflag:s24], $0x1  }
0x1b: {  	[sflag:s24] =	ssyncset.done $0x0  }
0x1c: {  	s26 =	simm.s32 $0x1B8E;
	s25 =	sld [smem:$0x3FFE];
	[sflag:s24] =	ssyncadd.s32 $0xFFFFFFFF  }
0x1d: {  	s27 =	simm.s32 $execute0_lowered;
	[smem:$0x3FD2] =	sst s26  }
0x1e: {  	s5 =	sshll.u32 s27, $0x1;
	_ =	strace $0x80000046;
	[dreg:$0x1] =	wrdreg $0xFFFFFFFF  }
0x1f: {  	s28 =	simm.s32 $_size_execute0_lowered;
	s3 =	sadd.s32 s3, s5;
	[dreg:$0x0] =	wrdreg $0x0  }
0x20: {  	s5 =	sshll.u32 s28, $0x1;
	[dreg:$0x2] =	wrdreg s3  }
0x21: {  	[dreg:$0x3] =	wrdreg s5  }
0x22: {  	[dreg:$0x4] =	wrdreg $0xC0  }
0x23: {  	_ =	task [dreg:s7], $0x5FFFF  }
0x24: {  	[dreg:$0x1] =	wrdreg $0xFFFFFFFF  }
0x25: {  	[dreg:$0x0] =	wrdreg $0x60  }
0x26: {  	[dreg:$0x2] =	wrdreg s25  }
0x27: {  	[dreg:$0x3] =	wrdreg s2  }
0x28: {  	[dreg:$0x4] =	wrdreg $0x9  }
0x29: {  	_ =	task.clear_ibuf [dreg:s7], $0x5FFFF;
	_ =	strace $0x90000046  }
0x2a: {  	s29 =	simm.s32 $0x9;
	_ =	strace $0x80000048  }
0x2b: {  	_ =	swait.ge [sflag:s29], $0x1  }
0x2c: {  	[sflag:s29] =	ssyncadd.s32 $0xFFFFFFFF  }
0x2d: {  	_ =	strace $0x90000048  }
0x2e: {  	_ =	sfence  }
0x2f: {  	s30 =	sld [smem:$0x0];
	_ =	sdelay $0x2  }
0x30: {  	s31 =	sshll.u32 s1, $0xD;
	s1 =	sshrl.u32 s1, $0x2  }
0x31: {  	s3 =	sand.u32 $0x4000, s31;
	s1 =	sadd.s32 s1, s30  }
0x32: {  	s0 =	sor.u32 s3, s0;
	s1 =	sshll.u32 s1, $0x11  }
0x33: {  	s0 =	sor.u32 s1, s0  }
0x34: {  	s0 =	sadd.s32 $0x8F2B, s0  }
0x35: {  	[sflag:s0] =	ssyncadd.remote.s32 $0x1  }
0x36: {  	_ =	sfence.sel $0xFFFF  }
0x37: {  	[dreg:$0x0] =	wrdreg $0xFFFFFFFF;
	(pc) =	sbr.abs _section_cstart, $3  }
0x38: {  	[dreg:$0x1] =	wrdreg $0xFFFFFFFF  }
0x39: {  	_ =	task.clear_ibuf [dreg:s7], $0x2FFFF;
	_ =	strace $0x9FFFFFFF  }
0x3a: {  	(tm) =	ssettm $0x7FFFFFFF  }
0x3b: {  	_ =	shalt  }
tec
execute0_lowered:
.L_overlay_start_1:
0x0: {  	(tag) =	ssettag $0x1  }
0x1: {  	s7 =	rddreg [dreg:$0x0]  }
0x2: {  	s0 =	stileid.u32;
	s3 =	rddreg [dreg:$0x1]  }
0x3: {  	s5 =	srdreg.scid;
	s6 =	simm.s32 $0x1;
	s31 =	simm.s32 $0x2  }
0x4: {  	s15 =	simm.s32 $0x0;
	s10 =	simm.s32 $0x4000;
	s1 =	sshll.u32 s0, $0x7  }
0x5: {  	s17 =	simm.s32 $0x0;
	s16 =	simm.s32 $0x0;
	s2 =	ssub.s32 $0x800, s1  }
0x6: {  	s12 =	simm.s32 $0x0;
	s14 =	simm.s32 $0x0;
	s4 =	sand.u32 $0x780, s2  }
0x7: {  	s7 =	sadd.s32 $0x810C00, s7;
	s30 =	sshrl.u32 s2, $0xB;
	p0 =	sne.s32 s4, $0x0  }
.Ltmp0:
0x8: {  	s4 =	sand.u32 $0x1, s5;
	s6 =	simm.s32 @!p0 $0x0;
	(pc) =	sbr.rel .LBB1_1-.Ltmp0, $4  }
0x9: {  	s2 =	rddreg [dreg:$0x2];
	s8 =	sxor.u32 $0x101, s4;
	s6 =	sadd.s32 s6, s30  }
0xa: {  	_ =	strace $0x80000047;
	s5 =	simm.s32 $0x1;
	s6 =	smul.u32 s8, s6  }
0xb: {  	s13 =	smov.u32 s1;
	[sflag:s5] =	ssyncpa.u1 $0x0;
	s11 =	smov.u32 s4  }
0xc: {  	[sflag:s31] =	ssyncpa.u1 $0x0;
	s8 =	sadd.s32 $0x402000, s3;
	s9 =	sadd.s32 $0x1, s6  }
.LBB1_7:
0xd: {  	s18 =	sadd.s32 $0x2, s11  }
0xe: {  	s15 =	sadd.s32 $0x2, s12;
	s19 =	smov.u32 s12;
	p1 =	sgt.s32 s18, $0x200  }
0xf: {  	s19 =	smov.u32 @p1 s15  }
0x10: {  	s21 =	smov.u32 s13;
	s15 =	sadd.s32 $0x800, s13;
	p2 =	sgt.s32 s19, $0x1  }
0x11: {  	s21 =	smov.u32 @p2 s15  }
0x12: {  	s18 =	smov.u32 @p1 s4;
	p1 =	sgt.s32 s21, $0x7FF  }
0x13: {  	p0 =	slt.u32 s14, $0x2;
	s21 =	smov.u32 @p1 s1;
	p1 =	sne.s32 s14, s9  }
.Ltmp1:
0x14: {  	s20 =	simm.s32 @!p0 $0x2;
	(pc) =	sbr.rel @!p1 .LBB1_8-.Ltmp1, $4  }
0x15: {  	s17 =	smov.u32 s12;
	_ =	swait.ge @!p0 [sflag:s20], $0x2000  }
0x16: {  	s16 =	smov.u32 s13;
	[sflag:s20] =	ssyncset.done @!p0 $0x0;
	s19 =	simm.s32 @p2 $0x0  }
0x17: {  	s15 =	smov.u32 s11;
	[sflag:s20] =	ssyncadd.s32 @!p0 $0xFFFFE000;
	s11 =	smov.u32 s18  }
0x18: {  	s12 =	smov.u32 s19;
	s14 =	sadd.s32 $0x1, s14;
	s13 =	smov.u32 s21  }
.LBB1_1:
0x19: {  	p0 =	sge.u32 s14, s6  }
0x1a: {  	s18 =	sand.u32 @!p0 $0x1FFFFFF, s11  }
0x1b: {  	s19 =	smulhi.u32 @!p0 $0xFC0FC1, s18  }
0x1c: {  	s20 =	smul.u32 @!p0 $0x4100, s13  }
0x1d: {  	s22 =	smul.u32 @!p0 $0x2080, s12;
	s19 =	sshrl.u32 @!p0 s19, $0x1  }
0x1e: {  	s19 =	smul.u32 @!p0 $0x208, s19  }
0x1f: {  	s31 =	sadd.s32 $0xFFFFFFFF, s14;
	s20 =	sadd.s32 @!p0 s7, s20  }
0x20: {  	s21 =	sxor.u32 @!p0 $0xFFFFFFFF, s14;
	s20 =	sadd.s32 @!p0 s22, s20;
	s18 =	ssub.s32 @!p0 s18, s19  }
0x21: {  	s19 =	sshll.u32 @!p0 s21, $0xD;
	s21 =	simm.s32 @!p0 $0x10400;
	s18 =	sshll.u32 @!p0 s18, $0x4  }
0x22: {  	s19 =	sand.u32 @!p0 $0x2000, s19;
	s18 =	sadd.s32 @!p0 s18, s20;
	s20 =	simm.s32 @!p0 $0x20  }
0x23: {  	[tilespmem:s19], [sflag:$0x1] =	stream.strided.gather @!p0 [hbm4b:s18+s20], $0x2000, s21, s20, $0x38;
	[tilespmem:$0x8080] =	vst v63  }
0x24: {  	p0 =	sge.u32 s31, s6  }
.Ltmp2:
0x25: {  	_ = 	snop;
	(pc) =	sbr.rel @p0 .LBB1_7-.Ltmp2, $1  }
0x26: {  	_ =	sdelay $0x3  }
0x27: {  	s19 =	sand.u32 $0x1, s14  }
0x28: {  	s18 =	smul.u32 $0x8100, s19  }
0x29: {  	_ =	swait.ge [sflag:s5], $0x2000  }
0x2a: {  	s21 =	simm.s32 $0x0;
	[sflag:s5] =	ssyncset.done $0x0;
	s18 =	sshrl.u32 s18, $0x2  }
0x2b: {  	s20 =	sshll.u32 s19, $0xD;
	[sflag:s5] =	ssyncadd.s32 $0xFFFFE000;
	s19 =	sor.u32 $0x4000, s18  }
.LBB1_3:
0x2c: {  	s22 =	sshll.u32 s21, $0x6  }
0x2d: {  	s22 =	sand.u32 $0x3FFFFFC0, s22  }
0x2e: {  	s22 =	sadd.s32 s22, s20  }
0x2f: {  	v0 =	vmov s22;
	_ =	sdelay $0x1  }
0x30: {  	p0 =	por $0x1, $0x1;
	s22 =	simm.s32 $0x0  }
.LBB1_4:
0x31: {  	s23 =	sshll.u32 s22, $0x5  }
0x32: {  	s23 =	sand.u32 $0x3FFFFFE0, s23  }
0x33: {  	s31 =	smul.u32 $0x4080, s22;
	v1 =	vld.idx.msk [tilespmem:v0+s23+$0x0 ss:$0x1], $0xffff  }
0x34: {  	p1 =	por p0, p0;
	v2 =	vld.idx.msk [tilespmem:v0+s23+$0x10 ss:$0x1], $0xffff  }
.Ltmp3:
0x35: {  	s22 =	sshra.s32 s31, $0x2;
	(pc) =	sbr.rel @p1 .LBB1_4-.Ltmp3, $4  }
0x36: {  	s22 =	sadd.s32 s22, s19  }
0x37: {  	s22 =	sadd.s32 s21, s22  }
0x38: {  	[tilespmem:s22+$0x0 ss:$0x81] =	vst.msk $0xffff, v1  }
0x39: {  	p0 =	por $0x0, $0x0;
	[tilespmem:s22+$0x810 ss:$0x81] =	vst.msk $0xffff, v2;
	s22 =	simm.s32 $0x1  }
0x3a: {  	s21 =	sadd.s32 $0x1, s21  }
0x3b: {  	p0 =	sne.s32 s21, $0x80  }
.Ltmp4:
0x3c: {  	_ = 	snop;
	(pc) =	sbr.rel @p0 .LBB1_3-.Ltmp4, $1  }
0x3d: {  	_ =	sdelay $0x3  }
0x3e: {  	s20 =	sshll.u32 s16, $0x3  }
0x3f: {  	s17 =	smul.u32 $0x402000, s17;
	s21 =	sand.u32 $0x78, s16;
	s15 =	sshll.u32 s15, $0xD  }
0x40: {  	s22 =	sand.u32 $0x1F00, s16;
	s29 =	sand.u32 $0x7, s16;
	s20 =	sand.u32 $0x400, s20  }
0x41: {  	s16 =	sshll.u32 s29, $0x12;
	s30 =	sadd.s32 s22, s8;
	s28 =	sadd.s32 s17, s15  }
0x42: {  	s20 =	sor.u32 s21, s20;
	s17 =	sadd.s32 s17, s30;
	s21 =	sadd.s32 s3, s28  }
.Ltmp5:
0x43: {  	s20 =	sshrl.u32 s20, $0x3;
	s21 =	sadd.s32 s22, s21;
	(pc) =	sbr.rel .LBB1_7-.Ltmp5, $4  }
0x44: {  	s16 =	sor.u32 $0x400, s16;
	s15 =	sadd.s32 s15, s17;
	s21 =	sadd.s32 s20, s21  }
0x45: {  	[hbm4b:s21+s16] =	stream.strided.scatter [tilespmem:s19], [sflag:$0x2], $0x1000, s10, s16, $0x20;
	[tilespmem:$0x8080] =	vst v63  }
0x46: {  	s31 =	sadd.s32 $0x5020, s18;
	s15 =	sadd.s32 s20, s15  }
0x47: {  	[hbm4b:s15+s16] =	stream.strided.scatter [tilespmem:s31], [sflag:$0x2], $0x1000, s10, s16, $0x20;
	[tilespmem:$0x8080] =	vst v63  }
.LBB1_8:
0x48: {  	_ =	sfence.sel $0x180000  }
0x49: {  	s1 =	simm.s32 $0x1;
	[bflag:$0x0] =	sbarrier.arrive $0xFFFF  }
0x4a: {  	s31 =	simm.s32 $0x2;
	[sflag:s1] =	ssyncpa.u1 $0x1  }
0x4b: {  	[sflag:s31] =	ssyncpa.u1 $0x1  }
0x4c: {  	p0 =	sne.s32 s0, $0x0;
	_ =	strace $0x90000047  }
0x4d: {  	s0 =	sadd.s32 @!p0 $0x100000, s2;
	[bflag:$0x2] =	sbarrier.arrive $0xFFFF  }
0x4e: {  	[sflag:s0] =	ssyncadd.tile.s32 @!p0 $0x1;
	_ =	shalt  }
.Lfunc_end1:
_tile_overlayer_lowered:
.L_overlay_start_2:
0x4f: {  	(tag) =	ssettag $0x2  }
0x50: {  	s0 =	rddreg [dreg:$0x0];
	s2 =	stileid.u32  }
0x51: {  	s1 =	rddreg [dreg:$0x1];
	p0 =	sne.s32 s2, $0x0  }
0x52: {  	s3 =	rddreg [dreg:$0x2];
	[bflag:$0x3] =	sbarrier.arrive $0xFFFF;
	s2 =	simm.s32 @!p0 $0x1C01  }
0x53: {  	[timem:s3], [sflag:s2] =	dma.local @!p0 [hbm:s0], s1  }
0x54: {  	s0 =	simm.s32 @!p0 $0x1  }
0x55: {  	_ =	swait.ge @!p0 [sflag:s0], s1  }
0x56: {  	s1 =	ssub.s32 @!p0 $0x0, s1;
	[sflag:s0] =	ssyncset.done @!p0 $0x0  }
0x57: {  	[sflag:s0] =	ssyncadd.s32 @!p0 s1  }
0x58: {  	[bflag:$0x3] =	sbarrier.arrive $0xFFFF  }
0x59: {  	_ =	shalt  }

</sc_bundles>
